<compile_context>
chip_gen: v7x
topology: tpu7x:2x2x1
jax: 0.10.2.dev20260603
libtpu: 0.0.44.dev20260713+nightly
codegen_flags: <defaults>
</compile_context>

<pallas_src>
import functools

import jax
import jax.numpy as jnp
from jax import lax
from jax.experimental import pallas as pl
from jax.experimental.pallas import tpu as pltpu
from jax.experimental.pallas import tpu_sc as plsc

_WAY = 1024
_NK = _WAY * 16
_NU = _WAY * 16
_LAMDA = 0.5
_BLOCK = 1024
_KNOWN_BLOCKS = _NK // _BLOCK
_TC_UNK_BLOCKS = 0

_NW = 32
_SC_TOT_ROWS = _NU - _TC_UNK_BLOCKS * _BLOCK
_SC_ROWS = _SC_TOT_ROWS // _NW
_SC_CHUNK = 32
_SC_NCHUNK = _SC_ROWS // _SC_CHUNK
_LANE_GROUPS = _WAY // 16


def _tc_kernel(x_ref, y_ref, o_ref, *, inv_nk, inv_nu_elems):
    pid = pl.program_id(0)
    xb = x_ref[...]

    @pl.when(pid == 0)
    def _():
        o_ref[...] = jnp.zeros((1, 1), jnp.float32)

    @pl.when(pid < _KNOWN_BLOCKS)
    def _():
        yb = y_ref[...].reshape(_BLOCK, 1)
        s = jnp.sum(jnp.exp(xb), axis=1, keepdims=True)
        lse = jnp.log(s)
        col = jax.lax.broadcasted_iota(jnp.int32, xb.shape, 1)
        gt = jnp.sum(jnp.where(col == yb, xb, 0.0), axis=1, keepdims=True)
        ce = jnp.sum(lse - gt, axis=0, keepdims=True)
        hinge = jnp.sum(jnp.maximum(2.0 - gt, 0.0), axis=0, keepdims=True)
        o_ref[...] += (ce + _LAMDA * hinge) * inv_nk

    @pl.when(pid >= _KNOWN_BLOCKS)
    def _():
        relu_sum = jnp.sum(jnp.maximum(xb + 2.0, 0.0), keepdims=True)
        o_ref[...] += _LAMDA * relu_sum.reshape(1, 1) * inv_nu_elems


def _sc_unknown_kernel(x_hbm, out_hbm, buf0, buf1, acc_v, sem0, sem1):
    c = lax.axis_index("c")
    s = lax.axis_index("s")
    wid = s * 2 + c
    row0 = _NK + wid * _SC_ROWS

    bufs = (buf0, buf1)
    sems = (sem0, sem1)

    def src(k):
        return x_hbm.at[pl.ds(row0 + k * _SC_CHUNK, _SC_CHUNK), :]

    pltpu.async_copy(src(0), bufs[0], sems[0])

    def chunk_sum(buf, accs):
        def row_body(r, accs):
            def grp_body(g, accs):
                new = []
                for j in range(8):
                    v = buf[r, pl.ds((g * 8 + j) * 16, 16)]
                    new.append(accs[j] + jnp.maximum(v + 2.0, 0.0))
                return tuple(new)

            return lax.fori_loop(0, _LANE_GROUPS // 8, grp_body, accs)

        return lax.fori_loop(0, _SC_CHUNK, row_body, accs)

    accs = tuple(jnp.zeros((16,), jnp.float32) for _ in range(8))
    for k in range(_SC_NCHUNK):
        cur = k % 2
        if k + 1 < _SC_NCHUNK:
            pltpu.async_copy(src(k + 1), bufs[1 - cur], sems[1 - cur])
        pltpu.make_async_copy(src(k), bufs[cur], sems[cur]).wait()
        accs = chunk_sum(bufs[cur], accs)

    total = accs[0]
    for j in range(1, 8):
        total = total + accs[j]
    acc_v[...] = total
    pltpu.sync_copy(acc_v, out_hbm.at[wid])


def _sc_unknown(x):
    mesh = plsc.VectorSubcoreMesh(core_axis_name="c", subcore_axis_name="s")
    body = functools.partial(
        pl.kernel,
        mesh=mesh,
        out_type=jax.ShapeDtypeStruct((_NW, 16), jnp.float32),
        scratch_types=[
            pltpu.VMEM((_SC_CHUNK, _WAY), jnp.float32),
            pltpu.VMEM((_SC_CHUNK, _WAY), jnp.float32),
            pltpu.VMEM((16,), jnp.float32),
            pltpu.SemaphoreType.DMA,
            pltpu.SemaphoreType.DMA,
        ],
    )(_sc_unknown_kernel)
    return body(x)


def kernel(x, y):
    n, way = x.shape
    nblocks = n // _BLOCK
    grid = (_KNOWN_BLOCKS + _TC_UNK_BLOCKS,)
    y2 = y.reshape(n // _BLOCK, 1, _BLOCK)
    tc_out = pl.pallas_call(
        functools.partial(
            _tc_kernel,
            inv_nk=1.0 / _NK,
            inv_nu_elems=1.0 / (_NU * way),
        ),
        grid=grid,
        in_specs=[
            pl.BlockSpec(
                (_BLOCK, way),
                lambda i: (jnp.where(i < _KNOWN_BLOCKS,
                                     i,
                                     i + (nblocks - _KNOWN_BLOCKS - _TC_UNK_BLOCKS)), 0),
            ),
            pl.BlockSpec(
                (1, 1, _BLOCK),
                lambda i: (jnp.where(i < _KNOWN_BLOCKS, i, 0), 0, 0),
            ),
        ],
        out_specs=pl.BlockSpec((1, 1), lambda i: (0, 0)),
        out_shape=jax.ShapeDtypeStruct((1, 1), jnp.float32),
    )(x, y2)
    unk_partials = _sc_unknown(x)
    return tc_out[0, 0] + _LAMDA * jnp.sum(unk_partials) / (_NU * way)

# --- scband reference (transcript-rebuilt; emitter-appended) ---
"""Pipeline reference for scband-open-loss-83468394430865 (READ-ONLY COPY).

The authoritative reference and input builder live on the scoring server;
editing this copy changes nothing except your own understanding.
"""

import jax, jax.numpy as jnp
import numpy as np

WAY = 1024
QUERY = 16
OWAY = 1024
OQUERY = 16
LAMDA = 0.5


def setup_inputs(seed: int = 0) -> dict:
    key = jax.random.key(seed)
    k1, k2 = jax.random.split(key)
    n = WAY * QUERY + OWAY * OQUERY
    x = jax.random.normal(k1, (n, WAY), dtype=jnp.float32)
    y = jax.random.randint(k2, (n,), 0, WAY, dtype=jnp.int32)
    return {"x": x, "y": y}


def reference(x, y):
    nk = WAY * QUERY
    known_x = x[:nk, :]
    known_y = y[:nk]
    unknown_x = x[nk:, :]
    # loss_known1: standard cross entropy (mean over known rows)
    logp = jax.nn.log_softmax(known_x, axis=-1)
    loss_known1 = -jnp.mean(jnp.take_along_axis(logp, known_y[:, None], axis=1))
    # loss_known2: hinge on ground-truth logit. torch.nonzero on the one-hot
    # returns row-major order, so known_x_gt[i] == known_x[i, known_y[i]]
    known_x_gt = jnp.take_along_axis(known_x, known_y[:, None], axis=1)[:, 0]
    loss_known2 = jnp.mean(jnp.maximum(2.0 - known_x_gt, 0.0))
    # loss_unknown2: hinge pushing all unknown logits below -2
    loss_unknown2 = jnp.mean(jnp.maximum(unknown_x + 2.0, 0.0))
    total_loss = LAMDA * (loss_known2 + loss_unknown2) + loss_known1
    return total_loss

if __name__ == "__main__":
    import jax
    _d = setup_inputs()
    print(jax.jit(kernel)(*tuple(_d.values())))

</pallas_src>

<mosaic_0001>
#map = affine_map<(d0, d1) -> (0, 0)>
module attributes {stable_mosaic.version = 14 : i64} {
  func.func @_sc_unknown_kernel(%arg0: i32, %arg1: i32, %arg2: memref<32768x1024xf32, #tpu.memory_space<hbm>>, %arg3: memref<32x16xf32, #tpu.memory_space<hbm>>, %arg4: memref<32x1024xf32, #tpu.memory_space<vmem>>, %arg5: memref<32x1024xf32, #tpu.memory_space<vmem>>, %arg6: memref<16xf32, #tpu.memory_space<vmem>>, %arg7: memref<!tpu.dma_semaphore, #tpu.memory_space<semaphore_mem>>, %arg8: memref<!tpu.dma_semaphore, #tpu.memory_space<semaphore_mem>>) attributes {dimension_semantics = [#tpu.dimension_semantics<core_parallel>, #tpu.dimension_semantics<subcore_parallel>], iteration_bounds = array<i64: 2, 16>, scalar_prefetch = 0 : i64, scratch_operands = 5 : i64, tpu.core_type = #tpu.core_type<sc_vector_subcore>, window_params = [{transform_indices = #map}, {transform_indices = #map}]} {
    %mul3A = arith.constant 2 : i32
    %mul3A_0 = arith.muli %arg1, %mul3A : i32
    %add3A = arith.addi %mul3A_0, %arg0 : i32
    %mul3A_1 = arith.constant 512 : i32
    %mul3A_2 = arith.muli %add3A, %mul3A_1 : i32
    %add3A_3 = arith.constant 16384 : i32
    %add3A_4 = arith.addi %add3A_3, %mul3A_2 : i32
    %add3A_5 = arith.constant 0 : i32
    %add3A_6 = arith.addi %add3A_4, %add3A_5 : i32
    %dma_start3A = arith.constant 0 : i32
    %dma_start3A_7 = tpu.memref_slice %arg2[%add3A_6, %dma_start3A] : memref<32768x1024xf32, #tpu.memory_space<hbm>> -> memref<32x1024xf32, #tpu.memory_space<hbm>>
    %dma_start3A_8 = arith.constant 0 : i32
    %dma_start3A_9 = tpu.memref_slice %arg2[%add3A_6, %dma_start3A_8] : memref<32768x1024xf32, #tpu.memory_space<hbm>> -> memref<32x1024xf32, #tpu.memory_space<hbm>>
    tpu.enqueue_dma source(%dma_start3A_9 : memref<32x1024xf32, #tpu.memory_space<hbm>>) target(%arg4 : memref<32x1024xf32, #tpu.memory_space<vmem>>) target_semaphore(%arg7 : memref<!tpu.dma_semaphore, #tpu.memory_space<semaphore_mem>>)
    %broadcast_in_dim3A = arith.constant 0.000000e+00 : f32
    %broadcast_in_dim3A_10 = vector.broadcast %broadcast_in_dim3A : f32 to vector<16xf32>
    %broadcast_in_dim3A_11 = arith.constant 0.000000e+00 : f32
    %broadcast_in_dim3A_12 = vector.broadcast %broadcast_in_dim3A_11 : f32 to vector<16xf32>
    %broadcast_in_dim3A_13 = arith.constant 0.000000e+00 : f32
    %broadcast_in_dim3A_14 = vector.broadcast %broadcast_in_dim3A_13 : f32 to vector<16xf32>
    %broadcast_in_dim3A_15 = arith.constant 0.000000e+00 : f32
    %broadcast_in_dim3A_16 = vector.broadcast %broadcast_in_dim3A_15 : f32 to vector<16xf32>
    %broadcast_in_dim3A_17 = arith.constant 0.000000e+00 : f32
    %broadcast_in_dim3A_18 = vector.broadcast %broadcast_in_dim3A_17 : f32 to vector<16xf32>
    %broadcast_in_dim3A_19 = arith.constant 0.000000e+00 : f32
    %broadcast_in_dim3A_20 = vector.broadcast %broadcast_in_dim3A_19 : f32 to vector<16xf32>
    %broadcast_in_dim3A_21 = arith.constant 0.000000e+00 : f32
    %broadcast_in_dim3A_22 = vector.broadcast %broadcast_in_dim3A_21 : f32 to vector<16xf32>
    %broadcast_in_dim3A_23 = arith.constant 0.000000e+00 : f32
    %broadcast_in_dim3A_24 = vector.broadcast %broadcast_in_dim3A_23 : f32 to vector<16xf32>
    %add3A_25 = arith.constant 32 : i32
    %add3A_26 = arith.addi %add3A_4, %add3A_25 : i32
    %dma_start3A_27 = arith.constant 0 : i32
    %dma_start3A_28 = tpu.memref_slice %arg2[%add3A_26, %dma_start3A_27] : memref<32768x1024xf32, #tpu.memory_space<hbm>> -> memref<32x1024xf32, #tpu.memory_space<hbm>>
    %dma_start3A_29 = arith.constant 0 : i32
    %dma_start3A_30 = tpu.memref_slice %arg2[%add3A_26, %dma_start3A_29] : memref<32768x1024xf32, #tpu.memory_space<hbm>> -> memref<32x1024xf32, #tpu.memory_space<hbm>>
    tpu.enqueue_dma source(%dma_start3A_30 : memref<32x1024xf32, #tpu.memory_space<hbm>>) target(%arg5 : memref<32x1024xf32, #tpu.memory_space<vmem>>) target_semaphore(%arg8 : memref<!tpu.dma_semaphore, #tpu.memory_space<semaphore_mem>>)
    %add3A_31 = arith.constant 0 : i32
    %add3A_32 = arith.addi %add3A_4, %add3A_31 : i32
    %dma_wait3A = arith.constant 0 : i32
    %dma_wait3A_33 = tpu.memref_slice %arg2[%add3A_32, %dma_wait3A] : memref<32768x1024xf32, #tpu.memory_space<hbm>> -> memref<32x1024xf32, #tpu.memory_space<hbm>>
    %dma_wait3A_34 = arith.constant 0 : i32
    %dma_wait3A_35 = tpu.memref_slice %arg2[%add3A_32, %dma_wait3A_34] : memref<32768x1024xf32, #tpu.memory_space<hbm>> -> memref<32x1024xf32, #tpu.memory_space<hbm>>
    tpu.wait_dma2 semaphore(%arg7 : memref<!tpu.dma_semaphore, #tpu.memory_space<semaphore_mem>>) src(%dma_wait3A_35 : memref<32x1024xf32, #tpu.memory_space<hbm>>) dst(%arg4 : memref<32x1024xf32, #tpu.memory_space<vmem>>)
    %scan3A = arith.constant 0 : i32
    %scan3A_36 = arith.constant 32 : i32
    %scan3A_37 = arith.addi %scan3A, %scan3A_36 : i32
    %scan3A_38 = arith.constant 1 : i32
    %scan3A_39:8 = scf.for %scan3A_315 = %scan3A to %scan3A_37 step %scan3A_38 iter_args(%scan3A_316 = %broadcast_in_dim3A_10, %scan3A_317 = %broadcast_in_dim3A_12, %scan3A_318 = %broadcast_in_dim3A_14, %scan3A_319 = %broadcast_in_dim3A_16, %scan3A_320 = %broadcast_in_dim3A_18, %scan3A_321 = %broadcast_in_dim3A_20, %scan3A_322 = %broadcast_in_dim3A_22, %scan3A_323 = %broadcast_in_dim3A_24) -> (vector<16xf32>, vector<16xf32>, vector<16xf32>, vector<16xf32>, vector<16xf32>, vector<16xf32>, vector<16xf32>, vector<16xf32>)  : i32 {
      %scan3A_324 = arith.constant 0 : i32
      %scan3A_325 = arith.constant 8 : i32
      %scan3A_326 = arith.addi %scan3A_324, %scan3A_325 : i32
      %scan3A_327 = arith.constant 1 : i32
      %scan3A_328:8 = scf.for %scan3A_330 = %scan3A_324 to %scan3A_326 step %scan3A_327 iter_args(%scan3A_331 = %scan3A_316, %scan3A_332 = %scan3A_317, %scan3A_333 = %scan3A_318, %scan3A_334 = %scan3A_319, %scan3A_335 = %scan3A_320, %scan3A_336 = %scan3A_321, %scan3A_337 = %scan3A_322, %scan3A_338 = %scan3A_323) -> (vector<16xf32>, vector<16xf32>, vector<16xf32>, vector<16xf32>, vector<16xf32>, vector<16xf32>, vector<16xf32>, vector<16xf32>)  : i32 {
        %mul3A_339 = arith.constant 8 : i32
        %mul3A_340 = arith.muli %scan3A_330, %mul3A_339 : i32
        %add3A_341 = arith.constant 0 : i32
        %add3A_342 = arith.addi %mul3A_340, %add3A_341 : i32
        %mul3A_343 = arith.constant 16 : i32
        %mul3A_344 = arith.muli %add3A_342, %mul3A_343 : i32
        %get3A = arith.index_cast %scan3A_315 : i32 to index
        %get3A_345 = arith.index_cast %mul3A_344 : i32 to index
        %get3A_346 = tpu.vector_load %arg4[%get3A, %get3A_345] {strides = array<i32>} : memref<32x1024xf32, #tpu.memory_space<vmem>>, vector<1x16xf32>,
        %get3A_347 = vector.shape_cast %get3A_346 : vector<1x16xf32> to vector<16xf32>
        %add3A_348 = arith.constant 2.000000e+00 : f32
        %add3A_349 = vector.broadcast %add3A_348 : f32 to vector<16xf32>
        %add3A_350 = arith.addf %get3A_347, %add3A_349 : vector<16xf32>
        %max3A = arith.constant 0.000000e+00 : f32
        %max3A_351 = vector.broadcast %max3A : f32 to vector<16xf32>
        %max3A_352 = arith.maximumf %add3A_350, %max3A_351 : vector<16xf32>
        %add3A_353 = arith.addf %scan3A_331, %max3A_352 : vector<16xf32>
        %mul3A_354 = arith.constant 8 : i32
        %mul3A_355 = arith.muli %scan3A_330, %mul3A_354 : i32
        %add3A_356 = arith.constant 1 : i32
        %add3A_357 = arith.addi %mul3A_355, %add3A_356 : i32
        %mul3A_358 = arith.constant 16 : i32
        %mul3A_359 = arith.muli %add3A_357, %mul3A_358 : i32
        %get3A_360 = arith.index_cast %scan3A_315 : i32 to index
        %get3A_361 = arith.index_cast %mul3A_359 : i32 to index
        %get3A_362 = tpu.vector_load %arg4[%get3A_360, %get3A_361] {strides = array<i32>} : memref<32x1024xf32, #tpu.memory_space<vmem>>, vector<1x16xf32>,
        %get3A_363 = vector.shape_cast %get3A_362 : vector<1x16xf32> to vector<16xf32>
        %add3A_364 = arith.constant 2.000000e+00 : f32
        %add3A_365 = vector.broadcast %add3A_364 : f32 to vector<16xf32>
        %add3A_366 = arith.addf %get3A_363, %add3A_365 : vector<16xf32>
        %max3A_367 = arith.constant 0.000000e+00 : f32
        %max3A_368 = vector.broadcast %max3A_367 : f32 to vector<16xf32>
        %max3A_369 = arith.maximumf %add3A_366, %max3A_368 : vector<16xf32>
        %add3A_370 = arith.addf %scan3A_332, %max3A_369 : vector<16xf32>
        %mul3A_371 = arith.constant 8 : i32
        %mul3A_372 = arith.muli %scan3A_330, %mul3A_371 : i32
        %add3A_373 = arith.constant 2 : i32
        %add3A_374 = arith.addi %mul3A_372, %add3A_373 : i32
        %mul3A_375 = arith.constant 16 : i32
        %mul3A_376 = arith.muli %add3A_374, %mul3A_375 : i32
        %get3A_377 = arith.index_cast %scan3A_315 : i32 to index
        %get3A_378 = arith.index_cast %mul3A_376 : i32 to index
        %get3A_379 = tpu.vector_load %arg4[%get3A_377, %get3A_378] {strides = array<i32>} : memref<32x1024xf32, #tpu.memory_space<vmem>>, vector<1x16xf32>,
        %get3A_380 = vector.shape_cast %get3A_379 : vector<1x16xf32> to vector<16xf32>
        %add3A_381 = arith.constant 2.000000e+00 : f32
        %add3A_382 = vector.broadcast %add3A_381 : f32 to vector<16xf32>
        %add3A_383 = arith.addf %get3A_380, %add3A_382 : vector<16xf32>
        %max3A_384 = arith.constant 0.000000e+00 : f32
        %max3A_385 = vector.broadcast %max3A_384 : f32 to vector<16xf32>
        %max3A_386 = arith.maximumf %add3A_383, %max3A_385 : vector<16xf32>
        %add3A_387 = arith.addf %scan3A_333, %max3A_386 : vector<16xf32>
        %mul3A_388 = arith.constant 8 : i32
        %mul3A_389 = arith.muli %scan3A_330, %mul3A_388 : i32
        %add3A_390 = arith.constant 3 : i32
        %add3A_391 = arith.addi %mul3A_389, %add3A_390 : i32
        %mul3A_392 = arith.constant 16 : i32
        %mul3A_393 = arith.muli %add3A_391, %mul3A_392 : i32
        %get3A_394 = arith.index_cast %scan3A_315 : i32 to index
        %get3A_395 = arith.index_cast %mul3A_393 : i32 to index
        %get3A_396 = tpu.vector_load %arg4[%get3A_394, %get3A_395] {strides = array<i32>} : memref<32x1024xf32, #tpu.memory_space<vmem>>, vector<1x16xf32>,
        %get3A_397 = vector.shape_cast %get3A_396 : vector<1x16xf32> to vector<16xf32>
        %add3A_398 = arith.constant 2.000000e+00 : f32
        %add3A_399 = vector.broadcast %add3A_398 : f32 to vector<16xf32>
        %add3A_400 = arith.addf %get3A_397, %add3A_399 : vector<16xf32>
        %max3A_401 = arith.constant 0.000000e+00 : f32
        %max3A_402 = vector.broadcast %max3A_401 : f32 to vector<16xf32>
        %max3A_403 = arith.maximumf %add3A_400, %max3A_402 : vector<16xf32>
        %add3A_404 = arith.addf %scan3A_334, %max3A_403 : vector<16xf32>
        %mul3A_405 = arith.constant 8 : i32
        %mul3A_406 = arith.muli %scan3A_330, %mul3A_405 : i32
        %add3A_407 = arith.constant 4 : i32
        %add3A_408 = arith.addi %mul3A_406, %add3A_407 : i32
        %mul3A_409 = arith.constant 16 : i32
        %mul3A_410 = arith.muli %add3A_408, %mul3A_409 : i32
        %get3A_411 = arith.index_cast %scan3A_315 : i32 to index
        %get3A_412 = arith.index_cast %mul3A_410 : i32 to index
        %get3A_413 = tpu.vector_load %arg4[%get3A_411, %get3A_412] {strides = array<i32>} : memref<32x1024xf32, #tpu.memory_space<vmem>>, vector<1x16xf32>,
        %get3A_414 = vector.shape_cast %get3A_413 : vector<1x16xf32> to vector<16xf32>
        %add3A_415 = arith.constant 2.000000e+00 : f32
        %add3A_416 = vector.broadcast %add3A_415 : f32 to vector<16xf32>
        %add3A_417 = arith.addf %get3A_414, %add3A_416 : vector<16xf32>
        %max3A_418 = arith.constant 0.000000e+00 : f32
        %max3A_419 = vector.broadcast %max3A_418 : f32 to vector<16xf32>
        %max3A_420 = arith.maximumf %add3A_417, %max3A_419 : vector<16xf32>
        %add3A_421 = arith.addf %scan3A_335, %max3A_420 : vector<16xf32>
        %mul3A_422 = arith.constant 8 : i32
        %mul3A_423 = arith.muli %scan3A_330, %mul3A_422 : i32
        %add3A_424 = arith.constant 5 : i32
        %add3A_425 = arith.addi %mul3A_423, %add3A_424 : i32
        %mul3A_426 = arith.constant 16 : i32
        %mul3A_427 = arith.muli %add3A_425, %mul3A_426 : i32
        %get3A_428 = arith.index_cast %scan3A_315 : i32 to index
        %get3A_429 = arith.index_cast %mul3A_427 : i32 to index
        %get3A_430 = tpu.vector_load %arg4[%get3A_428, %get3A_429] {strides = array<i32>} : memref<32x1024xf32, #tpu.memory_space<vmem>>, vector<1x16xf32>,
        %get3A_431 = vector.shape_cast %get3A_430 : vector<1x16xf32> to vector<16xf32>
        %add3A_432 = arith.constant 2.000000e+00 : f32
        %add3A_433 = vector.broadcast %add3A_432 : f32 to vector<16xf32>
        %add3A_434 = arith.addf %get3A_431, %add3A_433 : vector<16xf32>
        %max3A_435 = arith.constant 0.000000e+00 : f32
        %max3A_436 = vector.broadcast %max3A_435 : f32 to vector<16xf32>
        %max3A_437 = arith.maximumf %add3A_434, %max3A_436 : vector<16xf32>
        %add3A_438 = arith.addf %scan3A_336, %max3A_437 : vector<16xf32>
        %mul3A_439 = arith.constant 8 : i32
        %mul3A_440 = arith.muli %scan3A_330, %mul3A_439 : i32
        %add3A_441 = arith.constant 6 : i32
        %add3A_442 = arith.addi %mul3A_440, %add3A_441 : i32
        %mul3A_443 = arith.constant 16 : i32
        %mul3A_444 = arith.muli %add3A_442, %mul3A_443 : i32
        %get3A_445 = arith.index_cast %scan3A_315 : i32 to index
        %get3A_446 = arith.index_cast %mul3A_444 : i32 to index
        %get3A_447 = tpu.vector_load %arg4[%get3A_445, %get3A_446] {strides = array<i32>} : memref<32x1024xf32, #tpu.memory_space<vmem>>, vector<1x16xf32>,
        %get3A_448 = vector.shape_cast %get3A_447 : vector<1x16xf32> to vector<16xf32>
        %add3A_449 = arith.constant 2.000000e+00 : f32
        %add3A_450 = vector.broadcast %add3A_449 : f32 to vector<16xf32>
        %add3A_451 = arith.addf %get3A_448, %add3A_450 : vector<16xf32>
        %max3A_452 = arith.constant 0.000000e+00 : f32
        %max3A_453 = vector.broadcast %max3A_452 : f32 to vector<16xf32>
        %max3A_454 = arith.maximumf %add3A_451, %max3A_453 : vector<16xf32>
        %add3A_455 = arith.addf %scan3A_337, %max3A_454 : vector<16xf32>
        %mul3A_456 = arith.constant 8 : i32
        %mul3A_457 = arith.muli %scan3A_330, %mul3A_456 : i32
        %add3A_458 = arith.constant 7 : i32
        %add3A_459 = arith.addi %mul3A_457, %add3A_458 : i32
        %mul3A_460 = arith.constant 16 : i32
        %mul3A_461 = arith.muli %add3A_459, %mul3A_460 : i32
        %get3A_462 = arith.index_cast %scan3A_315 : i32 to index
        %get3A_463 = arith.index_cast %mul3A_461 : i32 to index
        %get3A_464 = tpu.vector_load %arg4[%get3A_462, %get3A_463] {strides = array<i32>} : memref<32x1024xf32, #tpu.memory_space<vmem>>, vector<1x16xf32>,
        %get3A_465 = vector.shape_cast %get3A_464 : vector<1x16xf32> to vector<16xf32>
        %add3A_466 = arith.constant 2.000000e+00 : f32
        %add3A_467 = vector.broadcast %add3A_466 : f32 to vector<16xf32>
        %add3A_468 = arith.addf %get3A_465, %add3A_467 : vector<16xf32>
        %max3A_469 = arith.constant 0.000000e+00 : f32
        %max3A_470 = vector.broadcast %max3A_469 : f32 to vector<16xf32>
        %max3A_471 = arith.maximumf %add3A_468, %max3A_470 : vector<16xf32>
        %add3A_472 = arith.addf %scan3A_338, %max3A_471 : vector<16xf32>
        scf.yield %add3A_353, %add3A_370, %add3A_387, %add3A_404, %add3A_421, %add3A_438, %add3A_455, %add3A_472 : vector<16xf32>, vector<16xf32>, vector<16xf32>, vector<16xf32>, vector<16xf32>, vector<16xf32>, vector<16xf32>, vector<16xf32>
      }
      %scan3A_329 = arith.constant 8 : i32
      scf.yield %scan3A_328#0, %scan3A_328#1, %scan3A_328#2, %scan3A_328#3, %scan3A_328#4, %scan3A_328#5, %scan3A_328#6, %scan3A_328#7 : vector<16xf32>, vector<16xf32>, vector<16xf32>, vector<16xf32>, vector<16xf32>, vector<16xf32>, vector<16xf32>, vector<16xf32>
    }
    %scan3A_40 = arith.constant 32 : i32
    %add3A_41 = arith.constant 64 : i32
    %add3A_42 = arith.addi %add3A_4, %add3A_41 : i32
    %dma_start3A_43 = arith.constant 0 : i32
    %dma_start3A_44 = tpu.memref_slice %arg2[%add3A_42, %dma_start3A_43] : memref<32768x1024xf32, #tpu.memory_space<hbm>> -> memref<32x1024xf32, #tpu.memory_space<hbm>>
    %dma_start3A_45 = arith.constant 0 : i32
    %dma_start3A_46 = tpu.memref_slice %arg2[%add3A_42, %dma_start3A_45] : memref<32768x1024xf32, #tpu.memory_space<hbm>> -> memref<32x1024xf32, #tpu.memory_space<hbm>>
    tpu.enqueue_dma source(%dma_start3A_46 : memref<32x1024xf32, #tpu.memory_space<hbm>>) target(%arg4 : memref<32x1024xf32, #tpu.memory_space<vmem>>) target_semaphore(%arg7 : memref<!tpu.dma_semaphore, #tpu.memory_space<semaphore_mem>>)
    %add3A_47 = arith.constant 32 : i32
    %add3A_48 = arith.addi %add3A_4, %add3A_47 : i32
    %dma_wait3A_49 = arith.constant 0 : i32
    %dma_wait3A_50 = tpu.memref_slice %arg2[%add3A_48, %dma_wait3A_49] : memref<32768x1024xf32, #tpu.memory_space<hbm>> -> memref<32x1024xf32, #tpu.memory_space<hbm>>
    %dma_wait3A_51 = arith.constant 0 : i32
    %dma_wait3A_52 = tpu.memref_slice %arg2[%add3A_48, %dma_wait3A_51] : memref<32768x1024xf32, #tpu.memory_space<hbm>> -> memref<32x1024xf32, #tpu.memory_space<hbm>>
    tpu.wait_dma2 semaphore(%arg8 : memref<!tpu.dma_semaphore, #tpu.memory_space<semaphore_mem>>) src(%dma_wait3A_52 : memref<32x1024xf32, #tpu.memory_space<hbm>>) dst(%arg5 : memref<32x1024xf32, #tpu.memory_space<vmem>>)
    %scan3A_53 = arith.constant 0 : i32
    %scan3A_54 = arith.constant 32 : i32
    %scan3A_55 = arith.addi %scan3A_53, %scan3A_54 : i32
    %scan3A_56 = arith.constant 1 : i32
    %scan3A_57:8 = scf.for %scan3A_315 = %scan3A_53 to %scan3A_55 step %scan3A_56 iter_args(%scan3A_316 = %scan3A_39#0, %scan3A_317 = %scan3A_39#1, %scan3A_318 = %scan3A_39#2, %scan3A_319 = %scan3A_39#3, %scan3A_320 = %scan3A_39#4, %scan3A_321 = %scan3A_39#5, %scan3A_322 = %scan3A_39#6, %scan3A_323 = %scan3A_39#7) -> (vector<16xf32>, vector<16xf32>, vector<16xf32>, vector<16xf32>, vector<16xf32>, vector<16xf32>, vector<16xf32>, vector<16xf32>)  : i32 {
      %scan3A_324 = arith.constant 0 : i32
      %scan3A_325 = arith.constant 8 : i32
      %scan3A_326 = arith.addi %scan3A_324, %scan3A_325 : i32
      %scan3A_327 = arith.constant 1 : i32
      %scan3A_328:8 = scf.for %scan3A_330 = %scan3A_324 to %scan3A_326 step %scan3A_327 iter_args(%scan3A_331 = %scan3A_316, %scan3A_332 = %scan3A_317, %scan3A_333 = %scan3A_318, %scan3A_334 = %scan3A_319, %scan3A_335 = %scan3A_320, %scan3A_336 = %scan3A_321, %scan3A_337 = %scan3A_322, %scan3A_338 = %scan3A_323) -> (vector<16xf32>, vector<16xf32>, vector<16xf32>, vector<16xf32>, vector<16xf32>, vector<16xf32>, vector<16xf32>, vector<16xf32>)  : i32 {
        %mul3A_339 = arith.constant 8 : i32
        %mul3A_340 = arith.muli %scan3A_330, %mul3A_339 : i32
        %add3A_341 = arith.constant 0 : i32
        %add3A_342 = arith.addi %mul3A_340, %add3A_341 : i32
        %mul3A_343 = arith.constant 16 : i32
        %mul3A_344 = arith.muli %add3A_342, %mul3A_343 : i32
        %get3A = arith.index_cast %scan3A_315 : i32 to index
        %get3A_345 = arith.index_cast %mul3A_344 : i32 to index
        %get3A_346 = tpu.vector_load %arg5[%get3A, %get3A_345] {strides = array<i32>} : memref<32x1024xf32, #tpu.memory_space<vmem>>, vector<1x16xf32>,
        %get3A_347 = vector.shape_cast %get3A_346 : vector<1x16xf32> to vector<16xf32>
        %add3A_348 = arith.constant 2.000000e+00 : f32
        %add3A_349 = vector.broadcast %add3A_348 : f32 to vector<16xf32>
        %add3A_350 = arith.addf %get3A_347, %add3A_349 : vector<16xf32>
        %max3A = arith.constant 0.000000e+00 : f32
        %max3A_351 = vector.broadcast %max3A : f32 to vector<16xf32>
        %max3A_352 = arith.maximumf %add3A_350, %max3A_351 : vector<16xf32>
        %add3A_353 = arith.addf %scan3A_331, %max3A_352 : vector<16xf32>
        %mul3A_354 = arith.constant 8 : i32
        %mul3A_355 = arith.muli %scan3A_330, %mul3A_354 : i32
        %add3A_356 = arith.constant 1 : i32
        %add3A_357 = arith.addi %mul3A_355, %add3A_356 : i32
        %mul3A_358 = arith.constant 16 : i32
        %mul3A_359 = arith.muli %add3A_357, %mul3A_358 : i32
        %get3A_360 = arith.index_cast %scan3A_315 : i32 to index
        %get3A_361 = arith.index_cast %mul3A_359 : i32 to index
        %get3A_362 = tpu.vector_load %arg5[%get3A_360, %get3A_361] {strides = array<i32>} : memref<32x1024xf32, #tpu.memory_space<vmem>>, vector<1x16xf32>,
        %get3A_363 = vector.shape_cast %get3A_362 : vector<1x16xf32> to vector<16xf32>
        %add3A_364 = arith.constant 2.000000e+00 : f32
        %add3A_365 = vector.broadcast %add3A_364 : f32 to vector<16xf32>
        %add3A_366 = arith.addf %get3A_363, %add3A_365 : vector<16xf32>
        %max3A_367 = arith.constant 0.000000e+00 : f32
        %max3A_368 = vector.broadcast %max3A_367 : f32 to vector<16xf32>
        %max3A_369 = arith.maximumf %add3A_366, %max3A_368 : vector<16xf32>
        %add3A_370 = arith.addf %scan3A_332, %max3A_369 : vector<16xf32>
        %mul3A_371 = arith.constant 8 : i32
        %mul3A_372 = arith.muli %scan3A_330, %mul3A_371 : i32
        %add3A_373 = arith.constant 2 : i32
        %add3A_374 = arith.addi %mul3A_372, %add3A_373 : i32
        %mul3A_375 = arith.constant 16 : i32
        %mul3A_376 = arith.muli %add3A_374, %mul3A_375 : i32
        %get3A_377 = arith.index_cast %scan3A_315 : i32 to index
        %get3A_378 = arith.index_cast %mul3A_376 : i32 to index
        %get3A_379 = tpu.vector_load %arg5[%get3A_377, %get3A_378] {strides = array<i32>} : memref<32x1024xf32, #tpu.memory_space<vmem>>, vector<1x16xf32>,
        %get3A_380 = vector.shape_cast %get3A_379 : vector<1x16xf32> to vector<16xf32>
        %add3A_381 = arith.constant 2.000000e+00 : f32
        %add3A_382 = vector.broadcast %add3A_381 : f32 to vector<16xf32>
        %add3A_383 = arith.addf %get3A_380, %add3A_382 : vector<16xf32>
        %max3A_384 = arith.constant 0.000000e+00 : f32
        %max3A_385 = vector.broadcast %max3A_384 : f32 to vector<16xf32>
        %max3A_386 = arith.maximumf %add3A_383, %max3A_385 : vector<16xf32>
        %add3A_387 = arith.addf %scan3A_333, %max3A_386 : vector<16xf32>
        %mul3A_388 = arith.constant 8 : i32
        %mul3A_389 = arith.muli %scan3A_330, %mul3A_388 : i32
        %add3A_390 = arith.constant 3 : i32
        %add3A_391 = arith.addi %mul3A_389, %add3A_390 : i32
        %mul3A_392 = arith.constant 16 : i32
        %mul3A_393 = arith.muli %add3A_391, %mul3A_392 : i32
        %get3A_394 = arith.index_cast %scan3A_315 : i32 to index
        %get3A_395 = arith.index_cast %mul3A_393 : i32 to index
        %get3A_396 = tpu.vector_load %arg5[%get3A_394, %get3A_395] {strides = array<i32>} : memref<32x1024xf32, #tpu.memory_space<vmem>>, vector<1x16xf32>,
        %get3A_397 = vector.shape_cast %get3A_396 : vector<1x16xf32> to vector<16xf32>
        %add3A_398 = arith.constant 2.000000e+00 : f32
        %add3A_399 = vector.broadcast %add3A_398 : f32 to vector<16xf32>
        %add3A_400 = arith.addf %get3A_397, %add3A_399 : vector<16xf32>
        %max3A_401 = arith.constant 0.000000e+00 : f32
        %max3A_402 = vector.broadcast %max3A_401 : f32 to vector<16xf32>
        %max3A_403 = arith.maximumf %add3A_400, %max3A_402 : vector<16xf32>
        %add3A_404 = arith.addf %scan3A_334, %max3A_403 : vector<16xf32>
        %mul3A_405 = arith.constant 8 : i32
        %mul3A_406 = arith.muli %scan3A_330, %mul3A_405 : i32
        %add3A_407 = arith.constant 4 : i32
        %add3A_408 = arith.addi %mul3A_406, %add3A_407 : i32
        %mul3A_409 = arith.constant 16 : i32
        %mul3A_410 = arith.muli %add3A_408, %mul3A_409 : i32
        %get3A_411 = arith.index_cast %scan3A_315 : i32 to index
        %get3A_412 = arith.index_cast %mul3A_410 : i32 to index
        %get3A_413 = tpu.vector_load %arg5[%get3A_411, %get3A_412] {strides = array<i32>} : memref<32x1024xf32, #tpu.memory_space<vmem>>, vector<1x16xf32>,
        %get3A_414 = vector.shape_cast %get3A_413 : vector<1x16xf32> to vector<16xf32>
        %add3A_415 = arith.constant 2.000000e+00 : f32
        %add3A_416 = vector.broadcast %add3A_415 : f32 to vector<16xf32>
        %add3A_417 = arith.addf %get3A_414, %add3A_416 : vector<16xf32>
        %max3A_418 = arith.constant 0.000000e+00 : f32
        %max3A_419 = vector.broadcast %max3A_418 : f32 to vector<16xf32>
        %max3A_420 = arith.maximumf %add3A_417, %max3A_419 : vector<16xf32>
        %add3A_421 = arith.addf %scan3A_335, %max3A_420 : vector<16xf32>
        %mul3A_422 = arith.constant 8 : i32
        %mul3A_423 = arith.muli %scan3A_330, %mul3A_422 : i32
        %add3A_424 = arith.constant 5 : i32
        %add3A_425 = arith.addi %mul3A_423, %add3A_424 : i32
        %mul3A_426 = arith.constant 16 : i32
        %mul3A_427 = arith.muli %add3A_425, %mul3A_426 : i32
        %get3A_428 = arith.index_cast %scan3A_315 : i32 to index
        %get3A_429 = arith.index_cast %mul3A_427 : i32 to index
        %get3A_430 = tpu.vector_load %arg5[%get3A_428, %get3A_429] {strides = array<i32>} : memref<32x1024xf32, #tpu.memory_space<vmem>>, vector<1x16xf32>,
        %get3A_431 = vector.shape_cast %get3A_430 : vector<1x16xf32> to vector<16xf32>
        %add3A_432 = arith.constant 2.000000e+00 : f32
        %add3A_433 = vector.broadcast %add3A_432 : f32 to vector<16xf32>
        %add3A_434 = arith.addf %get3A_431, %add3A_433 : vector<16xf32>
        %max3A_435 = arith.constant 0.000000e+00 : f32
        %max3A_436 = vector.broadcast %max3A_435 : f32 to vector<16xf32>
        %max3A_437 = arith.maximumf %add3A_434, %max3A_436 : vector<16xf32>
        %add3A_438 = arith.addf %scan3A_336, %max3A_437 : vector<16xf32>
        %mul3A_439 = arith.constant 8 : i32
        %mul3A_440 = arith.muli %scan3A_330, %mul3A_439 : i32
        %add3A_441 = arith.constant 6 : i32
        %add3A_442 = arith.addi %mul3A_440, %add3A_441 : i32
        %mul3A_443 = arith.constant 16 : i32
        %mul3A_444 = arith.muli %add3A_442, %mul3A_443 : i32
        %get3A_445 = arith.index_cast %scan3A_315 : i32 to index
        %get3A_446 = arith.index_cast %mul3A_444 : i32 to index
        %get3A_447 = tpu.vector_load %arg5[%get3A_445, %get3A_446] {strides = array<i32>} : memref<32x1024xf32, #tpu.memory_space<vmem>>, vector<1x16xf32>,
        %get3A_448 = vector.shape_cast %get3A_447 : vector<1x16xf32> to vector<16xf32>
        %add3A_449 = arith.constant 2.000000e+00 : f32
        %add3A_450 = vector.broadcast %add3A_449 : f32 to vector<16xf32>
        %add3A_451 = arith.addf %get3A_448, %add3A_450 : vector<16xf32>
        %max3A_452 = arith.constant 0.000000e+00 : f32
        %max3A_453 = vector.broadcast %max3A_452 : f32 to vector<16xf32>
        %max3A_454 = arith.maximumf %add3A_451, %max3A_453 : vector<16xf32>
        %add3A_455 = arith.addf %scan3A_337, %max3A_454 : vector<16xf32>
        %mul3A_456 = arith.constant 8 : i32
        %mul3A_457 = arith.muli %scan3A_330, %mul3A_456 : i32
        %add3A_458 = arith.constant 7 : i32
        %add3A_459 = arith.addi %mul3A_457, %add3A_458 : i32
        %mul3A_460 = arith.constant 16 : i32
        %mul3A_461 = arith.muli %add3A_459, %mul3A_460 : i32
        %get3A_462 = arith.index_cast %scan3A_315 : i32 to index
        %get3A_463 = arith.index_cast %mul3A_461 : i32 to index
        %get3A_464 = tpu.vector_load %arg5[%get3A_462, %get3A_463] {strides = array<i32>} : memref<32x1024xf32, #tpu.memory_space<vmem>>, vector<1x16xf32>,
        %get3A_465 = vector.shape_cast %get3A_464 : vector<1x16xf32> to vector<16xf32>
        %add3A_466 = arith.constant 2.000000e+00 : f32
        %add3A_467 = vector.broadcast %add3A_466 : f32 to vector<16xf32>
        %add3A_468 = arith.addf %get3A_465, %add3A_467 : vector<16xf32>
        %max3A_469 = arith.constant 0.000000e+00 : f32
        %max3A_470 = vector.broadcast %max3A_469 : f32 to vector<16xf32>
        %max3A_471 = arith.maximumf %add3A_468, %max3A_470 : vector<16xf32>
        %add3A_472 = arith.addf %scan3A_338, %max3A_471 : vector<16xf32>
        scf.yield %add3A_353, %add3A_370, %add3A_387, %add3A_404, %add3A_421, %add3A_438, %add3A_455, %add3A_472 : vector<16xf32>, vector<16xf32>, vector<16xf32>, vector<16xf32>, vector<16xf32>, vector<16xf32>, vector<16xf32>, vector<16xf32>
      }
      %scan3A_329 = arith.constant 8 : i32
      scf.yield %scan3A_328#0, %scan3A_328#1, %scan3A_328#2, %scan3A_328#3, %scan3A_328#4, %scan3A_328#5, %scan3A_328#6, %scan3A_328#7 : vector<16xf32>, vector<16xf32>, vector<16xf32>, vector<16xf32>, vector<16xf32>, vector<16xf32>, vector<16xf32>, vector<16xf32>
    }
    %scan3A_58 = arith.constant 32 : i32
    %add3A_59 = arith.constant 96 : i32
    %add3A_60 = arith.addi %add3A_4, %add3A_59 : i32
    %dma_start3A_61 = arith.constant 0 : i32
    %dma_start3A_62 = tpu.memref_slice %arg2[%add3A_60, %dma_start3A_61] : memref<32768x1024xf32, #tpu.memory_space<hbm>> -> memref<32x1024xf32, #tpu.memory_space<hbm>>
    %dma_start3A_63 = arith.constant 0 : i32
    %dma_start3A_64 = tpu.memref_slice %arg2[%add3A_60, %dma_start3A_63] : memref<32768x1024xf32, #tpu.memory_space<hbm>> -> memref<32x1024xf32, #tpu.memory_space<hbm>>
    tpu.enqueue_dma source(%dma_start3A_64 : memref<32x1024xf32, #tpu.memory_space<hbm>>) target(%arg5 : memref<32x1024xf32, #tpu.memory_space<vmem>>) target_semaphore(%arg8 : memref<!tpu.dma_semaphore, #tpu.memory_space<semaphore_mem>>)
    %add3A_65 = arith.constant 64 : i32
    %add3A_66 = arith.addi %add3A_4, %add3A_65 : i32
    %dma_wait3A_67 = arith.constant 0 : i32
    %dma_wait3A_68 = tpu.memref_slice %arg2[%add3A_66, %dma_wait3A_67] : memref<32768x1024xf32, #tpu.memory_space<hbm>> -> memref<32x1024xf32, #tpu.memory_space<hbm>>
    %dma_wait3A_69 = arith.constant 0 : i32
    %dma_wait3A_70 = tpu.memref_slice %arg2[%add3A_66, %dma_wait3A_69] : memref<32768x1024xf32, #tpu.memory_space<hbm>> -> memref<32x1024xf32, #tpu.memory_space<hbm>>
    tpu.wait_dma2 semaphore(%arg7 : memref<!tpu.dma_semaphore, #tpu.memory_space<semaphore_mem>>) src(%dma_wait3A_70 : memref<32x1024xf32, #tpu.memory_space<hbm>>) dst(%arg4 : memref<32x1024xf32, #tpu.memory_space<vmem>>)
    %scan3A_71 = arith.constant 0 : i32
    %scan3A_72 = arith.constant 32 : i32
    %scan3A_73 = arith.addi %scan3A_71, %scan3A_72 : i32
    %scan3A_74 = arith.constant 1 : i32
    %scan3A_75:8 = scf.for %scan3A_315 = %scan3A_71 to %scan3A_73 step %scan3A_74 iter_args(%scan3A_316 = %scan3A_57#0, %scan3A_317 = %scan3A_57#1, %scan3A_318 = %scan3A_57#2, %scan3A_319 = %scan3A_57#3, %scan3A_320 = %scan3A_57#4, %scan3A_321 = %scan3A_57#5, %scan3A_322 = %scan3A_57#6, %scan3A_323 = %scan3A_57#7) -> (vector<16xf32>, vector<16xf32>, vector<16xf32>, vector<16xf32>, vector<16xf32>, vector<16xf32>, vector<16xf32>, vector<16xf32>)  : i32 {
      %scan3A_324 = arith.constant 0 : i32
      %scan3A_325 = arith.constant 8 : i32
      %scan3A_326 = arith.addi %scan3A_324, %scan3A_325 : i32
      %scan3A_327 = arith.constant 1 : i32
      %scan3A_328:8 = scf.for %scan3A_330 = %scan3A_324 to %scan3A_326 step %scan3A_327 iter_args(%scan3A_331 = %scan3A_316, %scan3A_332 = %scan3A_317, %scan3A_333 = %scan3A_318, %scan3A_334 = %scan3A_319, %scan3A_335 = %scan3A_320, %scan3A_336 = %scan3A_321, %scan3A_337 = %scan3A_322, %scan3A_338 = %scan3A_323) -> (vector<16xf32>, vector<16xf32>, vector<16xf32>, vector<16xf32>, vector<16xf32>, vector<16xf32>, vector<16xf32>, vector<16xf32>)  : i32 {
        %mul3A_339 = arith.constant 8 : i32
        %mul3A_340 = arith.muli %scan3A_330, %mul3A_339 : i32
        %add3A_341 = arith.constant 0 : i32
        %add3A_342 = arith.addi %mul3A_340, %add3A_341 : i32
        %mul3A_343 = arith.constant 16 : i32
        %mul3A_344 = arith.muli %add3A_342, %mul3A_343 : i32
        %get3A = arith.index_cast %scan3A_315 : i32 to index
        %get3A_345 = arith.index_cast %mul3A_344 : i32 to index
        %get3A_346 = tpu.vector_load %arg4[%get3A, %get3A_345] {strides = array<i32>} : memref<32x1024xf32, #tpu.memory_space<vmem>>, vector<1x16xf32>,
        %get3A_347 = vector.shape_cast %get3A_346 : vector<1x16xf32> to vector<16xf32>
        %add3A_348 = arith.constant 2.000000e+00 : f32
        %add3A_349 = vector.broadcast %add3A_348 : f32 to vector<16xf32>
        %add3A_350 = arith.addf %get3A_347, %add3A_349 : vector<16xf32>
        %max3A = arith.constant 0.000000e+00 : f32
        %max3A_351 = vector.broadcast %max3A : f32 to vector<16xf32>
        %max3A_352 = arith.maximumf %add3A_350, %max3A_351 : vector<16xf32>
        %add3A_353 = arith.addf %scan3A_331, %max3A_352 : vector<16xf32>
        %mul3A_354 = arith.constant 8 : i32
        %mul3A_355 = arith.muli %scan3A_330, %mul3A_354 : i32
        %add3A_356 = arith.constant 1 : i32
        %add3A_357 = arith.addi %mul3A_355, %add3A_356 : i32
        %mul3A_358 = arith.constant 16 : i32
        %mul3A_359 = arith.muli %add3A_357, %mul3A_358 : i32
        %get3A_360 = arith.index_cast %scan3A_315 : i32 to index
        %get3A_361 = arith.index_cast %mul3A_359 : i32 to index
        %get3A_362 = tpu.vector_load %arg4[%get3A_360, %get3A_361] {strides = array<i32>} : memref<32x1024xf32, #tpu.memory_space<vmem>>, vector<1x16xf32>,
        %get3A_363 = vector.shape_cast %get3A_362 : vector<1x16xf32> to vector<16xf32>
        %add3A_364 = arith.constant 2.000000e+00 : f32
        %add3A_365 = vector.broadcast %add3A_364 : f32 to vector<16xf32>
        %add3A_366 = arith.addf %get3A_363, %add3A_365 : vector<16xf32>
        %max3A_367 = arith.constant 0.000000e+00 : f32
        %max3A_368 = vector.broadcast %max3A_367 : f32 to vector<16xf32>
        %max3A_369 = arith.maximumf %add3A_366, %max3A_368 : vector<16xf32>
        %add3A_370 = arith.addf %scan3A_332, %max3A_369 : vector<16xf32>
        %mul3A_371 = arith.constant 8 : i32
        %mul3A_372 = arith.muli %scan3A_330, %mul3A_371 : i32
        %add3A_373 = arith.constant 2 : i32
        %add3A_374 = arith.addi %mul3A_372, %add3A_373 : i32
        %mul3A_375 = arith.constant 16 : i32
        %mul3A_376 = arith.muli %add3A_374, %mul3A_375 : i32
        %get3A_377 = arith.index_cast %scan3A_315 : i32 to index
        %get3A_378 = arith.index_cast %mul3A_376 : i32 to index
        %get3A_379 = tpu.vector_load %arg4[%get3A_377, %get3A_378] {strides = array<i32>} : memref<32x1024xf32, #tpu.memory_space<vmem>>, vector<1x16xf32>,
        %get3A_380 = vector.shape_cast %get3A_379 : vector<1x16xf32> to vector<16xf32>
        %add3A_381 = arith.constant 2.000000e+00 : f32
        %add3A_382 = vector.broadcast %add3A_381 : f32 to vector<16xf32>
        %add3A_383 = arith.addf %get3A_380, %add3A_382 : vector<16xf32>
        %max3A_384 = arith.constant 0.000000e+00 : f32
        %max3A_385 = vector.broadcast %max3A_384 : f32 to vector<16xf32>
        %max3A_386 = arith.maximumf %add3A_383, %max3A_385 : vector<16xf32>
        %add3A_387 = arith.addf %scan3A_333, %max3A_386 : vector<16xf32>
        %mul3A_388 = arith.constant 8 : i32
        %mul3A_389 = arith.muli %scan3A_330, %mul3A_388 : i32
        %add3A_390 = arith.constant 3 : i32
        %add3A_391 = arith.addi %mul3A_389, %add3A_390 : i32
        %mul3A_392 = arith.constant 16 : i32
        %mul3A_393 = arith.muli %add3A_391, %mul3A_392 : i32
        %get3A_394 = arith.index_cast %scan3A_315 : i32 to index
        %get3A_395 = arith.index_cast %mul3A_393 : i32 to index
        %get3A_396 = tpu.vector_load %arg4[%get3A_394, %get3A_395] {strides = array<i32>} : memref<32x1024xf32, #tpu.memory_space<vmem>>, vector<1x16xf32>,
        %get3A_397 = vector.shape_cast %get3A_396 : vector<1x16xf32> to vector<16xf32>
        %add3A_398 = arith.constant 2.000000e+00 : f32
        %add3A_399 = vector.broadcast %add3A_398 : f32 to vector<16xf32>
        %add3A_400 = arith.addf %get3A_397, %add3A_399 : vector<16xf32>
        %max3A_401 = arith.constant 0.000000e+00 : f32
        %max3A_402 = vector.broadcast %max3A_401 : f32 to vector<16xf32>
        %max3A_403 = arith.maximumf %add3A_400, %max3A_402 : vector<16xf32>
        %add3A_404 = arith.addf %scan3A_334, %max3A_403 : vector<16xf32>
        %mul3A_405 = arith.constant 8 : i32
        %mul3A_406 = arith.muli %scan3A_330, %mul3A_405 : i32
        %add3A_407 = arith.constant 4 : i32
        %add3A_408 = arith.addi %mul3A_406, %add3A_407 : i32
        %mul3A_409 = arith.constant 16 : i32
        %mul3A_410 = arith.muli %add3A_408, %mul3A_409 : i32
        %get3A_411 = arith.index_cast %scan3A_315 : i32 to index
        %get3A_412 = arith.index_cast %mul3A_410 : i32 to index
        %get3A_413 = tpu.vector_load %arg4[%get3A_411, %get3A_412] {strides = array<i32>} : memref<32x1024xf32, #tpu.memory_space<vmem>>, vector<1x16xf32>,
        %get3A_414 = vector.shape_cast %get3A_413 : vector<1x16xf32> to vector<16xf32>
        %add3A_415 = arith.constant 2.000000e+00 : f32
        %add3A_416 = vector.broadcast %add3A_415 : f32 to vector<16xf32>
        %add3A_417 = arith.addf %get3A_414, %add3A_416 : vector<16xf32>
        %max3A_418 = arith.constant 0.000000e+00 : f32
        %max3A_419 = vector.broadcast %max3A_418 : f32 to vector<16xf32>
        %max3A_420 = arith.maximumf %add3A_417, %max3A_419 : vector<16xf32>
        %add3A_421 = arith.addf %scan3A_335, %max3A_420 : vector<16xf32>
        %mul3A_422 = arith.constant 8 : i32
        %mul3A_423 = arith.muli %scan3A_330, %mul3A_422 : i32
        %add3A_424 = arith.constant 5 : i32
        %add3A_425 = arith.addi %mul3A_423, %add3A_424 : i32
        %mul3A_426 = arith.constant 16 : i32
        %mul3A_427 = arith.muli %add3A_425, %mul3A_426 : i32
        %get3A_428 = arith.index_cast %scan3A_315 : i32 to index
        %get3A_429 = arith.index_cast %mul3A_427 : i32 to index
        %get3A_430 = tpu.vector_load %arg4[%get3A_428, %get3A_429] {strides = array<i32>} : memref<32x1024xf32, #tpu.memory_space<vmem>>, vector<1x16xf32>,
        %get3A_431 = vector.shape_cast %get3A_430 : vector<1x16xf32> to vector<16xf32>
        %add3A_432 = arith.constant 2.000000e+00 : f32
        %add3A_433 = vector.broadcast %add3A_432 : f32 to vector<16xf32>
        %add3A_434 = arith.addf %get3A_431, %add3A_433 : vector<16xf32>
        %max3A_435 = arith.constant 0.000000e+00 : f32
        %max3A_436 = vector.broadcast %max3A_435 : f32 to vector<16xf32>
        %max3A_437 = arith.maximumf %add3A_434, %max3A_436 : vector<16xf32>
        %add3A_438 = arith.addf %scan3A_336, %max3A_437 : vector<16xf32>
        %mul3A_439 = arith.constant 8 : i32
        %mul3A_440 = arith.muli %scan3A_330, %mul3A_439 : i32
        %add3A_441 = arith.constant 6 : i32
        %add3A_442 = arith.addi %mul3A_440, %add3A_441 : i32
        %mul3A_443 = arith.constant 16 : i32
        %mul3A_444 = arith.muli %add3A_442, %mul3A_443 : i32
        %get3A_445 = arith.index_cast %scan3A_315 : i32 to index
        %get3A_446 = arith.index_cast %mul3A_444 : i32 to index
        %get3A_447 = tpu.vector_load %arg4[%get3A_445, %get3A_446] {strides = array<i32>} : memref<32x1024xf32, #tpu.memory_space<vmem>>, vector<1x16xf32>,
        %get3A_448 = vector.shape_cast %get3A_447 : vector<1x16xf32> to vector<16xf32>
        %add3A_449 = arith.constant 2.000000e+00 : f32
        %add3A_450 = vector.broadcast %add3A_449 : f32 to vector<16xf32>
        %add3A_451 = arith.addf %get3A_448, %add3A_450 : vector<16xf32>
        %max3A_452 = arith.constant 0.000000e+00 : f32
        %max3A_453 = vector.broadcast %max3A_452 : f32 to vector<16xf32>
        %max3A_454 = arith.maximumf %add3A_451, %max3A_453 : vector<16xf32>
        %add3A_455 = arith.addf %scan3A_337, %max3A_454 : vector<16xf32>
        %mul3A_456 = arith.constant 8 : i32
        %mul3A_457 = arith.muli %scan3A_330, %mul3A_456 : i32
        %add3A_458 = arith.constant 7 : i32
        %add3A_459 = arith.addi %mul3A_457, %add3A_458 : i32
        %mul3A_460 = arith.constant 16 : i32
        %mul3A_461 = arith.muli %add3A_459, %mul3A_460 : i32
        %get3A_462 = arith.index_cast %scan3A_315 : i32 to index
        %get3A_463 = arith.index_cast %mul3A_461 : i32 to index
        %get3A_464 = tpu.vector_load %arg4[%get3A_462, %get3A_463] {strides = array<i32>} : memref<32x1024xf32, #tpu.memory_space<vmem>>, vector<1x16xf32>,
        %get3A_465 = vector.shape_cast %get3A_464 : vector<1x16xf32> to vector<16xf32>
        %add3A_466 = arith.constant 2.000000e+00 : f32
        %add3A_467 = vector.broadcast %add3A_466 : f32 to vector<16xf32>
        %add3A_468 = arith.addf %get3A_465, %add3A_467 : vector<16xf32>
        %max3A_469 = arith.constant 0.000000e+00 : f32
        %max3A_470 = vector.broadcast %max3A_469 : f32 to vector<16xf32>
        %max3A_471 = arith.maximumf %add3A_468, %max3A_470 : vector<16xf32>
        %add3A_472 = arith.addf %scan3A_338, %max3A_471 : vector<16xf32>
        scf.yield %add3A_353, %add3A_370, %add3A_387, %add3A_404, %add3A_421, %add3A_438, %add3A_455, %add3A_472 : vector<16xf32>, vector<16xf32>, vector<16xf32>, vector<16xf32>, vector<16xf32>, vector<16xf32>, vector<16xf32>, vector<16xf32>
      }
      %scan3A_329 = arith.constant 8 : i32
      scf.yield %scan3A_328#0, %scan3A_328#1, %scan3A_328#2, %scan3A_328#3, %scan3A_328#4, %scan3A_328#5, %scan3A_328#6, %scan3A_328#7 : vector<16xf32>, vector<16xf32>, vector<16xf32>, vector<16xf32>, vector<16xf32>, vector<16xf32>, vector<16xf32>, vector<16xf32>
    }
    %scan3A_76 = arith.constant 32 : i32
    %add3A_77 = arith.constant 128 : i32
    %add3A_78 = arith.addi %add3A_4, %add3A_77 : i32
    %dma_start3A_79 = arith.constant 0 : i32
    %dma_start3A_80 = tpu.memref_slice %arg2[%add3A_78, %dma_start3A_79] : memref<32768x1024xf32, #tpu.memory_space<hbm>> -> memref<32x1024xf32, #tpu.memory_space<hbm>>
    %dma_start3A_81 = arith.constant 0 : i32
    %dma_start3A_82 = tpu.memref_slice %arg2[%add3A_78, %dma_start3A_81] : memref<32768x1024xf32, #tpu.memory_space<hbm>> -> memref<32x1024xf32, #tpu.memory_space<hbm>>
    tpu.enqueue_dma source(%dma_start3A_82 : memref<32x1024xf32, #tpu.memory_space<hbm>>) target(%arg4 : memref<32x1024xf32, #tpu.memory_space<vmem>>) target_semaphore(%arg7 : memref<!tpu.dma_semaphore, #tpu.memory_space<semaphore_mem>>)
    %add3A_83 = arith.constant 96 : i32
    %add3A_84 = arith.addi %add3A_4, %add3A_83 : i32
    %dma_wait3A_85 = arith.constant 0 : i32
    %dma_wait3A_86 = tpu.memref_slice %arg2[%add3A_84, %dma_wait3A_85] : memref<32768x1024xf32, #tpu.memory_space<hbm>> -> memref<32x1024xf32, #tpu.memory_space<hbm>>
    %dma_wait3A_87 = arith.constant 0 : i32
    %dma_wait3A_88 = tpu.memref_slice %arg2[%add3A_84, %dma_wait3A_87] : memref<32768x1024xf32, #tpu.memory_space<hbm>> -> memref<32x1024xf32, #tpu.memory_space<hbm>>
    tpu.wait_dma2 semaphore(%arg8 : memref<!tpu.dma_semaphore, #tpu.memory_space<semaphore_mem>>) src(%dma_wait3A_88 : memref<32x1024xf32, #tpu.memory_space<hbm>>) dst(%arg5 : memref<32x1024xf32, #tpu.memory_space<vmem>>)
    %scan3A_89 = arith.constant 0 : i32
    %scan3A_90 = arith.constant 32 : i32
    %scan3A_91 = arith.addi %scan3A_89, %scan3A_90 : i32
    %scan3A_92 = arith.constant 1 : i32
    %scan3A_93:8 = scf.for %scan3A_315 = %scan3A_89 to %scan3A_91 step %scan3A_92 iter_args(%scan3A_316 = %scan3A_75#0, %scan3A_317 = %scan3A_75#1, %scan3A_318 = %scan3A_75#2, %scan3A_319 = %scan3A_75#3, %scan3A_320 = %scan3A_75#4, %scan3A_321 = %scan3A_75#5, %scan3A_322 = %scan3A_75#6, %scan3A_323 = %scan3A_75#7) -> (vector<16xf32>, vector<16xf32>, vector<16xf32>, vector<16xf32>, vector<16xf32>, vector<16xf32>, vector<16xf32>, vector<16xf32>)  : i32 {
      %scan3A_324 = arith.constant 0 : i32
      %scan3A_325 = arith.constant 8 : i32
      %scan3A_326 = arith.addi %scan3A_324, %scan3A_325 : i32
      %scan3A_327 = arith.constant 1 : i32
      %scan3A_328:8 = scf.for %scan3A_330 = %scan3A_324 to %scan3A_326 step %scan3A_327 iter_args(%scan3A_331 = %scan3A_316, %scan3A_332 = %scan3A_317, %scan3A_333 = %scan3A_318, %scan3A_334 = %scan3A_319, %scan3A_335 = %scan3A_320, %scan3A_336 = %scan3A_321, %scan3A_337 = %scan3A_322, %scan3A_338 = %scan3A_323) -> (vector<16xf32>, vector<16xf32>, vector<16xf32>, vector<16xf32>, vector<16xf32>, vector<16xf32>, vector<16xf32>, vector<16xf32>)  : i32 {
        %mul3A_339 = arith.constant 8 : i32
        %mul3A_340 = arith.muli %scan3A_330, %mul3A_339 : i32
        %add3A_341 = arith.constant 0 : i32
        %add3A_342 = arith.addi %mul3A_340, %add3A_341 : i32
        %mul3A_343 = arith.constant 16 : i32
        %mul3A_344 = arith.muli %add3A_342, %mul3A_343 : i32
        %get3A = arith.index_cast %scan3A_315 : i32 to index
        %get3A_345 = arith.index_cast %mul3A_344 : i32 to index
        %get3A_346 = tpu.vector_load %arg5[%get3A, %get3A_345] {strides = array<i32>} : memref<32x1024xf32, #tpu.memory_space<vmem>>, vector<1x16xf32>,
        %get3A_347 = vector.shape_cast %get3A_346 : vector<1x16xf32> to vector<16xf32>
        %add3A_348 = arith.constant 2.000000e+00 : f32
        %add3A_349 = vector.broadcast %add3A_348 : f32 to vector<16xf32>
        %add3A_350 = arith.addf %get3A_347, %add3A_349 : vector<16xf32>
        %max3A = arith.constant 0.000000e+00 : f32
        %max3A_351 = vector.broadcast %max3A : f32 to vector<16xf32>
        %max3A_352 = arith.maximumf %add3A_350, %max3A_351 : vector<16xf32>
        %add3A_353 = arith.addf %scan3A_331, %max3A_352 : vector<16xf32>
        %mul3A_354 = arith.constant 8 : i32
        %mul3A_355 = arith.muli %scan3A_330, %mul3A_354 : i32
        %add3A_356 = arith.constant 1 : i32
        %add3A_357 = arith.addi %mul3A_355, %add3A_356 : i32
        %mul3A_358 = arith.constant 16 : i32
        %mul3A_359 = arith.muli %add3A_357, %mul3A_358 : i32
        %get3A_360 = arith.index_cast %scan3A_315 : i32 to index
        %get3A_361 = arith.index_cast %mul3A_359 : i32 to index
        %get3A_362 = tpu.vector_load %arg5[%get3A_360, %get3A_361] {strides = array<i32>} : memref<32x1024xf32, #tpu.memory_space<vmem>>, vector<1x16xf32>,
        %get3A_363 = vector.shape_cast %get3A_362 : vector<1x16xf32> to vector<16xf32>
        %add3A_364 = arith.constant 2.000000e+00 : f32
        %add3A_365 = vector.broadcast %add3A_364 : f32 to vector<16xf32>
        %add3A_366 = arith.addf %get3A_363, %add3A_365 : vector<16xf32>
        %max3A_367 = arith.constant 0.000000e+00 : f32
        %max3A_368 = vector.broadcast %max3A_367 : f32 to vector<16xf32>
        %max3A_369 = arith.maximumf %add3A_366, %max3A_368 : vector<16xf32>
        %add3A_370 = arith.addf %scan3A_332, %max3A_369 : vector<16xf32>
        %mul3A_371 = arith.constant 8 : i32
        %mul3A_372 = arith.muli %scan3A_330, %mul3A_371 : i32
        %add3A_373 = arith.constant 2 : i32
        %add3A_374 = arith.addi %mul3A_372, %add3A_373 : i32
        %mul3A_375 = arith.constant 16 : i32
        %mul3A_376 = arith.muli %add3A_374, %mul3A_375 : i32
        %get3A_377 = arith.index_cast %scan3A_315 : i32 to index
        %get3A_378 = arith.index_cast %mul3A_376 : i32 to index
        %get3A_379 = tpu.vector_load %arg5[%get3A_377, %get3A_378] {strides = array<i32>} : memref<32x1024xf32, #tpu.memory_space<vmem>>, vector<1x16xf32>,
        %get3A_380 = vector.shape_cast %get3A_379 : vector<1x16xf32> to vector<16xf32>
        %add3A_381 = arith.constant 2.000000e+00 : f32
        %add3A_382 = vector.broadcast %add3A_381 : f32 to vector<16xf32>
        %add3A_383 = arith.addf %get3A_380, %add3A_382 : vector<16xf32>
        %max3A_384 = arith.constant 0.000000e+00 : f32
        %max3A_385 = vector.broadcast %max3A_384 : f32 to vector<16xf32>
        %max3A_386 = arith.maximumf %add3A_383, %max3A_385 : vector<16xf32>
        %add3A_387 = arith.addf %scan3A_333, %max3A_386 : vector<16xf32>
        %mul3A_388 = arith.constant 8 : i32
        %mul3A_389 = arith.muli %scan3A_330, %mul3A_388 : i32
        %add3A_390 = arith.constant 3 : i32
        %add3A_391 = arith.addi %mul3A_389, %add3A_390 : i32
        %mul3A_392 = arith.constant 16 : i32
        %mul3A_393 = arith.muli %add3A_391, %mul3A_392 : i32
        %get3A_394 = arith.index_cast %scan3A_315 : i32 to index
        %get3A_395 = arith.index_cast %mul3A_393 : i32 to index
        %get3A_396 = tpu.vector_load %arg5[%get3A_394, %get3A_395] {strides = array<i32>} : memref<32x1024xf32, #tpu.memory_space<vmem>>, vector<1x16xf32>,
        %get3A_397 = vector.shape_cast %get3A_396 : vector<1x16xf32> to vector<16xf32>
        %add3A_398 = arith.constant 2.000000e+00 : f32
        %add3A_399 = vector.broadcast %add3A_398 : f32 to vector<16xf32>
        %add3A_400 = arith.addf %get3A_397, %add3A_399 : vector<16xf32>
        %max3A_401 = arith.constant 0.000000e+00 : f32
        %max3A_402 = vector.broadcast %max3A_401 : f32 to vector<16xf32>
        %max3A_403 = arith.maximumf %add3A_400, %max3A_402 : vector<16xf32>
        %add3A_404 = arith.addf %scan3A_334, %max3A_403 : vector<16xf32>
        %mul3A_405 = arith.constant 8 : i32
        %mul3A_406 = arith.muli %scan3A_330, %mul3A_405 : i32
        %add3A_407 = arith.constant 4 : i32
        %add3A_408 = arith.addi %mul3A_406, %add3A_407 : i32
        %mul3A_409 = arith.constant 16 : i32
        %mul3A_410 = arith.muli %add3A_408, %mul3A_409 : i32
        %get3A_411 = arith.index_cast %scan3A_315 : i32 to index
        %get3A_412 = arith.index_cast %mul3A_410 : i32 to index
        %get3A_413 = tpu.vector_load %arg5[%get3A_411, %get3A_412] {strides = array<i32>} : memref<32x1024xf32, #tpu.memory_space<vmem>>, vector<1x16xf32>,
        %get3A_414 = vector.shape_cast %get3A_413 : vector<1x16xf32> to vector<16xf32>
        %add3A_415 = arith.constant 2.000000e+00 : f32
        %add3A_416 = vector.broadcast %add3A_415 : f32 to vector<16xf32>
        %add3A_417 = arith.addf %get3A_414, %add3A_416 : vector<16xf32>
        %max3A_418 = arith.constant 0.000000e+00 : f32
        %max3A_419 = vector.broadcast %max3A_418 : f32 to vector<16xf32>
        %max3A_420 = arith.maximumf %add3A_417, %max3A_419 : vector<16xf32>
        %add3A_421 = arith.addf %scan3A_335, %max3A_420 : vector<16xf32>
        %mul3A_422 = arith.constant 8 : i32
        %mul3A_423 = arith.muli %scan3A_330, %mul3A_422 : i32
        %add3A_424 = arith.constant 5 : i32
        %add3A_425 = arith.addi %mul3A_423, %add3A_424 : i32
        %mul3A_426 = arith.constant 16 : i32
        %mul3A_427 = arith.muli %add3A_425, %mul3A_426 : i32
        %get3A_428 = arith.index_cast %scan3A_315 : i32 to index
        %get3A_429 = arith.index_cast %mul3A_427 : i32 to index
        %get3A_430 = tpu.vector_load %arg5[%get3A_428, %get3A_429] {strides = array<i32>} : memref<32x1024xf32, #tpu.memory_space<vmem>>, vector<1x16xf32>,
        %get3A_431 = vector.shape_cast %get3A_430 : vector<1x16xf32> to vector<16xf32>
        %add3A_432 = arith.constant 2.000000e+00 : f32
        %add3A_433 = vector.broadcast %add3A_432 : f32 to vector<16xf32>
        %add3A_434 = arith.addf %get3A_431, %add3A_433 : vector<16xf32>
        %max3A_435 = arith.constant 0.000000e+00 : f32
        %max3A_436 = vector.broadcast %max3A_435 : f32 to vector<16xf32>
        %max3A_437 = arith.maximumf %add3A_434, %max3A_436 : vector<16xf32>
        %add3A_438 = arith.addf %scan3A_336, %max3A_437 : vector<16xf32>
        %mul3A_439 = arith.constant 8 : i32
        %mul3A_440 = arith.muli %scan3A_330, %mul3A_439 : i32
        %add3A_441 = arith.constant 6 : i32
        %add3A_442 = arith.addi %mul3A_440, %add3A_441 : i32
        %mul3A_443 = arith.constant 16 : i32
        %mul3A_444 = arith.muli %add3A_442, %mul3A_443 : i32
        %get3A_445 = arith.index_cast %scan3A_315 : i32 to index
        %get3A_446 = arith.index_cast %mul3A_444 : i32 to index
        %get3A_447 = tpu.vector_load %arg5[%get3A_445, %get3A_446] {strides = array<i32>} : memref<32x1024xf32, #tpu.memory_space<vmem>>, vector<1x16xf32>,
        %get3A_448 = vector.shape_cast %get3A_447 : vector<1x16xf32> to vector<16xf32>
        %add3A_449 = arith.constant 2.000000e+00 : f32
        %add3A_450 = vector.broadcast %add3A_449 : f32 to vector<16xf32>
        %add3A_451 = arith.addf %get3A_448, %add3A_450 : vector<16xf32>
        %max3A_452 = arith.constant 0.000000e+00 : f32
        %max3A_453 = vector.broadcast %max3A_452 : f32 to vector<16xf32>
        %max3A_454 = arith.maximumf %add3A_451, %max3A_453 : vector<16xf32>
        %add3A_455 = arith.addf %scan3A_337, %max3A_454 : vector<16xf32>
        %mul3A_456 = arith.constant 8 : i32
        %mul3A_457 = arith.muli %scan3A_330, %mul3A_456 : i32
        %add3A_458 = arith.constant 7 : i32
        %add3A_459 = arith.addi %mul3A_457, %add3A_458 : i32
        %mul3A_460 = arith.constant 16 : i32
        %mul3A_461 = arith.muli %add3A_459, %mul3A_460 : i32
        %get3A_462 = arith.index_cast %scan3A_315 : i32 to index
        %get3A_463 = arith.index_cast %mul3A_461 : i32 to index
        %get3A_464 = tpu.vector_load %arg5[%get3A_462, %get3A_463] {strides = array<i32>} : memref<32x1024xf32, #tpu.memory_space<vmem>>, vector<1x16xf32>,
        %get3A_465 = vector.shape_cast %get3A_464 : vector<1x16xf32> to vector<16xf32>
        %add3A_466 = arith.constant 2.000000e+00 : f32
        %add3A_467 = vector.broadcast %add3A_466 : f32 to vector<16xf32>
        %add3A_468 = arith.addf %get3A_465, %add3A_467 : vector<16xf32>
        %max3A_469 = arith.constant 0.000000e+00 : f32
        %max3A_470 = vector.broadcast %max3A_469 : f32 to vector<16xf32>
        %max3A_471 = arith.maximumf %add3A_468, %max3A_470 : vector<16xf32>
        %add3A_472 = arith.addf %scan3A_338, %max3A_471 : vector<16xf32>
        scf.yield %add3A_353, %add3A_370, %add3A_387, %add3A_404, %add3A_421, %add3A_438, %add3A_455, %add3A_472 : vector<16xf32>, vector<16xf32>, vector<16xf32>, vector<16xf32>, vector<16xf32>, vector<16xf32>, vector<16xf32>, vector<16xf32>
      }
      %scan3A_329 = arith.constant 8 : i32
      scf.yield %scan3A_328#0, %scan3A_328#1, %scan3A_328#2, %scan3A_328#3, %scan3A_328#4, %scan3A_328#5, %scan3A_328#6, %scan3A_328#7 : vector<16xf32>, vector<16xf32>, vector<16xf32>, vector<16xf32>, vector<16xf32>, vector<16xf32>, vector<16xf32>, vector<16xf32>
    }
    %scan3A_94 = arith.constant 32 : i32
    %add3A_95 = arith.constant 160 : i32
    %add3A_96 = arith.addi %add3A_4, %add3A_95 : i32
    %dma_start3A_97 = arith.constant 0 : i32
    %dma_start3A_98 = tpu.memref_slice %arg2[%add3A_96, %dma_start3A_97] : memref<32768x1024xf32, #tpu.memory_space<hbm>> -> memref<32x1024xf32, #tpu.memory_space<hbm>>
    %dma_start3A_99 = arith.constant 0 : i32
    %dma_start3A_100 = tpu.memref_slice %arg2[%add3A_96, %dma_start3A_99] : memref<32768x1024xf32, #tpu.memory_space<hbm>> -> memref<32x1024xf32, #tpu.memory_space<hbm>>
    tpu.enqueue_dma source(%dma_start3A_100 : memref<32x1024xf32, #tpu.memory_space<hbm>>) target(%arg5 : memref<32x1024xf32, #tpu.memory_space<vmem>>) target_semaphore(%arg8 : memref<!tpu.dma_semaphore, #tpu.memory_space<semaphore_mem>>)
    %add3A_101 = arith.constant 128 : i32
    %add3A_102 = arith.addi %add3A_4, %add3A_101 : i32
    %dma_wait3A_103 = arith.constant 0 : i32
    %dma_wait3A_104 = tpu.memref_slice %arg2[%add3A_102, %dma_wait3A_103] : memref<32768x1024xf32, #tpu.memory_space<hbm>> -> memref<32x1024xf32, #tpu.memory_space<hbm>>
    %dma_wait3A_105 = arith.constant 0 : i32
    %dma_wait3A_106 = tpu.memref_slice %arg2[%add3A_102, %dma_wait3A_105] : memref<32768x1024xf32, #tpu.memory_space<hbm>> -> memref<32x1024xf32, #tpu.memory_space<hbm>>
    tpu.wait_dma2 semaphore(%arg7 : memref<!tpu.dma_semaphore, #tpu.memory_space<semaphore_mem>>) src(%dma_wait3A_106 : memref<32x1024xf32, #tpu.memory_space<hbm>>) dst(%arg4 : memref<32x1024xf32, #tpu.memory_space<vmem>>)
    %scan3A_107 = arith.constant 0 : i32
    %scan3A_108 = arith.constant 32 : i32
    %scan3A_109 = arith.addi %scan3A_107, %scan3A_108 : i32
    %scan3A_110 = arith.constant 1 : i32
    %scan3A_111:8 = scf.for %scan3A_315 = %scan3A_107 to %scan3A_109 step %scan3A_110 iter_args(%scan3A_316 = %scan3A_93#0, %scan3A_317 = %scan3A_93#1, %scan3A_318 = %scan3A_93#2, %scan3A_319 = %scan3A_93#3, %scan3A_320 = %scan3A_93#4, %scan3A_321 = %scan3A_93#5, %scan3A_322 = %scan3A_93#6, %scan3A_323 = %scan3A_93#7) -> (vector<16xf32>, vector<16xf32>, vector<16xf32>, vector<16xf32>, vector<16xf32>, vector<16xf32>, vector<16xf32>, vector<16xf32>)  : i32 {
      %scan3A_324 = arith.constant 0 : i32
      %scan3A_325 = arith.constant 8 : i32
      %scan3A_326 = arith.addi %scan3A_324, %scan3A_325 : i32
      %scan3A_327 = arith.constant 1 : i32
      %scan3A_328:8 = scf.for %scan3A_330 = %scan3A_324 to %scan3A_326 step %scan3A_327 iter_args(%scan3A_331 = %scan3A_316, %scan3A_332 = %scan3A_317, %scan3A_333 = %scan3A_318, %scan3A_334 = %scan3A_319, %scan3A_335 = %scan3A_320, %scan3A_336 = %scan3A_321, %scan3A_337 = %scan3A_322, %scan3A_338 = %scan3A_323) -> (vector<16xf32>, vector<16xf32>, vector<16xf32>, vector<16xf32>, vector<16xf32>, vector<16xf32>, vector<16xf32>, vector<16xf32>)  : i32 {
        %mul3A_339 = arith.constant 8 : i32
        %mul3A_340 = arith.muli %scan3A_330, %mul3A_339 : i32
        %add3A_341 = arith.constant 0 : i32
        %add3A_342 = arith.addi %mul3A_340, %add3A_341 : i32
        %mul3A_343 = arith.constant 16 : i32
        %mul3A_344 = arith.muli %add3A_342, %mul3A_343 : i32
        %get3A = arith.index_cast %scan3A_315 : i32 to index
        %get3A_345 = arith.index_cast %mul3A_344 : i32 to index
        %get3A_346 = tpu.vector_load %arg4[%get3A, %get3A_345] {strides = array<i32>} : memref<32x1024xf32, #tpu.memory_space<vmem>>, vector<1x16xf32>,
        %get3A_347 = vector.shape_cast %get3A_346 : vector<1x16xf32> to vector<16xf32>
        %add3A_348 = arith.constant 2.000000e+00 : f32
        %add3A_349 = vector.broadcast %add3A_348 : f32 to vector<16xf32>
        %add3A_350 = arith.addf %get3A_347, %add3A_349 : vector<16xf32>
        %max3A = arith.constant 0.000000e+00 : f32
        %max3A_351 = vector.broadcast %max3A : f32 to vector<16xf32>
        %max3A_352 = arith.maximumf %add3A_350, %max3A_351 : vector<16xf32>
        %add3A_353 = arith.addf %scan3A_331, %max3A_352 : vector<16xf32>
        %mul3A_354 = arith.constant 8 : i32
        %mul3A_355 = arith.muli %scan3A_330, %mul3A_354 : i32
        %add3A_356 = arith.constant 1 : i32
        %add3A_357 = arith.addi %mul3A_355, %add3A_356 : i32
        %mul3A_358 = arith.constant 16 : i32
        %mul3A_359 = arith.muli %add3A_357, %mul3A_358 : i32
        %get3A_360 = arith.index_cast %scan3A_315 : i32 to index
        %get3A_361 = arith.index_cast %mul3A_359 : i32 to index
        %get3A_362 = tpu.vector_load %arg4[%get3A_360, %get3A_361] {strides = array<i32>} : memref<32x1024xf32, #tpu.memory_space<vmem>>, vector<1x16xf32>,
        %get3A_363 = vector.shape_cast %get3A_362 : vector<1x16xf32> to vector<16xf32>
        %add3A_364 = arith.constant 2.000000e+00 : f32
        %add3A_365 = vector.broadcast %add3A_364 : f32 to vector<16xf32>
        %add3A_366 = arith.addf %get3A_363, %add3A_365 : vector<16xf32>
        %max3A_367 = arith.constant 0.000000e+00 : f32
        %max3A_368 = vector.broadcast %max3A_367 : f32 to vector<16xf32>
        %max3A_369 = arith.maximumf %add3A_366, %max3A_368 : vector<16xf32>
        %add3A_370 = arith.addf %scan3A_332, %max3A_369 : vector<16xf32>
        %mul3A_371 = arith.constant 8 : i32
        %mul3A_372 = arith.muli %scan3A_330, %mul3A_371 : i32
        %add3A_373 = arith.constant 2 : i32
        %add3A_374 = arith.addi %mul3A_372, %add3A_373 : i32
        %mul3A_375 = arith.constant 16 : i32
        %mul3A_376 = arith.muli %add3A_374, %mul3A_375 : i32
        %get3A_377 = arith.index_cast %scan3A_315 : i32 to index
        %get3A_378 = arith.index_cast %mul3A_376 : i32 to index
        %get3A_379 = tpu.vector_load %arg4[%get3A_377, %get3A_378] {strides = array<i32>} : memref<32x1024xf32, #tpu.memory_space<vmem>>, vector<1x16xf32>,
        %get3A_380 = vector.shape_cast %get3A_379 : vector<1x16xf32> to vector<16xf32>
        %add3A_381 = arith.constant 2.000000e+00 : f32
        %add3A_382 = vector.broadcast %add3A_381 : f32 to vector<16xf32>
        %add3A_383 = arith.addf %get3A_380, %add3A_382 : vector<16xf32>
        %max3A_384 = arith.constant 0.000000e+00 : f32
        %max3A_385 = vector.broadcast %max3A_384 : f32 to vector<16xf32>
        %max3A_386 = arith.maximumf %add3A_383, %max3A_385 : vector<16xf32>
        %add3A_387 = arith.addf %scan3A_333, %max3A_386 : vector<16xf32>
        %mul3A_388 = arith.constant 8 : i32
        %mul3A_389 = arith.muli %scan3A_330, %mul3A_388 : i32
        %add3A_390 = arith.constant 3 : i32
        %add3A_391 = arith.addi %mul3A_389, %add3A_390 : i32
        %mul3A_392 = arith.constant 16 : i32
        %mul3A_393 = arith.muli %add3A_391, %mul3A_392 : i32
        %get3A_394 = arith.index_cast %scan3A_315 : i32 to index
        %get3A_395 = arith.index_cast %mul3A_393 : i32 to index
        %get3A_396 = tpu.vector_load %arg4[%get3A_394, %get3A_395] {strides = array<i32>} : memref<32x1024xf32, #tpu.memory_space<vmem>>, vector<1x16xf32>,
        %get3A_397 = vector.shape_cast %get3A_396 : vector<1x16xf32> to vector<16xf32>
        %add3A_398 = arith.constant 2.000000e+00 : f32
        %add3A_399 = vector.broadcast %add3A_398 : f32 to vector<16xf32>
        %add3A_400 = arith.addf %get3A_397, %add3A_399 : vector<16xf32>
        %max3A_401 = arith.constant 0.000000e+00 : f32
        %max3A_402 = vector.broadcast %max3A_401 : f32 to vector<16xf32>
        %max3A_403 = arith.maximumf %add3A_400, %max3A_402 : vector<16xf32>
        %add3A_404 = arith.addf %scan3A_334, %max3A_403 : vector<16xf32>
        %mul3A_405 = arith.constant 8 : i32
        %mul3A_406 = arith.muli %scan3A_330, %mul3A_405 : i32
        %add3A_407 = arith.constant 4 : i32
        %add3A_408 = arith.addi %mul3A_406, %add3A_407 : i32
        %mul3A_409 = arith.constant 16 : i32
        %mul3A_410 = arith.muli %add3A_408, %mul3A_409 : i32
        %get3A_411 = arith.index_cast %scan3A_315 : i32 to index
        %get3A_412 = arith.index_cast %mul3A_410 : i32 to index
        %get3A_413 = tpu.vector_load %arg4[%get3A_411, %get3A_412] {strides = array<i32>} : memref<32x1024xf32, #tpu.memory_space<vmem>>, vector<1x16xf32>,
        %get3A_414 = vector.shape_cast %get3A_413 : vector<1x16xf32> to vector<16xf32>
        %add3A_415 = arith.constant 2.000000e+00 : f32
        %add3A_416 = vector.broadcast %add3A_415 : f32 to vector<16xf32>
        %add3A_417 = arith.addf %get3A_414, %add3A_416 : vector<16xf32>
        %max3A_418 = arith.constant 0.000000e+00 : f32
        %max3A_419 = vector.broadcast %max3A_418 : f32 to vector<16xf32>
        %max3A_420 = arith.maximumf %add3A_417, %max3A_419 : vector<16xf32>
        %add3A_421 = arith.addf %scan3A_335, %max3A_420 : vector<16xf32>
        %mul3A_422 = arith.constant 8 : i32
        %mul3A_423 = arith.muli %scan3A_330, %mul3A_422 : i32
        %add3A_424 = arith.constant 5 : i32
        %add3A_425 = arith.addi %mul3A_423, %add3A_424 : i32
        %mul3A_426 = arith.constant 16 : i32
        %mul3A_427 = arith.muli %add3A_425, %mul3A_426 : i32
        %get3A_428 = arith.index_cast %scan3A_315 : i32 to index
        %get3A_429 = arith.index_cast %mul3A_427 : i32 to index
        %get3A_430 = tpu.vector_load %arg4[%get3A_428, %get3A_429] {strides = array<i32>} : memref<32x1024xf32, #tpu.memory_space<vmem>>, vector<1x16xf32>,
        %get3A_431 = vector.shape_cast %get3A_430 : vector<1x16xf32> to vector<16xf32>
        %add3A_432 = arith.constant 2.000000e+00 : f32
        %add3A_433 = vector.broadcast %add3A_432 : f32 to vector<16xf32>
        %add3A_434 = arith.addf %get3A_431, %add3A_433 : vector<16xf32>
        %max3A_435 = arith.constant 0.000000e+00 : f32
        %max3A_436 = vector.broadcast %max3A_435 : f32 to vector<16xf32>
        %max3A_437 = arith.maximumf %add3A_434, %max3A_436 : vector<16xf32>
        %add3A_438 = arith.addf %scan3A_336, %max3A_437 : vector<16xf32>
        %mul3A_439 = arith.constant 8 : i32
        %mul3A_440 = arith.muli %scan3A_330, %mul3A_439 : i32
        %add3A_441 = arith.constant 6 : i32
        %add3A_442 = arith.addi %mul3A_440, %add3A_441 : i32
        %mul3A_443 = arith.constant 16 : i32
        %mul3A_444 = arith.muli %add3A_442, %mul3A_443 : i32
        %get3A_445 = arith.index_cast %scan3A_315 : i32 to index
        %get3A_446 = arith.index_cast %mul3A_444 : i32 to index
        %get3A_447 = tpu.vector_load %arg4[%get3A_445, %get3A_446] {strides = array<i32>} : memref<32x1024xf32, #tpu.memory_space<vmem>>, vector<1x16xf32>,
        %get3A_448 = vector.shape_cast %get3A_447 : vector<1x16xf32> to vector<16xf32>
        %add3A_449 = arith.constant 2.000000e+00 : f32
        %add3A_450 = vector.broadcast %add3A_449 : f32 to vector<16xf32>
        %add3A_451 = arith.addf %get3A_448, %add3A_450 : vector<16xf32>
        %max3A_452 = arith.constant 0.000000e+00 : f32
        %max3A_453 = vector.broadcast %max3A_452 : f32 to vector<16xf32>
        %max3A_454 = arith.maximumf %add3A_451, %max3A_453 : vector<16xf32>
        %add3A_455 = arith.addf %scan3A_337, %max3A_454 : vector<16xf32>
        %mul3A_456 = arith.constant 8 : i32
        %mul3A_457 = arith.muli %scan3A_330, %mul3A_456 : i32
        %add3A_458 = arith.constant 7 : i32
        %add3A_459 = arith.addi %mul3A_457, %add3A_458 : i32
        %mul3A_460 = arith.constant 16 : i32
        %mul3A_461 = arith.muli %add3A_459, %mul3A_460 : i32
        %get3A_462 = arith.index_cast %scan3A_315 : i32 to index
        %get3A_463 = arith.index_cast %mul3A_461 : i32 to index
        %get3A_464 = tpu.vector_load %arg4[%get3A_462, %get3A_463] {strides = array<i32>} : memref<32x1024xf32, #tpu.memory_space<vmem>>, vector<1x16xf32>,
        %get3A_465 = vector.shape_cast %get3A_464 : vector<1x16xf32> to vector<16xf32>
        %add3A_466 = arith.constant 2.000000e+00 : f32
        %add3A_467 = vector.broadcast %add3A_466 : f32 to vector<16xf32>
        %add3A_468 = arith.addf %get3A_465, %add3A_467 : vector<16xf32>
        %max3A_469 = arith.constant 0.000000e+00 : f32
        %max3A_470 = vector.broadcast %max3A_469 : f32 to vector<16xf32>
        %max3A_471 = arith.maximumf %add3A_468, %max3A_470 : vector<16xf32>
        %add3A_472 = arith.addf %scan3A_338, %max3A_471 : vector<16xf32>
        scf.yield %add3A_353, %add3A_370, %add3A_387, %add3A_404, %add3A_421, %add3A_438, %add3A_455, %add3A_472 : vector<16xf32>, vector<16xf32>, vector<16xf32>, vector<16xf32>, vector<16xf32>, vector<16xf32>, vector<16xf32>, vector<16xf32>
      }
      %scan3A_329 = arith.constant 8 : i32
      scf.yield %scan3A_328#0, %scan3A_328#1, %scan3A_328#2, %scan3A_328#3, %scan3A_328#4, %scan3A_328#5, %scan3A_328#6, %scan3A_328#7 : vector<16xf32>, vector<16xf32>, vector<16xf32>, vector<16xf32>, vector<16xf32>, vector<16xf32>, vector<16xf32>, vector<16xf32>
    }
    %scan3A_112 = arith.constant 32 : i32
    %add3A_113 = arith.constant 192 : i32
    %add3A_114 = arith.addi %add3A_4, %add3A_113 : i32
    %dma_start3A_115 = arith.constant 0 : i32
    %dma_start3A_116 = tpu.memref_slice %arg2[%add3A_114, %dma_start3A_115] : memref<32768x1024xf32, #tpu.memory_space<hbm>> -> memref<32x1024xf32, #tpu.memory_space<hbm>>
    %dma_start3A_117 = arith.constant 0 : i32
    %dma_start3A_118 = tpu.memref_slice %arg2[%add3A_114, %dma_start3A_117] : memref<32768x1024xf32, #tpu.memory_space<hbm>> -> memref<32x1024xf32, #tpu.memory_space<hbm>>
    tpu.enqueue_dma source(%dma_start3A_118 : memref<32x1024xf32, #tpu.memory_space<hbm>>) target(%arg4 : memref<32x1024xf32, #tpu.memory_space<vmem>>) target_semaphore(%arg7 : memref<!tpu.dma_semaphore, #tpu.memory_space<semaphore_mem>>)
    %add3A_119 = arith.constant 160 : i32
    %add3A_120 = arith.addi %add3A_4, %add3A_119 : i32
    %dma_wait3A_121 = arith.constant 0 : i32
    %dma_wait3A_122 = tpu.memref_slice %arg2[%add3A_120, %dma_wait3A_121] : memref<32768x1024xf32, #tpu.memory_space<hbm>> -> memref<32x1024xf32, #tpu.memory_space<hbm>>
    %dma_wait3A_123 = arith.constant 0 : i32
    %dma_wait3A_124 = tpu.memref_slice %arg2[%add3A_120, %dma_wait3A_123] : memref<32768x1024xf32, #tpu.memory_space<hbm>> -> memref<32x1024xf32, #tpu.memory_space<hbm>>
    tpu.wait_dma2 semaphore(%arg8 : memref<!tpu.dma_semaphore, #tpu.memory_space<semaphore_mem>>) src(%dma_wait3A_124 : memref<32x1024xf32, #tpu.memory_space<hbm>>) dst(%arg5 : memref<32x1024xf32, #tpu.memory_space<vmem>>)
    %scan3A_125 = arith.constant 0 : i32
    %scan3A_126 = arith.constant 32 : i32
    %scan3A_127 = arith.addi %scan3A_125, %scan3A_126 : i32
    %scan3A_128 = arith.constant 1 : i32
    %scan3A_129:8 = scf.for %scan3A_315 = %scan3A_125 to %scan3A_127 step %scan3A_128 iter_args(%scan3A_316 = %scan3A_111#0, %scan3A_317 = %scan3A_111#1, %scan3A_318 = %scan3A_111#2, %scan3A_319 = %scan3A_111#3, %scan3A_320 = %scan3A_111#4, %scan3A_321 = %scan3A_111#5, %scan3A_322 = %scan3A_111#6, %scan3A_323 = %scan3A_111#7) -> (vector<16xf32>, vector<16xf32>, vector<16xf32>, vector<16xf32>, vector<16xf32>, vector<16xf32>, vector<16xf32>, vector<16xf32>)  : i32 {
      %scan3A_324 = arith.constant 0 : i32
      %scan3A_325 = arith.constant 8 : i32
      %scan3A_326 = arith.addi %scan3A_324, %scan3A_325 : i32
      %scan3A_327 = arith.constant 1 : i32
      %scan3A_328:8 = scf.for %scan3A_330 = %scan3A_324 to %scan3A_326 step %scan3A_327 iter_args(%scan3A_331 = %scan3A_316, %scan3A_332 = %scan3A_317, %scan3A_333 = %scan3A_318, %scan3A_334 = %scan3A_319, %scan3A_335 = %scan3A_320, %scan3A_336 = %scan3A_321, %scan3A_337 = %scan3A_322, %scan3A_338 = %scan3A_323) -> (vector<16xf32>, vector<16xf32>, vector<16xf32>, vector<16xf32>, vector<16xf32>, vector<16xf32>, vector<16xf32>, vector<16xf32>)  : i32 {
        %mul3A_339 = arith.constant 8 : i32
        %mul3A_340 = arith.muli %scan3A_330, %mul3A_339 : i32
        %add3A_341 = arith.constant 0 : i32
        %add3A_342 = arith.addi %mul3A_340, %add3A_341 : i32
        %mul3A_343 = arith.constant 16 : i32
        %mul3A_344 = arith.muli %add3A_342, %mul3A_343 : i32
        %get3A = arith.index_cast %scan3A_315 : i32 to index
        %get3A_345 = arith.index_cast %mul3A_344 : i32 to index
        %get3A_346 = tpu.vector_load %arg5[%get3A, %get3A_345] {strides = array<i32>} : memref<32x1024xf32, #tpu.memory_space<vmem>>, vector<1x16xf32>,
        %get3A_347 = vector.shape_cast %get3A_346 : vector<1x16xf32> to vector<16xf32>
        %add3A_348 = arith.constant 2.000000e+00 : f32
        %add3A_349 = vector.broadcast %add3A_348 : f32 to vector<16xf32>
        %add3A_350 = arith.addf %get3A_347, %add3A_349 : vector<16xf32>
        %max3A = arith.constant 0.000000e+00 : f32
        %max3A_351 = vector.broadcast %max3A : f32 to vector<16xf32>
        %max3A_352 = arith.maximumf %add3A_350, %max3A_351 : vector<16xf32>
        %add3A_353 = arith.addf %scan3A_331, %max3A_352 : vector<16xf32>
        %mul3A_354 = arith.constant 8 : i32
        %mul3A_355 = arith.muli %scan3A_330, %mul3A_354 : i32
        %add3A_356 = arith.constant 1 : i32
        %add3A_357 = arith.addi %mul3A_355, %add3A_356 : i32
        %mul3A_358 = arith.constant 16 : i32
        %mul3A_359 = arith.muli %add3A_357, %mul3A_358 : i32
        %get3A_360 = arith.index_cast %scan3A_315 : i32 to index
        %get3A_361 = arith.index_cast %mul3A_359 : i32 to index
        %get3A_362 = tpu.vector_load %arg5[%get3A_360, %get3A_361] {strides = array<i32>} : memref<32x1024xf32, #tpu.memory_space<vmem>>, vector<1x16xf32>,
        %get3A_363 = vector.shape_cast %get3A_362 : vector<1x16xf32> to vector<16xf32>
        %add3A_364 = arith.constant 2.000000e+00 : f32
        %add3A_365 = vector.broadcast %add3A_364 : f32 to vector<16xf32>
        %add3A_366 = arith.addf %get3A_363, %add3A_365 : vector<16xf32>
        %max3A_367 = arith.constant 0.000000e+00 : f32
        %max3A_368 = vector.broadcast %max3A_367 : f32 to vector<16xf32>
        %max3A_369 = arith.maximumf %add3A_366, %max3A_368 : vector<16xf32>
        %add3A_370 = arith.addf %scan3A_332, %max3A_369 : vector<16xf32>
        %mul3A_371 = arith.constant 8 : i32
        %mul3A_372 = arith.muli %scan3A_330, %mul3A_371 : i32
        %add3A_373 = arith.constant 2 : i32
        %add3A_374 = arith.addi %mul3A_372, %add3A_373 : i32
        %mul3A_375 = arith.constant 16 : i32
        %mul3A_376 = arith.muli %add3A_374, %mul3A_375 : i32
        %get3A_377 = arith.index_cast %scan3A_315 : i32 to index
        %get3A_378 = arith.index_cast %mul3A_376 : i32 to index
        %get3A_379 = tpu.vector_load %arg5[%get3A_377, %get3A_378] {strides = array<i32>} : memref<32x1024xf32, #tpu.memory_space<vmem>>, vector<1x16xf32>,
        %get3A_380 = vector.shape_cast %get3A_379 : vector<1x16xf32> to vector<16xf32>
        %add3A_381 = arith.constant 2.000000e+00 : f32
        %add3A_382 = vector.broadcast %add3A_381 : f32 to vector<16xf32>
        %add3A_383 = arith.addf %get3A_380, %add3A_382 : vector<16xf32>
        %max3A_384 = arith.constant 0.000000e+00 : f32
        %max3A_385 = vector.broadcast %max3A_384 : f32 to vector<16xf32>
        %max3A_386 = arith.maximumf %add3A_383, %max3A_385 : vector<16xf32>
        %add3A_387 = arith.addf %scan3A_333, %max3A_386 : vector<16xf32>
        %mul3A_388 = arith.constant 8 : i32
        %mul3A_389 = arith.muli %scan3A_330, %mul3A_388 : i32
        %add3A_390 = arith.constant 3 : i32
        %add3A_391 = arith.addi %mul3A_389, %add3A_390 : i32
        %mul3A_392 = arith.constant 16 : i32
        %mul3A_393 = arith.muli %add3A_391, %mul3A_392 : i32
        %get3A_394 = arith.index_cast %scan3A_315 : i32 to index
        %get3A_395 = arith.index_cast %mul3A_393 : i32 to index
        %get3A_396 = tpu.vector_load %arg5[%get3A_394, %get3A_395] {strides = array<i32>} : memref<32x1024xf32, #tpu.memory_space<vmem>>, vector<1x16xf32>,
        %get3A_397 = vector.shape_cast %get3A_396 : vector<1x16xf32> to vector<16xf32>
        %add3A_398 = arith.constant 2.000000e+00 : f32
        %add3A_399 = vector.broadcast %add3A_398 : f32 to vector<16xf32>
        %add3A_400 = arith.addf %get3A_397, %add3A_399 : vector<16xf32>
        %max3A_401 = arith.constant 0.000000e+00 : f32
        %max3A_402 = vector.broadcast %max3A_401 : f32 to vector<16xf32>
        %max3A_403 = arith.maximumf %add3A_400, %max3A_402 : vector<16xf32>
        %add3A_404 = arith.addf %scan3A_334, %max3A_403 : vector<16xf32>
        %mul3A_405 = arith.constant 8 : i32
        %mul3A_406 = arith.muli %scan3A_330, %mul3A_405 : i32
        %add3A_407 = arith.constant 4 : i32
        %add3A_408 = arith.addi %mul3A_406, %add3A_407 : i32
        %mul3A_409 = arith.constant 16 : i32
        %mul3A_410 = arith.muli %add3A_408, %mul3A_409 : i32
        %get3A_411 = arith.index_cast %scan3A_315 : i32 to index
        %get3A_412 = arith.index_cast %mul3A_410 : i32 to index
        %get3A_413 = tpu.vector_load %arg5[%get3A_411, %get3A_412] {strides = array<i32>} : memref<32x1024xf32, #tpu.memory_space<vmem>>, vector<1x16xf32>,
        %get3A_414 = vector.shape_cast %get3A_413 : vector<1x16xf32> to vector<16xf32>
        %add3A_415 = arith.constant 2.000000e+00 : f32
        %add3A_416 = vector.broadcast %add3A_415 : f32 to vector<16xf32>
        %add3A_417 = arith.addf %get3A_414, %add3A_416 : vector<16xf32>
        %max3A_418 = arith.constant 0.000000e+00 : f32
        %max3A_419 = vector.broadcast %max3A_418 : f32 to vector<16xf32>
        %max3A_420 = arith.maximumf %add3A_417, %max3A_419 : vector<16xf32>
        %add3A_421 = arith.addf %scan3A_335, %max3A_420 : vector<16xf32>
        %mul3A_422 = arith.constant 8 : i32
        %mul3A_423 = arith.muli %scan3A_330, %mul3A_422 : i32
        %add3A_424 = arith.constant 5 : i32
        %add3A_425 = arith.addi %mul3A_423, %add3A_424 : i32
        %mul3A_426 = arith.constant 16 : i32
        %mul3A_427 = arith.muli %add3A_425, %mul3A_426 : i32
        %get3A_428 = arith.index_cast %scan3A_315 : i32 to index
        %get3A_429 = arith.index_cast %mul3A_427 : i32 to index
        %get3A_430 = tpu.vector_load %arg5[%get3A_428, %get3A_429] {strides = array<i32>} : memref<32x1024xf32, #tpu.memory_space<vmem>>, vector<1x16xf32>,
        %get3A_431 = vector.shape_cast %get3A_430 : vector<1x16xf32> to vector<16xf32>
        %add3A_432 = arith.constant 2.000000e+00 : f32
        %add3A_433 = vector.broadcast %add3A_432 : f32 to vector<16xf32>
        %add3A_434 = arith.addf %get3A_431, %add3A_433 : vector<16xf32>
        %max3A_435 = arith.constant 0.000000e+00 : f32
        %max3A_436 = vector.broadcast %max3A_435 : f32 to vector<16xf32>
        %max3A_437 = arith.maximumf %add3A_434, %max3A_436 : vector<16xf32>
        %add3A_438 = arith.addf %scan3A_336, %max3A_437 : vector<16xf32>
        %mul3A_439 = arith.constant 8 : i32
        %mul3A_440 = arith.muli %scan3A_330, %mul3A_439 : i32
        %add3A_441 = arith.constant 6 : i32
        %add3A_442 = arith.addi %mul3A_440, %add3A_441 : i32
        %mul3A_443 = arith.constant 16 : i32
        %mul3A_444 = arith.muli %add3A_442, %mul3A_443 : i32
        %get3A_445 = arith.index_cast %scan3A_315 : i32 to index
        %get3A_446 = arith.index_cast %mul3A_444 : i32 to index
        %get3A_447 = tpu.vector_load %arg5[%get3A_445, %get3A_446] {strides = array<i32>} : memref<32x1024xf32, #tpu.memory_space<vmem>>, vector<1x16xf32>,
        %get3A_448 = vector.shape_cast %get3A_447 : vector<1x16xf32> to vector<16xf32>
        %add3A_449 = arith.constant 2.000000e+00 : f32
        %add3A_450 = vector.broadcast %add3A_449 : f32 to vector<16xf32>
        %add3A_451 = arith.addf %get3A_448, %add3A_450 : vector<16xf32>
        %max3A_452 = arith.constant 0.000000e+00 : f32
        %max3A_453 = vector.broadcast %max3A_452 : f32 to vector<16xf32>
        %max3A_454 = arith.maximumf %add3A_451, %max3A_453 : vector<16xf32>
        %add3A_455 = arith.addf %scan3A_337, %max3A_454 : vector<16xf32>
        %mul3A_456 = arith.constant 8 : i32
        %mul3A_457 = arith.muli %scan3A_330, %mul3A_456 : i32
        %add3A_458 = arith.constant 7 : i32
        %add3A_459 = arith.addi %mul3A_457, %add3A_458 : i32
        %mul3A_460 = arith.constant 16 : i32
        %mul3A_461 = arith.muli %add3A_459, %mul3A_460 : i32
        %get3A_462 = arith.index_cast %scan3A_315 : i32 to index
        %get3A_463 = arith.index_cast %mul3A_461 : i32 to index
        %get3A_464 = tpu.vector_load %arg5[%get3A_462, %get3A_463] {strides = array<i32>} : memref<32x1024xf32, #tpu.memory_space<vmem>>, vector<1x16xf32>,
        %get3A_465 = vector.shape_cast %get3A_464 : vector<1x16xf32> to vector<16xf32>
        %add3A_466 = arith.constant 2.000000e+00 : f32
        %add3A_467 = vector.broadcast %add3A_466 : f32 to vector<16xf32>
        %add3A_468 = arith.addf %get3A_465, %add3A_467 : vector<16xf32>
        %max3A_469 = arith.constant 0.000000e+00 : f32
        %max3A_470 = vector.broadcast %max3A_469 : f32 to vector<16xf32>
        %max3A_471 = arith.maximumf %add3A_468, %max3A_470 : vector<16xf32>
        %add3A_472 = arith.addf %scan3A_338, %max3A_471 : vector<16xf32>
        scf.yield %add3A_353, %add3A_370, %add3A_387, %add3A_404, %add3A_421, %add3A_438, %add3A_455, %add3A_472 : vector<16xf32>, vector<16xf32>, vector<16xf32>, vector<16xf32>, vector<16xf32>, vector<16xf32>, vector<16xf32>, vector<16xf32>
      }
      %scan3A_329 = arith.constant 8 : i32
      scf.yield %scan3A_328#0, %scan3A_328#1, %scan3A_328#2, %scan3A_328#3, %scan3A_328#4, %scan3A_328#5, %scan3A_328#6, %scan3A_328#7 : vector<16xf32>, vector<16xf32>, vector<16xf32>, vector<16xf32>, vector<16xf32>, vector<16xf32>, vector<16xf32>, vector<16xf32>
    }
    %scan3A_130 = arith.constant 32 : i32
    %add3A_131 = arith.constant 224 : i32
    %add3A_132 = arith.addi %add3A_4, %add3A_131 : i32
    %dma_start3A_133 = arith.constant 0 : i32
    %dma_start3A_134 = tpu.memref_slice %arg2[%add3A_132, %dma_start3A_133] : memref<32768x1024xf32, #tpu.memory_space<hbm>> -> memref<32x1024xf32, #tpu.memory_space<hbm>>
    %dma_start3A_135 = arith.constant 0 : i32
    %dma_start3A_136 = tpu.memref_slice %arg2[%add3A_132, %dma_start3A_135] : memref<32768x1024xf32, #tpu.memory_space<hbm>> -> memref<32x1024xf32, #tpu.memory_space<hbm>>
    tpu.enqueue_dma source(%dma_start3A_136 : memref<32x1024xf32, #tpu.memory_space<hbm>>) target(%arg5 : memref<32x1024xf32, #tpu.memory_space<vmem>>) target_semaphore(%arg8 : memref<!tpu.dma_semaphore, #tpu.memory_space<semaphore_mem>>)
    %add3A_137 = arith.constant 192 : i32
    %add3A_138 = arith.addi %add3A_4, %add3A_137 : i32
    %dma_wait3A_139 = arith.constant 0 : i32
    %dma_wait3A_140 = tpu.memref_slice %arg2[%add3A_138, %dma_wait3A_139] : memref<32768x1024xf32, #tpu.memory_space<hbm>> -> memref<32x1024xf32, #tpu.memory_space<hbm>>
    %dma_wait3A_141 = arith.constant 0 : i32
    %dma_wait3A_142 = tpu.memref_slice %arg2[%add3A_138, %dma_wait3A_141] : memref<32768x1024xf32, #tpu.memory_space<hbm>> -> memref<32x1024xf32, #tpu.memory_space<hbm>>
    tpu.wait_dma2 semaphore(%arg7 : memref<!tpu.dma_semaphore, #tpu.memory_space<semaphore_mem>>) src(%dma_wait3A_142 : memref<32x1024xf32, #tpu.memory_space<hbm>>) dst(%arg4 : memref<32x1024xf32, #tpu.memory_space<vmem>>)
    %scan3A_143 = arith.constant 0 : i32
    %scan3A_144 = arith.constant 32 : i32
    %scan3A_145 = arith.addi %scan3A_143, %scan3A_144 : i32
    %scan3A_146 = arith.constant 1 : i32
    %scan3A_147:8 = scf.for %scan3A_315 = %scan3A_143 to %scan3A_145 step %scan3A_146 iter_args(%scan3A_316 = %scan3A_129#0, %scan3A_317 = %scan3A_129#1, %scan3A_318 = %scan3A_129#2, %scan3A_319 = %scan3A_129#3, %scan3A_320 = %scan3A_129#4, %scan3A_321 = %scan3A_129#5, %scan3A_322 = %scan3A_129#6, %scan3A_323 = %scan3A_129#7) -> (vector<16xf32>, vector<16xf32>, vector<16xf32>, vector<16xf32>, vector<16xf32>, vector<16xf32>, vector<16xf32>, vector<16xf32>)  : i32 {
      %scan3A_324 = arith.constant 0 : i32
      %scan3A_325 = arith.constant 8 : i32
      %scan3A_326 = arith.addi %scan3A_324, %scan3A_325 : i32
      %scan3A_327 = arith.constant 1 : i32
      %scan3A_328:8 = scf.for %scan3A_330 = %scan3A_324 to %scan3A_326 step %scan3A_327 iter_args(%scan3A_331 = %scan3A_316, %scan3A_332 = %scan3A_317, %scan3A_333 = %scan3A_318, %scan3A_334 = %scan3A_319, %scan3A_335 = %scan3A_320, %scan3A_336 = %scan3A_321, %scan3A_337 = %scan3A_322, %scan3A_338 = %scan3A_323) -> (vector<16xf32>, vector<16xf32>, vector<16xf32>, vector<16xf32>, vector<16xf32>, vector<16xf32>, vector<16xf32>, vector<16xf32>)  : i32 {
        %mul3A_339 = arith.constant 8 : i32
        %mul3A_340 = arith.muli %scan3A_330, %mul3A_339 : i32
        %add3A_341 = arith.constant 0 : i32
        %add3A_342 = arith.addi %mul3A_340, %add3A_341 : i32
        %mul3A_343 = arith.constant 16 : i32
        %mul3A_344 = arith.muli %add3A_342, %mul3A_343 : i32
        %get3A = arith.index_cast %scan3A_315 : i32 to index
        %get3A_345 = arith.index_cast %mul3A_344 : i32 to index
        %get3A_346 = tpu.vector_load %arg4[%get3A, %get3A_345] {strides = array<i32>} : memref<32x1024xf32, #tpu.memory_space<vmem>>, vector<1x16xf32>,
        %get3A_347 = vector.shape_cast %get3A_346 : vector<1x16xf32> to vector<16xf32>
        %add3A_348 = arith.constant 2.000000e+00 : f32
        %add3A_349 = vector.broadcast %add3A_348 : f32 to vector<16xf32>
        %add3A_350 = arith.addf %get3A_347, %add3A_349 : vector<16xf32>
        %max3A = arith.constant 0.000000e+00 : f32
        %max3A_351 = vector.broadcast %max3A : f32 to vector<16xf32>
        %max3A_352 = arith.maximumf %add3A_350, %max3A_351 : vector<16xf32>
        %add3A_353 = arith.addf %scan3A_331, %max3A_352 : vector<16xf32>
        %mul3A_354 = arith.constant 8 : i32
        %mul3A_355 = arith.muli %scan3A_330, %mul3A_354 : i32
        %add3A_356 = arith.constant 1 : i32
        %add3A_357 = arith.addi %mul3A_355, %add3A_356 : i32
        %mul3A_358 = arith.constant 16 : i32
        %mul3A_359 = arith.muli %add3A_357, %mul3A_358 : i32
        %get3A_360 = arith.index_cast %scan3A_315 : i32 to index
        %get3A_361 = arith.index_cast %mul3A_359 : i32 to index
        %get3A_362 = tpu.vector_load %arg4[%get3A_360, %get3A_361] {strides = array<i32>} : memref<32x1024xf32, #tpu.memory_space<vmem>>, vector<1x16xf32>,
        %get3A_363 = vector.shape_cast %get3A_362 : vector<1x16xf32> to vector<16xf32>
        %add3A_364 = arith.constant 2.000000e+00 : f32
        %add3A_365 = vector.broadcast %add3A_364 : f32 to vector<16xf32>
        %add3A_366 = arith.addf %get3A_363, %add3A_365 : vector<16xf32>
        %max3A_367 = arith.constant 0.000000e+00 : f32
        %max3A_368 = vector.broadcast %max3A_367 : f32 to vector<16xf32>
        %max3A_369 = arith.maximumf %add3A_366, %max3A_368 : vector<16xf32>
        %add3A_370 = arith.addf %scan3A_332, %max3A_369 : vector<16xf32>
        %mul3A_371 = arith.constant 8 : i32
        %mul3A_372 = arith.muli %scan3A_330, %mul3A_371 : i32
        %add3A_373 = arith.constant 2 : i32
        %add3A_374 = arith.addi %mul3A_372, %add3A_373 : i32
        %mul3A_375 = arith.constant 16 : i32
        %mul3A_376 = arith.muli %add3A_374, %mul3A_375 : i32
        %get3A_377 = arith.index_cast %scan3A_315 : i32 to index
        %get3A_378 = arith.index_cast %mul3A_376 : i32 to index
        %get3A_379 = tpu.vector_load %arg4[%get3A_377, %get3A_378] {strides = array<i32>} : memref<32x1024xf32, #tpu.memory_space<vmem>>, vector<1x16xf32>,
        %get3A_380 = vector.shape_cast %get3A_379 : vector<1x16xf32> to vector<16xf32>
        %add3A_381 = arith.constant 2.000000e+00 : f32
        %add3A_382 = vector.broadcast %add3A_381 : f32 to vector<16xf32>
        %add3A_383 = arith.addf %get3A_380, %add3A_382 : vector<16xf32>
        %max3A_384 = arith.constant 0.000000e+00 : f32
        %max3A_385 = vector.broadcast %max3A_384 : f32 to vector<16xf32>
        %max3A_386 = arith.maximumf %add3A_383, %max3A_385 : vector<16xf32>
        %add3A_387 = arith.addf %scan3A_333, %max3A_386 : vector<16xf32>
        %mul3A_388 = arith.constant 8 : i32
        %mul3A_389 = arith.muli %scan3A_330, %mul3A_388 : i32
        %add3A_390 = arith.constant 3 : i32
        %add3A_391 = arith.addi %mul3A_389, %add3A_390 : i32
        %mul3A_392 = arith.constant 16 : i32
        %mul3A_393 = arith.muli %add3A_391, %mul3A_392 : i32
        %get3A_394 = arith.index_cast %scan3A_315 : i32 to index
        %get3A_395 = arith.index_cast %mul3A_393 : i32 to index
        %get3A_396 = tpu.vector_load %arg4[%get3A_394, %get3A_395] {strides = array<i32>} : memref<32x1024xf32, #tpu.memory_space<vmem>>, vector<1x16xf32>,
        %get3A_397 = vector.shape_cast %get3A_396 : vector<1x16xf32> to vector<16xf32>
        %add3A_398 = arith.constant 2.000000e+00 : f32
        %add3A_399 = vector.broadcast %add3A_398 : f32 to vector<16xf32>
        %add3A_400 = arith.addf %get3A_397, %add3A_399 : vector<16xf32>
        %max3A_401 = arith.constant 0.000000e+00 : f32
        %max3A_402 = vector.broadcast %max3A_401 : f32 to vector<16xf32>
        %max3A_403 = arith.maximumf %add3A_400, %max3A_402 : vector<16xf32>
        %add3A_404 = arith.addf %scan3A_334, %max3A_403 : vector<16xf32>
        %mul3A_405 = arith.constant 8 : i32
        %mul3A_406 = arith.muli %scan3A_330, %mul3A_405 : i32
        %add3A_407 = arith.constant 4 : i32
        %add3A_408 = arith.addi %mul3A_406, %add3A_407 : i32
        %mul3A_409 = arith.constant 16 : i32
        %mul3A_410 = arith.muli %add3A_408, %mul3A_409 : i32
        %get3A_411 = arith.index_cast %scan3A_315 : i32 to index
        %get3A_412 = arith.index_cast %mul3A_410 : i32 to index
        %get3A_413 = tpu.vector_load %arg4[%get3A_411, %get3A_412] {strides = array<i32>} : memref<32x1024xf32, #tpu.memory_space<vmem>>, vector<1x16xf32>,
        %get3A_414 = vector.shape_cast %get3A_413 : vector<1x16xf32> to vector<16xf32>
        %add3A_415 = arith.constant 2.000000e+00 : f32
        %add3A_416 = vector.broadcast %add3A_415 : f32 to vector<16xf32>
        %add3A_417 = arith.addf %get3A_414, %add3A_416 : vector<16xf32>
        %max3A_418 = arith.constant 0.000000e+00 : f32
        %max3A_419 = vector.broadcast %max3A_418 : f32 to vector<16xf32>
        %max3A_420 = arith.maximumf %add3A_417, %max3A_419 : vector<16xf32>
        %add3A_421 = arith.addf %scan3A_335, %max3A_420 : vector<16xf32>
        %mul3A_422 = arith.constant 8 : i32
        %mul3A_423 = arith.muli %scan3A_330, %mul3A_422 : i32
        %add3A_424 = arith.constant 5 : i32
        %add3A_425 = arith.addi %mul3A_423, %add3A_424 : i32
        %mul3A_426 = arith.constant 16 : i32
        %mul3A_427 = arith.muli %add3A_425, %mul3A_426 : i32
        %get3A_428 = arith.index_cast %scan3A_315 : i32 to index
        %get3A_429 = arith.index_cast %mul3A_427 : i32 to index
        %get3A_430 = tpu.vector_load %arg4[%get3A_428, %get3A_429] {strides = array<i32>} : memref<32x1024xf32, #tpu.memory_space<vmem>>, vector<1x16xf32>,
        %get3A_431 = vector.shape_cast %get3A_430 : vector<1x16xf32> to vector<16xf32>
        %add3A_432 = arith.constant 2.000000e+00 : f32
        %add3A_433 = vector.broadcast %add3A_432 : f32 to vector<16xf32>
        %add3A_434 = arith.addf %get3A_431, %add3A_433 : vector<16xf32>
        %max3A_435 = arith.constant 0.000000e+00 : f32
        %max3A_436 = vector.broadcast %max3A_435 : f32 to vector<16xf32>
        %max3A_437 = arith.maximumf %add3A_434, %max3A_436 : vector<16xf32>
        %add3A_438 = arith.addf %scan3A_336, %max3A_437 : vector<16xf32>
        %mul3A_439 = arith.constant 8 : i32
        %mul3A_440 = arith.muli %scan3A_330, %mul3A_439 : i32
        %add3A_441 = arith.constant 6 : i32
        %add3A_442 = arith.addi %mul3A_440, %add3A_441 : i32
        %mul3A_443 = arith.constant 16 : i32
        %mul3A_444 = arith.muli %add3A_442, %mul3A_443 : i32
        %get3A_445 = arith.index_cast %scan3A_315 : i32 to index
        %get3A_446 = arith.index_cast %mul3A_444 : i32 to index
        %get3A_447 = tpu.vector_load %arg4[%get3A_445, %get3A_446] {strides = array<i32>} : memref<32x1024xf32, #tpu.memory_space<vmem>>, vector<1x16xf32>,
        %get3A_448 = vector.shape_cast %get3A_447 : vector<1x16xf32> to vector<16xf32>
        %add3A_449 = arith.constant 2.000000e+00 : f32
        %add3A_450 = vector.broadcast %add3A_449 : f32 to vector<16xf32>
        %add3A_451 = arith.addf %get3A_448, %add3A_450 : vector<16xf32>
        %max3A_452 = arith.constant 0.000000e+00 : f32
        %max3A_453 = vector.broadcast %max3A_452 : f32 to vector<16xf32>
        %max3A_454 = arith.maximumf %add3A_451, %max3A_453 : vector<16xf32>
        %add3A_455 = arith.addf %scan3A_337, %max3A_454 : vector<16xf32>
        %mul3A_456 = arith.constant 8 : i32
        %mul3A_457 = arith.muli %scan3A_330, %mul3A_456 : i32
        %add3A_458 = arith.constant 7 : i32
        %add3A_459 = arith.addi %mul3A_457, %add3A_458 : i32
        %mul3A_460 = arith.constant 16 : i32
        %mul3A_461 = arith.muli %add3A_459, %mul3A_460 : i32
        %get3A_462 = arith.index_cast %scan3A_315 : i32 to index
        %get3A_463 = arith.index_cast %mul3A_461 : i32 to index
        %get3A_464 = tpu.vector_load %arg4[%get3A_462, %get3A_463] {strides = array<i32>} : memref<32x1024xf32, #tpu.memory_space<vmem>>, vector<1x16xf32>,
        %get3A_465 = vector.shape_cast %get3A_464 : vector<1x16xf32> to vector<16xf32>
        %add3A_466 = arith.constant 2.000000e+00 : f32
        %add3A_467 = vector.broadcast %add3A_466 : f32 to vector<16xf32>
        %add3A_468 = arith.addf %get3A_465, %add3A_467 : vector<16xf32>
        %max3A_469 = arith.constant 0.000000e+00 : f32
        %max3A_470 = vector.broadcast %max3A_469 : f32 to vector<16xf32>
        %max3A_471 = arith.maximumf %add3A_468, %max3A_470 : vector<16xf32>
        %add3A_472 = arith.addf %scan3A_338, %max3A_471 : vector<16xf32>
        scf.yield %add3A_353, %add3A_370, %add3A_387, %add3A_404, %add3A_421, %add3A_438, %add3A_455, %add3A_472 : vector<16xf32>, vector<16xf32>, vector<16xf32>, vector<16xf32>, vector<16xf32>, vector<16xf32>, vector<16xf32>, vector<16xf32>
      }
      %scan3A_329 = arith.constant 8 : i32
      scf.yield %scan3A_328#0, %scan3A_328#1, %scan3A_328#2, %scan3A_328#3, %scan3A_328#4, %scan3A_328#5, %scan3A_328#6, %scan3A_328#7 : vector<16xf32>, vector<16xf32>, vector<16xf32>, vector<16xf32>, vector<16xf32>, vector<16xf32>, vector<16xf32>, vector<16xf32>
    }
    %scan3A_148 = arith.constant 32 : i32
    %add3A_149 = arith.constant 256 : i32
    %add3A_150 = arith.addi %add3A_4, %add3A_149 : i32
    %dma_start3A_151 = arith.constant 0 : i32
    %dma_start3A_152 = tpu.memref_slice %arg2[%add3A_150, %dma_start3A_151] : memref<32768x1024xf32, #tpu.memory_space<hbm>> -> memref<32x1024xf32, #tpu.memory_space<hbm>>
    %dma_start3A_153 = arith.constant 0 : i32
    %dma_start3A_154 = tpu.memref_slice %arg2[%add3A_150, %dma_start3A_153] : memref<32768x1024xf32, #tpu.memory_space<hbm>> -> memref<32x1024xf32, #tpu.memory_space<hbm>>
    tpu.enqueue_dma source(%dma_start3A_154 : memref<32x1024xf32, #tpu.memory_space<hbm>>) target(%arg4 : memref<32x1024xf32, #tpu.memory_space<vmem>>) target_semaphore(%arg7 : memref<!tpu.dma_semaphore, #tpu.memory_space<semaphore_mem>>)
    %add3A_155 = arith.constant 224 : i32
    %add3A_156 = arith.addi %add3A_4, %add3A_155 : i32
    %dma_wait3A_157 = arith.constant 0 : i32
    %dma_wait3A_158 = tpu.memref_slice %arg2[%add3A_156, %dma_wait3A_157] : memref<32768x1024xf32, #tpu.memory_space<hbm>> -> memref<32x1024xf32, #tpu.memory_space<hbm>>
    %dma_wait3A_159 = arith.constant 0 : i32
    %dma_wait3A_160 = tpu.memref_slice %arg2[%add3A_156, %dma_wait3A_159] : memref<32768x1024xf32, #tpu.memory_space<hbm>> -> memref<32x1024xf32, #tpu.memory_space<hbm>>
    tpu.wait_dma2 semaphore(%arg8 : memref<!tpu.dma_semaphore, #tpu.memory_space<semaphore_mem>>) src(%dma_wait3A_160 : memref<32x1024xf32, #tpu.memory_space<hbm>>) dst(%arg5 : memref<32x1024xf32, #tpu.memory_space<vmem>>)
    %scan3A_161 = arith.constant 0 : i32
    %scan3A_162 = arith.constant 32 : i32
    %scan3A_163 = arith.addi %scan3A_161, %scan3A_162 : i32
    %scan3A_164 = arith.constant 1 : i32
    %scan3A_165:8 = scf.for %scan3A_315 = %scan3A_161 to %scan3A_163 step %scan3A_164 iter_args(%scan3A_316 = %scan3A_147#0, %scan3A_317 = %scan3A_147#1, %scan3A_318 = %scan3A_147#2, %scan3A_319 = %scan3A_147#3, %scan3A_320 = %scan3A_147#4, %scan3A_321 = %scan3A_147#5, %scan3A_322 = %scan3A_147#6, %scan3A_323 = %scan3A_147#7) -> (vector<16xf32>, vector<16xf32>, vector<16xf32>, vector<16xf32>, vector<16xf32>, vector<16xf32>, vector<16xf32>, vector<16xf32>)  : i32 {
      %scan3A_324 = arith.constant 0 : i32
      %scan3A_325 = arith.constant 8 : i32
      %scan3A_326 = arith.addi %scan3A_324, %scan3A_325 : i32
      %scan3A_327 = arith.constant 1 : i32
      %scan3A_328:8 = scf.for %scan3A_330 = %scan3A_324 to %scan3A_326 step %scan3A_327 iter_args(%scan3A_331 = %scan3A_316, %scan3A_332 = %scan3A_317, %scan3A_333 = %scan3A_318, %scan3A_334 = %scan3A_319, %scan3A_335 = %scan3A_320, %scan3A_336 = %scan3A_321, %scan3A_337 = %scan3A_322, %scan3A_338 = %scan3A_323) -> (vector<16xf32>, vector<16xf32>, vector<16xf32>, vector<16xf32>, vector<16xf32>, vector<16xf32>, vector<16xf32>, vector<16xf32>)  : i32 {
        %mul3A_339 = arith.constant 8 : i32
        %mul3A_340 = arith.muli %scan3A_330, %mul3A_339 : i32
        %add3A_341 = arith.constant 0 : i32
        %add3A_342 = arith.addi %mul3A_340, %add3A_341 : i32
        %mul3A_343 = arith.constant 16 : i32
        %mul3A_344 = arith.muli %add3A_342, %mul3A_343 : i32
        %get3A = arith.index_cast %scan3A_315 : i32 to index
        %get3A_345 = arith.index_cast %mul3A_344 : i32 to index
        %get3A_346 = tpu.vector_load %arg5[%get3A, %get3A_345] {strides = array<i32>} : memref<32x1024xf32, #tpu.memory_space<vmem>>, vector<1x16xf32>,
        %get3A_347 = vector.shape_cast %get3A_346 : vector<1x16xf32> to vector<16xf32>
        %add3A_348 = arith.constant 2.000000e+00 : f32
        %add3A_349 = vector.broadcast %add3A_348 : f32 to vector<16xf32>
        %add3A_350 = arith.addf %get3A_347, %add3A_349 : vector<16xf32>
        %max3A = arith.constant 0.000000e+00 : f32
        %max3A_351 = vector.broadcast %max3A : f32 to vector<16xf32>
        %max3A_352 = arith.maximumf %add3A_350, %max3A_351 : vector<16xf32>
        %add3A_353 = arith.addf %scan3A_331, %max3A_352 : vector<16xf32>
        %mul3A_354 = arith.constant 8 : i32
        %mul3A_355 = arith.muli %scan3A_330, %mul3A_354 : i32
        %add3A_356 = arith.constant 1 : i32
        %add3A_357 = arith.addi %mul3A_355, %add3A_356 : i32
        %mul3A_358 = arith.constant 16 : i32
        %mul3A_359 = arith.muli %add3A_357, %mul3A_358 : i32
        %get3A_360 = arith.index_cast %scan3A_315 : i32 to index
        %get3A_361 = arith.index_cast %mul3A_359 : i32 to index
        %get3A_362 = tpu.vector_load %arg5[%get3A_360, %get3A_361] {strides = array<i32>} : memref<32x1024xf32, #tpu.memory_space<vmem>>, vector<1x16xf32>,
        %get3A_363 = vector.shape_cast %get3A_362 : vector<1x16xf32> to vector<16xf32>
        %add3A_364 = arith.constant 2.000000e+00 : f32
        %add3A_365 = vector.broadcast %add3A_364 : f32 to vector<16xf32>
        %add3A_366 = arith.addf %get3A_363, %add3A_365 : vector<16xf32>
        %max3A_367 = arith.constant 0.000000e+00 : f32
        %max3A_368 = vector.broadcast %max3A_367 : f32 to vector<16xf32>
        %max3A_369 = arith.maximumf %add3A_366, %max3A_368 : vector<16xf32>
        %add3A_370 = arith.addf %scan3A_332, %max3A_369 : vector<16xf32>
        %mul3A_371 = arith.constant 8 : i32
        %mul3A_372 = arith.muli %scan3A_330, %mul3A_371 : i32
        %add3A_373 = arith.constant 2 : i32
        %add3A_374 = arith.addi %mul3A_372, %add3A_373 : i32
        %mul3A_375 = arith.constant 16 : i32
        %mul3A_376 = arith.muli %add3A_374, %mul3A_375 : i32
        %get3A_377 = arith.index_cast %scan3A_315 : i32 to index
        %get3A_378 = arith.index_cast %mul3A_376 : i32 to index
        %get3A_379 = tpu.vector_load %arg5[%get3A_377, %get3A_378] {strides = array<i32>} : memref<32x1024xf32, #tpu.memory_space<vmem>>, vector<1x16xf32>,
        %get3A_380 = vector.shape_cast %get3A_379 : vector<1x16xf32> to vector<16xf32>
        %add3A_381 = arith.constant 2.000000e+00 : f32
        %add3A_382 = vector.broadcast %add3A_381 : f32 to vector<16xf32>
        %add3A_383 = arith.addf %get3A_380, %add3A_382 : vector<16xf32>
        %max3A_384 = arith.constant 0.000000e+00 : f32
        %max3A_385 = vector.broadcast %max3A_384 : f32 to vector<16xf32>
        %max3A_386 = arith.maximumf %add3A_383, %max3A_385 : vector<16xf32>
        %add3A_387 = arith.addf %scan3A_333, %max3A_386 : vector<16xf32>
        %mul3A_388 = arith.constant 8 : i32
        %mul3A_389 = arith.muli %scan3A_330, %mul3A_388 : i32
        %add3A_390 = arith.constant 3 : i32
        %add3A_391 = arith.addi %mul3A_389, %add3A_390 : i32
        %mul3A_392 = arith.constant 16 : i32
        %mul3A_393 = arith.muli %add3A_391, %mul3A_392 : i32
        %get3A_394 = arith.index_cast %scan3A_315 : i32 to index
        %get3A_395 = arith.index_cast %mul3A_393 : i32 to index
        %get3A_396 = tpu.vector_load %arg5[%get3A_394, %get3A_395] {strides = array<i32>} : memref<32x1024xf32, #tpu.memory_space<vmem>>, vector<1x16xf32>,
        %get3A_397 = vector.shape_cast %get3A_396 : vector<1x16xf32> to vector<16xf32>
        %add3A_398 = arith.constant 2.000000e+00 : f32
        %add3A_399 = vector.broadcast %add3A_398 : f32 to vector<16xf32>
        %add3A_400 = arith.addf %get3A_397, %add3A_399 : vector<16xf32>
        %max3A_401 = arith.constant 0.000000e+00 : f32
        %max3A_402 = vector.broadcast %max3A_401 : f32 to vector<16xf32>
        %max3A_403 = arith.maximumf %add3A_400, %max3A_402 : vector<16xf32>
        %add3A_404 = arith.addf %scan3A_334, %max3A_403 : vector<16xf32>
        %mul3A_405 = arith.constant 8 : i32
        %mul3A_406 = arith.muli %scan3A_330, %mul3A_405 : i32
        %add3A_407 = arith.constant 4 : i32
        %add3A_408 = arith.addi %mul3A_406, %add3A_407 : i32
        %mul3A_409 = arith.constant 16 : i32
        %mul3A_410 = arith.muli %add3A_408, %mul3A_409 : i32
        %get3A_411 = arith.index_cast %scan3A_315 : i32 to index
        %get3A_412 = arith.index_cast %mul3A_410 : i32 to index
        %get3A_413 = tpu.vector_load %arg5[%get3A_411, %get3A_412] {strides = array<i32>} : memref<32x1024xf32, #tpu.memory_space<vmem>>, vector<1x16xf32>,
        %get3A_414 = vector.shape_cast %get3A_413 : vector<1x16xf32> to vector<16xf32>
        %add3A_415 = arith.constant 2.000000e+00 : f32
        %add3A_416 = vector.broadcast %add3A_415 : f32 to vector<16xf32>
        %add3A_417 = arith.addf %get3A_414, %add3A_416 : vector<16xf32>
        %max3A_418 = arith.constant 0.000000e+00 : f32
        %max3A_419 = vector.broadcast %max3A_418 : f32 to vector<16xf32>
        %max3A_420 = arith.maximumf %add3A_417, %max3A_419 : vector<16xf32>
        %add3A_421 = arith.addf %scan3A_335, %max3A_420 : vector<16xf32>
        %mul3A_422 = arith.constant 8 : i32
        %mul3A_423 = arith.muli %scan3A_330, %mul3A_422 : i32
        %add3A_424 = arith.constant 5 : i32
        %add3A_425 = arith.addi %mul3A_423, %add3A_424 : i32
        %mul3A_426 = arith.constant 16 : i32
        %mul3A_427 = arith.muli %add3A_425, %mul3A_426 : i32
        %get3A_428 = arith.index_cast %scan3A_315 : i32 to index
        %get3A_429 = arith.index_cast %mul3A_427 : i32 to index
        %get3A_430 = tpu.vector_load %arg5[%get3A_428, %get3A_429] {strides = array<i32>} : memref<32x1024xf32, #tpu.memory_space<vmem>>, vector<1x16xf32>,
        %get3A_431 = vector.shape_cast %get3A_430 : vector<1x16xf32> to vector<16xf32>
        %add3A_432 = arith.constant 2.000000e+00 : f32
        %add3A_433 = vector.broadcast %add3A_432 : f32 to vector<16xf32>
        %add3A_434 = arith.addf %get3A_431, %add3A_433 : vector<16xf32>
        %max3A_435 = arith.constant 0.000000e+00 : f32
        %max3A_436 = vector.broadcast %max3A_435 : f32 to vector<16xf32>
        %max3A_437 = arith.maximumf %add3A_434, %max3A_436 : vector<16xf32>
        %add3A_438 = arith.addf %scan3A_336, %max3A_437 : vector<16xf32>
        %mul3A_439 = arith.constant 8 : i32
        %mul3A_440 = arith.muli %scan3A_330, %mul3A_439 : i32
        %add3A_441 = arith.constant 6 : i32
        %add3A_442 = arith.addi %mul3A_440, %add3A_441 : i32
        %mul3A_443 = arith.constant 16 : i32
        %mul3A_444 = arith.muli %add3A_442, %mul3A_443 : i32
        %get3A_445 = arith.index_cast %scan3A_315 : i32 to index
        %get3A_446 = arith.index_cast %mul3A_444 : i32 to index
        %get3A_447 = tpu.vector_load %arg5[%get3A_445, %get3A_446] {strides = array<i32>} : memref<32x1024xf32, #tpu.memory_space<vmem>>, vector<1x16xf32>,
        %get3A_448 = vector.shape_cast %get3A_447 : vector<1x16xf32> to vector<16xf32>
        %add3A_449 = arith.constant 2.000000e+00 : f32
        %add3A_450 = vector.broadcast %add3A_449 : f32 to vector<16xf32>
        %add3A_451 = arith.addf %get3A_448, %add3A_450 : vector<16xf32>
        %max3A_452 = arith.constant 0.000000e+00 : f32
        %max3A_453 = vector.broadcast %max3A_452 : f32 to vector<16xf32>
        %max3A_454 = arith.maximumf %add3A_451, %max3A_453 : vector<16xf32>
        %add3A_455 = arith.addf %scan3A_337, %max3A_454 : vector<16xf32>
        %mul3A_456 = arith.constant 8 : i32
        %mul3A_457 = arith.muli %scan3A_330, %mul3A_456 : i32
        %add3A_458 = arith.constant 7 : i32
        %add3A_459 = arith.addi %mul3A_457, %add3A_458 : i32
        %mul3A_460 = arith.constant 16 : i32
        %mul3A_461 = arith.muli %add3A_459, %mul3A_460 : i32
        %get3A_462 = arith.index_cast %scan3A_315 : i32 to index
        %get3A_463 = arith.index_cast %mul3A_461 : i32 to index
        %get3A_464 = tpu.vector_load %arg5[%get3A_462, %get3A_463] {strides = array<i32>} : memref<32x1024xf32, #tpu.memory_space<vmem>>, vector<1x16xf32>,
        %get3A_465 = vector.shape_cast %get3A_464 : vector<1x16xf32> to vector<16xf32>
        %add3A_466 = arith.constant 2.000000e+00 : f32
        %add3A_467 = vector.broadcast %add3A_466 : f32 to vector<16xf32>
        %add3A_468 = arith.addf %get3A_465, %add3A_467 : vector<16xf32>
        %max3A_469 = arith.constant 0.000000e+00 : f32
        %max3A_470 = vector.broadcast %max3A_469 : f32 to vector<16xf32>
        %max3A_471 = arith.maximumf %add3A_468, %max3A_470 : vector<16xf32>
        %add3A_472 = arith.addf %scan3A_338, %max3A_471 : vector<16xf32>
        scf.yield %add3A_353, %add3A_370, %add3A_387, %add3A_404, %add3A_421, %add3A_438, %add3A_455, %add3A_472 : vector<16xf32>, vector<16xf32>, vector<16xf32>, vector<16xf32>, vector<16xf32>, vector<16xf32>, vector<16xf32>, vector<16xf32>
      }
      %scan3A_329 = arith.constant 8 : i32
      scf.yield %scan3A_328#0, %scan3A_328#1, %scan3A_328#2, %scan3A_328#3, %scan3A_328#4, %scan3A_328#5, %scan3A_328#6, %scan3A_328#7 : vector<16xf32>, vector<16xf32>, vector<16xf32>, vector<16xf32>, vector<16xf32>, vector<16xf32>, vector<16xf32>, vector<16xf32>
    }
    %scan3A_166 = arith.constant 32 : i32
    %add3A_167 = arith.constant 288 : i32
    %add3A_168 = arith.addi %add3A_4, %add3A_167 : i32
    %dma_start3A_169 = arith.constant 0 : i32
    %dma_start3A_170 = tpu.memref_slice %arg2[%add3A_168, %dma_start3A_169] : memref<32768x1024xf32, #tpu.memory_space<hbm>> -> memref<32x1024xf32, #tpu.memory_space<hbm>>
    %dma_start3A_171 = arith.constant 0 : i32
    %dma_start3A_172 = tpu.memref_slice %arg2[%add3A_168, %dma_start3A_171] : memref<32768x1024xf32, #tpu.memory_space<hbm>> -> memref<32x1024xf32, #tpu.memory_space<hbm>>
    tpu.enqueue_dma source(%dma_start3A_172 : memref<32x1024xf32, #tpu.memory_space<hbm>>) target(%arg5 : memref<32x1024xf32, #tpu.memory_space<vmem>>) target_semaphore(%arg8 : memref<!tpu.dma_semaphore, #tpu.memory_space<semaphore_mem>>)
    %add3A_173 = arith.constant 256 : i32
    %add3A_174 = arith.addi %add3A_4, %add3A_173 : i32
    %dma_wait3A_175 = arith.constant 0 : i32
    %dma_wait3A_176 = tpu.memref_slice %arg2[%add3A_174, %dma_wait3A_175] : memref<32768x1024xf32, #tpu.memory_space<hbm>> -> memref<32x1024xf32, #tpu.memory_space<hbm>>
    %dma_wait3A_177 = arith.constant 0 : i32
    %dma_wait3A_178 = tpu.memref_slice %arg2[%add3A_174, %dma_wait3A_177] : memref<32768x1024xf32, #tpu.memory_space<hbm>> -> memref<32x1024xf32, #tpu.memory_space<hbm>>
    tpu.wait_dma2 semaphore(%arg7 : memref<!tpu.dma_semaphore, #tpu.memory_space<semaphore_mem>>) src(%dma_wait3A_178 : memref<32x1024xf32, #tpu.memory_space<hbm>>) dst(%arg4 : memref<32x1024xf32, #tpu.memory_space<vmem>>)
    %scan3A_179 = arith.constant 0 : i32
    %scan3A_180 = arith.constant 32 : i32
    %scan3A_181 = arith.addi %scan3A_179, %scan3A_180 : i32
    %scan3A_182 = arith.constant 1 : i32
    %scan3A_183:8 = scf.for %scan3A_315 = %scan3A_179 to %scan3A_181 step %scan3A_182 iter_args(%scan3A_316 = %scan3A_165#0, %scan3A_317 = %scan3A_165#1, %scan3A_318 = %scan3A_165#2, %scan3A_319 = %scan3A_165#3, %scan3A_320 = %scan3A_165#4, %scan3A_321 = %scan3A_165#5, %scan3A_322 = %scan3A_165#6, %scan3A_323 = %scan3A_165#7) -> (vector<16xf32>, vector<16xf32>, vector<16xf32>, vector<16xf32>, vector<16xf32>, vector<16xf32>, vector<16xf32>, vector<16xf32>)  : i32 {
      %scan3A_324 = arith.constant 0 : i32
      %scan3A_325 = arith.constant 8 : i32
      %scan3A_326 = arith.addi %scan3A_324, %scan3A_325 : i32
      %scan3A_327 = arith.constant 1 : i32
      %scan3A_328:8 = scf.for %scan3A_330 = %scan3A_324 to %scan3A_326 step %scan3A_327 iter_args(%scan3A_331 = %scan3A_316, %scan3A_332 = %scan3A_317, %scan3A_333 = %scan3A_318, %scan3A_334 = %scan3A_319, %scan3A_335 = %scan3A_320, %scan3A_336 = %scan3A_321, %scan3A_337 = %scan3A_322, %scan3A_338 = %scan3A_323) -> (vector<16xf32>, vector<16xf32>, vector<16xf32>, vector<16xf32>, vector<16xf32>, vector<16xf32>, vector<16xf32>, vector<16xf32>)  : i32 {
        %mul3A_339 = arith.constant 8 : i32
        %mul3A_340 = arith.muli %scan3A_330, %mul3A_339 : i32
        %add3A_341 = arith.constant 0 : i32
        %add3A_342 = arith.addi %mul3A_340, %add3A_341 : i32
        %mul3A_343 = arith.constant 16 : i32
        %mul3A_344 = arith.muli %add3A_342, %mul3A_343 : i32
        %get3A = arith.index_cast %scan3A_315 : i32 to index
        %get3A_345 = arith.index_cast %mul3A_344 : i32 to index
        %get3A_346 = tpu.vector_load %arg4[%get3A, %get3A_345] {strides = array<i32>} : memref<32x1024xf32, #tpu.memory_space<vmem>>, vector<1x16xf32>,
        %get3A_347 = vector.shape_cast %get3A_346 : vector<1x16xf32> to vector<16xf32>
        %add3A_348 = arith.constant 2.000000e+00 : f32
        %add3A_349 = vector.broadcast %add3A_348 : f32 to vector<16xf32>
        %add3A_350 = arith.addf %get3A_347, %add3A_349 : vector<16xf32>
        %max3A = arith.constant 0.000000e+00 : f32
        %max3A_351 = vector.broadcast %max3A : f32 to vector<16xf32>
        %max3A_352 = arith.maximumf %add3A_350, %max3A_351 : vector<16xf32>
        %add3A_353 = arith.addf %scan3A_331, %max3A_352 : vector<16xf32>
        %mul3A_354 = arith.constant 8 : i32
        %mul3A_355 = arith.muli %scan3A_330, %mul3A_354 : i32
        %add3A_356 = arith.constant 1 : i32
        %add3A_357 = arith.addi %mul3A_355, %add3A_356 : i32
        %mul3A_358 = arith.constant 16 : i32
        %mul3A_359 = arith.muli %add3A_357, %mul3A_358 : i32
        %get3A_360 = arith.index_cast %scan3A_315 : i32 to index
        %get3A_361 = arith.index_cast %mul3A_359 : i32 to index
        %get3A_362 = tpu.vector_load %arg4[%get3A_360, %get3A_361] {strides = array<i32>} : memref<32x1024xf32, #tpu.memory_space<vmem>>, vector<1x16xf32>,
        %get3A_363 = vector.shape_cast %get3A_362 : vector<1x16xf32> to vector<16xf32>
        %add3A_364 = arith.constant 2.000000e+00 : f32
        %add3A_365 = vector.broadcast %add3A_364 : f32 to vector<16xf32>
        %add3A_366 = arith.addf %get3A_363, %add3A_365 : vector<16xf32>
        %max3A_367 = arith.constant 0.000000e+00 : f32
        %max3A_368 = vector.broadcast %max3A_367 : f32 to vector<16xf32>
        %max3A_369 = arith.maximumf %add3A_366, %max3A_368 : vector<16xf32>
        %add3A_370 = arith.addf %scan3A_332, %max3A_369 : vector<16xf32>
        %mul3A_371 = arith.constant 8 : i32
        %mul3A_372 = arith.muli %scan3A_330, %mul3A_371 : i32
        %add3A_373 = arith.constant 2 : i32
        %add3A_374 = arith.addi %mul3A_372, %add3A_373 : i32
        %mul3A_375 = arith.constant 16 : i32
        %mul3A_376 = arith.muli %add3A_374, %mul3A_375 : i32
        %get3A_377 = arith.index_cast %scan3A_315 : i32 to index
        %get3A_378 = arith.index_cast %mul3A_376 : i32 to index
        %get3A_379 = tpu.vector_load %arg4[%get3A_377, %get3A_378] {strides = array<i32>} : memref<32x1024xf32, #tpu.memory_space<vmem>>, vector<1x16xf32>,
        %get3A_380 = vector.shape_cast %get3A_379 : vector<1x16xf32> to vector<16xf32>
        %add3A_381 = arith.constant 2.000000e+00 : f32
        %add3A_382 = vector.broadcast %add3A_381 : f32 to vector<16xf32>
        %add3A_383 = arith.addf %get3A_380, %add3A_382 : vector<16xf32>
        %max3A_384 = arith.constant 0.000000e+00 : f32
        %max3A_385 = vector.broadcast %max3A_384 : f32 to vector<16xf32>
        %max3A_386 = arith.maximumf %add3A_383, %max3A_385 : vector<16xf32>
        %add3A_387 = arith.addf %scan3A_333, %max3A_386 : vector<16xf32>
        %mul3A_388 = arith.constant 8 : i32
        %mul3A_389 = arith.muli %scan3A_330, %mul3A_388 : i32
        %add3A_390 = arith.constant 3 : i32
        %add3A_391 = arith.addi %mul3A_389, %add3A_390 : i32
        %mul3A_392 = arith.constant 16 : i32
        %mul3A_393 = arith.muli %add3A_391, %mul3A_392 : i32
        %get3A_394 = arith.index_cast %scan3A_315 : i32 to index
        %get3A_395 = arith.index_cast %mul3A_393 : i32 to index
        %get3A_396 = tpu.vector_load %arg4[%get3A_394, %get3A_395] {strides = array<i32>} : memref<32x1024xf32, #tpu.memory_space<vmem>>, vector<1x16xf32>,
        %get3A_397 = vector.shape_cast %get3A_396 : vector<1x16xf32> to vector<16xf32>
        %add3A_398 = arith.constant 2.000000e+00 : f32
        %add3A_399 = vector.broadcast %add3A_398 : f32 to vector<16xf32>
        %add3A_400 = arith.addf %get3A_397, %add3A_399 : vector<16xf32>
        %max3A_401 = arith.constant 0.000000e+00 : f32
        %max3A_402 = vector.broadcast %max3A_401 : f32 to vector<16xf32>
        %max3A_403 = arith.maximumf %add3A_400, %max3A_402 : vector<16xf32>
        %add3A_404 = arith.addf %scan3A_334, %max3A_403 : vector<16xf32>
        %mul3A_405 = arith.constant 8 : i32
        %mul3A_406 = arith.muli %scan3A_330, %mul3A_405 : i32
        %add3A_407 = arith.constant 4 : i32
        %add3A_408 = arith.addi %mul3A_406, %add3A_407 : i32
        %mul3A_409 = arith.constant 16 : i32
        %mul3A_410 = arith.muli %add3A_408, %mul3A_409 : i32
        %get3A_411 = arith.index_cast %scan3A_315 : i32 to index
        %get3A_412 = arith.index_cast %mul3A_410 : i32 to index
        %get3A_413 = tpu.vector_load %arg4[%get3A_411, %get3A_412] {strides = array<i32>} : memref<32x1024xf32, #tpu.memory_space<vmem>>, vector<1x16xf32>,
        %get3A_414 = vector.shape_cast %get3A_413 : vector<1x16xf32> to vector<16xf32>
        %add3A_415 = arith.constant 2.000000e+00 : f32
        %add3A_416 = vector.broadcast %add3A_415 : f32 to vector<16xf32>
        %add3A_417 = arith.addf %get3A_414, %add3A_416 : vector<16xf32>
        %max3A_418 = arith.constant 0.000000e+00 : f32
        %max3A_419 = vector.broadcast %max3A_418 : f32 to vector<16xf32>
        %max3A_420 = arith.maximumf %add3A_417, %max3A_419 : vector<16xf32>
        %add3A_421 = arith.addf %scan3A_335, %max3A_420 : vector<16xf32>
        %mul3A_422 = arith.constant 8 : i32
        %mul3A_423 = arith.muli %scan3A_330, %mul3A_422 : i32
        %add3A_424 = arith.constant 5 : i32
        %add3A_425 = arith.addi %mul3A_423, %add3A_424 : i32
        %mul3A_426 = arith.constant 16 : i32
        %mul3A_427 = arith.muli %add3A_425, %mul3A_426 : i32
        %get3A_428 = arith.index_cast %scan3A_315 : i32 to index
        %get3A_429 = arith.index_cast %mul3A_427 : i32 to index
        %get3A_430 = tpu.vector_load %arg4[%get3A_428, %get3A_429] {strides = array<i32>} : memref<32x1024xf32, #tpu.memory_space<vmem>>, vector<1x16xf32>,
        %get3A_431 = vector.shape_cast %get3A_430 : vector<1x16xf32> to vector<16xf32>
        %add3A_432 = arith.constant 2.000000e+00 : f32
        %add3A_433 = vector.broadcast %add3A_432 : f32 to vector<16xf32>
        %add3A_434 = arith.addf %get3A_431, %add3A_433 : vector<16xf32>
        %max3A_435 = arith.constant 0.000000e+00 : f32
        %max3A_436 = vector.broadcast %max3A_435 : f32 to vector<16xf32>
        %max3A_437 = arith.maximumf %add3A_434, %max3A_436 : vector<16xf32>
        %add3A_438 = arith.addf %scan3A_336, %max3A_437 : vector<16xf32>
        %mul3A_439 = arith.constant 8 : i32
        %mul3A_440 = arith.muli %scan3A_330, %mul3A_439 : i32
        %add3A_441 = arith.constant 6 : i32
        %add3A_442 = arith.addi %mul3A_440, %add3A_441 : i32
        %mul3A_443 = arith.constant 16 : i32
        %mul3A_444 = arith.muli %add3A_442, %mul3A_443 : i32
        %get3A_445 = arith.index_cast %scan3A_315 : i32 to index
        %get3A_446 = arith.index_cast %mul3A_444 : i32 to index
        %get3A_447 = tpu.vector_load %arg4[%get3A_445, %get3A_446] {strides = array<i32>} : memref<32x1024xf32, #tpu.memory_space<vmem>>, vector<1x16xf32>,
        %get3A_448 = vector.shape_cast %get3A_447 : vector<1x16xf32> to vector<16xf32>
        %add3A_449 = arith.constant 2.000000e+00 : f32
        %add3A_450 = vector.broadcast %add3A_449 : f32 to vector<16xf32>
        %add3A_451 = arith.addf %get3A_448, %add3A_450 : vector<16xf32>
        %max3A_452 = arith.constant 0.000000e+00 : f32
        %max3A_453 = vector.broadcast %max3A_452 : f32 to vector<16xf32>
        %max3A_454 = arith.maximumf %add3A_451, %max3A_453 : vector<16xf32>
        %add3A_455 = arith.addf %scan3A_337, %max3A_454 : vector<16xf32>
        %mul3A_456 = arith.constant 8 : i32
        %mul3A_457 = arith.muli %scan3A_330, %mul3A_456 : i32
        %add3A_458 = arith.constant 7 : i32
        %add3A_459 = arith.addi %mul3A_457, %add3A_458 : i32
        %mul3A_460 = arith.constant 16 : i32
        %mul3A_461 = arith.muli %add3A_459, %mul3A_460 : i32
        %get3A_462 = arith.index_cast %scan3A_315 : i32 to index
        %get3A_463 = arith.index_cast %mul3A_461 : i32 to index
        %get3A_464 = tpu.vector_load %arg4[%get3A_462, %get3A_463] {strides = array<i32>} : memref<32x1024xf32, #tpu.memory_space<vmem>>, vector<1x16xf32>,
        %get3A_465 = vector.shape_cast %get3A_464 : vector<1x16xf32> to vector<16xf32>
        %add3A_466 = arith.constant 2.000000e+00 : f32
        %add3A_467 = vector.broadcast %add3A_466 : f32 to vector<16xf32>
        %add3A_468 = arith.addf %get3A_465, %add3A_467 : vector<16xf32>
        %max3A_469 = arith.constant 0.000000e+00 : f32
        %max3A_470 = vector.broadcast %max3A_469 : f32 to vector<16xf32>
        %max3A_471 = arith.maximumf %add3A_468, %max3A_470 : vector<16xf32>
        %add3A_472 = arith.addf %scan3A_338, %max3A_471 : vector<16xf32>
        scf.yield %add3A_353, %add3A_370, %add3A_387, %add3A_404, %add3A_421, %add3A_438, %add3A_455, %add3A_472 : vector<16xf32>, vector<16xf32>, vector<16xf32>, vector<16xf32>, vector<16xf32>, vector<16xf32>, vector<16xf32>, vector<16xf32>
      }
      %scan3A_329 = arith.constant 8 : i32
      scf.yield %scan3A_328#0, %scan3A_328#1, %scan3A_328#2, %scan3A_328#3, %scan3A_328#4, %scan3A_328#5, %scan3A_328#6, %scan3A_328#7 : vector<16xf32>, vector<16xf32>, vector<16xf32>, vector<16xf32>, vector<16xf32>, vector<16xf32>, vector<16xf32>, vector<16xf32>
    }
    %scan3A_184 = arith.constant 32 : i32
    %add3A_185 = arith.constant 320 : i32
    %add3A_186 = arith.addi %add3A_4, %add3A_185 : i32
    %dma_start3A_187 = arith.constant 0 : i32
    %dma_start3A_188 = tpu.memref_slice %arg2[%add3A_186, %dma_start3A_187] : memref<32768x1024xf32, #tpu.memory_space<hbm>> -> memref<32x1024xf32, #tpu.memory_space<hbm>>
    %dma_start3A_189 = arith.constant 0 : i32
    %dma_start3A_190 = tpu.memref_slice %arg2[%add3A_186, %dma_start3A_189] : memref<32768x1024xf32, #tpu.memory_space<hbm>> -> memref<32x1024xf32, #tpu.memory_space<hbm>>
    tpu.enqueue_dma source(%dma_start3A_190 : memref<32x1024xf32, #tpu.memory_space<hbm>>) target(%arg4 : memref<32x1024xf32, #tpu.memory_space<vmem>>) target_semaphore(%arg7 : memref<!tpu.dma_semaphore, #tpu.memory_space<semaphore_mem>>)
    %add3A_191 = arith.constant 288 : i32
    %add3A_192 = arith.addi %add3A_4, %add3A_191 : i32
    %dma_wait3A_193 = arith.constant 0 : i32
    %dma_wait3A_194 = tpu.memref_slice %arg2[%add3A_192, %dma_wait3A_193] : memref<32768x1024xf32, #tpu.memory_space<hbm>> -> memref<32x1024xf32, #tpu.memory_space<hbm>>
    %dma_wait3A_195 = arith.constant 0 : i32
    %dma_wait3A_196 = tpu.memref_slice %arg2[%add3A_192, %dma_wait3A_195] : memref<32768x1024xf32, #tpu.memory_space<hbm>> -> memref<32x1024xf32, #tpu.memory_space<hbm>>
    tpu.wait_dma2 semaphore(%arg8 : memref<!tpu.dma_semaphore, #tpu.memory_space<semaphore_mem>>) src(%dma_wait3A_196 : memref<32x1024xf32, #tpu.memory_space<hbm>>) dst(%arg5 : memref<32x1024xf32, #tpu.memory_space<vmem>>)
    %scan3A_197 = arith.constant 0 : i32
    %scan3A_198 = arith.constant 32 : i32
    %scan3A_199 = arith.addi %scan3A_197, %scan3A_198 : i32
    %scan3A_200 = arith.constant 1 : i32
    %scan3A_201:8 = scf.for %scan3A_315 = %scan3A_197 to %scan3A_199 step %scan3A_200 iter_args(%scan3A_316 = %scan3A_183#0, %scan3A_317 = %scan3A_183#1, %scan3A_318 = %scan3A_183#2, %scan3A_319 = %scan3A_183#3, %scan3A_320 = %scan3A_183#4, %scan3A_321 = %scan3A_183#5, %scan3A_322 = %scan3A_183#6, %scan3A_323 = %scan3A_183#7) -> (vector<16xf32>, vector<16xf32>, vector<16xf32>, vector<16xf32>, vector<16xf32>, vector<16xf32>, vector<16xf32>, vector<16xf32>)  : i32 {
      %scan3A_324 = arith.constant 0 : i32
      %scan3A_325 = arith.constant 8 : i32
      %scan3A_326 = arith.addi %scan3A_324, %scan3A_325 : i32
      %scan3A_327 = arith.constant 1 : i32
      %scan3A_328:8 = scf.for %scan3A_330 = %scan3A_324 to %scan3A_326 step %scan3A_327 iter_args(%scan3A_331 = %scan3A_316, %scan3A_332 = %scan3A_317, %scan3A_333 = %scan3A_318, %scan3A_334 = %scan3A_319, %scan3A_335 = %scan3A_320, %scan3A_336 = %scan3A_321, %scan3A_337 = %scan3A_322, %scan3A_338 = %scan3A_323) -> (vector<16xf32>, vector<16xf32>, vector<16xf32>, vector<16xf32>, vector<16xf32>, vector<16xf32>, vector<16xf32>, vector<16xf32>)  : i32 {
        %mul3A_339 = arith.constant 8 : i32
        %mul3A_340 = arith.muli %scan3A_330, %mul3A_339 : i32
        %add3A_341 = arith.constant 0 : i32
        %add3A_342 = arith.addi %mul3A_340, %add3A_341 : i32
        %mul3A_343 = arith.constant 16 : i32
        %mul3A_344 = arith.muli %add3A_342, %mul3A_343 : i32
        %get3A = arith.index_cast %scan3A_315 : i32 to index
        %get3A_345 = arith.index_cast %mul3A_344 : i32 to index
        %get3A_346 = tpu.vector_load %arg5[%get3A, %get3A_345] {strides = array<i32>} : memref<32x1024xf32, #tpu.memory_space<vmem>>, vector<1x16xf32>,
        %get3A_347 = vector.shape_cast %get3A_346 : vector<1x16xf32> to vector<16xf32>
        %add3A_348 = arith.constant 2.000000e+00 : f32
        %add3A_349 = vector.broadcast %add3A_348 : f32 to vector<16xf32>
        %add3A_350 = arith.addf %get3A_347, %add3A_349 : vector<16xf32>
        %max3A = arith.constant 0.000000e+00 : f32
        %max3A_351 = vector.broadcast %max3A : f32 to vector<16xf32>
        %max3A_352 = arith.maximumf %add3A_350, %max3A_351 : vector<16xf32>
        %add3A_353 = arith.addf %scan3A_331, %max3A_352 : vector<16xf32>
        %mul3A_354 = arith.constant 8 : i32
        %mul3A_355 = arith.muli %scan3A_330, %mul3A_354 : i32
        %add3A_356 = arith.constant 1 : i32
        %add3A_357 = arith.addi %mul3A_355, %add3A_356 : i32
        %mul3A_358 = arith.constant 16 : i32
        %mul3A_359 = arith.muli %add3A_357, %mul3A_358 : i32
        %get3A_360 = arith.index_cast %scan3A_315 : i32 to index
        %get3A_361 = arith.index_cast %mul3A_359 : i32 to index
        %get3A_362 = tpu.vector_load %arg5[%get3A_360, %get3A_361] {strides = array<i32>} : memref<32x1024xf32, #tpu.memory_space<vmem>>, vector<1x16xf32>,
        %get3A_363 = vector.shape_cast %get3A_362 : vector<1x16xf32> to vector<16xf32>
        %add3A_364 = arith.constant 2.000000e+00 : f32
        %add3A_365 = vector.broadcast %add3A_364 : f32 to vector<16xf32>
        %add3A_366 = arith.addf %get3A_363, %add3A_365 : vector<16xf32>
        %max3A_367 = arith.constant 0.000000e+00 : f32
        %max3A_368 = vector.broadcast %max3A_367 : f32 to vector<16xf32>
        %max3A_369 = arith.maximumf %add3A_366, %max3A_368 : vector<16xf32>
        %add3A_370 = arith.addf %scan3A_332, %max3A_369 : vector<16xf32>
        %mul3A_371 = arith.constant 8 : i32
        %mul3A_372 = arith.muli %scan3A_330, %mul3A_371 : i32
        %add3A_373 = arith.constant 2 : i32
        %add3A_374 = arith.addi %mul3A_372, %add3A_373 : i32
        %mul3A_375 = arith.constant 16 : i32
        %mul3A_376 = arith.muli %add3A_374, %mul3A_375 : i32
        %get3A_377 = arith.index_cast %scan3A_315 : i32 to index
        %get3A_378 = arith.index_cast %mul3A_376 : i32 to index
        %get3A_379 = tpu.vector_load %arg5[%get3A_377, %get3A_378] {strides = array<i32>} : memref<32x1024xf32, #tpu.memory_space<vmem>>, vector<1x16xf32>,
        %get3A_380 = vector.shape_cast %get3A_379 : vector<1x16xf32> to vector<16xf32>
        %add3A_381 = arith.constant 2.000000e+00 : f32
        %add3A_382 = vector.broadcast %add3A_381 : f32 to vector<16xf32>
        %add3A_383 = arith.addf %get3A_380, %add3A_382 : vector<16xf32>
        %max3A_384 = arith.constant 0.000000e+00 : f32
        %max3A_385 = vector.broadcast %max3A_384 : f32 to vector<16xf32>
        %max3A_386 = arith.maximumf %add3A_383, %max3A_385 : vector<16xf32>
        %add3A_387 = arith.addf %scan3A_333, %max3A_386 : vector<16xf32>
        %mul3A_388 = arith.constant 8 : i32
        %mul3A_389 = arith.muli %scan3A_330, %mul3A_388 : i32
        %add3A_390 = arith.constant 3 : i32
        %add3A_391 = arith.addi %mul3A_389, %add3A_390 : i32
        %mul3A_392 = arith.constant 16 : i32
        %mul3A_393 = arith.muli %add3A_391, %mul3A_392 : i32
        %get3A_394 = arith.index_cast %scan3A_315 : i32 to index
        %get3A_395 = arith.index_cast %mul3A_393 : i32 to index
        %get3A_396 = tpu.vector_load %arg5[%get3A_394, %get3A_395] {strides = array<i32>} : memref<32x1024xf32, #tpu.memory_space<vmem>>, vector<1x16xf32>,
        %get3A_397 = vector.shape_cast %get3A_396 : vector<1x16xf32> to vector<16xf32>
        %add3A_398 = arith.constant 2.000000e+00 : f32
        %add3A_399 = vector.broadcast %add3A_398 : f32 to vector<16xf32>
        %add3A_400 = arith.addf %get3A_397, %add3A_399 : vector<16xf32>
        %max3A_401 = arith.constant 0.000000e+00 : f32
        %max3A_402 = vector.broadcast %max3A_401 : f32 to vector<16xf32>
        %max3A_403 = arith.maximumf %add3A_400, %max3A_402 : vector<16xf32>
        %add3A_404 = arith.addf %scan3A_334, %max3A_403 : vector<16xf32>
        %mul3A_405 = arith.constant 8 : i32
        %mul3A_406 = arith.muli %scan3A_330, %mul3A_405 : i32
        %add3A_407 = arith.constant 4 : i32
        %add3A_408 = arith.addi %mul3A_406, %add3A_407 : i32
        %mul3A_409 = arith.constant 16 : i32
        %mul3A_410 = arith.muli %add3A_408, %mul3A_409 : i32
        %get3A_411 = arith.index_cast %scan3A_315 : i32 to index
        %get3A_412 = arith.index_cast %mul3A_410 : i32 to index
        %get3A_413 = tpu.vector_load %arg5[%get3A_411, %get3A_412] {strides = array<i32>} : memref<32x1024xf32, #tpu.memory_space<vmem>>, vector<1x16xf32>,
        %get3A_414 = vector.shape_cast %get3A_413 : vector<1x16xf32> to vector<16xf32>
        %add3A_415 = arith.constant 2.000000e+00 : f32
        %add3A_416 = vector.broadcast %add3A_415 : f32 to vector<16xf32>
        %add3A_417 = arith.addf %get3A_414, %add3A_416 : vector<16xf32>
        %max3A_418 = arith.constant 0.000000e+00 : f32
        %max3A_419 = vector.broadcast %max3A_418 : f32 to vector<16xf32>
        %max3A_420 = arith.maximumf %add3A_417, %max3A_419 : vector<16xf32>
        %add3A_421 = arith.addf %scan3A_335, %max3A_420 : vector<16xf32>
        %mul3A_422 = arith.constant 8 : i32
        %mul3A_423 = arith.muli %scan3A_330, %mul3A_422 : i32
        %add3A_424 = arith.constant 5 : i32
        %add3A_425 = arith.addi %mul3A_423, %add3A_424 : i32
        %mul3A_426 = arith.constant 16 : i32
        %mul3A_427 = arith.muli %add3A_425, %mul3A_426 : i32
        %get3A_428 = arith.index_cast %scan3A_315 : i32 to index
        %get3A_429 = arith.index_cast %mul3A_427 : i32 to index
        %get3A_430 = tpu.vector_load %arg5[%get3A_428, %get3A_429] {strides = array<i32>} : memref<32x1024xf32, #tpu.memory_space<vmem>>, vector<1x16xf32>,
        %get3A_431 = vector.shape_cast %get3A_430 : vector<1x16xf32> to vector<16xf32>
        %add3A_432 = arith.constant 2.000000e+00 : f32
        %add3A_433 = vector.broadcast %add3A_432 : f32 to vector<16xf32>
        %add3A_434 = arith.addf %get3A_431, %add3A_433 : vector<16xf32>
        %max3A_435 = arith.constant 0.000000e+00 : f32
        %max3A_436 = vector.broadcast %max3A_435 : f32 to vector<16xf32>
        %max3A_437 = arith.maximumf %add3A_434, %max3A_436 : vector<16xf32>
        %add3A_438 = arith.addf %scan3A_336, %max3A_437 : vector<16xf32>
        %mul3A_439 = arith.constant 8 : i32
        %mul3A_440 = arith.muli %scan3A_330, %mul3A_439 : i32
        %add3A_441 = arith.constant 6 : i32
        %add3A_442 = arith.addi %mul3A_440, %add3A_441 : i32
        %mul3A_443 = arith.constant 16 : i32
        %mul3A_444 = arith.muli %add3A_442, %mul3A_443 : i32
        %get3A_445 = arith.index_cast %scan3A_315 : i32 to index
        %get3A_446 = arith.index_cast %mul3A_444 : i32 to index
        %get3A_447 = tpu.vector_load %arg5[%get3A_445, %get3A_446] {strides = array<i32>} : memref<32x1024xf32, #tpu.memory_space<vmem>>, vector<1x16xf32>,
        %get3A_448 = vector.shape_cast %get3A_447 : vector<1x16xf32> to vector<16xf32>
        %add3A_449 = arith.constant 2.000000e+00 : f32
        %add3A_450 = vector.broadcast %add3A_449 : f32 to vector<16xf32>
        %add3A_451 = arith.addf %get3A_448, %add3A_450 : vector<16xf32>
        %max3A_452 = arith.constant 0.000000e+00 : f32
        %max3A_453 = vector.broadcast %max3A_452 : f32 to vector<16xf32>
        %max3A_454 = arith.maximumf %add3A_451, %max3A_453 : vector<16xf32>
        %add3A_455 = arith.addf %scan3A_337, %max3A_454 : vector<16xf32>
        %mul3A_456 = arith.constant 8 : i32
        %mul3A_457 = arith.muli %scan3A_330, %mul3A_456 : i32
        %add3A_458 = arith.constant 7 : i32
        %add3A_459 = arith.addi %mul3A_457, %add3A_458 : i32
        %mul3A_460 = arith.constant 16 : i32
        %mul3A_461 = arith.muli %add3A_459, %mul3A_460 : i32
        %get3A_462 = arith.index_cast %scan3A_315 : i32 to index
        %get3A_463 = arith.index_cast %mul3A_461 : i32 to index
        %get3A_464 = tpu.vector_load %arg5[%get3A_462, %get3A_463] {strides = array<i32>} : memref<32x1024xf32, #tpu.memory_space<vmem>>, vector<1x16xf32>,
        %get3A_465 = vector.shape_cast %get3A_464 : vector<1x16xf32> to vector<16xf32>
        %add3A_466 = arith.constant 2.000000e+00 : f32
        %add3A_467 = vector.broadcast %add3A_466 : f32 to vector<16xf32>
        %add3A_468 = arith.addf %get3A_465, %add3A_467 : vector<16xf32>
        %max3A_469 = arith.constant 0.000000e+00 : f32
        %max3A_470 = vector.broadcast %max3A_469 : f32 to vector<16xf32>
        %max3A_471 = arith.maximumf %add3A_468, %max3A_470 : vector<16xf32>
        %add3A_472 = arith.addf %scan3A_338, %max3A_471 : vector<16xf32>
        scf.yield %add3A_353, %add3A_370, %add3A_387, %add3A_404, %add3A_421, %add3A_438, %add3A_455, %add3A_472 : vector<16xf32>, vector<16xf32>, vector<16xf32>, vector<16xf32>, vector<16xf32>, vector<16xf32>, vector<16xf32>, vector<16xf32>
      }
      %scan3A_329 = arith.constant 8 : i32
      scf.yield %scan3A_328#0, %scan3A_328#1, %scan3A_328#2, %scan3A_328#3, %scan3A_328#4, %scan3A_328#5, %scan3A_328#6, %scan3A_328#7 : vector<16xf32>, vector<16xf32>, vector<16xf32>, vector<16xf32>, vector<16xf32>, vector<16xf32>, vector<16xf32>, vector<16xf32>
    }
    %scan3A_202 = arith.constant 32 : i32
    %add3A_203 = arith.constant 352 : i32
    %add3A_204 = arith.addi %add3A_4, %add3A_203 : i32
    %dma_start3A_205 = arith.constant 0 : i32
    %dma_start3A_206 = tpu.memref_slice %arg2[%add3A_204, %dma_start3A_205] : memref<32768x1024xf32, #tpu.memory_space<hbm>> -> memref<32x1024xf32, #tpu.memory_space<hbm>>
    %dma_start3A_207 = arith.constant 0 : i32
    %dma_start3A_208 = tpu.memref_slice %arg2[%add3A_204, %dma_start3A_207] : memref<32768x1024xf32, #tpu.memory_space<hbm>> -> memref<32x1024xf32, #tpu.memory_space<hbm>>
    tpu.enqueue_dma source(%dma_start3A_208 : memref<32x1024xf32, #tpu.memory_space<hbm>>) target(%arg5 : memref<32x1024xf32, #tpu.memory_space<vmem>>) target_semaphore(%arg8 : memref<!tpu.dma_semaphore, #tpu.memory_space<semaphore_mem>>)
    %add3A_209 = arith.constant 320 : i32
    %add3A_210 = arith.addi %add3A_4, %add3A_209 : i32
    %dma_wait3A_211 = arith.constant 0 : i32
    %dma_wait3A_212 = tpu.memref_slice %arg2[%add3A_210, %dma_wait3A_211] : memref<32768x1024xf32, #tpu.memory_space<hbm>> -> memref<32x1024xf32, #tpu.memory_space<hbm>>
    %dma_wait3A_213 = arith.constant 0 : i32
    %dma_wait3A_214 = tpu.memref_slice %arg2[%add3A_210, %dma_wait3A_213] : memref<32768x1024xf32, #tpu.memory_space<hbm>> -> memref<32x1024xf32, #tpu.memory_space<hbm>>
    tpu.wait_dma2 semaphore(%arg7 : memref<!tpu.dma_semaphore, #tpu.memory_space<semaphore_mem>>) src(%dma_wait3A_214 : memref<32x1024xf32, #tpu.memory_space<hbm>>) dst(%arg4 : memref<32x1024xf32, #tpu.memory_space<vmem>>)
    %scan3A_215 = arith.constant 0 : i32
    %scan3A_216 = arith.constant 32 : i32
    %scan3A_217 = arith.addi %scan3A_215, %scan3A_216 : i32
    %scan3A_218 = arith.constant 1 : i32
    %scan3A_219:8 = scf.for %scan3A_315 = %scan3A_215 to %scan3A_217 step %scan3A_218 iter_args(%scan3A_316 = %scan3A_201#0, %scan3A_317 = %scan3A_201#1, %scan3A_318 = %scan3A_201#2, %scan3A_319 = %scan3A_201#3, %scan3A_320 = %scan3A_201#4, %scan3A_321 = %scan3A_201#5, %scan3A_322 = %scan3A_201#6, %scan3A_323 = %scan3A_201#7) -> (vector<16xf32>, vector<16xf32>, vector<16xf32>, vector<16xf32>, vector<16xf32>, vector<16xf32>, vector<16xf32>, vector<16xf32>)  : i32 {
      %scan3A_324 = arith.constant 0 : i32
      %scan3A_325 = arith.constant 8 : i32
      %scan3A_326 = arith.addi %scan3A_324, %scan3A_325 : i32
      %scan3A_327 = arith.constant 1 : i32
      %scan3A_328:8 = scf.for %scan3A_330 = %scan3A_324 to %scan3A_326 step %scan3A_327 iter_args(%scan3A_331 = %scan3A_316, %scan3A_332 = %scan3A_317, %scan3A_333 = %scan3A_318, %scan3A_334 = %scan3A_319, %scan3A_335 = %scan3A_320, %scan3A_336 = %scan3A_321, %scan3A_337 = %scan3A_322, %scan3A_338 = %scan3A_323) -> (vector<16xf32>, vector<16xf32>, vector<16xf32>, vector<16xf32>, vector<16xf32>, vector<16xf32>, vector<16xf32>, vector<16xf32>)  : i32 {
        %mul3A_339 = arith.constant 8 : i32
        %mul3A_340 = arith.muli %scan3A_330, %mul3A_339 : i32
        %add3A_341 = arith.constant 0 : i32
        %add3A_342 = arith.addi %mul3A_340, %add3A_341 : i32
        %mul3A_343 = arith.constant 16 : i32
        %mul3A_344 = arith.muli %add3A_342, %mul3A_343 : i32
        %get3A = arith.index_cast %scan3A_315 : i32 to index
        %get3A_345 = arith.index_cast %mul3A_344 : i32 to index
        %get3A_346 = tpu.vector_load %arg4[%get3A, %get3A_345] {strides = array<i32>} : memref<32x1024xf32, #tpu.memory_space<vmem>>, vector<1x16xf32>,
        %get3A_347 = vector.shape_cast %get3A_346 : vector<1x16xf32> to vector<16xf32>
        %add3A_348 = arith.constant 2.000000e+00 : f32
        %add3A_349 = vector.broadcast %add3A_348 : f32 to vector<16xf32>
        %add3A_350 = arith.addf %get3A_347, %add3A_349 : vector<16xf32>
        %max3A = arith.constant 0.000000e+00 : f32
        %max3A_351 = vector.broadcast %max3A : f32 to vector<16xf32>
        %max3A_352 = arith.maximumf %add3A_350, %max3A_351 : vector<16xf32>
        %add3A_353 = arith.addf %scan3A_331, %max3A_352 : vector<16xf32>
        %mul3A_354 = arith.constant 8 : i32
        %mul3A_355 = arith.muli %scan3A_330, %mul3A_354 : i32
        %add3A_356 = arith.constant 1 : i32
        %add3A_357 = arith.addi %mul3A_355, %add3A_356 : i32
        %mul3A_358 = arith.constant 16 : i32
        %mul3A_359 = arith.muli %add3A_357, %mul3A_358 : i32
        %get3A_360 = arith.index_cast %scan3A_315 : i32 to index
        %get3A_361 = arith.index_cast %mul3A_359 : i32 to index
        %get3A_362 = tpu.vector_load %arg4[%get3A_360, %get3A_361] {strides = array<i32>} : memref<32x1024xf32, #tpu.memory_space<vmem>>, vector<1x16xf32>,
        %get3A_363 = vector.shape_cast %get3A_362 : vector<1x16xf32> to vector<16xf32>
        %add3A_364 = arith.constant 2.000000e+00 : f32
        %add3A_365 = vector.broadcast %add3A_364 : f32 to vector<16xf32>
        %add3A_366 = arith.addf %get3A_363, %add3A_365 : vector<16xf32>
        %max3A_367 = arith.constant 0.000000e+00 : f32
        %max3A_368 = vector.broadcast %max3A_367 : f32 to vector<16xf32>
        %max3A_369 = arith.maximumf %add3A_366, %max3A_368 : vector<16xf32>
        %add3A_370 = arith.addf %scan3A_332, %max3A_369 : vector<16xf32>
        %mul3A_371 = arith.constant 8 : i32
        %mul3A_372 = arith.muli %scan3A_330, %mul3A_371 : i32
        %add3A_373 = arith.constant 2 : i32
        %add3A_374 = arith.addi %mul3A_372, %add3A_373 : i32
        %mul3A_375 = arith.constant 16 : i32
        %mul3A_376 = arith.muli %add3A_374, %mul3A_375 : i32
        %get3A_377 = arith.index_cast %scan3A_315 : i32 to index
        %get3A_378 = arith.index_cast %mul3A_376 : i32 to index
        %get3A_379 = tpu.vector_load %arg4[%get3A_377, %get3A_378] {strides = array<i32>} : memref<32x1024xf32, #tpu.memory_space<vmem>>, vector<1x16xf32>,
        %get3A_380 = vector.shape_cast %get3A_379 : vector<1x16xf32> to vector<16xf32>
        %add3A_381 = arith.constant 2.000000e+00 : f32
        %add3A_382 = vector.broadcast %add3A_381 : f32 to vector<16xf32>
        %add3A_383 = arith.addf %get3A_380, %add3A_382 : vector<16xf32>
        %max3A_384 = arith.constant 0.000000e+00 : f32
        %max3A_385 = vector.broadcast %max3A_384 : f32 to vector<16xf32>
        %max3A_386 = arith.maximumf %add3A_383, %max3A_385 : vector<16xf32>
        %add3A_387 = arith.addf %scan3A_333, %max3A_386 : vector<16xf32>
        %mul3A_388 = arith.constant 8 : i32
        %mul3A_389 = arith.muli %scan3A_330, %mul3A_388 : i32
        %add3A_390 = arith.constant 3 : i32
        %add3A_391 = arith.addi %mul3A_389, %add3A_390 : i32
        %mul3A_392 = arith.constant 16 : i32
        %mul3A_393 = arith.muli %add3A_391, %mul3A_392 : i32
        %get3A_394 = arith.index_cast %scan3A_315 : i32 to index
        %get3A_395 = arith.index_cast %mul3A_393 : i32 to index
        %get3A_396 = tpu.vector_load %arg4[%get3A_394, %get3A_395] {strides = array<i32>} : memref<32x1024xf32, #tpu.memory_space<vmem>>, vector<1x16xf32>,
        %get3A_397 = vector.shape_cast %get3A_396 : vector<1x16xf32> to vector<16xf32>
        %add3A_398 = arith.constant 2.000000e+00 : f32
        %add3A_399 = vector.broadcast %add3A_398 : f32 to vector<16xf32>
        %add3A_400 = arith.addf %get3A_397, %add3A_399 : vector<16xf32>
        %max3A_401 = arith.constant 0.000000e+00 : f32
        %max3A_402 = vector.broadcast %max3A_401 : f32 to vector<16xf32>
        %max3A_403 = arith.maximumf %add3A_400, %max3A_402 : vector<16xf32>
        %add3A_404 = arith.addf %scan3A_334, %max3A_403 : vector<16xf32>
        %mul3A_405 = arith.constant 8 : i32
        %mul3A_406 = arith.muli %scan3A_330, %mul3A_405 : i32
        %add3A_407 = arith.constant 4 : i32
        %add3A_408 = arith.addi %mul3A_406, %add3A_407 : i32
        %mul3A_409 = arith.constant 16 : i32
        %mul3A_410 = arith.muli %add3A_408, %mul3A_409 : i32
        %get3A_411 = arith.index_cast %scan3A_315 : i32 to index
        %get3A_412 = arith.index_cast %mul3A_410 : i32 to index
        %get3A_413 = tpu.vector_load %arg4[%get3A_411, %get3A_412] {strides = array<i32>} : memref<32x1024xf32, #tpu.memory_space<vmem>>, vector<1x16xf32>,
        %get3A_414 = vector.shape_cast %get3A_413 : vector<1x16xf32> to vector<16xf32>
        %add3A_415 = arith.constant 2.000000e+00 : f32
        %add3A_416 = vector.broadcast %add3A_415 : f32 to vector<16xf32>
        %add3A_417 = arith.addf %get3A_414, %add3A_416 : vector<16xf32>
        %max3A_418 = arith.constant 0.000000e+00 : f32
        %max3A_419 = vector.broadcast %max3A_418 : f32 to vector<16xf32>
        %max3A_420 = arith.maximumf %add3A_417, %max3A_419 : vector<16xf32>
        %add3A_421 = arith.addf %scan3A_335, %max3A_420 : vector<16xf32>
        %mul3A_422 = arith.constant 8 : i32
        %mul3A_423 = arith.muli %scan3A_330, %mul3A_422 : i32
        %add3A_424 = arith.constant 5 : i32
        %add3A_425 = arith.addi %mul3A_423, %add3A_424 : i32
        %mul3A_426 = arith.constant 16 : i32
        %mul3A_427 = arith.muli %add3A_425, %mul3A_426 : i32
        %get3A_428 = arith.index_cast %scan3A_315 : i32 to index
        %get3A_429 = arith.index_cast %mul3A_427 : i32 to index
        %get3A_430 = tpu.vector_load %arg4[%get3A_428, %get3A_429] {strides = array<i32>} : memref<32x1024xf32, #tpu.memory_space<vmem>>, vector<1x16xf32>,
        %get3A_431 = vector.shape_cast %get3A_430 : vector<1x16xf32> to vector<16xf32>
        %add3A_432 = arith.constant 2.000000e+00 : f32
        %add3A_433 = vector.broadcast %add3A_432 : f32 to vector<16xf32>
        %add3A_434 = arith.addf %get3A_431, %add3A_433 : vector<16xf32>
        %max3A_435 = arith.constant 0.000000e+00 : f32
        %max3A_436 = vector.broadcast %max3A_435 : f32 to vector<16xf32>
        %max3A_437 = arith.maximumf %add3A_434, %max3A_436 : vector<16xf32>
        %add3A_438 = arith.addf %scan3A_336, %max3A_437 : vector<16xf32>
        %mul3A_439 = arith.constant 8 : i32
        %mul3A_440 = arith.muli %scan3A_330, %mul3A_439 : i32
        %add3A_441 = arith.constant 6 : i32
        %add3A_442 = arith.addi %mul3A_440, %add3A_441 : i32
        %mul3A_443 = arith.constant 16 : i32
        %mul3A_444 = arith.muli %add3A_442, %mul3A_443 : i32
        %get3A_445 = arith.index_cast %scan3A_315 : i32 to index
        %get3A_446 = arith.index_cast %mul3A_444 : i32 to index
        %get3A_447 = tpu.vector_load %arg4[%get3A_445, %get3A_446] {strides = array<i32>} : memref<32x1024xf32, #tpu.memory_space<vmem>>, vector<1x16xf32>,
        %get3A_448 = vector.shape_cast %get3A_447 : vector<1x16xf32> to vector<16xf32>
        %add3A_449 = arith.constant 2.000000e+00 : f32
        %add3A_450 = vector.broadcast %add3A_449 : f32 to vector<16xf32>
        %add3A_451 = arith.addf %get3A_448, %add3A_450 : vector<16xf32>
        %max3A_452 = arith.constant 0.000000e+00 : f32
        %max3A_453 = vector.broadcast %max3A_452 : f32 to vector<16xf32>
        %max3A_454 = arith.maximumf %add3A_451, %max3A_453 : vector<16xf32>
        %add3A_455 = arith.addf %scan3A_337, %max3A_454 : vector<16xf32>
        %mul3A_456 = arith.constant 8 : i32
        %mul3A_457 = arith.muli %scan3A_330, %mul3A_456 : i32
        %add3A_458 = arith.constant 7 : i32
        %add3A_459 = arith.addi %mul3A_457, %add3A_458 : i32
        %mul3A_460 = arith.constant 16 : i32
        %mul3A_461 = arith.muli %add3A_459, %mul3A_460 : i32
        %get3A_462 = arith.index_cast %scan3A_315 : i32 to index
        %get3A_463 = arith.index_cast %mul3A_461 : i32 to index
        %get3A_464 = tpu.vector_load %arg4[%get3A_462, %get3A_463] {strides = array<i32>} : memref<32x1024xf32, #tpu.memory_space<vmem>>, vector<1x16xf32>,
        %get3A_465 = vector.shape_cast %get3A_464 : vector<1x16xf32> to vector<16xf32>
        %add3A_466 = arith.constant 2.000000e+00 : f32
        %add3A_467 = vector.broadcast %add3A_466 : f32 to vector<16xf32>
        %add3A_468 = arith.addf %get3A_465, %add3A_467 : vector<16xf32>
        %max3A_469 = arith.constant 0.000000e+00 : f32
        %max3A_470 = vector.broadcast %max3A_469 : f32 to vector<16xf32>
        %max3A_471 = arith.maximumf %add3A_468, %max3A_470 : vector<16xf32>
        %add3A_472 = arith.addf %scan3A_338, %max3A_471 : vector<16xf32>
        scf.yield %add3A_353, %add3A_370, %add3A_387, %add3A_404, %add3A_421, %add3A_438, %add3A_455, %add3A_472 : vector<16xf32>, vector<16xf32>, vector<16xf32>, vector<16xf32>, vector<16xf32>, vector<16xf32>, vector<16xf32>, vector<16xf32>
      }
      %scan3A_329 = arith.constant 8 : i32
      scf.yield %scan3A_328#0, %scan3A_328#1, %scan3A_328#2, %scan3A_328#3, %scan3A_328#4, %scan3A_328#5, %scan3A_328#6, %scan3A_328#7 : vector<16xf32>, vector<16xf32>, vector<16xf32>, vector<16xf32>, vector<16xf32>, vector<16xf32>, vector<16xf32>, vector<16xf32>
    }
    %scan3A_220 = arith.constant 32 : i32
    %add3A_221 = arith.constant 384 : i32
    %add3A_222 = arith.addi %add3A_4, %add3A_221 : i32
    %dma_start3A_223 = arith.constant 0 : i32
    %dma_start3A_224 = tpu.memref_slice %arg2[%add3A_222, %dma_start3A_223] : memref<32768x1024xf32, #tpu.memory_space<hbm>> -> memref<32x1024xf32, #tpu.memory_space<hbm>>
    %dma_start3A_225 = arith.constant 0 : i32
    %dma_start3A_226 = tpu.memref_slice %arg2[%add3A_222, %dma_start3A_225] : memref<32768x1024xf32, #tpu.memory_space<hbm>> -> memref<32x1024xf32, #tpu.memory_space<hbm>>
    tpu.enqueue_dma source(%dma_start3A_226 : memref<32x1024xf32, #tpu.memory_space<hbm>>) target(%arg4 : memref<32x1024xf32, #tpu.memory_space<vmem>>) target_semaphore(%arg7 : memref<!tpu.dma_semaphore, #tpu.memory_space<semaphore_mem>>)
    %add3A_227 = arith.constant 352 : i32
    %add3A_228 = arith.addi %add3A_4, %add3A_227 : i32
    %dma_wait3A_229 = arith.constant 0 : i32
    %dma_wait3A_230 = tpu.memref_slice %arg2[%add3A_228, %dma_wait3A_229] : memref<32768x1024xf32, #tpu.memory_space<hbm>> -> memref<32x1024xf32, #tpu.memory_space<hbm>>
    %dma_wait3A_231 = arith.constant 0 : i32
    %dma_wait3A_232 = tpu.memref_slice %arg2[%add3A_228, %dma_wait3A_231] : memref<32768x1024xf32, #tpu.memory_space<hbm>> -> memref<32x1024xf32, #tpu.memory_space<hbm>>
    tpu.wait_dma2 semaphore(%arg8 : memref<!tpu.dma_semaphore, #tpu.memory_space<semaphore_mem>>) src(%dma_wait3A_232 : memref<32x1024xf32, #tpu.memory_space<hbm>>) dst(%arg5 : memref<32x1024xf32, #tpu.memory_space<vmem>>)
    %scan3A_233 = arith.constant 0 : i32
    %scan3A_234 = arith.constant 32 : i32
    %scan3A_235 = arith.addi %scan3A_233, %scan3A_234 : i32
    %scan3A_236 = arith.constant 1 : i32
    %scan3A_237:8 = scf.for %scan3A_315 = %scan3A_233 to %scan3A_235 step %scan3A_236 iter_args(%scan3A_316 = %scan3A_219#0, %scan3A_317 = %scan3A_219#1, %scan3A_318 = %scan3A_219#2, %scan3A_319 = %scan3A_219#3, %scan3A_320 = %scan3A_219#4, %scan3A_321 = %scan3A_219#5, %scan3A_322 = %scan3A_219#6, %scan3A_323 = %scan3A_219#7) -> (vector<16xf32>, vector<16xf32>, vector<16xf32>, vector<16xf32>, vector<16xf32>, vector<16xf32>, vector<16xf32>, vector<16xf32>)  : i32 {
      %scan3A_324 = arith.constant 0 : i32
      %scan3A_325 = arith.constant 8 : i32
      %scan3A_326 = arith.addi %scan3A_324, %scan3A_325 : i32
      %scan3A_327 = arith.constant 1 : i32
      %scan3A_328:8 = scf.for %scan3A_330 = %scan3A_324 to %scan3A_326 step %scan3A_327 iter_args(%scan3A_331 = %scan3A_316, %scan3A_332 = %scan3A_317, %scan3A_333 = %scan3A_318, %scan3A_334 = %scan3A_319, %scan3A_335 = %scan3A_320, %scan3A_336 = %scan3A_321, %scan3A_337 = %scan3A_322, %scan3A_338 = %scan3A_323) -> (vector<16xf32>, vector<16xf32>, vector<16xf32>, vector<16xf32>, vector<16xf32>, vector<16xf32>, vector<16xf32>, vector<16xf32>)  : i32 {
        %mul3A_339 = arith.constant 8 : i32
        %mul3A_340 = arith.muli %scan3A_330, %mul3A_339 : i32
        %add3A_341 = arith.constant 0 : i32
        %add3A_342 = arith.addi %mul3A_340, %add3A_341 : i32
        %mul3A_343 = arith.constant 16 : i32
        %mul3A_344 = arith.muli %add3A_342, %mul3A_343 : i32
        %get3A = arith.index_cast %scan3A_315 : i32 to index
        %get3A_345 = arith.index_cast %mul3A_344 : i32 to index
        %get3A_346 = tpu.vector_load %arg5[%get3A, %get3A_345] {strides = array<i32>} : memref<32x1024xf32, #tpu.memory_space<vmem>>, vector<1x16xf32>,
        %get3A_347 = vector.shape_cast %get3A_346 : vector<1x16xf32> to vector<16xf32>
        %add3A_348 = arith.constant 2.000000e+00 : f32
        %add3A_349 = vector.broadcast %add3A_348 : f32 to vector<16xf32>
        %add3A_350 = arith.addf %get3A_347, %add3A_349 : vector<16xf32>
        %max3A = arith.constant 0.000000e+00 : f32
        %max3A_351 = vector.broadcast %max3A : f32 to vector<16xf32>
        %max3A_352 = arith.maximumf %add3A_350, %max3A_351 : vector<16xf32>
        %add3A_353 = arith.addf %scan3A_331, %max3A_352 : vector<16xf32>
        %mul3A_354 = arith.constant 8 : i32
        %mul3A_355 = arith.muli %scan3A_330, %mul3A_354 : i32
        %add3A_356 = arith.constant 1 : i32
        %add3A_357 = arith.addi %mul3A_355, %add3A_356 : i32
        %mul3A_358 = arith.constant 16 : i32
        %mul3A_359 = arith.muli %add3A_357, %mul3A_358 : i32
        %get3A_360 = arith.index_cast %scan3A_315 : i32 to index
        %get3A_361 = arith.index_cast %mul3A_359 : i32 to index
        %get3A_362 = tpu.vector_load %arg5[%get3A_360, %get3A_361] {strides = array<i32>} : memref<32x1024xf32, #tpu.memory_space<vmem>>, vector<1x16xf32>,
        %get3A_363 = vector.shape_cast %get3A_362 : vector<1x16xf32> to vector<16xf32>
        %add3A_364 = arith.constant 2.000000e+00 : f32
        %add3A_365 = vector.broadcast %add3A_364 : f32 to vector<16xf32>
        %add3A_366 = arith.addf %get3A_363, %add3A_365 : vector<16xf32>
        %max3A_367 = arith.constant 0.000000e+00 : f32
        %max3A_368 = vector.broadcast %max3A_367 : f32 to vector<16xf32>
        %max3A_369 = arith.maximumf %add3A_366, %max3A_368 : vector<16xf32>
        %add3A_370 = arith.addf %scan3A_332, %max3A_369 : vector<16xf32>
        %mul3A_371 = arith.constant 8 : i32
        %mul3A_372 = arith.muli %scan3A_330, %mul3A_371 : i32
        %add3A_373 = arith.constant 2 : i32
        %add3A_374 = arith.addi %mul3A_372, %add3A_373 : i32
        %mul3A_375 = arith.constant 16 : i32
        %mul3A_376 = arith.muli %add3A_374, %mul3A_375 : i32
        %get3A_377 = arith.index_cast %scan3A_315 : i32 to index
        %get3A_378 = arith.index_cast %mul3A_376 : i32 to index
        %get3A_379 = tpu.vector_load %arg5[%get3A_377, %get3A_378] {strides = array<i32>} : memref<32x1024xf32, #tpu.memory_space<vmem>>, vector<1x16xf32>,
        %get3A_380 = vector.shape_cast %get3A_379 : vector<1x16xf32> to vector<16xf32>
        %add3A_381 = arith.constant 2.000000e+00 : f32
        %add3A_382 = vector.broadcast %add3A_381 : f32 to vector<16xf32>
        %add3A_383 = arith.addf %get3A_380, %add3A_382 : vector<16xf32>
        %max3A_384 = arith.constant 0.000000e+00 : f32
        %max3A_385 = vector.broadcast %max3A_384 : f32 to vector<16xf32>
        %max3A_386 = arith.maximumf %add3A_383, %max3A_385 : vector<16xf32>
        %add3A_387 = arith.addf %scan3A_333, %max3A_386 : vector<16xf32>
        %mul3A_388 = arith.constant 8 : i32
        %mul3A_389 = arith.muli %scan3A_330, %mul3A_388 : i32
        %add3A_390 = arith.constant 3 : i32
        %add3A_391 = arith.addi %mul3A_389, %add3A_390 : i32
        %mul3A_392 = arith.constant 16 : i32
        %mul3A_393 = arith.muli %add3A_391, %mul3A_392 : i32
        %get3A_394 = arith.index_cast %scan3A_315 : i32 to index
        %get3A_395 = arith.index_cast %mul3A_393 : i32 to index
        %get3A_396 = tpu.vector_load %arg5[%get3A_394, %get3A_395] {strides = array<i32>} : memref<32x1024xf32, #tpu.memory_space<vmem>>, vector<1x16xf32>,
        %get3A_397 = vector.shape_cast %get3A_396 : vector<1x16xf32> to vector<16xf32>
        %add3A_398 = arith.constant 2.000000e+00 : f32
        %add3A_399 = vector.broadcast %add3A_398 : f32 to vector<16xf32>
        %add3A_400 = arith.addf %get3A_397, %add3A_399 : vector<16xf32>
        %max3A_401 = arith.constant 0.000000e+00 : f32
        %max3A_402 = vector.broadcast %max3A_401 : f32 to vector<16xf32>
        %max3A_403 = arith.maximumf %add3A_400, %max3A_402 : vector<16xf32>
        %add3A_404 = arith.addf %scan3A_334, %max3A_403 : vector<16xf32>
        %mul3A_405 = arith.constant 8 : i32
        %mul3A_406 = arith.muli %scan3A_330, %mul3A_405 : i32
        %add3A_407 = arith.constant 4 : i32
        %add3A_408 = arith.addi %mul3A_406, %add3A_407 : i32
        %mul3A_409 = arith.constant 16 : i32
        %mul3A_410 = arith.muli %add3A_408, %mul3A_409 : i32
        %get3A_411 = arith.index_cast %scan3A_315 : i32 to index
        %get3A_412 = arith.index_cast %mul3A_410 : i32 to index
        %get3A_413 = tpu.vector_load %arg5[%get3A_411, %get3A_412] {strides = array<i32>} : memref<32x1024xf32, #tpu.memory_space<vmem>>, vector<1x16xf32>,
        %get3A_414 = vector.shape_cast %get3A_413 : vector<1x16xf32> to vector<16xf32>
        %add3A_415 = arith.constant 2.000000e+00 : f32
        %add3A_416 = vector.broadcast %add3A_415 : f32 to vector<16xf32>
        %add3A_417 = arith.addf %get3A_414, %add3A_416 : vector<16xf32>
        %max3A_418 = arith.constant 0.000000e+00 : f32
        %max3A_419 = vector.broadcast %max3A_418 : f32 to vector<16xf32>
        %max3A_420 = arith.maximumf %add3A_417, %max3A_419 : vector<16xf32>
        %add3A_421 = arith.addf %scan3A_335, %max3A_420 : vector<16xf32>
        %mul3A_422 = arith.constant 8 : i32
        %mul3A_423 = arith.muli %scan3A_330, %mul3A_422 : i32
        %add3A_424 = arith.constant 5 : i32
        %add3A_425 = arith.addi %mul3A_423, %add3A_424 : i32
        %mul3A_426 = arith.constant 16 : i32
        %mul3A_427 = arith.muli %add3A_425, %mul3A_426 : i32
        %get3A_428 = arith.index_cast %scan3A_315 : i32 to index
        %get3A_429 = arith.index_cast %mul3A_427 : i32 to index
        %get3A_430 = tpu.vector_load %arg5[%get3A_428, %get3A_429] {strides = array<i32>} : memref<32x1024xf32, #tpu.memory_space<vmem>>, vector<1x16xf32>,
        %get3A_431 = vector.shape_cast %get3A_430 : vector<1x16xf32> to vector<16xf32>
        %add3A_432 = arith.constant 2.000000e+00 : f32
        %add3A_433 = vector.broadcast %add3A_432 : f32 to vector<16xf32>
        %add3A_434 = arith.addf %get3A_431, %add3A_433 : vector<16xf32>
        %max3A_435 = arith.constant 0.000000e+00 : f32
        %max3A_436 = vector.broadcast %max3A_435 : f32 to vector<16xf32>
        %max3A_437 = arith.maximumf %add3A_434, %max3A_436 : vector<16xf32>
        %add3A_438 = arith.addf %scan3A_336, %max3A_437 : vector<16xf32>
        %mul3A_439 = arith.constant 8 : i32
        %mul3A_440 = arith.muli %scan3A_330, %mul3A_439 : i32
        %add3A_441 = arith.constant 6 : i32
        %add3A_442 = arith.addi %mul3A_440, %add3A_441 : i32
        %mul3A_443 = arith.constant 16 : i32
        %mul3A_444 = arith.muli %add3A_442, %mul3A_443 : i32
        %get3A_445 = arith.index_cast %scan3A_315 : i32 to index
        %get3A_446 = arith.index_cast %mul3A_444 : i32 to index
        %get3A_447 = tpu.vector_load %arg5[%get3A_445, %get3A_446] {strides = array<i32>} : memref<32x1024xf32, #tpu.memory_space<vmem>>, vector<1x16xf32>,
        %get3A_448 = vector.shape_cast %get3A_447 : vector<1x16xf32> to vector<16xf32>
        %add3A_449 = arith.constant 2.000000e+00 : f32
        %add3A_450 = vector.broadcast %add3A_449 : f32 to vector<16xf32>
        %add3A_451 = arith.addf %get3A_448, %add3A_450 : vector<16xf32>
        %max3A_452 = arith.constant 0.000000e+00 : f32
        %max3A_453 = vector.broadcast %max3A_452 : f32 to vector<16xf32>
        %max3A_454 = arith.maximumf %add3A_451, %max3A_453 : vector<16xf32>
        %add3A_455 = arith.addf %scan3A_337, %max3A_454 : vector<16xf32>
        %mul3A_456 = arith.constant 8 : i32
        %mul3A_457 = arith.muli %scan3A_330, %mul3A_456 : i32
        %add3A_458 = arith.constant 7 : i32
        %add3A_459 = arith.addi %mul3A_457, %add3A_458 : i32
        %mul3A_460 = arith.constant 16 : i32
        %mul3A_461 = arith.muli %add3A_459, %mul3A_460 : i32
        %get3A_462 = arith.index_cast %scan3A_315 : i32 to index
        %get3A_463 = arith.index_cast %mul3A_461 : i32 to index
        %get3A_464 = tpu.vector_load %arg5[%get3A_462, %get3A_463] {strides = array<i32>} : memref<32x1024xf32, #tpu.memory_space<vmem>>, vector<1x16xf32>,
        %get3A_465 = vector.shape_cast %get3A_464 : vector<1x16xf32> to vector<16xf32>
        %add3A_466 = arith.constant 2.000000e+00 : f32
        %add3A_467 = vector.broadcast %add3A_466 : f32 to vector<16xf32>
        %add3A_468 = arith.addf %get3A_465, %add3A_467 : vector<16xf32>
        %max3A_469 = arith.constant 0.000000e+00 : f32
        %max3A_470 = vector.broadcast %max3A_469 : f32 to vector<16xf32>
        %max3A_471 = arith.maximumf %add3A_468, %max3A_470 : vector<16xf32>
        %add3A_472 = arith.addf %scan3A_338, %max3A_471 : vector<16xf32>
        scf.yield %add3A_353, %add3A_370, %add3A_387, %add3A_404, %add3A_421, %add3A_438, %add3A_455, %add3A_472 : vector<16xf32>, vector<16xf32>, vector<16xf32>, vector<16xf32>, vector<16xf32>, vector<16xf32>, vector<16xf32>, vector<16xf32>
      }
      %scan3A_329 = arith.constant 8 : i32
      scf.yield %scan3A_328#0, %scan3A_328#1, %scan3A_328#2, %scan3A_328#3, %scan3A_328#4, %scan3A_328#5, %scan3A_328#6, %scan3A_328#7 : vector<16xf32>, vector<16xf32>, vector<16xf32>, vector<16xf32>, vector<16xf32>, vector<16xf32>, vector<16xf32>, vector<16xf32>
    }
    %scan3A_238 = arith.constant 32 : i32
    %add3A_239 = arith.constant 416 : i32
    %add3A_240 = arith.addi %add3A_4, %add3A_239 : i32
    %dma_start3A_241 = arith.constant 0 : i32
    %dma_start3A_242 = tpu.memref_slice %arg2[%add3A_240, %dma_start3A_241] : memref<32768x1024xf32, #tpu.memory_space<hbm>> -> memref<32x1024xf32, #tpu.memory_space<hbm>>
    %dma_start3A_243 = arith.constant 0 : i32
    %dma_start3A_244 = tpu.memref_slice %arg2[%add3A_240, %dma_start3A_243] : memref<32768x1024xf32, #tpu.memory_space<hbm>> -> memref<32x1024xf32, #tpu.memory_space<hbm>>
    tpu.enqueue_dma source(%dma_start3A_244 : memref<32x1024xf32, #tpu.memory_space<hbm>>) target(%arg5 : memref<32x1024xf32, #tpu.memory_space<vmem>>) target_semaphore(%arg8 : memref<!tpu.dma_semaphore, #tpu.memory_space<semaphore_mem>>)
    %add3A_245 = arith.constant 384 : i32
    %add3A_246 = arith.addi %add3A_4, %add3A_245 : i32
    %dma_wait3A_247 = arith.constant 0 : i32
    %dma_wait3A_248 = tpu.memref_slice %arg2[%add3A_246, %dma_wait3A_247] : memref<32768x1024xf32, #tpu.memory_space<hbm>> -> memref<32x1024xf32, #tpu.memory_space<hbm>>
    %dma_wait3A_249 = arith.constant 0 : i32
    %dma_wait3A_250 = tpu.memref_slice %arg2[%add3A_246, %dma_wait3A_249] : memref<32768x1024xf32, #tpu.memory_space<hbm>> -> memref<32x1024xf32, #tpu.memory_space<hbm>>
    tpu.wait_dma2 semaphore(%arg7 : memref<!tpu.dma_semaphore, #tpu.memory_space<semaphore_mem>>) src(%dma_wait3A_250 : memref<32x1024xf32, #tpu.memory_space<hbm>>) dst(%arg4 : memref<32x1024xf32, #tpu.memory_space<vmem>>)
    %scan3A_251 = arith.constant 0 : i32
    %scan3A_252 = arith.constant 32 : i32
    %scan3A_253 = arith.addi %scan3A_251, %scan3A_252 : i32
    %scan3A_254 = arith.constant 1 : i32
    %scan3A_255:8 = scf.for %scan3A_315 = %scan3A_251 to %scan3A_253 step %scan3A_254 iter_args(%scan3A_316 = %scan3A_237#0, %scan3A_317 = %scan3A_237#1, %scan3A_318 = %scan3A_237#2, %scan3A_319 = %scan3A_237#3, %scan3A_320 = %scan3A_237#4, %scan3A_321 = %scan3A_237#5, %scan3A_322 = %scan3A_237#6, %scan3A_323 = %scan3A_237#7) -> (vector<16xf32>, vector<16xf32>, vector<16xf32>, vector<16xf32>, vector<16xf32>, vector<16xf32>, vector<16xf32>, vector<16xf32>)  : i32 {
      %scan3A_324 = arith.constant 0 : i32
      %scan3A_325 = arith.constant 8 : i32
      %scan3A_326 = arith.addi %scan3A_324, %scan3A_325 : i32
      %scan3A_327 = arith.constant 1 : i32
      %scan3A_328:8 = scf.for %scan3A_330 = %scan3A_324 to %scan3A_326 step %scan3A_327 iter_args(%scan3A_331 = %scan3A_316, %scan3A_332 = %scan3A_317, %scan3A_333 = %scan3A_318, %scan3A_334 = %scan3A_319, %scan3A_335 = %scan3A_320, %scan3A_336 = %scan3A_321, %scan3A_337 = %scan3A_322, %scan3A_338 = %scan3A_323) -> (vector<16xf32>, vector<16xf32>, vector<16xf32>, vector<16xf32>, vector<16xf32>, vector<16xf32>, vector<16xf32>, vector<16xf32>)  : i32 {
        %mul3A_339 = arith.constant 8 : i32
        %mul3A_340 = arith.muli %scan3A_330, %mul3A_339 : i32
        %add3A_341 = arith.constant 0 : i32
        %add3A_342 = arith.addi %mul3A_340, %add3A_341 : i32
        %mul3A_343 = arith.constant 16 : i32
        %mul3A_344 = arith.muli %add3A_342, %mul3A_343 : i32
        %get3A = arith.index_cast %scan3A_315 : i32 to index
        %get3A_345 = arith.index_cast %mul3A_344 : i32 to index
        %get3A_346 = tpu.vector_load %arg4[%get3A, %get3A_345] {strides = array<i32>} : memref<32x1024xf32, #tpu.memory_space<vmem>>, vector<1x16xf32>,
        %get3A_347 = vector.shape_cast %get3A_346 : vector<1x16xf32> to vector<16xf32>
        %add3A_348 = arith.constant 2.000000e+00 : f32
        %add3A_349 = vector.broadcast %add3A_348 : f32 to vector<16xf32>
        %add3A_350 = arith.addf %get3A_347, %add3A_349 : vector<16xf32>
        %max3A = arith.constant 0.000000e+00 : f32
        %max3A_351 = vector.broadcast %max3A : f32 to vector<16xf32>
        %max3A_352 = arith.maximumf %add3A_350, %max3A_351 : vector<16xf32>
        %add3A_353 = arith.addf %scan3A_331, %max3A_352 : vector<16xf32>
        %mul3A_354 = arith.constant 8 : i32
        %mul3A_355 = arith.muli %scan3A_330, %mul3A_354 : i32
        %add3A_356 = arith.constant 1 : i32
        %add3A_357 = arith.addi %mul3A_355, %add3A_356 : i32
        %mul3A_358 = arith.constant 16 : i32
        %mul3A_359 = arith.muli %add3A_357, %mul3A_358 : i32
        %get3A_360 = arith.index_cast %scan3A_315 : i32 to index
        %get3A_361 = arith.index_cast %mul3A_359 : i32 to index
        %get3A_362 = tpu.vector_load %arg4[%get3A_360, %get3A_361] {strides = array<i32>} : memref<32x1024xf32, #tpu.memory_space<vmem>>, vector<1x16xf32>,
        %get3A_363 = vector.shape_cast %get3A_362 : vector<1x16xf32> to vector<16xf32>
        %add3A_364 = arith.constant 2.000000e+00 : f32
        %add3A_365 = vector.broadcast %add3A_364 : f32 to vector<16xf32>
        %add3A_366 = arith.addf %get3A_363, %add3A_365 : vector<16xf32>
        %max3A_367 = arith.constant 0.000000e+00 : f32
        %max3A_368 = vector.broadcast %max3A_367 : f32 to vector<16xf32>
        %max3A_369 = arith.maximumf %add3A_366, %max3A_368 : vector<16xf32>
        %add3A_370 = arith.addf %scan3A_332, %max3A_369 : vector<16xf32>
        %mul3A_371 = arith.constant 8 : i32
        %mul3A_372 = arith.muli %scan3A_330, %mul3A_371 : i32
        %add3A_373 = arith.constant 2 : i32
        %add3A_374 = arith.addi %mul3A_372, %add3A_373 : i32
        %mul3A_375 = arith.constant 16 : i32
        %mul3A_376 = arith.muli %add3A_374, %mul3A_375 : i32
        %get3A_377 = arith.index_cast %scan3A_315 : i32 to index
        %get3A_378 = arith.index_cast %mul3A_376 : i32 to index
        %get3A_379 = tpu.vector_load %arg4[%get3A_377, %get3A_378] {strides = array<i32>} : memref<32x1024xf32, #tpu.memory_space<vmem>>, vector<1x16xf32>,
        %get3A_380 = vector.shape_cast %get3A_379 : vector<1x16xf32> to vector<16xf32>
        %add3A_381 = arith.constant 2.000000e+00 : f32
        %add3A_382 = vector.broadcast %add3A_381 : f32 to vector<16xf32>
        %add3A_383 = arith.addf %get3A_380, %add3A_382 : vector<16xf32>
        %max3A_384 = arith.constant 0.000000e+00 : f32
        %max3A_385 = vector.broadcast %max3A_384 : f32 to vector<16xf32>
        %max3A_386 = arith.maximumf %add3A_383, %max3A_385 : vector<16xf32>
        %add3A_387 = arith.addf %scan3A_333, %max3A_386 : vector<16xf32>
        %mul3A_388 = arith.constant 8 : i32
        %mul3A_389 = arith.muli %scan3A_330, %mul3A_388 : i32
        %add3A_390 = arith.constant 3 : i32
        %add3A_391 = arith.addi %mul3A_389, %add3A_390 : i32
        %mul3A_392 = arith.constant 16 : i32
        %mul3A_393 = arith.muli %add3A_391, %mul3A_392 : i32
        %get3A_394 = arith.index_cast %scan3A_315 : i32 to index
        %get3A_395 = arith.index_cast %mul3A_393 : i32 to index
        %get3A_396 = tpu.vector_load %arg4[%get3A_394, %get3A_395] {strides = array<i32>} : memref<32x1024xf32, #tpu.memory_space<vmem>>, vector<1x16xf32>,
        %get3A_397 = vector.shape_cast %get3A_396 : vector<1x16xf32> to vector<16xf32>
        %add3A_398 = arith.constant 2.000000e+00 : f32
        %add3A_399 = vector.broadcast %add3A_398 : f32 to vector<16xf32>
        %add3A_400 = arith.addf %get3A_397, %add3A_399 : vector<16xf32>
        %max3A_401 = arith.constant 0.000000e+00 : f32
        %max3A_402 = vector.broadcast %max3A_401 : f32 to vector<16xf32>
        %max3A_403 = arith.maximumf %add3A_400, %max3A_402 : vector<16xf32>
        %add3A_404 = arith.addf %scan3A_334, %max3A_403 : vector<16xf32>
        %mul3A_405 = arith.constant 8 : i32
        %mul3A_406 = arith.muli %scan3A_330, %mul3A_405 : i32
        %add3A_407 = arith.constant 4 : i32
        %add3A_408 = arith.addi %mul3A_406, %add3A_407 : i32
        %mul3A_409 = arith.constant 16 : i32
        %mul3A_410 = arith.muli %add3A_408, %mul3A_409 : i32
        %get3A_411 = arith.index_cast %scan3A_315 : i32 to index
        %get3A_412 = arith.index_cast %mul3A_410 : i32 to index
        %get3A_413 = tpu.vector_load %arg4[%get3A_411, %get3A_412] {strides = array<i32>} : memref<32x1024xf32, #tpu.memory_space<vmem>>, vector<1x16xf32>,
        %get3A_414 = vector.shape_cast %get3A_413 : vector<1x16xf32> to vector<16xf32>
        %add3A_415 = arith.constant 2.000000e+00 : f32
        %add3A_416 = vector.broadcast %add3A_415 : f32 to vector<16xf32>
        %add3A_417 = arith.addf %get3A_414, %add3A_416 : vector<16xf32>
        %max3A_418 = arith.constant 0.000000e+00 : f32
        %max3A_419 = vector.broadcast %max3A_418 : f32 to vector<16xf32>
        %max3A_420 = arith.maximumf %add3A_417, %max3A_419 : vector<16xf32>
        %add3A_421 = arith.addf %scan3A_335, %max3A_420 : vector<16xf32>
        %mul3A_422 = arith.constant 8 : i32
        %mul3A_423 = arith.muli %scan3A_330, %mul3A_422 : i32
        %add3A_424 = arith.constant 5 : i32
        %add3A_425 = arith.addi %mul3A_423, %add3A_424 : i32
        %mul3A_426 = arith.constant 16 : i32
        %mul3A_427 = arith.muli %add3A_425, %mul3A_426 : i32
        %get3A_428 = arith.index_cast %scan3A_315 : i32 to index
        %get3A_429 = arith.index_cast %mul3A_427 : i32 to index
        %get3A_430 = tpu.vector_load %arg4[%get3A_428, %get3A_429] {strides = array<i32>} : memref<32x1024xf32, #tpu.memory_space<vmem>>, vector<1x16xf32>,
        %get3A_431 = vector.shape_cast %get3A_430 : vector<1x16xf32> to vector<16xf32>
        %add3A_432 = arith.constant 2.000000e+00 : f32
        %add3A_433 = vector.broadcast %add3A_432 : f32 to vector<16xf32>
        %add3A_434 = arith.addf %get3A_431, %add3A_433 : vector<16xf32>
        %max3A_435 = arith.constant 0.000000e+00 : f32
        %max3A_436 = vector.broadcast %max3A_435 : f32 to vector<16xf32>
        %max3A_437 = arith.maximumf %add3A_434, %max3A_436 : vector<16xf32>
        %add3A_438 = arith.addf %scan3A_336, %max3A_437 : vector<16xf32>
        %mul3A_439 = arith.constant 8 : i32
        %mul3A_440 = arith.muli %scan3A_330, %mul3A_439 : i32
        %add3A_441 = arith.constant 6 : i32
        %add3A_442 = arith.addi %mul3A_440, %add3A_441 : i32
        %mul3A_443 = arith.constant 16 : i32
        %mul3A_444 = arith.muli %add3A_442, %mul3A_443 : i32
        %get3A_445 = arith.index_cast %scan3A_315 : i32 to index
        %get3A_446 = arith.index_cast %mul3A_444 : i32 to index
        %get3A_447 = tpu.vector_load %arg4[%get3A_445, %get3A_446] {strides = array<i32>} : memref<32x1024xf32, #tpu.memory_space<vmem>>, vector<1x16xf32>,
        %get3A_448 = vector.shape_cast %get3A_447 : vector<1x16xf32> to vector<16xf32>
        %add3A_449 = arith.constant 2.000000e+00 : f32
        %add3A_450 = vector.broadcast %add3A_449 : f32 to vector<16xf32>
        %add3A_451 = arith.addf %get3A_448, %add3A_450 : vector<16xf32>
        %max3A_452 = arith.constant 0.000000e+00 : f32
        %max3A_453 = vector.broadcast %max3A_452 : f32 to vector<16xf32>
        %max3A_454 = arith.maximumf %add3A_451, %max3A_453 : vector<16xf32>
        %add3A_455 = arith.addf %scan3A_337, %max3A_454 : vector<16xf32>
        %mul3A_456 = arith.constant 8 : i32
        %mul3A_457 = arith.muli %scan3A_330, %mul3A_456 : i32
        %add3A_458 = arith.constant 7 : i32
        %add3A_459 = arith.addi %mul3A_457, %add3A_458 : i32
        %mul3A_460 = arith.constant 16 : i32
        %mul3A_461 = arith.muli %add3A_459, %mul3A_460 : i32
        %get3A_462 = arith.index_cast %scan3A_315 : i32 to index
        %get3A_463 = arith.index_cast %mul3A_461 : i32 to index
        %get3A_464 = tpu.vector_load %arg4[%get3A_462, %get3A_463] {strides = array<i32>} : memref<32x1024xf32, #tpu.memory_space<vmem>>, vector<1x16xf32>,
        %get3A_465 = vector.shape_cast %get3A_464 : vector<1x16xf32> to vector<16xf32>
        %add3A_466 = arith.constant 2.000000e+00 : f32
        %add3A_467 = vector.broadcast %add3A_466 : f32 to vector<16xf32>
        %add3A_468 = arith.addf %get3A_465, %add3A_467 : vector<16xf32>
        %max3A_469 = arith.constant 0.000000e+00 : f32
        %max3A_470 = vector.broadcast %max3A_469 : f32 to vector<16xf32>
        %max3A_471 = arith.maximumf %add3A_468, %max3A_470 : vector<16xf32>
        %add3A_472 = arith.addf %scan3A_338, %max3A_471 : vector<16xf32>
        scf.yield %add3A_353, %add3A_370, %add3A_387, %add3A_404, %add3A_421, %add3A_438, %add3A_455, %add3A_472 : vector<16xf32>, vector<16xf32>, vector<16xf32>, vector<16xf32>, vector<16xf32>, vector<16xf32>, vector<16xf32>, vector<16xf32>
      }
      %scan3A_329 = arith.constant 8 : i32
      scf.yield %scan3A_328#0, %scan3A_328#1, %scan3A_328#2, %scan3A_328#3, %scan3A_328#4, %scan3A_328#5, %scan3A_328#6, %scan3A_328#7 : vector<16xf32>, vector<16xf32>, vector<16xf32>, vector<16xf32>, vector<16xf32>, vector<16xf32>, vector<16xf32>, vector<16xf32>
    }
    %scan3A_256 = arith.constant 32 : i32
    %add3A_257 = arith.constant 448 : i32
    %add3A_258 = arith.addi %add3A_4, %add3A_257 : i32
    %dma_start3A_259 = arith.constant 0 : i32
    %dma_start3A_260 = tpu.memref_slice %arg2[%add3A_258, %dma_start3A_259] : memref<32768x1024xf32, #tpu.memory_space<hbm>> -> memref<32x1024xf32, #tpu.memory_space<hbm>>
    %dma_start3A_261 = arith.constant 0 : i32
    %dma_start3A_262 = tpu.memref_slice %arg2[%add3A_258, %dma_start3A_261] : memref<32768x1024xf32, #tpu.memory_space<hbm>> -> memref<32x1024xf32, #tpu.memory_space<hbm>>
    tpu.enqueue_dma source(%dma_start3A_262 : memref<32x1024xf32, #tpu.memory_space<hbm>>) target(%arg4 : memref<32x1024xf32, #tpu.memory_space<vmem>>) target_semaphore(%arg7 : memref<!tpu.dma_semaphore, #tpu.memory_space<semaphore_mem>>)
    %add3A_263 = arith.constant 416 : i32
    %add3A_264 = arith.addi %add3A_4, %add3A_263 : i32
    %dma_wait3A_265 = arith.constant 0 : i32
    %dma_wait3A_266 = tpu.memref_slice %arg2[%add3A_264, %dma_wait3A_265] : memref<32768x1024xf32, #tpu.memory_space<hbm>> -> memref<32x1024xf32, #tpu.memory_space<hbm>>
    %dma_wait3A_267 = arith.constant 0 : i32
    %dma_wait3A_268 = tpu.memref_slice %arg2[%add3A_264, %dma_wait3A_267] : memref<32768x1024xf32, #tpu.memory_space<hbm>> -> memref<32x1024xf32, #tpu.memory_space<hbm>>
    tpu.wait_dma2 semaphore(%arg8 : memref<!tpu.dma_semaphore, #tpu.memory_space<semaphore_mem>>) src(%dma_wait3A_268 : memref<32x1024xf32, #tpu.memory_space<hbm>>) dst(%arg5 : memref<32x1024xf32, #tpu.memory_space<vmem>>)
    %scan3A_269 = arith.constant 0 : i32
    %scan3A_270 = arith.constant 32 : i32
    %scan3A_271 = arith.addi %scan3A_269, %scan3A_270 : i32
    %scan3A_272 = arith.constant 1 : i32
    %scan3A_273:8 = scf.for %scan3A_315 = %scan3A_269 to %scan3A_271 step %scan3A_272 iter_args(%scan3A_316 = %scan3A_255#0, %scan3A_317 = %scan3A_255#1, %scan3A_318 = %scan3A_255#2, %scan3A_319 = %scan3A_255#3, %scan3A_320 = %scan3A_255#4, %scan3A_321 = %scan3A_255#5, %scan3A_322 = %scan3A_255#6, %scan3A_323 = %scan3A_255#7) -> (vector<16xf32>, vector<16xf32>, vector<16xf32>, vector<16xf32>, vector<16xf32>, vector<16xf32>, vector<16xf32>, vector<16xf32>)  : i32 {
      %scan3A_324 = arith.constant 0 : i32
      %scan3A_325 = arith.constant 8 : i32
      %scan3A_326 = arith.addi %scan3A_324, %scan3A_325 : i32
      %scan3A_327 = arith.constant 1 : i32
      %scan3A_328:8 = scf.for %scan3A_330 = %scan3A_324 to %scan3A_326 step %scan3A_327 iter_args(%scan3A_331 = %scan3A_316, %scan3A_332 = %scan3A_317, %scan3A_333 = %scan3A_318, %scan3A_334 = %scan3A_319, %scan3A_335 = %scan3A_320, %scan3A_336 = %scan3A_321, %scan3A_337 = %scan3A_322, %scan3A_338 = %scan3A_323) -> (vector<16xf32>, vector<16xf32>, vector<16xf32>, vector<16xf32>, vector<16xf32>, vector<16xf32>, vector<16xf32>, vector<16xf32>)  : i32 {
        %mul3A_339 = arith.constant 8 : i32
        %mul3A_340 = arith.muli %scan3A_330, %mul3A_339 : i32
        %add3A_341 = arith.constant 0 : i32
        %add3A_342 = arith.addi %mul3A_340, %add3A_341 : i32
        %mul3A_343 = arith.constant 16 : i32
        %mul3A_344 = arith.muli %add3A_342, %mul3A_343 : i32
        %get3A = arith.index_cast %scan3A_315 : i32 to index
        %get3A_345 = arith.index_cast %mul3A_344 : i32 to index
        %get3A_346 = tpu.vector_load %arg5[%get3A, %get3A_345] {strides = array<i32>} : memref<32x1024xf32, #tpu.memory_space<vmem>>, vector<1x16xf32>,
        %get3A_347 = vector.shape_cast %get3A_346 : vector<1x16xf32> to vector<16xf32>
        %add3A_348 = arith.constant 2.000000e+00 : f32
        %add3A_349 = vector.broadcast %add3A_348 : f32 to vector<16xf32>
        %add3A_350 = arith.addf %get3A_347, %add3A_349 : vector<16xf32>
        %max3A = arith.constant 0.000000e+00 : f32
        %max3A_351 = vector.broadcast %max3A : f32 to vector<16xf32>
        %max3A_352 = arith.maximumf %add3A_350, %max3A_351 : vector<16xf32>
        %add3A_353 = arith.addf %scan3A_331, %max3A_352 : vector<16xf32>
        %mul3A_354 = arith.constant 8 : i32
        %mul3A_355 = arith.muli %scan3A_330, %mul3A_354 : i32
        %add3A_356 = arith.constant 1 : i32
        %add3A_357 = arith.addi %mul3A_355, %add3A_356 : i32
        %mul3A_358 = arith.constant 16 : i32
        %mul3A_359 = arith.muli %add3A_357, %mul3A_358 : i32
        %get3A_360 = arith.index_cast %scan3A_315 : i32 to index
        %get3A_361 = arith.index_cast %mul3A_359 : i32 to index
        %get3A_362 = tpu.vector_load %arg5[%get3A_360, %get3A_361] {strides = array<i32>} : memref<32x1024xf32, #tpu.memory_space<vmem>>, vector<1x16xf32>,
        %get3A_363 = vector.shape_cast %get3A_362 : vector<1x16xf32> to vector<16xf32>
        %add3A_364 = arith.constant 2.000000e+00 : f32
        %add3A_365 = vector.broadcast %add3A_364 : f32 to vector<16xf32>
        %add3A_366 = arith.addf %get3A_363, %add3A_365 : vector<16xf32>
        %max3A_367 = arith.constant 0.000000e+00 : f32
        %max3A_368 = vector.broadcast %max3A_367 : f32 to vector<16xf32>
        %max3A_369 = arith.maximumf %add3A_366, %max3A_368 : vector<16xf32>
        %add3A_370 = arith.addf %scan3A_332, %max3A_369 : vector<16xf32>
        %mul3A_371 = arith.constant 8 : i32
        %mul3A_372 = arith.muli %scan3A_330, %mul3A_371 : i32
        %add3A_373 = arith.constant 2 : i32
        %add3A_374 = arith.addi %mul3A_372, %add3A_373 : i32
        %mul3A_375 = arith.constant 16 : i32
        %mul3A_376 = arith.muli %add3A_374, %mul3A_375 : i32
        %get3A_377 = arith.index_cast %scan3A_315 : i32 to index
        %get3A_378 = arith.index_cast %mul3A_376 : i32 to index
        %get3A_379 = tpu.vector_load %arg5[%get3A_377, %get3A_378] {strides = array<i32>} : memref<32x1024xf32, #tpu.memory_space<vmem>>, vector<1x16xf32>,
        %get3A_380 = vector.shape_cast %get3A_379 : vector<1x16xf32> to vector<16xf32>
        %add3A_381 = arith.constant 2.000000e+00 : f32
        %add3A_382 = vector.broadcast %add3A_381 : f32 to vector<16xf32>
        %add3A_383 = arith.addf %get3A_380, %add3A_382 : vector<16xf32>
        %max3A_384 = arith.constant 0.000000e+00 : f32
        %max3A_385 = vector.broadcast %max3A_384 : f32 to vector<16xf32>
        %max3A_386 = arith.maximumf %add3A_383, %max3A_385 : vector<16xf32>
        %add3A_387 = arith.addf %scan3A_333, %max3A_386 : vector<16xf32>
        %mul3A_388 = arith.constant 8 : i32
        %mul3A_389 = arith.muli %scan3A_330, %mul3A_388 : i32
        %add3A_390 = arith.constant 3 : i32
        %add3A_391 = arith.addi %mul3A_389, %add3A_390 : i32
        %mul3A_392 = arith.constant 16 : i32
        %mul3A_393 = arith.muli %add3A_391, %mul3A_392 : i32
        %get3A_394 = arith.index_cast %scan3A_315 : i32 to index
        %get3A_395 = arith.index_cast %mul3A_393 : i32 to index
        %get3A_396 = tpu.vector_load %arg5[%get3A_394, %get3A_395] {strides = array<i32>} : memref<32x1024xf32, #tpu.memory_space<vmem>>, vector<1x16xf32>,
        %get3A_397 = vector.shape_cast %get3A_396 : vector<1x16xf32> to vector<16xf32>
        %add3A_398 = arith.constant 2.000000e+00 : f32
        %add3A_399 = vector.broadcast %add3A_398 : f32 to vector<16xf32>
        %add3A_400 = arith.addf %get3A_397, %add3A_399 : vector<16xf32>
        %max3A_401 = arith.constant 0.000000e+00 : f32
        %max3A_402 = vector.broadcast %max3A_401 : f32 to vector<16xf32>
        %max3A_403 = arith.maximumf %add3A_400, %max3A_402 : vector<16xf32>
        %add3A_404 = arith.addf %scan3A_334, %max3A_403 : vector<16xf32>
        %mul3A_405 = arith.constant 8 : i32
        %mul3A_406 = arith.muli %scan3A_330, %mul3A_405 : i32
        %add3A_407 = arith.constant 4 : i32
        %add3A_408 = arith.addi %mul3A_406, %add3A_407 : i32
        %mul3A_409 = arith.constant 16 : i32
        %mul3A_410 = arith.muli %add3A_408, %mul3A_409 : i32
        %get3A_411 = arith.index_cast %scan3A_315 : i32 to index
        %get3A_412 = arith.index_cast %mul3A_410 : i32 to index
        %get3A_413 = tpu.vector_load %arg5[%get3A_411, %get3A_412] {strides = array<i32>} : memref<32x1024xf32, #tpu.memory_space<vmem>>, vector<1x16xf32>,
        %get3A_414 = vector.shape_cast %get3A_413 : vector<1x16xf32> to vector<16xf32>
        %add3A_415 = arith.constant 2.000000e+00 : f32
        %add3A_416 = vector.broadcast %add3A_415 : f32 to vector<16xf32>
        %add3A_417 = arith.addf %get3A_414, %add3A_416 : vector<16xf32>
        %max3A_418 = arith.constant 0.000000e+00 : f32
        %max3A_419 = vector.broadcast %max3A_418 : f32 to vector<16xf32>
        %max3A_420 = arith.maximumf %add3A_417, %max3A_419 : vector<16xf32>
        %add3A_421 = arith.addf %scan3A_335, %max3A_420 : vector<16xf32>
        %mul3A_422 = arith.constant 8 : i32
        %mul3A_423 = arith.muli %scan3A_330, %mul3A_422 : i32
        %add3A_424 = arith.constant 5 : i32
        %add3A_425 = arith.addi %mul3A_423, %add3A_424 : i32
        %mul3A_426 = arith.constant 16 : i32
        %mul3A_427 = arith.muli %add3A_425, %mul3A_426 : i32
        %get3A_428 = arith.index_cast %scan3A_315 : i32 to index
        %get3A_429 = arith.index_cast %mul3A_427 : i32 to index
        %get3A_430 = tpu.vector_load %arg5[%get3A_428, %get3A_429] {strides = array<i32>} : memref<32x1024xf32, #tpu.memory_space<vmem>>, vector<1x16xf32>,
        %get3A_431 = vector.shape_cast %get3A_430 : vector<1x16xf32> to vector<16xf32>
        %add3A_432 = arith.constant 2.000000e+00 : f32
        %add3A_433 = vector.broadcast %add3A_432 : f32 to vector<16xf32>
        %add3A_434 = arith.addf %get3A_431, %add3A_433 : vector<16xf32>
        %max3A_435 = arith.constant 0.000000e+00 : f32
        %max3A_436 = vector.broadcast %max3A_435 : f32 to vector<16xf32>
        %max3A_437 = arith.maximumf %add3A_434, %max3A_436 : vector<16xf32>
        %add3A_438 = arith.addf %scan3A_336, %max3A_437 : vector<16xf32>
        %mul3A_439 = arith.constant 8 : i32
        %mul3A_440 = arith.muli %scan3A_330, %mul3A_439 : i32
        %add3A_441 = arith.constant 6 : i32
        %add3A_442 = arith.addi %mul3A_440, %add3A_441 : i32
        %mul3A_443 = arith.constant 16 : i32
        %mul3A_444 = arith.muli %add3A_442, %mul3A_443 : i32
        %get3A_445 = arith.index_cast %scan3A_315 : i32 to index
        %get3A_446 = arith.index_cast %mul3A_444 : i32 to index
        %get3A_447 = tpu.vector_load %arg5[%get3A_445, %get3A_446] {strides = array<i32>} : memref<32x1024xf32, #tpu.memory_space<vmem>>, vector<1x16xf32>,
        %get3A_448 = vector.shape_cast %get3A_447 : vector<1x16xf32> to vector<16xf32>
        %add3A_449 = arith.constant 2.000000e+00 : f32
        %add3A_450 = vector.broadcast %add3A_449 : f32 to vector<16xf32>
        %add3A_451 = arith.addf %get3A_448, %add3A_450 : vector<16xf32>
        %max3A_452 = arith.constant 0.000000e+00 : f32
        %max3A_453 = vector.broadcast %max3A_452 : f32 to vector<16xf32>
        %max3A_454 = arith.maximumf %add3A_451, %max3A_453 : vector<16xf32>
        %add3A_455 = arith.addf %scan3A_337, %max3A_454 : vector<16xf32>
        %mul3A_456 = arith.constant 8 : i32
        %mul3A_457 = arith.muli %scan3A_330, %mul3A_456 : i32
        %add3A_458 = arith.constant 7 : i32
        %add3A_459 = arith.addi %mul3A_457, %add3A_458 : i32
        %mul3A_460 = arith.constant 16 : i32
        %mul3A_461 = arith.muli %add3A_459, %mul3A_460 : i32
        %get3A_462 = arith.index_cast %scan3A_315 : i32 to index
        %get3A_463 = arith.index_cast %mul3A_461 : i32 to index
        %get3A_464 = tpu.vector_load %arg5[%get3A_462, %get3A_463] {strides = array<i32>} : memref<32x1024xf32, #tpu.memory_space<vmem>>, vector<1x16xf32>,
        %get3A_465 = vector.shape_cast %get3A_464 : vector<1x16xf32> to vector<16xf32>
        %add3A_466 = arith.constant 2.000000e+00 : f32
        %add3A_467 = vector.broadcast %add3A_466 : f32 to vector<16xf32>
        %add3A_468 = arith.addf %get3A_465, %add3A_467 : vector<16xf32>
        %max3A_469 = arith.constant 0.000000e+00 : f32
        %max3A_470 = vector.broadcast %max3A_469 : f32 to vector<16xf32>
        %max3A_471 = arith.maximumf %add3A_468, %max3A_470 : vector<16xf32>
        %add3A_472 = arith.addf %scan3A_338, %max3A_471 : vector<16xf32>
        scf.yield %add3A_353, %add3A_370, %add3A_387, %add3A_404, %add3A_421, %add3A_438, %add3A_455, %add3A_472 : vector<16xf32>, vector<16xf32>, vector<16xf32>, vector<16xf32>, vector<16xf32>, vector<16xf32>, vector<16xf32>, vector<16xf32>
      }
      %scan3A_329 = arith.constant 8 : i32
      scf.yield %scan3A_328#0, %scan3A_328#1, %scan3A_328#2, %scan3A_328#3, %scan3A_328#4, %scan3A_328#5, %scan3A_328#6, %scan3A_328#7 : vector<16xf32>, vector<16xf32>, vector<16xf32>, vector<16xf32>, vector<16xf32>, vector<16xf32>, vector<16xf32>, vector<16xf32>
    }
    %scan3A_274 = arith.constant 32 : i32
    %add3A_275 = arith.constant 480 : i32
    %add3A_276 = arith.addi %add3A_4, %add3A_275 : i32
    %dma_start3A_277 = arith.constant 0 : i32
    %dma_start3A_278 = tpu.memref_slice %arg2[%add3A_276, %dma_start3A_277] : memref<32768x1024xf32, #tpu.memory_space<hbm>> -> memref<32x1024xf32, #tpu.memory_space<hbm>>
    %dma_start3A_279 = arith.constant 0 : i32
    %dma_start3A_280 = tpu.memref_slice %arg2[%add3A_276, %dma_start3A_279] : memref<32768x1024xf32, #tpu.memory_space<hbm>> -> memref<32x1024xf32, #tpu.memory_space<hbm>>
    tpu.enqueue_dma source(%dma_start3A_280 : memref<32x1024xf32, #tpu.memory_space<hbm>>) target(%arg5 : memref<32x1024xf32, #tpu.memory_space<vmem>>) target_semaphore(%arg8 : memref<!tpu.dma_semaphore, #tpu.memory_space<semaphore_mem>>)
    %add3A_281 = arith.constant 448 : i32
    %add3A_282 = arith.addi %add3A_4, %add3A_281 : i32
    %dma_wait3A_283 = arith.constant 0 : i32
    %dma_wait3A_284 = tpu.memref_slice %arg2[%add3A_282, %dma_wait3A_283] : memref<32768x1024xf32, #tpu.memory_space<hbm>> -> memref<32x1024xf32, #tpu.memory_space<hbm>>
    %dma_wait3A_285 = arith.constant 0 : i32
    %dma_wait3A_286 = tpu.memref_slice %arg2[%add3A_282, %dma_wait3A_285] : memref<32768x1024xf32, #tpu.memory_space<hbm>> -> memref<32x1024xf32, #tpu.memory_space<hbm>>
    tpu.wait_dma2 semaphore(%arg7 : memref<!tpu.dma_semaphore, #tpu.memory_space<semaphore_mem>>) src(%dma_wait3A_286 : memref<32x1024xf32, #tpu.memory_space<hbm>>) dst(%arg4 : memref<32x1024xf32, #tpu.memory_space<vmem>>)
    %scan3A_287 = arith.constant 0 : i32
    %scan3A_288 = arith.constant 32 : i32
    %scan3A_289 = arith.addi %scan3A_287, %scan3A_288 : i32
    %scan3A_290 = arith.constant 1 : i32
    %scan3A_291:8 = scf.for %scan3A_315 = %scan3A_287 to %scan3A_289 step %scan3A_290 iter_args(%scan3A_316 = %scan3A_273#0, %scan3A_317 = %scan3A_273#1, %scan3A_318 = %scan3A_273#2, %scan3A_319 = %scan3A_273#3, %scan3A_320 = %scan3A_273#4, %scan3A_321 = %scan3A_273#5, %scan3A_322 = %scan3A_273#6, %scan3A_323 = %scan3A_273#7) -> (vector<16xf32>, vector<16xf32>, vector<16xf32>, vector<16xf32>, vector<16xf32>, vector<16xf32>, vector<16xf32>, vector<16xf32>)  : i32 {
      %scan3A_324 = arith.constant 0 : i32
      %scan3A_325 = arith.constant 8 : i32
      %scan3A_326 = arith.addi %scan3A_324, %scan3A_325 : i32
      %scan3A_327 = arith.constant 1 : i32
      %scan3A_328:8 = scf.for %scan3A_330 = %scan3A_324 to %scan3A_326 step %scan3A_327 iter_args(%scan3A_331 = %scan3A_316, %scan3A_332 = %scan3A_317, %scan3A_333 = %scan3A_318, %scan3A_334 = %scan3A_319, %scan3A_335 = %scan3A_320, %scan3A_336 = %scan3A_321, %scan3A_337 = %scan3A_322, %scan3A_338 = %scan3A_323) -> (vector<16xf32>, vector<16xf32>, vector<16xf32>, vector<16xf32>, vector<16xf32>, vector<16xf32>, vector<16xf32>, vector<16xf32>)  : i32 {
        %mul3A_339 = arith.constant 8 : i32
        %mul3A_340 = arith.muli %scan3A_330, %mul3A_339 : i32
        %add3A_341 = arith.constant 0 : i32
        %add3A_342 = arith.addi %mul3A_340, %add3A_341 : i32
        %mul3A_343 = arith.constant 16 : i32
        %mul3A_344 = arith.muli %add3A_342, %mul3A_343 : i32
        %get3A = arith.index_cast %scan3A_315 : i32 to index
        %get3A_345 = arith.index_cast %mul3A_344 : i32 to index
        %get3A_346 = tpu.vector_load %arg4[%get3A, %get3A_345] {strides = array<i32>} : memref<32x1024xf32, #tpu.memory_space<vmem>>, vector<1x16xf32>,
        %get3A_347 = vector.shape_cast %get3A_346 : vector<1x16xf32> to vector<16xf32>
        %add3A_348 = arith.constant 2.000000e+00 : f32
        %add3A_349 = vector.broadcast %add3A_348 : f32 to vector<16xf32>
        %add3A_350 = arith.addf %get3A_347, %add3A_349 : vector<16xf32>
        %max3A = arith.constant 0.000000e+00 : f32
        %max3A_351 = vector.broadcast %max3A : f32 to vector<16xf32>
        %max3A_352 = arith.maximumf %add3A_350, %max3A_351 : vector<16xf32>
        %add3A_353 = arith.addf %scan3A_331, %max3A_352 : vector<16xf32>
        %mul3A_354 = arith.constant 8 : i32
        %mul3A_355 = arith.muli %scan3A_330, %mul3A_354 : i32
        %add3A_356 = arith.constant 1 : i32
        %add3A_357 = arith.addi %mul3A_355, %add3A_356 : i32
        %mul3A_358 = arith.constant 16 : i32
        %mul3A_359 = arith.muli %add3A_357, %mul3A_358 : i32
        %get3A_360 = arith.index_cast %scan3A_315 : i32 to index
        %get3A_361 = arith.index_cast %mul3A_359 : i32 to index
        %get3A_362 = tpu.vector_load %arg4[%get3A_360, %get3A_361] {strides = array<i32>} : memref<32x1024xf32, #tpu.memory_space<vmem>>, vector<1x16xf32>,
        %get3A_363 = vector.shape_cast %get3A_362 : vector<1x16xf32> to vector<16xf32>
        %add3A_364 = arith.constant 2.000000e+00 : f32
        %add3A_365 = vector.broadcast %add3A_364 : f32 to vector<16xf32>
        %add3A_366 = arith.addf %get3A_363, %add3A_365 : vector<16xf32>
        %max3A_367 = arith.constant 0.000000e+00 : f32
        %max3A_368 = vector.broadcast %max3A_367 : f32 to vector<16xf32>
        %max3A_369 = arith.maximumf %add3A_366, %max3A_368 : vector<16xf32>
        %add3A_370 = arith.addf %scan3A_332, %max3A_369 : vector<16xf32>
        %mul3A_371 = arith.constant 8 : i32
        %mul3A_372 = arith.muli %scan3A_330, %mul3A_371 : i32
        %add3A_373 = arith.constant 2 : i32
        %add3A_374 = arith.addi %mul3A_372, %add3A_373 : i32
        %mul3A_375 = arith.constant 16 : i32
        %mul3A_376 = arith.muli %add3A_374, %mul3A_375 : i32
        %get3A_377 = arith.index_cast %scan3A_315 : i32 to index
        %get3A_378 = arith.index_cast %mul3A_376 : i32 to index
        %get3A_379 = tpu.vector_load %arg4[%get3A_377, %get3A_378] {strides = array<i32>} : memref<32x1024xf32, #tpu.memory_space<vmem>>, vector<1x16xf32>,
        %get3A_380 = vector.shape_cast %get3A_379 : vector<1x16xf32> to vector<16xf32>
        %add3A_381 = arith.constant 2.000000e+00 : f32
        %add3A_382 = vector.broadcast %add3A_381 : f32 to vector<16xf32>
        %add3A_383 = arith.addf %get3A_380, %add3A_382 : vector<16xf32>
        %max3A_384 = arith.constant 0.000000e+00 : f32
        %max3A_385 = vector.broadcast %max3A_384 : f32 to vector<16xf32>
        %max3A_386 = arith.maximumf %add3A_383, %max3A_385 : vector<16xf32>
        %add3A_387 = arith.addf %scan3A_333, %max3A_386 : vector<16xf32>
        %mul3A_388 = arith.constant 8 : i32
        %mul3A_389 = arith.muli %scan3A_330, %mul3A_388 : i32
        %add3A_390 = arith.constant 3 : i32
        %add3A_391 = arith.addi %mul3A_389, %add3A_390 : i32
        %mul3A_392 = arith.constant 16 : i32
        %mul3A_393 = arith.muli %add3A_391, %mul3A_392 : i32
        %get3A_394 = arith.index_cast %scan3A_315 : i32 to index
        %get3A_395 = arith.index_cast %mul3A_393 : i32 to index
        %get3A_396 = tpu.vector_load %arg4[%get3A_394, %get3A_395] {strides = array<i32>} : memref<32x1024xf32, #tpu.memory_space<vmem>>, vector<1x16xf32>,
        %get3A_397 = vector.shape_cast %get3A_396 : vector<1x16xf32> to vector<16xf32>
        %add3A_398 = arith.constant 2.000000e+00 : f32
        %add3A_399 = vector.broadcast %add3A_398 : f32 to vector<16xf32>
        %add3A_400 = arith.addf %get3A_397, %add3A_399 : vector<16xf32>
        %max3A_401 = arith.constant 0.000000e+00 : f32
        %max3A_402 = vector.broadcast %max3A_401 : f32 to vector<16xf32>
        %max3A_403 = arith.maximumf %add3A_400, %max3A_402 : vector<16xf32>
        %add3A_404 = arith.addf %scan3A_334, %max3A_403 : vector<16xf32>
        %mul3A_405 = arith.constant 8 : i32
        %mul3A_406 = arith.muli %scan3A_330, %mul3A_405 : i32
        %add3A_407 = arith.constant 4 : i32
        %add3A_408 = arith.addi %mul3A_406, %add3A_407 : i32
        %mul3A_409 = arith.constant 16 : i32
        %mul3A_410 = arith.muli %add3A_408, %mul3A_409 : i32
        %get3A_411 = arith.index_cast %scan3A_315 : i32 to index
        %get3A_412 = arith.index_cast %mul3A_410 : i32 to index
        %get3A_413 = tpu.vector_load %arg4[%get3A_411, %get3A_412] {strides = array<i32>} : memref<32x1024xf32, #tpu.memory_space<vmem>>, vector<1x16xf32>,
        %get3A_414 = vector.shape_cast %get3A_413 : vector<1x16xf32> to vector<16xf32>
        %add3A_415 = arith.constant 2.000000e+00 : f32
        %add3A_416 = vector.broadcast %add3A_415 : f32 to vector<16xf32>
        %add3A_417 = arith.addf %get3A_414, %add3A_416 : vector<16xf32>
        %max3A_418 = arith.constant 0.000000e+00 : f32
        %max3A_419 = vector.broadcast %max3A_418 : f32 to vector<16xf32>
        %max3A_420 = arith.maximumf %add3A_417, %max3A_419 : vector<16xf32>
        %add3A_421 = arith.addf %scan3A_335, %max3A_420 : vector<16xf32>
        %mul3A_422 = arith.constant 8 : i32
        %mul3A_423 = arith.muli %scan3A_330, %mul3A_422 : i32
        %add3A_424 = arith.constant 5 : i32
        %add3A_425 = arith.addi %mul3A_423, %add3A_424 : i32
        %mul3A_426 = arith.constant 16 : i32
        %mul3A_427 = arith.muli %add3A_425, %mul3A_426 : i32
        %get3A_428 = arith.index_cast %scan3A_315 : i32 to index
        %get3A_429 = arith.index_cast %mul3A_427 : i32 to index
        %get3A_430 = tpu.vector_load %arg4[%get3A_428, %get3A_429] {strides = array<i32>} : memref<32x1024xf32, #tpu.memory_space<vmem>>, vector<1x16xf32>,
        %get3A_431 = vector.shape_cast %get3A_430 : vector<1x16xf32> to vector<16xf32>
        %add3A_432 = arith.constant 2.000000e+00 : f32
        %add3A_433 = vector.broadcast %add3A_432 : f32 to vector<16xf32>
        %add3A_434 = arith.addf %get3A_431, %add3A_433 : vector<16xf32>
        %max3A_435 = arith.constant 0.000000e+00 : f32
        %max3A_436 = vector.broadcast %max3A_435 : f32 to vector<16xf32>
        %max3A_437 = arith.maximumf %add3A_434, %max3A_436 : vector<16xf32>
        %add3A_438 = arith.addf %scan3A_336, %max3A_437 : vector<16xf32>
        %mul3A_439 = arith.constant 8 : i32
        %mul3A_440 = arith.muli %scan3A_330, %mul3A_439 : i32
        %add3A_441 = arith.constant 6 : i32
        %add3A_442 = arith.addi %mul3A_440, %add3A_441 : i32
        %mul3A_443 = arith.constant 16 : i32
        %mul3A_444 = arith.muli %add3A_442, %mul3A_443 : i32
        %get3A_445 = arith.index_cast %scan3A_315 : i32 to index
        %get3A_446 = arith.index_cast %mul3A_444 : i32 to index
        %get3A_447 = tpu.vector_load %arg4[%get3A_445, %get3A_446] {strides = array<i32>} : memref<32x1024xf32, #tpu.memory_space<vmem>>, vector<1x16xf32>,
        %get3A_448 = vector.shape_cast %get3A_447 : vector<1x16xf32> to vector<16xf32>
        %add3A_449 = arith.constant 2.000000e+00 : f32
        %add3A_450 = vector.broadcast %add3A_449 : f32 to vector<16xf32>
        %add3A_451 = arith.addf %get3A_448, %add3A_450 : vector<16xf32>
        %max3A_452 = arith.constant 0.000000e+00 : f32
        %max3A_453 = vector.broadcast %max3A_452 : f32 to vector<16xf32>
        %max3A_454 = arith.maximumf %add3A_451, %max3A_453 : vector<16xf32>
        %add3A_455 = arith.addf %scan3A_337, %max3A_454 : vector<16xf32>
        %mul3A_456 = arith.constant 8 : i32
        %mul3A_457 = arith.muli %scan3A_330, %mul3A_456 : i32
        %add3A_458 = arith.constant 7 : i32
        %add3A_459 = arith.addi %mul3A_457, %add3A_458 : i32
        %mul3A_460 = arith.constant 16 : i32
        %mul3A_461 = arith.muli %add3A_459, %mul3A_460 : i32
        %get3A_462 = arith.index_cast %scan3A_315 : i32 to index
        %get3A_463 = arith.index_cast %mul3A_461 : i32 to index
        %get3A_464 = tpu.vector_load %arg4[%get3A_462, %get3A_463] {strides = array<i32>} : memref<32x1024xf32, #tpu.memory_space<vmem>>, vector<1x16xf32>,
        %get3A_465 = vector.shape_cast %get3A_464 : vector<1x16xf32> to vector<16xf32>
        %add3A_466 = arith.constant 2.000000e+00 : f32
        %add3A_467 = vector.broadcast %add3A_466 : f32 to vector<16xf32>
        %add3A_468 = arith.addf %get3A_465, %add3A_467 : vector<16xf32>
        %max3A_469 = arith.constant 0.000000e+00 : f32
        %max3A_470 = vector.broadcast %max3A_469 : f32 to vector<16xf32>
        %max3A_471 = arith.maximumf %add3A_468, %max3A_470 : vector<16xf32>
        %add3A_472 = arith.addf %scan3A_338, %max3A_471 : vector<16xf32>
        scf.yield %add3A_353, %add3A_370, %add3A_387, %add3A_404, %add3A_421, %add3A_438, %add3A_455, %add3A_472 : vector<16xf32>, vector<16xf32>, vector<16xf32>, vector<16xf32>, vector<16xf32>, vector<16xf32>, vector<16xf32>, vector<16xf32>
      }
      %scan3A_329 = arith.constant 8 : i32
      scf.yield %scan3A_328#0, %scan3A_328#1, %scan3A_328#2, %scan3A_328#3, %scan3A_328#4, %scan3A_328#5, %scan3A_328#6, %scan3A_328#7 : vector<16xf32>, vector<16xf32>, vector<16xf32>, vector<16xf32>, vector<16xf32>, vector<16xf32>, vector<16xf32>, vector<16xf32>
    }
    %scan3A_292 = arith.constant 32 : i32
    %add3A_293 = arith.constant 480 : i32
    %add3A_294 = arith.addi %add3A_4, %add3A_293 : i32
    %dma_wait3A_295 = arith.constant 0 : i32
    %dma_wait3A_296 = tpu.memref_slice %arg2[%add3A_294, %dma_wait3A_295] : memref<32768x1024xf32, #tpu.memory_space<hbm>> -> memref<32x1024xf32, #tpu.memory_space<hbm>>
    %dma_wait3A_297 = arith.constant 0 : i32
    %dma_wait3A_298 = tpu.memref_slice %arg2[%add3A_294, %dma_wait3A_297] : memref<32768x1024xf32, #tpu.memory_space<hbm>> -> memref<32x1024xf32, #tpu.memory_space<hbm>>
    tpu.wait_dma2 semaphore(%arg8 : memref<!tpu.dma_semaphore, #tpu.memory_space<semaphore_mem>>) src(%dma_wait3A_298 : memref<32x1024xf32, #tpu.memory_space<hbm>>) dst(%arg5 : memref<32x1024xf32, #tpu.memory_space<vmem>>)
    %scan3A_299 = arith.constant 0 : i32
    %scan3A_300 = arith.constant 32 : i32
    %scan3A_301 = arith.addi %scan3A_299, %scan3A_300 : i32
    %scan3A_302 = arith.constant 1 : i32
    %scan3A_303:8 = scf.for %scan3A_315 = %scan3A_299 to %scan3A_301 step %scan3A_302 iter_args(%scan3A_316 = %scan3A_291#0, %scan3A_317 = %scan3A_291#1, %scan3A_318 = %scan3A_291#2, %scan3A_319 = %scan3A_291#3, %scan3A_320 = %scan3A_291#4, %scan3A_321 = %scan3A_291#5, %scan3A_322 = %scan3A_291#6, %scan3A_323 = %scan3A_291#7) -> (vector<16xf32>, vector<16xf32>, vector<16xf32>, vector<16xf32>, vector<16xf32>, vector<16xf32>, vector<16xf32>, vector<16xf32>)  : i32 {
      %scan3A_324 = arith.constant 0 : i32
      %scan3A_325 = arith.constant 8 : i32
      %scan3A_326 = arith.addi %scan3A_324, %scan3A_325 : i32
      %scan3A_327 = arith.constant 1 : i32
      %scan3A_328:8 = scf.for %scan3A_330 = %scan3A_324 to %scan3A_326 step %scan3A_327 iter_args(%scan3A_331 = %scan3A_316, %scan3A_332 = %scan3A_317, %scan3A_333 = %scan3A_318, %scan3A_334 = %scan3A_319, %scan3A_335 = %scan3A_320, %scan3A_336 = %scan3A_321, %scan3A_337 = %scan3A_322, %scan3A_338 = %scan3A_323) -> (vector<16xf32>, vector<16xf32>, vector<16xf32>, vector<16xf32>, vector<16xf32>, vector<16xf32>, vector<16xf32>, vector<16xf32>)  : i32 {
        %mul3A_339 = arith.constant 8 : i32
        %mul3A_340 = arith.muli %scan3A_330, %mul3A_339 : i32
        %add3A_341 = arith.constant 0 : i32
        %add3A_342 = arith.addi %mul3A_340, %add3A_341 : i32
        %mul3A_343 = arith.constant 16 : i32
        %mul3A_344 = arith.muli %add3A_342, %mul3A_343 : i32
        %get3A = arith.index_cast %scan3A_315 : i32 to index
        %get3A_345 = arith.index_cast %mul3A_344 : i32 to index
        %get3A_346 = tpu.vector_load %arg5[%get3A, %get3A_345] {strides = array<i32>} : memref<32x1024xf32, #tpu.memory_space<vmem>>, vector<1x16xf32>,
        %get3A_347 = vector.shape_cast %get3A_346 : vector<1x16xf32> to vector<16xf32>
        %add3A_348 = arith.constant 2.000000e+00 : f32
        %add3A_349 = vector.broadcast %add3A_348 : f32 to vector<16xf32>
        %add3A_350 = arith.addf %get3A_347, %add3A_349 : vector<16xf32>
        %max3A = arith.constant 0.000000e+00 : f32
        %max3A_351 = vector.broadcast %max3A : f32 to vector<16xf32>
        %max3A_352 = arith.maximumf %add3A_350, %max3A_351 : vector<16xf32>
        %add3A_353 = arith.addf %scan3A_331, %max3A_352 : vector<16xf32>
        %mul3A_354 = arith.constant 8 : i32
        %mul3A_355 = arith.muli %scan3A_330, %mul3A_354 : i32
        %add3A_356 = arith.constant 1 : i32
        %add3A_357 = arith.addi %mul3A_355, %add3A_356 : i32
        %mul3A_358 = arith.constant 16 : i32
        %mul3A_359 = arith.muli %add3A_357, %mul3A_358 : i32
        %get3A_360 = arith.index_cast %scan3A_315 : i32 to index
        %get3A_361 = arith.index_cast %mul3A_359 : i32 to index
        %get3A_362 = tpu.vector_load %arg5[%get3A_360, %get3A_361] {strides = array<i32>} : memref<32x1024xf32, #tpu.memory_space<vmem>>, vector<1x16xf32>,
        %get3A_363 = vector.shape_cast %get3A_362 : vector<1x16xf32> to vector<16xf32>
        %add3A_364 = arith.constant 2.000000e+00 : f32
        %add3A_365 = vector.broadcast %add3A_364 : f32 to vector<16xf32>
        %add3A_366 = arith.addf %get3A_363, %add3A_365 : vector<16xf32>
        %max3A_367 = arith.constant 0.000000e+00 : f32
        %max3A_368 = vector.broadcast %max3A_367 : f32 to vector<16xf32>
        %max3A_369 = arith.maximumf %add3A_366, %max3A_368 : vector<16xf32>
        %add3A_370 = arith.addf %scan3A_332, %max3A_369 : vector<16xf32>
        %mul3A_371 = arith.constant 8 : i32
        %mul3A_372 = arith.muli %scan3A_330, %mul3A_371 : i32
        %add3A_373 = arith.constant 2 : i32
        %add3A_374 = arith.addi %mul3A_372, %add3A_373 : i32
        %mul3A_375 = arith.constant 16 : i32
        %mul3A_376 = arith.muli %add3A_374, %mul3A_375 : i32
        %get3A_377 = arith.index_cast %scan3A_315 : i32 to index
        %get3A_378 = arith.index_cast %mul3A_376 : i32 to index
        %get3A_379 = tpu.vector_load %arg5[%get3A_377, %get3A_378] {strides = array<i32>} : memref<32x1024xf32, #tpu.memory_space<vmem>>, vector<1x16xf32>,
        %get3A_380 = vector.shape_cast %get3A_379 : vector<1x16xf32> to vector<16xf32>
        %add3A_381 = arith.constant 2.000000e+00 : f32
        %add3A_382 = vector.broadcast %add3A_381 : f32 to vector<16xf32>
        %add3A_383 = arith.addf %get3A_380, %add3A_382 : vector<16xf32>
        %max3A_384 = arith.constant 0.000000e+00 : f32
        %max3A_385 = vector.broadcast %max3A_384 : f32 to vector<16xf32>
        %max3A_386 = arith.maximumf %add3A_383, %max3A_385 : vector<16xf32>
        %add3A_387 = arith.addf %scan3A_333, %max3A_386 : vector<16xf32>
        %mul3A_388 = arith.constant 8 : i32
        %mul3A_389 = arith.muli %scan3A_330, %mul3A_388 : i32
        %add3A_390 = arith.constant 3 : i32
        %add3A_391 = arith.addi %mul3A_389, %add3A_390 : i32
        %mul3A_392 = arith.constant 16 : i32
        %mul3A_393 = arith.muli %add3A_391, %mul3A_392 : i32
        %get3A_394 = arith.index_cast %scan3A_315 : i32 to index
        %get3A_395 = arith.index_cast %mul3A_393 : i32 to index
        %get3A_396 = tpu.vector_load %arg5[%get3A_394, %get3A_395] {strides = array<i32>} : memref<32x1024xf32, #tpu.memory_space<vmem>>, vector<1x16xf32>,
        %get3A_397 = vector.shape_cast %get3A_396 : vector<1x16xf32> to vector<16xf32>
        %add3A_398 = arith.constant 2.000000e+00 : f32
        %add3A_399 = vector.broadcast %add3A_398 : f32 to vector<16xf32>
        %add3A_400 = arith.addf %get3A_397, %add3A_399 : vector<16xf32>
        %max3A_401 = arith.constant 0.000000e+00 : f32
        %max3A_402 = vector.broadcast %max3A_401 : f32 to vector<16xf32>
        %max3A_403 = arith.maximumf %add3A_400, %max3A_402 : vector<16xf32>
        %add3A_404 = arith.addf %scan3A_334, %max3A_403 : vector<16xf32>
        %mul3A_405 = arith.constant 8 : i32
        %mul3A_406 = arith.muli %scan3A_330, %mul3A_405 : i32
        %add3A_407 = arith.constant 4 : i32
        %add3A_408 = arith.addi %mul3A_406, %add3A_407 : i32
        %mul3A_409 = arith.constant 16 : i32
        %mul3A_410 = arith.muli %add3A_408, %mul3A_409 : i32
        %get3A_411 = arith.index_cast %scan3A_315 : i32 to index
        %get3A_412 = arith.index_cast %mul3A_410 : i32 to index
        %get3A_413 = tpu.vector_load %arg5[%get3A_411, %get3A_412] {strides = array<i32>} : memref<32x1024xf32, #tpu.memory_space<vmem>>, vector<1x16xf32>,
        %get3A_414 = vector.shape_cast %get3A_413 : vector<1x16xf32> to vector<16xf32>
        %add3A_415 = arith.constant 2.000000e+00 : f32
        %add3A_416 = vector.broadcast %add3A_415 : f32 to vector<16xf32>
        %add3A_417 = arith.addf %get3A_414, %add3A_416 : vector<16xf32>
        %max3A_418 = arith.constant 0.000000e+00 : f32
        %max3A_419 = vector.broadcast %max3A_418 : f32 to vector<16xf32>
        %max3A_420 = arith.maximumf %add3A_417, %max3A_419 : vector<16xf32>
        %add3A_421 = arith.addf %scan3A_335, %max3A_420 : vector<16xf32>
        %mul3A_422 = arith.constant 8 : i32
        %mul3A_423 = arith.muli %scan3A_330, %mul3A_422 : i32
        %add3A_424 = arith.constant 5 : i32
        %add3A_425 = arith.addi %mul3A_423, %add3A_424 : i32
        %mul3A_426 = arith.constant 16 : i32
        %mul3A_427 = arith.muli %add3A_425, %mul3A_426 : i32
        %get3A_428 = arith.index_cast %scan3A_315 : i32 to index
        %get3A_429 = arith.index_cast %mul3A_427 : i32 to index
        %get3A_430 = tpu.vector_load %arg5[%get3A_428, %get3A_429] {strides = array<i32>} : memref<32x1024xf32, #tpu.memory_space<vmem>>, vector<1x16xf32>,
        %get3A_431 = vector.shape_cast %get3A_430 : vector<1x16xf32> to vector<16xf32>
        %add3A_432 = arith.constant 2.000000e+00 : f32
        %add3A_433 = vector.broadcast %add3A_432 : f32 to vector<16xf32>
        %add3A_434 = arith.addf %get3A_431, %add3A_433 : vector<16xf32>
        %max3A_435 = arith.constant 0.000000e+00 : f32
        %max3A_436 = vector.broadcast %max3A_435 : f32 to vector<16xf32>
        %max3A_437 = arith.maximumf %add3A_434, %max3A_436 : vector<16xf32>
        %add3A_438 = arith.addf %scan3A_336, %max3A_437 : vector<16xf32>
        %mul3A_439 = arith.constant 8 : i32
        %mul3A_440 = arith.muli %scan3A_330, %mul3A_439 : i32
        %add3A_441 = arith.constant 6 : i32
        %add3A_442 = arith.addi %mul3A_440, %add3A_441 : i32
        %mul3A_443 = arith.constant 16 : i32
        %mul3A_444 = arith.muli %add3A_442, %mul3A_443 : i32
        %get3A_445 = arith.index_cast %scan3A_315 : i32 to index
        %get3A_446 = arith.index_cast %mul3A_444 : i32 to index
        %get3A_447 = tpu.vector_load %arg5[%get3A_445, %get3A_446] {strides = array<i32>} : memref<32x1024xf32, #tpu.memory_space<vmem>>, vector<1x16xf32>,
        %get3A_448 = vector.shape_cast %get3A_447 : vector<1x16xf32> to vector<16xf32>
        %add3A_449 = arith.constant 2.000000e+00 : f32
        %add3A_450 = vector.broadcast %add3A_449 : f32 to vector<16xf32>
        %add3A_451 = arith.addf %get3A_448, %add3A_450 : vector<16xf32>
        %max3A_452 = arith.constant 0.000000e+00 : f32
        %max3A_453 = vector.broadcast %max3A_452 : f32 to vector<16xf32>
        %max3A_454 = arith.maximumf %add3A_451, %max3A_453 : vector<16xf32>
        %add3A_455 = arith.addf %scan3A_337, %max3A_454 : vector<16xf32>
        %mul3A_456 = arith.constant 8 : i32
        %mul3A_457 = arith.muli %scan3A_330, %mul3A_456 : i32
        %add3A_458 = arith.constant 7 : i32
        %add3A_459 = arith.addi %mul3A_457, %add3A_458 : i32
        %mul3A_460 = arith.constant 16 : i32
        %mul3A_461 = arith.muli %add3A_459, %mul3A_460 : i32
        %get3A_462 = arith.index_cast %scan3A_315 : i32 to index
        %get3A_463 = arith.index_cast %mul3A_461 : i32 to index
        %get3A_464 = tpu.vector_load %arg5[%get3A_462, %get3A_463] {strides = array<i32>} : memref<32x1024xf32, #tpu.memory_space<vmem>>, vector<1x16xf32>,
        %get3A_465 = vector.shape_cast %get3A_464 : vector<1x16xf32> to vector<16xf32>
        %add3A_466 = arith.constant 2.000000e+00 : f32
        %add3A_467 = vector.broadcast %add3A_466 : f32 to vector<16xf32>
        %add3A_468 = arith.addf %get3A_465, %add3A_467 : vector<16xf32>
        %max3A_469 = arith.constant 0.000000e+00 : f32
        %max3A_470 = vector.broadcast %max3A_469 : f32 to vector<16xf32>
        %max3A_471 = arith.maximumf %add3A_468, %max3A_470 : vector<16xf32>
        %add3A_472 = arith.addf %scan3A_338, %max3A_471 : vector<16xf32>
        scf.yield %add3A_353, %add3A_370, %add3A_387, %add3A_404, %add3A_421, %add3A_438, %add3A_455, %add3A_472 : vector<16xf32>, vector<16xf32>, vector<16xf32>, vector<16xf32>, vector<16xf32>, vector<16xf32>, vector<16xf32>, vector<16xf32>
      }
      %scan3A_329 = arith.constant 8 : i32
      scf.yield %scan3A_328#0, %scan3A_328#1, %scan3A_328#2, %scan3A_328#3, %scan3A_328#4, %scan3A_328#5, %scan3A_328#6, %scan3A_328#7 : vector<16xf32>, vector<16xf32>, vector<16xf32>, vector<16xf32>, vector<16xf32>, vector<16xf32>, vector<16xf32>, vector<16xf32>
    }
    %scan3A_304 = arith.constant 32 : i32
    %add3A_305 = arith.addf %scan3A_303#0, %scan3A_303#1 : vector<16xf32>
    %add3A_306 = arith.addf %add3A_305, %scan3A_303#2 : vector<16xf32>
    %add3A_307 = arith.addf %add3A_306, %scan3A_303#3 : vector<16xf32>
    %add3A_308 = arith.addf %add3A_307, %scan3A_303#4 : vector<16xf32>
    %add3A_309 = arith.addf %add3A_308, %scan3A_303#5 : vector<16xf32>
    %add3A_310 = arith.addf %add3A_309, %scan3A_303#6 : vector<16xf32>
    %add3A_311 = arith.addf %add3A_310, %scan3A_303#7 : vector<16xf32>
    %swap3A = arith.constant 0 : index
    %swap3A_312 = tpu.vector_load %arg6[%swap3A] {strides = array<i32>} : memref<16xf32, #tpu.memory_space<vmem>>, vector<16xf32>,
    %swap3A_313 = vector.shape_cast %swap3A_312 : vector<16xf32> to vector<16xf32>
    %swap3A_314 = vector.shape_cast %add3A_311 : vector<16xf32> to vector<16xf32>
    tpu.vector_store %arg6[%swap3A], %swap3A_314 {strides = array<i32>} : memref<16xf32, #tpu.memory_space<vmem>>, vector<16xf32>,
    "tpu.region"() ({
      %run_scoped3A = tpu.sem_alloc : memref<!tpu.dma_semaphore, #tpu.memory_space<semaphore_mem>>
      %dma_start3A_315 = arith.constant 0 : i32
      %dma_start3A_316 = tpu.memref_slice %arg3[%add3A, %dma_start3A_315] : memref<32x16xf32, #tpu.memory_space<hbm>> -> memref<1x16xf32, #tpu.memory_space<hbm>>
      %dma_start3A_317 = tpu.memref_squeeze %dma_start3A_316 : memref<1x16xf32, #tpu.memory_space<hbm>> -> memref<16xf32, #tpu.memory_space<hbm>>
      %dma_start3A_318 = arith.constant 0 : i32
      %dma_start3A_319 = tpu.memref_slice %arg3[%add3A, %dma_start3A_318] : memref<32x16xf32, #tpu.memory_space<hbm>> -> memref<1x16xf32, #tpu.memory_space<hbm>>
      %dma_start3A_320 = tpu.memref_squeeze %dma_start3A_319 : memref<1x16xf32, #tpu.memory_space<hbm>> -> memref<16xf32, #tpu.memory_space<hbm>>
      tpu.enqueue_dma source(%arg6 : memref<16xf32, #tpu.memory_space<vmem>>) target(%dma_start3A_320 : memref<16xf32, #tpu.memory_space<hbm>>) target_semaphore(%run_scoped3A : memref<!tpu.dma_semaphore, #tpu.memory_space<semaphore_mem>>)
      %dma_wait3A_321 = arith.constant 0 : i32
      %dma_wait3A_322 = tpu.memref_slice %arg3[%add3A, %dma_wait3A_321] : memref<32x16xf32, #tpu.memory_space<hbm>> -> memref<1x16xf32, #tpu.memory_space<hbm>>
      %dma_wait3A_323 = tpu.memref_squeeze %dma_wait3A_322 : memref<1x16xf32, #tpu.memory_space<hbm>> -> memref<16xf32, #tpu.memory_space<hbm>>
      %dma_wait3A_324 = arith.constant 0 : i32
      %dma_wait3A_325 = tpu.memref_slice %arg3[%add3A, %dma_wait3A_324] : memref<32x16xf32, #tpu.memory_space<hbm>> -> memref<1x16xf32, #tpu.memory_space<hbm>>
      %dma_wait3A_326 = tpu.memref_squeeze %dma_wait3A_325 : memref<1x16xf32, #tpu.memory_space<hbm>> -> memref<16xf32, #tpu.memory_space<hbm>>
      tpu.wait_dma2 semaphore(%run_scoped3A : memref<!tpu.dma_semaphore, #tpu.memory_space<semaphore_mem>>) src(%arg6 : memref<16xf32, #tpu.memory_space<vmem>>) dst(%dma_wait3A_326 : memref<16xf32, #tpu.memory_space<hbm>>)
      tpu.yield
    }) : () -> ()
    return
  }
}

module attributes {stable_mosaic.version = 14 : i64} {
  func.func @_tc_kernel(%arg0: i32, %arg1: memref<1024x1024xf32, #tpu.memory_space<vmem>>, %arg2: memref<1x1x1024xi32, #tpu.memory_space<vmem>>, %arg3: memref<1x1xf32, #tpu.memory_space<vmem>>) attributes {dimension_semantics = [#tpu.dimension_semantics<arbitrary>], iteration_bounds = array<i64: 16>, scalar_prefetch = 0 : i64, scratch_operands = 0 : i64, tpu.core_type = #tpu.core_type<tc>, window_params = [{transform_indices = @transform_0, window_bounds = array<i64: 1024, 1024>}, {transform_indices = @transform_1, window_bounds = array<i64: 1, 1, 1024>}, {pipeline_mode = #tpu.pipeline_mode<synchronous>, transform_indices = @transform_2, window_bounds = array<i64: 1, 1>}]} {
    %get3A = arith.constant 0 : index
    %get3A_0 = arith.constant 0 : index
    %get3A_1 = vector.load %arg1[%get3A, %get3A_0] : memref<1024x1024xf32, #tpu.memory_space<vmem>>, vector<1024x1024xf32>
    %eq3A = arith.constant 0 : i32
    %eq3A_2 = arith.cmpi eq, %arg0, %eq3A : i32
    %convert_element_type3A = arith.extui %eq3A_2 : i1 to i32
    %cond3A = arith.constant 0 : i32
    %cond3A_3 = arith.cmpi ne, %convert_element_type3A, %cond3A : i32
    scf.if %cond3A_3 {
      %broadcast_in_dim3A = arith.constant 0.000000e+00 : f32
      %broadcast_in_dim3A_12 = vector.broadcast %broadcast_in_dim3A : f32 to vector<1x1xf32>
      %swap3A = arith.constant 0 : index
      %swap3A_13 = arith.constant 0 : index
      %swap3A_14 = vector.load %arg3[%swap3A, %swap3A_13] : memref<1x1xf32, #tpu.memory_space<vmem>>, vector<1x1xf32>
      tpu.vector_store %arg3[%swap3A, %swap3A_13], %broadcast_in_dim3A_12 {strides = array<i32>} : memref<1x1xf32, #tpu.memory_space<vmem>>, vector<1x1xf32>,
    } else {
    }
    %lt3A = arith.constant 16 : i32
    %lt3A_4 = arith.cmpi slt, %arg0, %lt3A : i32
    %convert_element_type3A_5 = arith.extui %lt3A_4 : i1 to i32
    %cond3A_6 = arith.constant 0 : i32
    %cond3A_7 = arith.cmpi ne, %convert_element_type3A_5, %cond3A_6 : i32
    scf.if %cond3A_7 {
      %get3A_12 = arith.constant 0 : index
      %get3A_13 = arith.constant 0 : index
      %get3A_14 = arith.constant 0 : index
      %get3A_15 = vector.load %arg2[%get3A_12, %get3A_13, %get3A_14] : memref<1x1x1024xi32, #tpu.memory_space<vmem>>, vector<1x1x1024xi32>
      %reshape3A = vector.shape_cast %get3A_15 : vector<1x1x1024xi32> to vector<1024x1xi32>
      %exp3A = math.exp %get3A_1 : vector<1024x1024xf32>
      %reduce_sum3A = arith.constant dense<0.000000e+00> : vector<1024xf32>
      %reduce_sum3A_16 = vector.multi_reduction <add>, %exp3A, %reduce_sum3A [1] : vector<1024x1024xf32> to vector<1024xf32>
      %broadcast_in_dim3A = vector.shape_cast %reduce_sum3A_16 : vector<1024xf32> to vector<1024x1xf32>
      %log3A = math.log %broadcast_in_dim3A : vector<1024x1xf32>
      %iota3A = tpu.iota {dimensions = array<i32: 1>} : vector<1024x1024xi32>
      %eq3A_17 = vector.broadcast %reshape3A : vector<1024x1xi32> to vector<1024x1024xi32>
      %eq3A_18 = arith.cmpi eq, %iota3A, %eq3A_17 : vector<1024x1024xi32>
      %jit3A = arith.constant 0.000000e+00 : f32
      %broadcast_in_dim3A_19 = vector.broadcast %jit3A : f32 to vector<1024x1024xf32>
      %select_n3A = arith.select %eq3A_18, %get3A_1, %broadcast_in_dim3A_19 : vector<1024x1024xi1>, vector<1024x1024xf32>
      %reduce_sum3A_20 = arith.constant dense<0.000000e+00> : vector<1024xf32>
      %reduce_sum3A_21 = vector.multi_reduction <add>, %select_n3A, %reduce_sum3A_20 [1] : vector<1024x1024xf32> to vector<1024xf32>
      %broadcast_in_dim3A_22 = vector.shape_cast %reduce_sum3A_21 : vector<1024xf32> to vector<1024x1xf32>
      %sub3A = arith.subf %log3A, %broadcast_in_dim3A_22 : vector<1024x1xf32>
      %reduce_sum3A_23 = arith.constant dense<0.000000e+00> : vector<1xf32>
      %reduce_sum3A_24 = vector.multi_reduction <add>, %sub3A, %reduce_sum3A_23 [0] : vector<1024x1xf32> to vector<1xf32>
      %broadcast_in_dim3A_25 = vector.shape_cast %reduce_sum3A_24 : vector<1xf32> to vector<1x1xf32>
      %sub3A_26 = arith.constant 2.000000e+00 : f32
      %sub3A_27 = vector.broadcast %sub3A_26 : f32 to vector<1024x1xf32>
      %sub3A_28 = arith.subf %sub3A_27, %broadcast_in_dim3A_22 : vector<1024x1xf32>
      %max3A = arith.constant 0.000000e+00 : f32
      %max3A_29 = vector.broadcast %max3A : f32 to vector<1024x1xf32>
      %max3A_30 = arith.maximumf %sub3A_28, %max3A_29 : vector<1024x1xf32>
      %reduce_sum3A_31 = arith.constant dense<0.000000e+00> : vector<1xf32>
      %reduce_sum3A_32 = vector.multi_reduction <add>, %max3A_30, %reduce_sum3A_31 [0] : vector<1024x1xf32> to vector<1xf32>
      %broadcast_in_dim3A_33 = vector.shape_cast %reduce_sum3A_32 : vector<1xf32> to vector<1x1xf32>
      %get3A_34 = arith.constant 0 : index
      %get3A_35 = arith.constant 0 : index
      %get3A_36 = vector.load %arg3[%get3A_34, %get3A_35] : memref<1x1xf32, #tpu.memory_space<vmem>>, vector<1x1xf32>
      %mul3A = arith.constant 5.000000e-01 : f32
      %mul3A_37 = vector.broadcast %mul3A : f32 to vector<1x1xf32>
      %mul3A_38 = arith.mulf %mul3A_37, %broadcast_in_dim3A_33 : vector<1x1xf32>
      %add3A = arith.addf %broadcast_in_dim3A_25, %mul3A_38 : vector<1x1xf32>
      %mul3A_39 = arith.constant 6.10351563E-5 : f32
      %mul3A_40 = vector.broadcast %mul3A_39 : f32 to vector<1x1xf32>
      %mul3A_41 = arith.mulf %add3A, %mul3A_40 : vector<1x1xf32>
      %add3A_42 = arith.addf %get3A_36, %mul3A_41 : vector<1x1xf32>
      %swap3A = arith.constant 0 : index
      %swap3A_43 = arith.constant 0 : index
      %swap3A_44 = vector.load %arg3[%swap3A, %swap3A_43] : memref<1x1xf32, #tpu.memory_space<vmem>>, vector<1x1xf32>
      tpu.vector_store %arg3[%swap3A, %swap3A_43], %add3A_42 {strides = array<i32>} : memref<1x1xf32, #tpu.memory_space<vmem>>, vector<1x1xf32>,
    } else {
    }
    %ge3A = arith.constant 16 : i32
    %ge3A_8 = arith.cmpi sge, %arg0, %ge3A : i32
    %convert_element_type3A_9 = arith.extui %ge3A_8 : i1 to i32
    %cond3A_10 = arith.constant 0 : i32
    %cond3A_11 = arith.cmpi ne, %convert_element_type3A_9, %cond3A_10 : i32
    scf.if %cond3A_11 {
      %add3A = arith.constant 2.000000e+00 : f32
      %add3A_12 = vector.broadcast %add3A : f32 to vector<1024x1024xf32>
      %add3A_13 = arith.addf %get3A_1, %add3A_12 : vector<1024x1024xf32>
      %max3A = arith.constant 0.000000e+00 : f32
      %max3A_14 = vector.broadcast %max3A : f32 to vector<1024x1024xf32>
      %max3A_15 = arith.maximumf %add3A_13, %max3A_14 : vector<1024x1024xf32>
      %reduce_sum3A = vector.shape_cast %max3A_15 : vector<1024x1024xf32> to vector<1x1024x1024xf32>
      %reduce_sum3A_16 = arith.constant dense<0.000000e+00> : vector<1xf32>
      %reduce_sum3A_17 = vector.multi_reduction <add>, %reduce_sum3A, %reduce_sum3A_16 [1, 2] : vector<1x1024x1024xf32> to vector<1xf32>
      %reduce_sum3A_18 = vector.shape_cast %reduce_sum3A_17 : vector<1xf32> to vector<1x1x1xf32>
      %reduce_sum3A_19 = vector.extract %reduce_sum3A_18[0, 0, 0] : f32 from vector<1x1x1xf32>
      %broadcast_in_dim3A = vector.broadcast %reduce_sum3A_19 : f32 to vector<1x1xf32>
      %get3A_20 = arith.constant 0 : index
      %get3A_21 = arith.constant 0 : index
      %get3A_22 = vector.load %arg3[%get3A_20, %get3A_21] : memref<1x1xf32, #tpu.memory_space<vmem>>, vector<1x1xf32>
      %mul3A = arith.constant 5.000000e-01 : f32
      %mul3A_23 = vector.broadcast %mul3A : f32 to vector<1x1xf32>
      %mul3A_24 = arith.mulf %mul3A_23, %broadcast_in_dim3A : vector<1x1xf32>
      %mul3A_25 = arith.constant 5.96046448E-8 : f32
      %mul3A_26 = vector.broadcast %mul3A_25 : f32 to vector<1x1xf32>
      %mul3A_27 = arith.mulf %mul3A_24, %mul3A_26 : vector<1x1xf32>
      %add3A_28 = arith.addf %get3A_22, %mul3A_27 : vector<1x1xf32>
      %swap3A = arith.constant 0 : index
      %swap3A_29 = arith.constant 0 : index
      %swap3A_30 = vector.load %arg3[%swap3A, %swap3A_29] : memref<1x1xf32, #tpu.memory_space<vmem>>, vector<1x1xf32>
      tpu.vector_store %arg3[%swap3A, %swap3A_29], %add3A_28 {strides = array<i32>} : memref<1x1xf32, #tpu.memory_space<vmem>>, vector<1x1xf32>,
    } else {
    }
    return
  }
  func.func @transform_0(%arg0: i32) -> (i32, i32) {
    %lt3A = arith.constant 16 : i32
    %lt3A_0 = arith.cmpi slt, %arg0, %lt3A : i32
    %add3A = arith.constant 16 : i32
    %add3A_1 = arith.addi %arg0, %add3A : i32
    %select_n3A = arith.select %lt3A_0, %arg0, %add3A_1 : i32
    %c0_i32 = arith.constant 0 : i32
    %c0_i32_2 = arith.constant 0 : i32
    return %select_n3A, %c0_i32 : i32, i32
  }
  func.func @transform_1(%arg0: i32) -> (i32, i32, i32) {
    %lt3A = arith.constant 16 : i32
    %lt3A_0 = arith.cmpi slt, %arg0, %lt3A : i32
    %jit3A = arith.constant 0 : i32
    %select_n3A = arith.select %lt3A_0, %arg0, %jit3A : i32
    %c0_i32 = arith.constant 0 : i32
    %c0_i32_1 = arith.constant 0 : i32
    %c0_i32_2 = arith.constant 0 : i32
    return %select_n3A, %c0_i32, %c0_i32_1 : i32, i32, i32
  }
  func.func @transform_2(%arg0: i32) -> (i32, i32) {
    %c0_i32 = arith.constant 0 : i32
    %c0_i32_0 = arith.constant 0 : i32
    %c0_i32_1 = arith.constant 0 : i32
    return %c0_i32, %c0_i32_0 : i32, i32
  }
}

</mosaic_0001>

<sc_bundles>
// kernel: kernel.4.cloned.1.call-start
scs
__scs_entry_jumppad:
0x0: {  	(pc) =	sbr.rel $0x88, $3  }
0x1: {  	(tag) =	ssettag $0x0;
	lr =	simm.s32 $0x1  }
0x2: {  	[smem:$0x3F9F] =	sst lr;
	_ =	strace $0xD0000000  }
0x3: {  	_ = 	snop  }
0x4: {  	_ = 	snop  }
0x5: {  	_ = 	snop  }
0x6: {  	_ = 	snop  }
0x7: {  	_ = 	snop  }
__scs_overlays_trampoline_lowered:
0x8: {  	[smem:$0x3FAE] =	sst s0  }
0x9: {  	[smem:$0x3FAF] =	sst s1  }
0xa: {  	[smem:$0x3FB0] =	sst s2  }
0xb: {  	[smem:$0x3FB1] =	sst s3  }
0xc: {  	[smem:$0x3FB2] =	sst s4  }
0xd: {  	[smem:$0x3FB3] =	sst s5  }
0xe: {  	[smem:$0x3FB4] =	sst s6  }
0xf: {  	[smem:$0x3FB5] =	sst s7  }
0x10: {  	[smem:$0x3FB6] =	sst s8  }
0x11: {  	[smem:$0x3FB7] =	sst s9;
	s0 =	simm.s32 @!p0 $0x0  }
0x12: {  	s1 =	sld [smem:$0x3F9D];
	s0 =	simm.s32 @p0 $0x1  }
0x13: {  	[smem:$0x3FB8] =	sst s0;
	s0 =	simm.s32 @!p1 $0x0  }
0x14: {  	s2 =	sld [smem:$0x3F9C];
	s0 =	simm.s32 @p1 $0x1  }
0x15: {  	[smem:$0x3FB9] =	sst s0;
	s0 =	simm.s32 @!p2 $0x0  }
0x16: {  	s3 =	sld [smem:$0x3FDB];
	s0 =	simm.s32 @p2 $0x1  }
0x17: {  	s4 =	simm.s32 $0x1BF5;
	[smem:$0x3FBB] =	sst s0  }
0x18: {  	s0 =	sld [smem:$0x3F9E];
	_ =	swait.ge [sflag:s4], $0x0  }
0x19: {  	s7 =	sld [smem:$0x3F9F]  }
0x1a: {  	s8 =	sadd.s32 $0xFFFFE003, lr  }
0x1b: {  	s9 =	sadd.s32 $0xFFFFFEF7, lr;
	s5 =	simm.s32 $0xFFFFFFFF;
	p2 =	slt.u32 s8, $0xFFFFF086  }
0x1c: {  	p1 =	slt.u32 s9, $0xF7A;
	s5 =	simm.s32 @!p2 $0x0  }
0x1d: {  	s5 =	simm.s32 @p1 $0x1;
	p0 =	seq.s32 s7, s2  }
0x1e: {  	s7 =	smul.u32 @!p0 $0xF7A, s2;
	p2 =	seq.s32 @!p0 s5, $0x0  }
0x1f: {  	s9 =	smul.u32 $0xF7A, s1;
	s8 =	simm.s32 @!p0 $0x1BF5;
	p2 =	por !p2, p0  }
0x20: {  	[sflag:s8] =	ssyncset.s32 @!p0 $0xFFFFF086;
	s6 =	sadd.s32 @!p0 s3, s7;
	s7 =	simm.s32 @!p0 $0x108  }
0x21: {  	s3 =	sadd.s32 s3, s9;
	s6 =	sadd.s32 @!p0 $0x88, s6;
	s7 =	simm.s32 @p2 $0x1082  }
0x22: {  	[simem:s7], [sflag:s8] =	dma.local @!p0 [hbm:s6], $0xF7A  }
0x23: {  	s9 =	sor.u32 $0xD0000000, s2;
	s6 =	simm.s32 $0x108;
	_ =	swait.ge @!p0 [sflag:s8], $0x0  }
0x24: {  	s3 =	sadd.s32 $0x88, s3;
	s6 =	simm.s32 @!p1 $0x1082;
	[sflag:s4] =	ssyncset.s32 $0xFFFFF086  }
0x25: {  	[simem:s6], [sflag:s4] =	dma.local [hbm:s3], $0xF7A  }
0x26: {  	[smem:$0x3F9F] =	sst s1;
	(tag) =	ssettag s2;
	_ =	strace s9  }
0x27: {  	s1 =	sld [smem:$0x3FAF]  }
0x28: {  	s2 =	sld [smem:$0x3FB0]  }
0x29: {  	s4 =	sld [smem:$0x3FB2]  }
0x2a: {  	p0 =	seq.s32 s5, $0x0;
	s5 =	sld [smem:$0x3FB3]  }
0x2b: {  	s6 =	sld [smem:$0x3FB4]  }
0x2c: {  	s7 =	sld [smem:$0x3FB5]  }
0x2d: {  	s3 =	simm.s32 $0x108;
	s8 =	sld [smem:$0x3FB6]  }
0x2e: {  	s3 =	simm.s32 @!p0 $0x1082;
	s9 =	sld [smem:$0x3FB7]  }
0x2f: {  	lr =	sadd.s32 s0, s3;
	s0 =	sld [smem:$0x3FAE]  }
0x30: {  	s3 =	sld [smem:$0x3FB1]  }
0x31: {  	[smem:$0x3FBA] =	sst s10  }
0x32: {  	s10 =	sld [smem:$0x3FB8];
	_ =	sdelay $0x3  }
0x33: {  	p0 =	seq.s32 s10, $0x1;
	s10 =	sld [smem:$0x3FBA];
	_ =	sdelay $0x3  }
0x34: {  	[smem:$0x3FBA] =	sst s10  }
0x35: {  	s10 =	sld [smem:$0x3FB9];
	_ =	sdelay $0x3  }
0x36: {  	p1 =	seq.s32 s10, $0x1;
	s10 =	sld [smem:$0x3FBA];
	_ =	sdelay $0x3  }
0x37: {  	[smem:$0x3FBA] =	sst s10  }
0x38: {  	s10 =	sld [smem:$0x3FBB]  }
0x39: {  	_ = 	snop;
	(pc) =	sbr.ind lr, $3  }
0x3a: {  	_ = 	snop  }
0x3b: {  	_ = 	snop  }
0x3c: {  	p2 =	seq.s32 s10, $0x1;
	s10 =	sld [smem:$0x3FBA]  }
0x3d: {  	_ =	shalt  }
0x3e: {  	_ =	shalt  }
0x3f: {  	_ =	shalt  }
0x40: {  	_ =	shalt  }
0x41: {  	_ =	shalt  }
0x42: {  	_ =	shalt  }
0x43: {  	_ =	shalt  }
0x44: {  	_ =	shalt  }
0x45: {  	_ =	shalt  }
0x46: {  	_ =	shalt  }
0x47: {  	_ =	shalt  }
0x48: {  	_ =	shalt  }
0x49: {  	_ =	shalt  }
0x4a: {  	_ =	shalt  }
0x4b: {  	_ =	shalt  }
0x4c: {  	_ =	shalt  }
0x4d: {  	_ =	shalt  }
0x4e: {  	_ =	shalt  }
0x4f: {  	_ =	shalt  }
0x50: {  	_ =	shalt  }
0x51: {  	_ =	shalt  }
0x52: {  	_ =	shalt  }
0x53: {  	_ =	shalt  }
0x54: {  	_ =	shalt  }
0x55: {  	_ =	shalt  }
0x56: {  	_ =	shalt  }
0x57: {  	_ =	shalt  }
0x58: {  	_ =	shalt  }
0x59: {  	_ =	shalt  }
0x5a: {  	_ =	shalt  }
0x5b: {  	_ =	shalt  }
0x5c: {  	_ =	shalt  }
0x5d: {  	_ =	shalt  }
0x5e: {  	_ =	shalt  }
0x5f: {  	_ =	shalt  }
0x60: {  	_ =	shalt  }
0x61: {  	_ =	shalt  }
0x62: {  	_ =	shalt  }
0x63: {  	_ =	shalt  }
0x64: {  	_ =	shalt  }
0x65: {  	_ =	shalt  }
0x66: {  	_ =	shalt  }
0x67: {  	_ =	shalt  }
0x68: {  	_ =	shalt  }
0x69: {  	_ =	shalt  }
0x6a: {  	_ =	shalt  }
0x6b: {  	_ =	shalt  }
0x6c: {  	_ =	shalt  }
0x6d: {  	_ =	shalt  }
0x6e: {  	_ =	shalt  }
0x6f: {  	_ =	shalt  }
0x70: {  	_ =	shalt  }
0x71: {  	_ =	shalt  }
0x72: {  	_ =	shalt  }
0x73: {  	_ =	shalt  }
0x74: {  	_ =	shalt  }
0x75: {  	_ =	shalt  }
0x76: {  	_ =	shalt  }
0x77: {  	_ =	shalt  }
0x78: {  	_ =	shalt  }
0x79: {  	_ =	shalt  }
0x7a: {  	_ =	shalt  }
0x7b: {  	_ =	shalt  }
0x7c: {  	_ =	shalt  }
0x7d: {  	_ =	shalt  }
0x7e: {  	_ =	shalt  }
0x7f: {  	_ =	shalt  }
0x80: {  	_ =	shalt  }
0x81: {  	_ =	shalt  }
0x82: {  	_ =	shalt  }
0x83: {  	_ =	shalt  }
0x84: {  	_ =	shalt  }
0x85: {  	_ =	shalt  }
0x86: {  	_ =	shalt  }
0x87: {  	_ =	shalt  }
.Lfunc_end0:
.L_simem_size_0:
called_computation_lowered:
.L_overlay_start_0:
0x88: {  	s2 =	sld [smem:$0x3FD9]  }
0x89: {  	s3 =	sld [smem:$0x3FFE];
	_ =	sdelay $0x1  }
0x8a: {  	s1 =	srdreg.scid  }
0x8b: {  	s0 =	sand.u32 $0x1, s1  }
0x8c: {  	s17 =	sshll.u32 s0, $0xA;
	s2 =	sadd.s32 s3, s2  }
0x8d: {  	s2 =	sadd.s32 s2, s17  }
0x8e: {  	[smem:$0x3FC6] =	sst s2  }
0x8f: {  	_ = 	snop  }
0x90: {  	s2 =	sld [smem:$0x3FC9];
	(tm) =	ssettm $0x1  }
0x91: {  	s18 =	sld [smem:$0x3FFB];
	_ =	sdelay $0x3  }
0x92: {  	_ =	strace s18  }
0x93: {  	s3 =	sld [smem:$0x3FFC];
	_ =	sdelay $0x3  }
0x94: {  	_ =	strace s3  }
0x95: {  	s3 =	sld [smem:$0x3FFD];
	_ =	sdelay $0x3  }
0x96: {  	_ =	strace s3  }
0x97: {  	_ =	strace $0x8FFFFFFF  }
0x98: {  	s19 =	sld [smem:$0x3FDB];
	_ =	sdelay $0x1  }
0x99: {  	s4 =	simm.s32 $_scs_section_size  }
0x9a: {  	s5 =	simm.s32 $_size__tile_overlayer_lowered;
	s6 =	simm.s32 $_tile_overlayer_lowered  }
0x9b: {  	s22 =	simm.s32 $0x1BFF;
	s21 =	sshll.u32 s6, $0x1;
	s3 =	sadd.s32 s4, s19  }
0x9c: {  	s7 =	simm.s32 $0x0;
	s20 =	sshll.u32 s5, $0x1;
	s5 =	sadd.s32 s21, s3  }
0x9d: {  	[timem:s7], [sflag:s22] =	dma.local [hbm:s5], s20  }
0x9e: {  	_ =	swait.ge [sflag:s22], s20  }
0x9f: {  	s4 =	ssub.s32 $0x0, s20;
	[sflag:s22] =	ssyncset.done $0x0  }
0xa0: {  	[sflag:s22] =	ssyncadd.s32 s4;
	_ =	sdelay $0x1  }
0xa1: {  	s23 =	simm.s32 $0x1B8B  }
0xa2: {  	_ =	swait.ge [sflag:s23], $0x1  }
0xa3: {  	[sflag:s23] =	ssyncset.done $0x0  }
0xa4: {  	s25 =	simm.s32 $0x1B8E;
	s24 =	sld [smem:$0x3FFE];
	[sflag:s23] =	ssyncadd.s32 $0xFFFFFFFF  }
0xa5: {  	s26 =	simm.s32 $execute0_lowered;
	[smem:$0x3FD2] =	sst s25  }
0xa6: {  	s5 =	sshll.u32 s26, $0x1;
	_ =	strace $0x80000046;
	[dreg:$0x1] =	wrdreg $0xFFFFFFFF  }
0xa7: {  	s28 =	simm.s32 $_size_execute0_lowered;
	s3 =	sadd.s32 s3, s5;
	[dreg:$0x0] =	wrdreg $0x0  }
0xa8: {  	s5 =	sshll.u32 s28, $0x1;
	[dreg:$0x2] =	wrdreg s3  }
0xa9: {  	[dreg:$0x3] =	wrdreg s5  }
0xaa: {  	[dreg:$0x4] =	wrdreg $0xC0  }
0xab: {  	_ =	task [dreg:s7], $0x5FFFF  }
0xac: {  	[dreg:$0x1] =	wrdreg $0xFFFFFFFF  }
0xad: {  	[dreg:$0x0] =	wrdreg $0x60  }
0xae: {  	[dreg:$0x2] =	wrdreg s2  }
0xaf: {  	[dreg:$0x3] =	wrdreg s24  }
0xb0: {  	[dreg:$0x4] =	wrdreg $0x9  }
0xb1: {  	_ =	task.clear_ibuf [dreg:s7], $0x5FFFF;
	_ =	strace $0x90000046  }
0xb2: {  	s29 =	simm.s32 $0x9;
	_ =	strace $0x80000048  }
0xb3: {  	_ =	swait.ge [sflag:s29], $0x1  }
0xb4: {  	[sflag:s29] =	ssyncadd.s32 $0xFFFFFFFF  }
0xb5: {  	_ =	strace $0x90000048  }
0xb6: {  	_ =	sfence  }
0xb7: {  	s30 =	sld [smem:$0x0];
	_ =	sdelay $0x2  }
0xb8: {  	s31 =	sshll.u32 s1, $0xD;
	s1 =	sshrl.u32 s1, $0x2  }
0xb9: {  	s3 =	sand.u32 $0x4000, s31;
	s1 =	sadd.s32 s1, s30  }
0xba: {  	s0 =	sor.u32 s3, s0;
	s1 =	sshll.u32 s1, $0x11  }
0xbb: {  	s0 =	sor.u32 s1, s0  }
0xbc: {  	s0 =	sadd.s32 $0x8F2B, s0  }
0xbd: {  	[sflag:s0] =	ssyncadd.remote.s32 $0x1  }
0xbe: {  	_ =	sfence.sel $0xFFFF  }
0xbf: {  	[dreg:$0x0] =	wrdreg $0xFFFFFFFF;
	(pc) =	sbr.abs _section_cstart, $3  }
0xc0: {  	[dreg:$0x1] =	wrdreg $0xFFFFFFFF  }
0xc1: {  	_ =	task.clear_ibuf [dreg:s7], $0x2FFFF;
	_ =	strace $0x9FFFFFFF  }
0xc2: {  	(tm) =	ssettm $0x7FFFFFFF  }
0xc3: {  	_ =	shalt  }
tec
execute0_lowered:
.L_overlay_start_1:
0x0: {  	(tag) =	ssettag $0x1  }
0x1: {  	s0 =	rddreg [dreg:$0x0]  }
0x2: {  	s3 =	rddreg [dreg:$0x1]  }
0x3: {  	s2 =	simm.s32 $0x0;
	s4 =	srdreg.scid;
	s1 =	stileid.u32  }
0x4: {  	s21 =	simm.s32 $0x8000;
	s22 =	simm.s32 $0x1;
	s23 =	simm.s32 $0x2  }
0x5: {  	s24 =	simm.s32 $0x10000;
	s25 =	simm.s32 $0x3;
	s26 =	simm.s32 $0x0  }
0x6: {  	[smem:$0x7FF] =	sst s2;
	s4 =	sand.u32 $0x1, s4;
	s5 =	sshll.u32 s1, $0x1  }
0x7: {  	_ =	strace $0x80000047;
	s5 =	sor.u32 s4, s5;
	s4 =	ssub.s32 $0x2, s4  }
0x8: {  	s6 =	sshll.u32 s5, $0x4;
	s7 =	sshrl.u32 s4, $0x1;
	s5 =	sshll.u32 s5, $0x10  }
0x9: {  	s19 =	sadd.s32 s6, s3;
	s20 =	ssub.s32 s4, s7;
	s0 =	sadd.s32 s5, s0  }
0xa: {  	s3 =	sadd.s32 $0x200000, s0;
	s4 =	sadd.s32 $0x201000, s0;
	s5 =	sadd.s32 $0x202000, s0  }
0xb: {  	s6 =	sadd.s32 $0x203000, s0;
	s7 =	sadd.s32 $0x204000, s0;
	s8 =	sadd.s32 $0x205000, s0  }
0xc: {  	s9 =	sadd.s32 $0x206000, s0;
	s10 =	sadd.s32 $0x207000, s0;
	s11 =	sadd.s32 $0x208000, s0  }
0xd: {  	s12 =	sadd.s32 $0x209000, s0;
	s13 =	sadd.s32 $0x20A000, s0;
	s14 =	sadd.s32 $0x20B000, s0  }
0xe: {  	s15 =	sadd.s32 $0x20C000, s0;
	s16 =	sadd.s32 $0x20D000, s0;
	s17 =	sadd.s32 $0x20E000, s0  }
0xf: {  	s18 =	sadd.s32 $0x20F000, s0;
	s19 =	sadd.s32 $0x200, s19;
	s20 =	smax.u32 s20, $0x1  }
.LBB2_1:
0x10: {  	[tilespmem:s2], [sflag:$0x1] =	stream.linear.gather [hbm4b:s3+s2], $0x8000, $0x38;
	[tilespmem:$0x10080] =	vst v63  }
0x11: {  	_ = 	snop  }
0x12: {  	[tilespmem:s21], [sflag:$0x2] =	stream.linear.gather [hbm4b:s4+s2], $0x8000, $0x38;
	[tilespmem:$0x10080] =	vst v63  }
0x13: {  	v5 =	vimm.f32 $0.0e+00;
	v0 =	vimm.f32 $0.0e+00;
	_ =	swait.ge [sflag:s22], $0x8000  }
0x14: {  	v1 =	vimm.f32 $0.0e+00;
	v2 =	vimm.f32 $0.0e+00;
	v3 =	vimm.f32 $0.0e+00;
	s28 =	simm.s32 $0x0;
	[sflag:s22] =	ssyncset.done $0x0  }
0x15: {  	s29 =	simm.s32 $0x0;
	v7 =	vimm.f32 $0.0e+00;
	v4 =	vimm.f32 $0.0e+00;
	v6 =	vimm.f32 $0.0e+00;
	s30 =	simm.s32 $0x0;
	[sflag:s22] =	ssyncadd.s32 $0xFFFF8000  }
.LBB2_2:
0x16: {  	s0 =	sshll.u32 s29, $0x2;
	s31 =	sand.u32 $0x7, s28  }
0x17: {  	s0 =	sand.u32 $0xFFFF8000, s0;
	s31 =	sshll.u32 s31, $0x9  }
0x18: {  	s0 =	sor.u32 s31, s0  }
0x19: {  	s0 =	sshrl.u32 s0, $0x2  }
0x1a: {  	s0 =	sor.u32 $0x40, s0  }
0x1b: {  	v8 =	vmov s0;
	_ =	sdelay $0x3  }
0x1c: {  	s0 =	simm.s32 $0x0  }
0x1d: {  	v9 =	vld.idx.msk [tilespmem:v8+s0+$0x30 ss:$0x1], $0xffff  }
0x1e: {  	v10 =	vld.idx.msk [tilespmem:v8+s0+$0xFFFFFFC0 ss:$0x1], $0xffff  }
0x1f: {  	v11 =	vld.idx.msk [tilespmem:v8+s0+$0xFFFFFFD0 ss:$0x1], $0xffff  }
0x20: {  	v12 =	vld.idx.msk [tilespmem:v8+s0+$0xFFFFFFE0 ss:$0x1], $0xffff  }
0x21: {  	v16 =	vld.idx.msk [tilespmem:v8+s0+$0x10 ss:$0x1], $0xffff  }
0x22: {  	v17 =	vld.idx.msk [tilespmem:v8+s0+$0x20 ss:$0x1], $0xffff  }
0x23: {  	v14 =	vld.idx.msk [tilespmem:v8+s0+$0xFFFFFFF0 ss:$0x1], $0xffff  }
0x24: {  	s1 =	simm.s32 $0x400;
	v15 =	vld.idx.msk [tilespmem:v8+s0+$0x0 ss:$0x1], $0xffff;
	v9 =	vadd.f32 $2.000000000e+00, v9  }
0x25: {  	v18 =	vld.idx.msk [tilespmem:v8+s1+$0x30 ss:$0x1], $0xffff;
	v10 =	vadd.f32 $2.000000000e+00, v10;
	v11 =	vadd.f32 $2.000000000e+00, v11  }
0x26: {  	v20 =	vadd.f32 $2.000000000e+00, v12;
	v16 =	vadd.f32 $2.000000000e+00, v16  }
0x27: {  	v19 =	vld.idx.msk [tilespmem:v8+s1+$0xFFFFFFC0 ss:$0x1], $0xffff;
	v17 =	vadd.f32 $2.000000000e+00, v17;
	v9 =	vmax.f32 v9, $0.0e+00;
	v10 =	vmax.f32 v10, $0.0e+00  }
0x28: {  	v13 =	vld.idx.msk [tilespmem:v8+s1+$0xFFFFFFD0 ss:$0x1], $0xffff;
	v5 =	vadd.f32 v9, v5;
	v6 =	vadd.f32 v10, v6  }
0x29: {  	v12 =	vld.idx.msk [tilespmem:v8+s1+$0xFFFFFFE0 ss:$0x1], $0xffff;
	v9 =	vmax.f32 v11, $0.0e+00;
	v10 =	vadd.f32 $2.000000000e+00, v14;
	v14 =	vadd.f32 $2.000000000e+00, v15  }
0x2a: {  	v11 =	vmax.f32 v20, $0.0e+00;
	v15 =	vadd.f32 $2.000000000e+00, v18;
	v4 =	vadd.f32 v9, v4;
	v9 =	vld.idx.msk [tilespmem:v8+s1+$0xFFFFFFF0 ss:$0x1], $0xffff  }
0x2b: {  	v18 =	vmax.f32 v16, $0.0e+00;
	v7 =	vadd.f32 v11, v7;
	v11 =	vmax.f32 v10, $0.0e+00;
	v10 =	vld.idx.msk [tilespmem:v8+s1+$0x0 ss:$0x1], $0xffff  }
0x2c: {  	v16 =	vadd.f32 $2.000000000e+00, v19;
	v14 =	vmax.f32 v14, $0.0e+00;
	v3 =	vadd.f32 v11, v3;
	v11 =	vld.idx.msk [tilespmem:v8+s1+$0x10 ss:$0x1], $0xffff  }
0x2d: {  	s31 =	simm.s32 $0x800;
	s0 =	simm.s32 $0x3000;
	v17 =	vmax.f32 v17, $0.0e+00;
	v1 =	vadd.f32 v18, v1;
	v2 =	vadd.f32 v14, v2;
	v14 =	vld.idx.msk [tilespmem:v8+s1+$0x20 ss:$0x1], $0xffff  }
.LBB2_3:
0x2e: {  	p0 =	sne.s32 s0, $0x7000;
	v18 =	vld.idx.msk [tilespmem:v8+s31+$0x30 ss:$0x1], $0xffff;
	v19 =	vadd.f32 $2.000000000e+00, v13;
	v13 =	vmax.f32 v15, $0.0e+00;
	v0 =	vadd.f32 v17, v0  }
0x2f: {  	v17 =	vld.idx.msk [tilespmem:v8+s31+$0xFFFFFFC0 ss:$0x1], $0xffff;
	v15 =	vmax.f32 v16, $0.0e+00;
	v16 =	vadd.f32 $2.000000000e+00, v12;
	v5 =	vadd.f32 v13, v5  }
0x30: {  	v13 =	vld.idx.msk [tilespmem:v8+s31+$0xFFFFFFD0 ss:$0x1], $0xffff;
	v6 =	vadd.f32 v15, v6;
	v15 =	vmax.f32 v19, $0.0e+00;
	v19 =	vadd.f32 $2.000000000e+00, v9  }
.Ltmp0:
0x31: {  	v12 =	vld.idx.msk [tilespmem:v8+s31+$0xFFFFFFE0 ss:$0x1], $0xffff;
	v4 =	vadd.f32 v15, v4;
	v15 =	vmax.f32 v16, $0.0e+00;
	v16 =	vadd.f32 $2.000000000e+00, v10;
	(pc) =	sbr.rel @p0 .LBB2_3-.Ltmp0, $4  }
0x32: {  	v9 =	vld.idx.msk [tilespmem:v8+s31+$0xFFFFFFF0 ss:$0x1], $0xffff;
	v7 =	vadd.f32 v15, v7;
	v15 =	vmax.f32 v19, $0.0e+00;
	v19 =	vadd.f32 $2.000000000e+00, v11  }
0x33: {  	v20 =	vadd.f32 $2.000000000e+00, v14;
	v10 =	vld.idx.msk [tilespmem:v8+s31+$0x0 ss:$0x1], $0xffff;
	v3 =	vadd.f32 v15, v3;
	v16 =	vmax.f32 v16, $0.0e+00  }
0x34: {  	v15 =	vadd.f32 $2.000000000e+00, v18;
	v11 =	vld.idx.msk [tilespmem:v8+s31+$0x10 ss:$0x1], $0xffff;
	v2 =	vadd.f32 v16, v2;
	v18 =	vmax.f32 v19, $0.0e+00  }
0x35: {  	v16 =	vadd.f32 $2.000000000e+00, v17;
	v17 =	vmax.f32 v20, $0.0e+00;
	v14 =	vld.idx.msk [tilespmem:v8+s31+$0x20 ss:$0x1], $0xffff;
	s31 =	sshra.s32 s0, $0x2;
	s0 =	sadd.s32 $0x1000, s0;
	v1 =	vadd.f32 v18, v1  }
0x36: {  	_ =	sdelay $0x3  }
0x37: {  	v18 =	vld.idx.msk [tilespmem:v8+s31+$0x30 ss:$0x1], $0xffff  }
0x38: {  	v42 =	vld.idx.msk [tilespmem:v8+s31+$0xFFFFFFC0 ss:$0x1], $0xffff  }
0x39: {  	v13 =	vadd.f32 $2.000000000e+00, v13;
	v15 =	vmax.f32 v15, $0.0e+00;
	v0 =	vadd.f32 v17, v0;
	v43 =	vld.idx.msk [tilespmem:v8+s31+$0xFFFFFFD0 ss:$0x1], $0xffff  }
0x3a: {  	v12 =	vadd.f32 $2.000000000e+00, v12;
	v44 =	vld.idx.msk [tilespmem:v8+s31+$0xFFFFFFE0 ss:$0x1], $0xffff;
	v16 =	vmax.f32 v16, $0.0e+00;
	v5 =	vadd.f32 v15, v5  }
0x3b: {  	v45 =	vld.idx.msk [tilespmem:v8+s31+$0xFFFFFFF0 ss:$0x1], $0xffff;
	v9 =	vadd.f32 $2.000000000e+00, v9;
	v6 =	vadd.f32 v16, v6;
	v13 =	vmax.f32 v13, $0.0e+00  }
0x3c: {  	v46 =	vld.idx.msk [tilespmem:v8+s31+$0x0 ss:$0x1], $0xffff;
	v12 =	vmax.f32 v12, $0.0e+00;
	v10 =	vadd.f32 $2.000000000e+00, v10;
	v4 =	vadd.f32 v13, v4  }
0x3d: {  	v49 =	vld.idx.msk [tilespmem:v8+s31+$0x10 ss:$0x1], $0xffff;
	v7 =	vadd.f32 v12, v7;
	v9 =	vmax.f32 v9, $0.0e+00;
	v11 =	vadd.f32 $2.000000000e+00, v11  }
0x3e: {  	v8 =	vld.idx.msk [tilespmem:v8+s31+$0x20 ss:$0x1], $0xffff;
	v3 =	vadd.f32 v9, v3;
	v47 =	vmax.f32 v10, $0.0e+00;
	v48 =	vadd.f32 $2.000000000e+00, v14  }
0x3f: {  	v18 =	vadd.f32 $2.000000000e+00, v18;
	v2 =	vadd.f32 v47, v2  }
0x40: {  	v51 =	vadd.f32 $2.000000000e+00, v42;
	v53 =	vadd.f32 $2.000000000e+00, v43  }
0x41: {  	v56 =	vadd.f32 $2.000000000e+00, v44;
	v58 =	vadd.f32 $2.000000000e+00, v45  }
0x42: {  	v50 =	vmax.f32 v11, $0.0e+00;
	v60 =	vadd.f32 $2.000000000e+00, v46;
	v61 =	vadd.f32 $2.000000000e+00, v49  }
0x43: {  	s30 =	sadd.s32 $0x1, s30;
	v8 =	vadd.f32 $2.000000000e+00, v8;
	v1 =	vadd.f32 v50, v1;
	v52 =	vmax.f32 v48, $0.0e+00  }
0x44: {  	p0 =	sne.s32 s30, $0x20;
	v54 =	vmax.f32 v18, $0.0e+00;
	v0 =	vadd.f32 v52, v0;
	v55 =	vmax.f32 v51, $0.0e+00  }
.Ltmp1:
0x45: {  	v57 =	vmax.f32 v53, $0.0e+00;
	v59 =	vmax.f32 v56, $0.0e+00;
	v10 =	vmax.f32 v58, $0.0e+00;
	(pc) =	sbr.rel @p0 .LBB2_2-.Ltmp1, $4  }
0x46: {  	v62 =	vmax.f32 v60, $0.0e+00;
	v5 =	vadd.f32 v54, v5;
	v6 =	vadd.f32 v55, v6  }
0x47: {  	v8 =	vmax.f32 v8, $0.0e+00;
	v4 =	vadd.f32 v57, v4;
	v7 =	vadd.f32 v59, v7  }
0x48: {  	v63 =	vmax.f32 v61, $0.0e+00;
	v3 =	vadd.f32 v10, v3;
	v0 =	vadd.f32 v8, v0  }
0x49: {  	s29 =	sadd.s32 $0x400, s29;
	s28 =	sadd.s32 $0x1, s28;
	v2 =	vadd.f32 v62, v2;
	v1 =	vadd.f32 v63, v1  }
0x4a: {  	s28 =	simm.s32 $0x0  }
0x4b: {  	[tilespmem:s28], [sflag:$0x1] =	stream.linear.gather [hbm4b:s5+s28], $0x8000, $0x38;
	[tilespmem:$0x10080] =	vst v63  }
0x4c: {  	_ =	swait.ge [sflag:s23], $0x8000  }
0x4d: {  	[sflag:s23] =	ssyncset.done $0x0  }
0x4e: {  	s29 =	simm.s32 $0x0;
	s30 =	simm.s32 $0x0;
	[sflag:s23] =	ssyncadd.s32 $0xFFFF8000  }
.LBB2_6:
0x4f: {  	s0 =	sshll.u32 s29, $0x2;
	s1 =	sand.u32 $0x7, s28  }
0x50: {  	s0 =	sand.u32 $0xFFFF8000, s0;
	s1 =	sshll.u32 s1, $0x9  }
0x51: {  	s0 =	sor.u32 s1, s0  }
0x52: {  	s0 =	sshrl.u32 s0, $0x2  }
0x53: {  	s0 =	sadd.s32 $0x8040, s0  }
0x54: {  	v8 =	vmov s0;
	_ =	sdelay $0x3  }
0x55: {  	s0 =	simm.s32 $0x0  }
0x56: {  	v9 =	vld.idx.msk [tilespmem:v8+s0+$0x30 ss:$0x1], $0xffff  }
0x57: {  	v10 =	vld.idx.msk [tilespmem:v8+s0+$0xFFFFFFC0 ss:$0x1], $0xffff  }
0x58: {  	v11 =	vld.idx.msk [tilespmem:v8+s0+$0xFFFFFFD0 ss:$0x1], $0xffff  }
0x59: {  	v12 =	vld.idx.msk [tilespmem:v8+s0+$0xFFFFFFE0 ss:$0x1], $0xffff  }
0x5a: {  	v16 =	vld.idx.msk [tilespmem:v8+s0+$0x10 ss:$0x1], $0xffff  }
0x5b: {  	v17 =	vld.idx.msk [tilespmem:v8+s0+$0x20 ss:$0x1], $0xffff  }
0x5c: {  	v14 =	vld.idx.msk [tilespmem:v8+s0+$0xFFFFFFF0 ss:$0x1], $0xffff  }
0x5d: {  	s1 =	simm.s32 $0x400;
	v15 =	vld.idx.msk [tilespmem:v8+s0+$0x0 ss:$0x1], $0xffff;
	v9 =	vadd.f32 $2.000000000e+00, v9  }
0x5e: {  	v18 =	vld.idx.msk [tilespmem:v8+s1+$0x30 ss:$0x1], $0xffff;
	v10 =	vadd.f32 $2.000000000e+00, v10;
	v11 =	vadd.f32 $2.000000000e+00, v11  }
0x5f: {  	v20 =	vadd.f32 $2.000000000e+00, v12;
	v16 =	vadd.f32 $2.000000000e+00, v16  }
0x60: {  	v19 =	vld.idx.msk [tilespmem:v8+s1+$0xFFFFFFC0 ss:$0x1], $0xffff;
	v17 =	vadd.f32 $2.000000000e+00, v17;
	v9 =	vmax.f32 v9, $0.0e+00;
	v10 =	vmax.f32 v10, $0.0e+00  }
0x61: {  	v13 =	vld.idx.msk [tilespmem:v8+s1+$0xFFFFFFD0 ss:$0x1], $0xffff;
	v5 =	vadd.f32 v9, v5;
	v6 =	vadd.f32 v10, v6  }
0x62: {  	v12 =	vld.idx.msk [tilespmem:v8+s1+$0xFFFFFFE0 ss:$0x1], $0xffff;
	v9 =	vmax.f32 v11, $0.0e+00;
	v10 =	vadd.f32 $2.000000000e+00, v14;
	v14 =	vadd.f32 $2.000000000e+00, v15  }
0x63: {  	v11 =	vmax.f32 v20, $0.0e+00;
	v15 =	vadd.f32 $2.000000000e+00, v18;
	v4 =	vadd.f32 v9, v4;
	v9 =	vld.idx.msk [tilespmem:v8+s1+$0xFFFFFFF0 ss:$0x1], $0xffff  }
0x64: {  	v18 =	vmax.f32 v16, $0.0e+00;
	v7 =	vadd.f32 v11, v7;
	v11 =	vmax.f32 v10, $0.0e+00;
	v10 =	vld.idx.msk [tilespmem:v8+s1+$0x0 ss:$0x1], $0xffff  }
0x65: {  	v16 =	vadd.f32 $2.000000000e+00, v19;
	v14 =	vmax.f32 v14, $0.0e+00;
	v3 =	vadd.f32 v11, v3;
	v11 =	vld.idx.msk [tilespmem:v8+s1+$0x10 ss:$0x1], $0xffff  }
0x66: {  	s31 =	simm.s32 $0x800;
	s0 =	simm.s32 $0x3000;
	v17 =	vmax.f32 v17, $0.0e+00;
	v1 =	vadd.f32 v18, v1;
	v2 =	vadd.f32 v14, v2;
	v14 =	vld.idx.msk [tilespmem:v8+s1+$0x20 ss:$0x1], $0xffff  }
.LBB2_7:
0x67: {  	p0 =	sne.s32 s0, $0x7000;
	v18 =	vld.idx.msk [tilespmem:v8+s31+$0x30 ss:$0x1], $0xffff;
	v19 =	vadd.f32 $2.000000000e+00, v13;
	v13 =	vmax.f32 v15, $0.0e+00;
	v0 =	vadd.f32 v17, v0  }
0x68: {  	v17 =	vld.idx.msk [tilespmem:v8+s31+$0xFFFFFFC0 ss:$0x1], $0xffff;
	v15 =	vmax.f32 v16, $0.0e+00;
	v16 =	vadd.f32 $2.000000000e+00, v12;
	v5 =	vadd.f32 v13, v5  }
0x69: {  	v13 =	vld.idx.msk [tilespmem:v8+s31+$0xFFFFFFD0 ss:$0x1], $0xffff;
	v6 =	vadd.f32 v15, v6;
	v15 =	vmax.f32 v19, $0.0e+00;
	v19 =	vadd.f32 $2.000000000e+00, v9  }
.Ltmp2:
0x6a: {  	v12 =	vld.idx.msk [tilespmem:v8+s31+$0xFFFFFFE0 ss:$0x1], $0xffff;
	v4 =	vadd.f32 v15, v4;
	v15 =	vmax.f32 v16, $0.0e+00;
	v16 =	vadd.f32 $2.000000000e+00, v10;
	(pc) =	sbr.rel @p0 .LBB2_7-.Ltmp2, $4  }
0x6b: {  	v9 =	vld.idx.msk [tilespmem:v8+s31+$0xFFFFFFF0 ss:$0x1], $0xffff;
	v7 =	vadd.f32 v15, v7;
	v15 =	vmax.f32 v19, $0.0e+00;
	v19 =	vadd.f32 $2.000000000e+00, v11  }
0x6c: {  	v20 =	vadd.f32 $2.000000000e+00, v14;
	v10 =	vld.idx.msk [tilespmem:v8+s31+$0x0 ss:$0x1], $0xffff;
	v3 =	vadd.f32 v15, v3;
	v16 =	vmax.f32 v16, $0.0e+00  }
0x6d: {  	v15 =	vadd.f32 $2.000000000e+00, v18;
	v11 =	vld.idx.msk [tilespmem:v8+s31+$0x10 ss:$0x1], $0xffff;
	v2 =	vadd.f32 v16, v2;
	v18 =	vmax.f32 v19, $0.0e+00  }
0x6e: {  	v16 =	vadd.f32 $2.000000000e+00, v17;
	v17 =	vmax.f32 v20, $0.0e+00;
	v14 =	vld.idx.msk [tilespmem:v8+s31+$0x20 ss:$0x1], $0xffff;
	s31 =	sshra.s32 s0, $0x2;
	s0 =	sadd.s32 $0x1000, s0;
	v1 =	vadd.f32 v18, v1  }
0x6f: {  	_ =	sdelay $0x3  }
0x70: {  	v18 =	vld.idx.msk [tilespmem:v8+s31+$0x30 ss:$0x1], $0xffff  }
0x71: {  	v42 =	vld.idx.msk [tilespmem:v8+s31+$0xFFFFFFC0 ss:$0x1], $0xffff  }
0x72: {  	v13 =	vadd.f32 $2.000000000e+00, v13;
	v15 =	vmax.f32 v15, $0.0e+00;
	v0 =	vadd.f32 v17, v0;
	v43 =	vld.idx.msk [tilespmem:v8+s31+$0xFFFFFFD0 ss:$0x1], $0xffff  }
0x73: {  	v12 =	vadd.f32 $2.000000000e+00, v12;
	v44 =	vld.idx.msk [tilespmem:v8+s31+$0xFFFFFFE0 ss:$0x1], $0xffff;
	v16 =	vmax.f32 v16, $0.0e+00;
	v5 =	vadd.f32 v15, v5  }
0x74: {  	v45 =	vld.idx.msk [tilespmem:v8+s31+$0xFFFFFFF0 ss:$0x1], $0xffff;
	v9 =	vadd.f32 $2.000000000e+00, v9;
	v6 =	vadd.f32 v16, v6;
	v13 =	vmax.f32 v13, $0.0e+00  }
0x75: {  	v46 =	vld.idx.msk [tilespmem:v8+s31+$0x0 ss:$0x1], $0xffff;
	v12 =	vmax.f32 v12, $0.0e+00;
	v10 =	vadd.f32 $2.000000000e+00, v10;
	v4 =	vadd.f32 v13, v4  }
0x76: {  	v49 =	vld.idx.msk [tilespmem:v8+s31+$0x10 ss:$0x1], $0xffff;
	v7 =	vadd.f32 v12, v7;
	v9 =	vmax.f32 v9, $0.0e+00;
	v11 =	vadd.f32 $2.000000000e+00, v11  }
0x77: {  	v8 =	vld.idx.msk [tilespmem:v8+s31+$0x20 ss:$0x1], $0xffff;
	v3 =	vadd.f32 v9, v3;
	v47 =	vmax.f32 v10, $0.0e+00;
	v48 =	vadd.f32 $2.000000000e+00, v14  }
0x78: {  	v18 =	vadd.f32 $2.000000000e+00, v18;
	v2 =	vadd.f32 v47, v2  }
0x79: {  	v51 =	vadd.f32 $2.000000000e+00, v42;
	v53 =	vadd.f32 $2.000000000e+00, v43  }
0x7a: {  	v56 =	vadd.f32 $2.000000000e+00, v44;
	v58 =	vadd.f32 $2.000000000e+00, v45  }
0x7b: {  	v50 =	vmax.f32 v11, $0.0e+00;
	v60 =	vadd.f32 $2.000000000e+00, v46;
	v61 =	vadd.f32 $2.000000000e+00, v49  }
0x7c: {  	s30 =	sadd.s32 $0x1, s30;
	v8 =	vadd.f32 $2.000000000e+00, v8;
	v1 =	vadd.f32 v50, v1;
	v52 =	vmax.f32 v48, $0.0e+00  }
0x7d: {  	p0 =	sne.s32 s30, $0x20;
	v54 =	vmax.f32 v18, $0.0e+00;
	v0 =	vadd.f32 v52, v0;
	v55 =	vmax.f32 v51, $0.0e+00  }
.Ltmp3:
0x7e: {  	v57 =	vmax.f32 v53, $0.0e+00;
	v59 =	vmax.f32 v56, $0.0e+00;
	v10 =	vmax.f32 v58, $0.0e+00;
	(pc) =	sbr.rel @p0 .LBB2_6-.Ltmp3, $4  }
0x7f: {  	v62 =	vmax.f32 v60, $0.0e+00;
	v5 =	vadd.f32 v54, v5;
	v6 =	vadd.f32 v55, v6  }
0x80: {  	v8 =	vmax.f32 v8, $0.0e+00;
	v4 =	vadd.f32 v57, v4;
	v7 =	vadd.f32 v59, v7  }
0x81: {  	v63 =	vmax.f32 v61, $0.0e+00;
	v3 =	vadd.f32 v10, v3;
	v0 =	vadd.f32 v8, v0  }
0x82: {  	s29 =	sadd.s32 $0x400, s29;
	s28 =	sadd.s32 $0x1, s28;
	v2 =	vadd.f32 v62, v2;
	v1 =	vadd.f32 v63, v1  }
0x83: {  	s28 =	simm.s32 $0x0  }
0x84: {  	[tilespmem:s21], [sflag:$0x2] =	stream.linear.gather [hbm4b:s6+s28], $0x8000, $0x38;
	[tilespmem:$0x10080] =	vst v63  }
0x85: {  	_ =	swait.ge [sflag:s22], $0x8000  }
0x86: {  	[sflag:s22] =	ssyncset.done $0x0  }
0x87: {  	s29 =	simm.s32 $0x0;
	s30 =	simm.s32 $0x0;
	[sflag:s22] =	ssyncadd.s32 $0xFFFF8000  }
.LBB2_10:
0x88: {  	s0 =	sshll.u32 s29, $0x2;
	s1 =	sand.u32 $0x7, s28  }
0x89: {  	s0 =	sand.u32 $0xFFFF8000, s0;
	s1 =	sshll.u32 s1, $0x9  }
0x8a: {  	s0 =	sor.u32 s1, s0  }
0x8b: {  	s0 =	sshrl.u32 s0, $0x2  }
0x8c: {  	s0 =	sor.u32 $0x40, s0  }
0x8d: {  	v8 =	vmov s0;
	_ =	sdelay $0x3  }
0x8e: {  	s0 =	simm.s32 $0x0  }
0x8f: {  	v9 =	vld.idx.msk [tilespmem:v8+s0+$0x30 ss:$0x1], $0xffff  }
0x90: {  	v10 =	vld.idx.msk [tilespmem:v8+s0+$0xFFFFFFC0 ss:$0x1], $0xffff  }
0x91: {  	v11 =	vld.idx.msk [tilespmem:v8+s0+$0xFFFFFFD0 ss:$0x1], $0xffff  }
0x92: {  	v12 =	vld.idx.msk [tilespmem:v8+s0+$0xFFFFFFE0 ss:$0x1], $0xffff  }
0x93: {  	v16 =	vld.idx.msk [tilespmem:v8+s0+$0x10 ss:$0x1], $0xffff  }
0x94: {  	v17 =	vld.idx.msk [tilespmem:v8+s0+$0x20 ss:$0x1], $0xffff  }
0x95: {  	v14 =	vld.idx.msk [tilespmem:v8+s0+$0xFFFFFFF0 ss:$0x1], $0xffff  }
0x96: {  	s1 =	simm.s32 $0x400;
	v15 =	vld.idx.msk [tilespmem:v8+s0+$0x0 ss:$0x1], $0xffff;
	v9 =	vadd.f32 $2.000000000e+00, v9  }
0x97: {  	v18 =	vld.idx.msk [tilespmem:v8+s1+$0x30 ss:$0x1], $0xffff;
	v10 =	vadd.f32 $2.000000000e+00, v10;
	v11 =	vadd.f32 $2.000000000e+00, v11  }
0x98: {  	v20 =	vadd.f32 $2.000000000e+00, v12;
	v16 =	vadd.f32 $2.000000000e+00, v16  }
0x99: {  	v19 =	vld.idx.msk [tilespmem:v8+s1+$0xFFFFFFC0 ss:$0x1], $0xffff;
	v17 =	vadd.f32 $2.000000000e+00, v17;
	v9 =	vmax.f32 v9, $0.0e+00;
	v10 =	vmax.f32 v10, $0.0e+00  }
0x9a: {  	v13 =	vld.idx.msk [tilespmem:v8+s1+$0xFFFFFFD0 ss:$0x1], $0xffff;
	v5 =	vadd.f32 v9, v5;
	v6 =	vadd.f32 v10, v6  }
0x9b: {  	v12 =	vld.idx.msk [tilespmem:v8+s1+$0xFFFFFFE0 ss:$0x1], $0xffff;
	v9 =	vmax.f32 v11, $0.0e+00;
	v10 =	vadd.f32 $2.000000000e+00, v14;
	v14 =	vadd.f32 $2.000000000e+00, v15  }
0x9c: {  	v11 =	vmax.f32 v20, $0.0e+00;
	v15 =	vadd.f32 $2.000000000e+00, v18;
	v4 =	vadd.f32 v9, v4;
	v9 =	vld.idx.msk [tilespmem:v8+s1+$0xFFFFFFF0 ss:$0x1], $0xffff  }
0x9d: {  	v18 =	vmax.f32 v16, $0.0e+00;
	v7 =	vadd.f32 v11, v7;
	v11 =	vmax.f32 v10, $0.0e+00;
	v10 =	vld.idx.msk [tilespmem:v8+s1+$0x0 ss:$0x1], $0xffff  }
0x9e: {  	v16 =	vadd.f32 $2.000000000e+00, v19;
	v14 =	vmax.f32 v14, $0.0e+00;
	v3 =	vadd.f32 v11, v3;
	v11 =	vld.idx.msk [tilespmem:v8+s1+$0x10 ss:$0x1], $0xffff  }
0x9f: {  	s31 =	simm.s32 $0x800;
	s0 =	simm.s32 $0x3000;
	v17 =	vmax.f32 v17, $0.0e+00;
	v1 =	vadd.f32 v18, v1;
	v2 =	vadd.f32 v14, v2;
	v14 =	vld.idx.msk [tilespmem:v8+s1+$0x20 ss:$0x1], $0xffff  }
.LBB2_11:
0xa0: {  	p0 =	sne.s32 s0, $0x7000;
	v18 =	vld.idx.msk [tilespmem:v8+s31+$0x30 ss:$0x1], $0xffff;
	v19 =	vadd.f32 $2.000000000e+00, v13;
	v13 =	vmax.f32 v15, $0.0e+00;
	v0 =	vadd.f32 v17, v0  }
0xa1: {  	v17 =	vld.idx.msk [tilespmem:v8+s31+$0xFFFFFFC0 ss:$0x1], $0xffff;
	v15 =	vmax.f32 v16, $0.0e+00;
	v16 =	vadd.f32 $2.000000000e+00, v12;
	v5 =	vadd.f32 v13, v5  }
0xa2: {  	v13 =	vld.idx.msk [tilespmem:v8+s31+$0xFFFFFFD0 ss:$0x1], $0xffff;
	v6 =	vadd.f32 v15, v6;
	v15 =	vmax.f32 v19, $0.0e+00;
	v19 =	vadd.f32 $2.000000000e+00, v9  }
.Ltmp4:
0xa3: {  	v12 =	vld.idx.msk [tilespmem:v8+s31+$0xFFFFFFE0 ss:$0x1], $0xffff;
	v4 =	vadd.f32 v15, v4;
	v15 =	vmax.f32 v16, $0.0e+00;
	v16 =	vadd.f32 $2.000000000e+00, v10;
	(pc) =	sbr.rel @p0 .LBB2_11-.Ltmp4, $4  }
0xa4: {  	v9 =	vld.idx.msk [tilespmem:v8+s31+$0xFFFFFFF0 ss:$0x1], $0xffff;
	v7 =	vadd.f32 v15, v7;
	v15 =	vmax.f32 v19, $0.0e+00;
	v19 =	vadd.f32 $2.000000000e+00, v11  }
0xa5: {  	v20 =	vadd.f32 $2.000000000e+00, v14;
	v10 =	vld.idx.msk [tilespmem:v8+s31+$0x0 ss:$0x1], $0xffff;
	v3 =	vadd.f32 v15, v3;
	v16 =	vmax.f32 v16, $0.0e+00  }
0xa6: {  	v15 =	vadd.f32 $2.000000000e+00, v18;
	v11 =	vld.idx.msk [tilespmem:v8+s31+$0x10 ss:$0x1], $0xffff;
	v2 =	vadd.f32 v16, v2;
	v18 =	vmax.f32 v19, $0.0e+00  }
0xa7: {  	v16 =	vadd.f32 $2.000000000e+00, v17;
	v17 =	vmax.f32 v20, $0.0e+00;
	v14 =	vld.idx.msk [tilespmem:v8+s31+$0x20 ss:$0x1], $0xffff;
	s31 =	sshra.s32 s0, $0x2;
	s0 =	sadd.s32 $0x1000, s0;
	v1 =	vadd.f32 v18, v1  }
0xa8: {  	_ =	sdelay $0x3  }
0xa9: {  	v18 =	vld.idx.msk [tilespmem:v8+s31+$0x30 ss:$0x1], $0xffff  }
0xaa: {  	v42 =	vld.idx.msk [tilespmem:v8+s31+$0xFFFFFFC0 ss:$0x1], $0xffff  }
0xab: {  	v13 =	vadd.f32 $2.000000000e+00, v13;
	v15 =	vmax.f32 v15, $0.0e+00;
	v0 =	vadd.f32 v17, v0;
	v43 =	vld.idx.msk [tilespmem:v8+s31+$0xFFFFFFD0 ss:$0x1], $0xffff  }
0xac: {  	v12 =	vadd.f32 $2.000000000e+00, v12;
	v44 =	vld.idx.msk [tilespmem:v8+s31+$0xFFFFFFE0 ss:$0x1], $0xffff;
	v16 =	vmax.f32 v16, $0.0e+00;
	v5 =	vadd.f32 v15, v5  }
0xad: {  	v45 =	vld.idx.msk [tilespmem:v8+s31+$0xFFFFFFF0 ss:$0x1], $0xffff;
	v9 =	vadd.f32 $2.000000000e+00, v9;
	v6 =	vadd.f32 v16, v6;
	v13 =	vmax.f32 v13, $0.0e+00  }
0xae: {  	v46 =	vld.idx.msk [tilespmem:v8+s31+$0x0 ss:$0x1], $0xffff;
	v12 =	vmax.f32 v12, $0.0e+00;
	v10 =	vadd.f32 $2.000000000e+00, v10;
	v4 =	vadd.f32 v13, v4  }
0xaf: {  	v49 =	vld.idx.msk [tilespmem:v8+s31+$0x10 ss:$0x1], $0xffff;
	v7 =	vadd.f32 v12, v7;
	v9 =	vmax.f32 v9, $0.0e+00;
	v11 =	vadd.f32 $2.000000000e+00, v11  }
0xb0: {  	v8 =	vld.idx.msk [tilespmem:v8+s31+$0x20 ss:$0x1], $0xffff;
	v3 =	vadd.f32 v9, v3;
	v47 =	vmax.f32 v10, $0.0e+00;
	v48 =	vadd.f32 $2.000000000e+00, v14  }
0xb1: {  	v18 =	vadd.f32 $2.000000000e+00, v18;
	v2 =	vadd.f32 v47, v2  }
0xb2: {  	v51 =	vadd.f32 $2.000000000e+00, v42;
	v53 =	vadd.f32 $2.000000000e+00, v43  }
0xb3: {  	v56 =	vadd.f32 $2.000000000e+00, v44;
	v58 =	vadd.f32 $2.000000000e+00, v45  }
0xb4: {  	v50 =	vmax.f32 v11, $0.0e+00;
	v60 =	vadd.f32 $2.000000000e+00, v46;
	v61 =	vadd.f32 $2.000000000e+00, v49  }
0xb5: {  	s30 =	sadd.s32 $0x1, s30;
	v8 =	vadd.f32 $2.000000000e+00, v8;
	v1 =	vadd.f32 v50, v1;
	v52 =	vmax.f32 v48, $0.0e+00  }
0xb6: {  	p0 =	sne.s32 s30, $0x20;
	v54 =	vmax.f32 v18, $0.0e+00;
	v0 =	vadd.f32 v52, v0;
	v55 =	vmax.f32 v51, $0.0e+00  }
.Ltmp5:
0xb7: {  	v57 =	vmax.f32 v53, $0.0e+00;
	v59 =	vmax.f32 v56, $0.0e+00;
	v10 =	vmax.f32 v58, $0.0e+00;
	(pc) =	sbr.rel @p0 .LBB2_10-.Ltmp5, $4  }
0xb8: {  	v62 =	vmax.f32 v60, $0.0e+00;
	v5 =	vadd.f32 v54, v5;
	v6 =	vadd.f32 v55, v6  }
0xb9: {  	v8 =	vmax.f32 v8, $0.0e+00;
	v4 =	vadd.f32 v57, v4;
	v7 =	vadd.f32 v59, v7  }
0xba: {  	v63 =	vmax.f32 v61, $0.0e+00;
	v3 =	vadd.f32 v10, v3;
	v0 =	vadd.f32 v8, v0  }
0xbb: {  	s29 =	sadd.s32 $0x400, s29;
	s28 =	sadd.s32 $0x1, s28;
	v2 =	vadd.f32 v62, v2;
	v1 =	vadd.f32 v63, v1  }
0xbc: {  	s28 =	simm.s32 $0x0  }
0xbd: {  	[tilespmem:s28], [sflag:$0x1] =	stream.linear.gather [hbm4b:s7+s28], $0x8000, $0x38;
	[tilespmem:$0x10080] =	vst v63  }
0xbe: {  	_ =	swait.ge [sflag:s23], $0x8000  }
0xbf: {  	[sflag:s23] =	ssyncset.done $0x0  }
0xc0: {  	s29 =	simm.s32 $0x0;
	s30 =	simm.s32 $0x0;
	[sflag:s23] =	ssyncadd.s32 $0xFFFF8000  }
.LBB2_14:
0xc1: {  	s0 =	sshll.u32 s29, $0x2;
	s1 =	sand.u32 $0x7, s28  }
0xc2: {  	s0 =	sand.u32 $0xFFFF8000, s0;
	s1 =	sshll.u32 s1, $0x9  }
0xc3: {  	s0 =	sor.u32 s1, s0  }
0xc4: {  	s0 =	sshrl.u32 s0, $0x2  }
0xc5: {  	s0 =	sadd.s32 $0x8040, s0  }
0xc6: {  	v8 =	vmov s0;
	_ =	sdelay $0x3  }
0xc7: {  	s0 =	simm.s32 $0x0  }
0xc8: {  	v9 =	vld.idx.msk [tilespmem:v8+s0+$0x30 ss:$0x1], $0xffff  }
0xc9: {  	v10 =	vld.idx.msk [tilespmem:v8+s0+$0xFFFFFFC0 ss:$0x1], $0xffff  }
0xca: {  	v11 =	vld.idx.msk [tilespmem:v8+s0+$0xFFFFFFD0 ss:$0x1], $0xffff  }
0xcb: {  	v12 =	vld.idx.msk [tilespmem:v8+s0+$0xFFFFFFE0 ss:$0x1], $0xffff  }
0xcc: {  	v16 =	vld.idx.msk [tilespmem:v8+s0+$0x10 ss:$0x1], $0xffff  }
0xcd: {  	v17 =	vld.idx.msk [tilespmem:v8+s0+$0x20 ss:$0x1], $0xffff  }
0xce: {  	v14 =	vld.idx.msk [tilespmem:v8+s0+$0xFFFFFFF0 ss:$0x1], $0xffff  }
0xcf: {  	s1 =	simm.s32 $0x400;
	v15 =	vld.idx.msk [tilespmem:v8+s0+$0x0 ss:$0x1], $0xffff;
	v9 =	vadd.f32 $2.000000000e+00, v9  }
0xd0: {  	v18 =	vld.idx.msk [tilespmem:v8+s1+$0x30 ss:$0x1], $0xffff;
	v10 =	vadd.f32 $2.000000000e+00, v10;
	v11 =	vadd.f32 $2.000000000e+00, v11  }
0xd1: {  	v20 =	vadd.f32 $2.000000000e+00, v12;
	v16 =	vadd.f32 $2.000000000e+00, v16  }
0xd2: {  	v19 =	vld.idx.msk [tilespmem:v8+s1+$0xFFFFFFC0 ss:$0x1], $0xffff;
	v17 =	vadd.f32 $2.000000000e+00, v17;
	v9 =	vmax.f32 v9, $0.0e+00;
	v10 =	vmax.f32 v10, $0.0e+00  }
0xd3: {  	v13 =	vld.idx.msk [tilespmem:v8+s1+$0xFFFFFFD0 ss:$0x1], $0xffff;
	v5 =	vadd.f32 v9, v5;
	v6 =	vadd.f32 v10, v6  }
0xd4: {  	v12 =	vld.idx.msk [tilespmem:v8+s1+$0xFFFFFFE0 ss:$0x1], $0xffff;
	v9 =	vmax.f32 v11, $0.0e+00;
	v10 =	vadd.f32 $2.000000000e+00, v14;
	v14 =	vadd.f32 $2.000000000e+00, v15  }
0xd5: {  	v11 =	vmax.f32 v20, $0.0e+00;
	v15 =	vadd.f32 $2.000000000e+00, v18;
	v4 =	vadd.f32 v9, v4;
	v9 =	vld.idx.msk [tilespmem:v8+s1+$0xFFFFFFF0 ss:$0x1], $0xffff  }
0xd6: {  	v18 =	vmax.f32 v16, $0.0e+00;
	v7 =	vadd.f32 v11, v7;
	v11 =	vmax.f32 v10, $0.0e+00;
	v10 =	vld.idx.msk [tilespmem:v8+s1+$0x0 ss:$0x1], $0xffff  }
0xd7: {  	v16 =	vadd.f32 $2.000000000e+00, v19;
	v14 =	vmax.f32 v14, $0.0e+00;
	v3 =	vadd.f32 v11, v3;
	v11 =	vld.idx.msk [tilespmem:v8+s1+$0x10 ss:$0x1], $0xffff  }
0xd8: {  	s31 =	simm.s32 $0x800;
	s0 =	simm.s32 $0x3000;
	v17 =	vmax.f32 v17, $0.0e+00;
	v1 =	vadd.f32 v18, v1;
	v2 =	vadd.f32 v14, v2;
	v14 =	vld.idx.msk [tilespmem:v8+s1+$0x20 ss:$0x1], $0xffff  }
.LBB2_15:
0xd9: {  	p0 =	sne.s32 s0, $0x7000;
	v18 =	vld.idx.msk [tilespmem:v8+s31+$0x30 ss:$0x1], $0xffff;
	v19 =	vadd.f32 $2.000000000e+00, v13;
	v13 =	vmax.f32 v15, $0.0e+00;
	v0 =	vadd.f32 v17, v0  }
0xda: {  	v17 =	vld.idx.msk [tilespmem:v8+s31+$0xFFFFFFC0 ss:$0x1], $0xffff;
	v15 =	vmax.f32 v16, $0.0e+00;
	v16 =	vadd.f32 $2.000000000e+00, v12;
	v5 =	vadd.f32 v13, v5  }
0xdb: {  	v13 =	vld.idx.msk [tilespmem:v8+s31+$0xFFFFFFD0 ss:$0x1], $0xffff;
	v6 =	vadd.f32 v15, v6;
	v15 =	vmax.f32 v19, $0.0e+00;
	v19 =	vadd.f32 $2.000000000e+00, v9  }
.Ltmp6:
0xdc: {  	v12 =	vld.idx.msk [tilespmem:v8+s31+$0xFFFFFFE0 ss:$0x1], $0xffff;
	v4 =	vadd.f32 v15, v4;
	v15 =	vmax.f32 v16, $0.0e+00;
	v16 =	vadd.f32 $2.000000000e+00, v10;
	(pc) =	sbr.rel @p0 .LBB2_15-.Ltmp6, $4  }
0xdd: {  	v9 =	vld.idx.msk [tilespmem:v8+s31+$0xFFFFFFF0 ss:$0x1], $0xffff;
	v7 =	vadd.f32 v15, v7;
	v15 =	vmax.f32 v19, $0.0e+00;
	v19 =	vadd.f32 $2.000000000e+00, v11  }
0xde: {  	v20 =	vadd.f32 $2.000000000e+00, v14;
	v10 =	vld.idx.msk [tilespmem:v8+s31+$0x0 ss:$0x1], $0xffff;
	v3 =	vadd.f32 v15, v3;
	v16 =	vmax.f32 v16, $0.0e+00  }
0xdf: {  	v15 =	vadd.f32 $2.000000000e+00, v18;
	v11 =	vld.idx.msk [tilespmem:v8+s31+$0x10 ss:$0x1], $0xffff;
	v2 =	vadd.f32 v16, v2;
	v18 =	vmax.f32 v19, $0.0e+00  }
0xe0: {  	v16 =	vadd.f32 $2.000000000e+00, v17;
	v17 =	vmax.f32 v20, $0.0e+00;
	v14 =	vld.idx.msk [tilespmem:v8+s31+$0x20 ss:$0x1], $0xffff;
	s31 =	sshra.s32 s0, $0x2;
	s0 =	sadd.s32 $0x1000, s0;
	v1 =	vadd.f32 v18, v1  }
0xe1: {  	_ =	sdelay $0x3  }
0xe2: {  	v18 =	vld.idx.msk [tilespmem:v8+s31+$0x30 ss:$0x1], $0xffff  }
0xe3: {  	v42 =	vld.idx.msk [tilespmem:v8+s31+$0xFFFFFFC0 ss:$0x1], $0xffff  }
0xe4: {  	v13 =	vadd.f32 $2.000000000e+00, v13;
	v15 =	vmax.f32 v15, $0.0e+00;
	v0 =	vadd.f32 v17, v0;
	v43 =	vld.idx.msk [tilespmem:v8+s31+$0xFFFFFFD0 ss:$0x1], $0xffff  }
0xe5: {  	v12 =	vadd.f32 $2.000000000e+00, v12;
	v44 =	vld.idx.msk [tilespmem:v8+s31+$0xFFFFFFE0 ss:$0x1], $0xffff;
	v16 =	vmax.f32 v16, $0.0e+00;
	v5 =	vadd.f32 v15, v5  }
0xe6: {  	v45 =	vld.idx.msk [tilespmem:v8+s31+$0xFFFFFFF0 ss:$0x1], $0xffff;
	v9 =	vadd.f32 $2.000000000e+00, v9;
	v6 =	vadd.f32 v16, v6;
	v13 =	vmax.f32 v13, $0.0e+00  }
0xe7: {  	v46 =	vld.idx.msk [tilespmem:v8+s31+$0x0 ss:$0x1], $0xffff;
	v12 =	vmax.f32 v12, $0.0e+00;
	v10 =	vadd.f32 $2.000000000e+00, v10;
	v4 =	vadd.f32 v13, v4  }
0xe8: {  	v49 =	vld.idx.msk [tilespmem:v8+s31+$0x10 ss:$0x1], $0xffff;
	v7 =	vadd.f32 v12, v7;
	v9 =	vmax.f32 v9, $0.0e+00;
	v11 =	vadd.f32 $2.000000000e+00, v11  }
0xe9: {  	v8 =	vld.idx.msk [tilespmem:v8+s31+$0x20 ss:$0x1], $0xffff;
	v3 =	vadd.f32 v9, v3;
	v47 =	vmax.f32 v10, $0.0e+00;
	v48 =	vadd.f32 $2.000000000e+00, v14  }
0xea: {  	v18 =	vadd.f32 $2.000000000e+00, v18;
	v2 =	vadd.f32 v47, v2  }
0xeb: {  	v51 =	vadd.f32 $2.000000000e+00, v42;
	v53 =	vadd.f32 $2.000000000e+00, v43  }
0xec: {  	v56 =	vadd.f32 $2.000000000e+00, v44;
	v58 =	vadd.f32 $2.000000000e+00, v45  }
0xed: {  	v50 =	vmax.f32 v11, $0.0e+00;
	v60 =	vadd.f32 $2.000000000e+00, v46;
	v61 =	vadd.f32 $2.000000000e+00, v49  }
0xee: {  	s30 =	sadd.s32 $0x1, s30;
	v8 =	vadd.f32 $2.000000000e+00, v8;
	v1 =	vadd.f32 v50, v1;
	v52 =	vmax.f32 v48, $0.0e+00  }
0xef: {  	p0 =	sne.s32 s30, $0x20;
	v54 =	vmax.f32 v18, $0.0e+00;
	v0 =	vadd.f32 v52, v0;
	v55 =	vmax.f32 v51, $0.0e+00  }
.Ltmp7:
0xf0: {  	v57 =	vmax.f32 v53, $0.0e+00;
	v59 =	vmax.f32 v56, $0.0e+00;
	v10 =	vmax.f32 v58, $0.0e+00;
	(pc) =	sbr.rel @p0 .LBB2_14-.Ltmp7, $4  }
0xf1: {  	v62 =	vmax.f32 v60, $0.0e+00;
	v5 =	vadd.f32 v54, v5;
	v6 =	vadd.f32 v55, v6  }
0xf2: {  	v8 =	vmax.f32 v8, $0.0e+00;
	v4 =	vadd.f32 v57, v4;
	v7 =	vadd.f32 v59, v7  }
0xf3: {  	v63 =	vmax.f32 v61, $0.0e+00;
	v3 =	vadd.f32 v10, v3;
	v0 =	vadd.f32 v8, v0  }
0xf4: {  	s29 =	sadd.s32 $0x400, s29;
	s28 =	sadd.s32 $0x1, s28;
	v2 =	vadd.f32 v62, v2;
	v1 =	vadd.f32 v63, v1  }
0xf5: {  	s28 =	simm.s32 $0x0  }
0xf6: {  	[tilespmem:s21], [sflag:$0x2] =	stream.linear.gather [hbm4b:s8+s28], $0x8000, $0x38;
	[tilespmem:$0x10080] =	vst v63  }
0xf7: {  	_ =	swait.ge [sflag:s22], $0x8000  }
0xf8: {  	[sflag:s22] =	ssyncset.done $0x0  }
0xf9: {  	s29 =	simm.s32 $0x0;
	s30 =	simm.s32 $0x0;
	[sflag:s22] =	ssyncadd.s32 $0xFFFF8000  }
.LBB2_18:
0xfa: {  	s0 =	sshll.u32 s29, $0x2;
	s1 =	sand.u32 $0x7, s28  }
0xfb: {  	s0 =	sand.u32 $0xFFFF8000, s0;
	s1 =	sshll.u32 s1, $0x9  }
0xfc: {  	s0 =	sor.u32 s1, s0  }
0xfd: {  	s0 =	sshrl.u32 s0, $0x2  }
0xfe: {  	s0 =	sor.u32 $0x40, s0  }
0xff: {  	v8 =	vmov s0;
	_ =	sdelay $0x3  }
0x100: {  	s0 =	simm.s32 $0x0  }
0x101: {  	v9 =	vld.idx.msk [tilespmem:v8+s0+$0x30 ss:$0x1], $0xffff  }
0x102: {  	v10 =	vld.idx.msk [tilespmem:v8+s0+$0xFFFFFFC0 ss:$0x1], $0xffff  }
0x103: {  	v11 =	vld.idx.msk [tilespmem:v8+s0+$0xFFFFFFD0 ss:$0x1], $0xffff  }
0x104: {  	v12 =	vld.idx.msk [tilespmem:v8+s0+$0xFFFFFFE0 ss:$0x1], $0xffff  }
0x105: {  	v16 =	vld.idx.msk [tilespmem:v8+s0+$0x10 ss:$0x1], $0xffff  }
0x106: {  	v17 =	vld.idx.msk [tilespmem:v8+s0+$0x20 ss:$0x1], $0xffff  }
0x107: {  	v14 =	vld.idx.msk [tilespmem:v8+s0+$0xFFFFFFF0 ss:$0x1], $0xffff  }
0x108: {  	s1 =	simm.s32 $0x400;
	v15 =	vld.idx.msk [tilespmem:v8+s0+$0x0 ss:$0x1], $0xffff;
	v9 =	vadd.f32 $2.000000000e+00, v9  }
0x109: {  	v18 =	vld.idx.msk [tilespmem:v8+s1+$0x30 ss:$0x1], $0xffff;
	v10 =	vadd.f32 $2.000000000e+00, v10;
	v11 =	vadd.f32 $2.000000000e+00, v11  }
0x10a: {  	v20 =	vadd.f32 $2.000000000e+00, v12;
	v16 =	vadd.f32 $2.000000000e+00, v16  }
0x10b: {  	v19 =	vld.idx.msk [tilespmem:v8+s1+$0xFFFFFFC0 ss:$0x1], $0xffff;
	v17 =	vadd.f32 $2.000000000e+00, v17;
	v9 =	vmax.f32 v9, $0.0e+00;
	v10 =	vmax.f32 v10, $0.0e+00  }
0x10c: {  	v13 =	vld.idx.msk [tilespmem:v8+s1+$0xFFFFFFD0 ss:$0x1], $0xffff;
	v5 =	vadd.f32 v9, v5;
	v6 =	vadd.f32 v10, v6  }
0x10d: {  	v12 =	vld.idx.msk [tilespmem:v8+s1+$0xFFFFFFE0 ss:$0x1], $0xffff;
	v9 =	vmax.f32 v11, $0.0e+00;
	v10 =	vadd.f32 $2.000000000e+00, v14;
	v14 =	vadd.f32 $2.000000000e+00, v15  }
0x10e: {  	v11 =	vmax.f32 v20, $0.0e+00;
	v15 =	vadd.f32 $2.000000000e+00, v18;
	v4 =	vadd.f32 v9, v4;
	v9 =	vld.idx.msk [tilespmem:v8+s1+$0xFFFFFFF0 ss:$0x1], $0xffff  }
0x10f: {  	v18 =	vmax.f32 v16, $0.0e+00;
	v7 =	vadd.f32 v11, v7;
	v11 =	vmax.f32 v10, $0.0e+00;
	v10 =	vld.idx.msk [tilespmem:v8+s1+$0x0 ss:$0x1], $0xffff  }
0x110: {  	v16 =	vadd.f32 $2.000000000e+00, v19;
	v14 =	vmax.f32 v14, $0.0e+00;
	v3 =	vadd.f32 v11, v3;
	v11 =	vld.idx.msk [tilespmem:v8+s1+$0x10 ss:$0x1], $0xffff  }
0x111: {  	s31 =	simm.s32 $0x800;
	s0 =	simm.s32 $0x3000;
	v17 =	vmax.f32 v17, $0.0e+00;
	v1 =	vadd.f32 v18, v1;
	v2 =	vadd.f32 v14, v2;
	v14 =	vld.idx.msk [tilespmem:v8+s1+$0x20 ss:$0x1], $0xffff  }
.LBB2_19:
0x112: {  	p0 =	sne.s32 s0, $0x7000;
	v18 =	vld.idx.msk [tilespmem:v8+s31+$0x30 ss:$0x1], $0xffff;
	v19 =	vadd.f32 $2.000000000e+00, v13;
	v13 =	vmax.f32 v15, $0.0e+00;
	v0 =	vadd.f32 v17, v0  }
0x113: {  	v17 =	vld.idx.msk [tilespmem:v8+s31+$0xFFFFFFC0 ss:$0x1], $0xffff;
	v15 =	vmax.f32 v16, $0.0e+00;
	v16 =	vadd.f32 $2.000000000e+00, v12;
	v5 =	vadd.f32 v13, v5  }
0x114: {  	v13 =	vld.idx.msk [tilespmem:v8+s31+$0xFFFFFFD0 ss:$0x1], $0xffff;
	v6 =	vadd.f32 v15, v6;
	v15 =	vmax.f32 v19, $0.0e+00;
	v19 =	vadd.f32 $2.000000000e+00, v9  }
.Ltmp8:
0x115: {  	v12 =	vld.idx.msk [tilespmem:v8+s31+$0xFFFFFFE0 ss:$0x1], $0xffff;
	v4 =	vadd.f32 v15, v4;
	v15 =	vmax.f32 v16, $0.0e+00;
	v16 =	vadd.f32 $2.000000000e+00, v10;
	(pc) =	sbr.rel @p0 .LBB2_19-.Ltmp8, $4  }
0x116: {  	v9 =	vld.idx.msk [tilespmem:v8+s31+$0xFFFFFFF0 ss:$0x1], $0xffff;
	v7 =	vadd.f32 v15, v7;
	v15 =	vmax.f32 v19, $0.0e+00;
	v19 =	vadd.f32 $2.000000000e+00, v11  }
0x117: {  	v20 =	vadd.f32 $2.000000000e+00, v14;
	v10 =	vld.idx.msk [tilespmem:v8+s31+$0x0 ss:$0x1], $0xffff;
	v3 =	vadd.f32 v15, v3;
	v16 =	vmax.f32 v16, $0.0e+00  }
0x118: {  	v15 =	vadd.f32 $2.000000000e+00, v18;
	v11 =	vld.idx.msk [tilespmem:v8+s31+$0x10 ss:$0x1], $0xffff;
	v2 =	vadd.f32 v16, v2;
	v18 =	vmax.f32 v19, $0.0e+00  }
0x119: {  	v16 =	vadd.f32 $2.000000000e+00, v17;
	v17 =	vmax.f32 v20, $0.0e+00;
	v14 =	vld.idx.msk [tilespmem:v8+s31+$0x20 ss:$0x1], $0xffff;
	s31 =	sshra.s32 s0, $0x2;
	s0 =	sadd.s32 $0x1000, s0;
	v1 =	vadd.f32 v18, v1  }
0x11a: {  	_ =	sdelay $0x3  }
0x11b: {  	v18 =	vld.idx.msk [tilespmem:v8+s31+$0x30 ss:$0x1], $0xffff  }
0x11c: {  	v42 =	vld.idx.msk [tilespmem:v8+s31+$0xFFFFFFC0 ss:$0x1], $0xffff  }
0x11d: {  	v13 =	vadd.f32 $2.000000000e+00, v13;
	v15 =	vmax.f32 v15, $0.0e+00;
	v0 =	vadd.f32 v17, v0;
	v43 =	vld.idx.msk [tilespmem:v8+s31+$0xFFFFFFD0 ss:$0x1], $0xffff  }
0x11e: {  	v12 =	vadd.f32 $2.000000000e+00, v12;
	v44 =	vld.idx.msk [tilespmem:v8+s31+$0xFFFFFFE0 ss:$0x1], $0xffff;
	v16 =	vmax.f32 v16, $0.0e+00;
	v5 =	vadd.f32 v15, v5  }
0x11f: {  	v45 =	vld.idx.msk [tilespmem:v8+s31+$0xFFFFFFF0 ss:$0x1], $0xffff;
	v9 =	vadd.f32 $2.000000000e+00, v9;
	v6 =	vadd.f32 v16, v6;
	v13 =	vmax.f32 v13, $0.0e+00  }
0x120: {  	v46 =	vld.idx.msk [tilespmem:v8+s31+$0x0 ss:$0x1], $0xffff;
	v12 =	vmax.f32 v12, $0.0e+00;
	v10 =	vadd.f32 $2.000000000e+00, v10;
	v4 =	vadd.f32 v13, v4  }
0x121: {  	v49 =	vld.idx.msk [tilespmem:v8+s31+$0x10 ss:$0x1], $0xffff;
	v7 =	vadd.f32 v12, v7;
	v9 =	vmax.f32 v9, $0.0e+00;
	v11 =	vadd.f32 $2.000000000e+00, v11  }
0x122: {  	v8 =	vld.idx.msk [tilespmem:v8+s31+$0x20 ss:$0x1], $0xffff;
	v3 =	vadd.f32 v9, v3;
	v47 =	vmax.f32 v10, $0.0e+00;
	v48 =	vadd.f32 $2.000000000e+00, v14  }
0x123: {  	v18 =	vadd.f32 $2.000000000e+00, v18;
	v2 =	vadd.f32 v47, v2  }
0x124: {  	v51 =	vadd.f32 $2.000000000e+00, v42;
	v53 =	vadd.f32 $2.000000000e+00, v43  }
0x125: {  	v56 =	vadd.f32 $2.000000000e+00, v44;
	v58 =	vadd.f32 $2.000000000e+00, v45  }
0x126: {  	v50 =	vmax.f32 v11, $0.0e+00;
	v60 =	vadd.f32 $2.000000000e+00, v46;
	v61 =	vadd.f32 $2.000000000e+00, v49  }
0x127: {  	s30 =	sadd.s32 $0x1, s30;
	v8 =	vadd.f32 $2.000000000e+00, v8;
	v1 =	vadd.f32 v50, v1;
	v52 =	vmax.f32 v48, $0.0e+00  }
0x128: {  	p0 =	sne.s32 s30, $0x20;
	v54 =	vmax.f32 v18, $0.0e+00;
	v0 =	vadd.f32 v52, v0;
	v55 =	vmax.f32 v51, $0.0e+00  }
.Ltmp9:
0x129: {  	v57 =	vmax.f32 v53, $0.0e+00;
	v59 =	vmax.f32 v56, $0.0e+00;
	v10 =	vmax.f32 v58, $0.0e+00;
	(pc) =	sbr.rel @p0 .LBB2_18-.Ltmp9, $4  }
0x12a: {  	v62 =	vmax.f32 v60, $0.0e+00;
	v5 =	vadd.f32 v54, v5;
	v6 =	vadd.f32 v55, v6  }
0x12b: {  	v8 =	vmax.f32 v8, $0.0e+00;
	v4 =	vadd.f32 v57, v4;
	v7 =	vadd.f32 v59, v7  }
0x12c: {  	v63 =	vmax.f32 v61, $0.0e+00;
	v3 =	vadd.f32 v10, v3;
	v0 =	vadd.f32 v8, v0  }
0x12d: {  	s29 =	sadd.s32 $0x400, s29;
	s28 =	sadd.s32 $0x1, s28;
	v2 =	vadd.f32 v62, v2;
	v1 =	vadd.f32 v63, v1  }
0x12e: {  	s28 =	simm.s32 $0x0  }
0x12f: {  	[tilespmem:s28], [sflag:$0x1] =	stream.linear.gather [hbm4b:s9+s28], $0x8000, $0x38;
	[tilespmem:$0x10080] =	vst v63  }
0x130: {  	_ =	swait.ge [sflag:s23], $0x8000  }
0x131: {  	[sflag:s23] =	ssyncset.done $0x0  }
0x132: {  	s29 =	simm.s32 $0x0;
	s30 =	simm.s32 $0x0;
	[sflag:s23] =	ssyncadd.s32 $0xFFFF8000  }
.LBB2_22:
0x133: {  	s0 =	sshll.u32 s29, $0x2;
	s1 =	sand.u32 $0x7, s28  }
0x134: {  	s0 =	sand.u32 $0xFFFF8000, s0;
	s1 =	sshll.u32 s1, $0x9  }
0x135: {  	s0 =	sor.u32 s1, s0  }
0x136: {  	s0 =	sshrl.u32 s0, $0x2  }
0x137: {  	s0 =	sadd.s32 $0x8040, s0  }
0x138: {  	v8 =	vmov s0;
	_ =	sdelay $0x3  }
0x139: {  	s0 =	simm.s32 $0x0  }
0x13a: {  	v9 =	vld.idx.msk [tilespmem:v8+s0+$0x30 ss:$0x1], $0xffff  }
0x13b: {  	v10 =	vld.idx.msk [tilespmem:v8+s0+$0xFFFFFFC0 ss:$0x1], $0xffff  }
0x13c: {  	v11 =	vld.idx.msk [tilespmem:v8+s0+$0xFFFFFFD0 ss:$0x1], $0xffff  }
0x13d: {  	v12 =	vld.idx.msk [tilespmem:v8+s0+$0xFFFFFFE0 ss:$0x1], $0xffff  }
0x13e: {  	v16 =	vld.idx.msk [tilespmem:v8+s0+$0x10 ss:$0x1], $0xffff  }
0x13f: {  	v17 =	vld.idx.msk [tilespmem:v8+s0+$0x20 ss:$0x1], $0xffff  }
0x140: {  	v14 =	vld.idx.msk [tilespmem:v8+s0+$0xFFFFFFF0 ss:$0x1], $0xffff  }
0x141: {  	s1 =	simm.s32 $0x400;
	v15 =	vld.idx.msk [tilespmem:v8+s0+$0x0 ss:$0x1], $0xffff;
	v9 =	vadd.f32 $2.000000000e+00, v9  }
0x142: {  	v18 =	vld.idx.msk [tilespmem:v8+s1+$0x30 ss:$0x1], $0xffff;
	v10 =	vadd.f32 $2.000000000e+00, v10;
	v11 =	vadd.f32 $2.000000000e+00, v11  }
0x143: {  	v20 =	vadd.f32 $2.000000000e+00, v12;
	v16 =	vadd.f32 $2.000000000e+00, v16  }
0x144: {  	v19 =	vld.idx.msk [tilespmem:v8+s1+$0xFFFFFFC0 ss:$0x1], $0xffff;
	v17 =	vadd.f32 $2.000000000e+00, v17;
	v9 =	vmax.f32 v9, $0.0e+00;
	v10 =	vmax.f32 v10, $0.0e+00  }
0x145: {  	v13 =	vld.idx.msk [tilespmem:v8+s1+$0xFFFFFFD0 ss:$0x1], $0xffff;
	v5 =	vadd.f32 v9, v5;
	v6 =	vadd.f32 v10, v6  }
0x146: {  	v12 =	vld.idx.msk [tilespmem:v8+s1+$0xFFFFFFE0 ss:$0x1], $0xffff;
	v9 =	vmax.f32 v11, $0.0e+00;
	v10 =	vadd.f32 $2.000000000e+00, v14;
	v14 =	vadd.f32 $2.000000000e+00, v15  }
0x147: {  	v11 =	vmax.f32 v20, $0.0e+00;
	v15 =	vadd.f32 $2.000000000e+00, v18;
	v4 =	vadd.f32 v9, v4;
	v9 =	vld.idx.msk [tilespmem:v8+s1+$0xFFFFFFF0 ss:$0x1], $0xffff  }
0x148: {  	v18 =	vmax.f32 v16, $0.0e+00;
	v7 =	vadd.f32 v11, v7;
	v11 =	vmax.f32 v10, $0.0e+00;
	v10 =	vld.idx.msk [tilespmem:v8+s1+$0x0 ss:$0x1], $0xffff  }
0x149: {  	v16 =	vadd.f32 $2.000000000e+00, v19;
	v14 =	vmax.f32 v14, $0.0e+00;
	v3 =	vadd.f32 v11, v3;
	v11 =	vld.idx.msk [tilespmem:v8+s1+$0x10 ss:$0x1], $0xffff  }
0x14a: {  	s31 =	simm.s32 $0x800;
	s0 =	simm.s32 $0x3000;
	v17 =	vmax.f32 v17, $0.0e+00;
	v1 =	vadd.f32 v18, v1;
	v2 =	vadd.f32 v14, v2;
	v14 =	vld.idx.msk [tilespmem:v8+s1+$0x20 ss:$0x1], $0xffff  }
.LBB2_23:
0x14b: {  	p0 =	sne.s32 s0, $0x7000;
	v18 =	vld.idx.msk [tilespmem:v8+s31+$0x30 ss:$0x1], $0xffff;
	v19 =	vadd.f32 $2.000000000e+00, v13;
	v13 =	vmax.f32 v15, $0.0e+00;
	v0 =	vadd.f32 v17, v0  }
0x14c: {  	v17 =	vld.idx.msk [tilespmem:v8+s31+$0xFFFFFFC0 ss:$0x1], $0xffff;
	v15 =	vmax.f32 v16, $0.0e+00;
	v16 =	vadd.f32 $2.000000000e+00, v12;
	v5 =	vadd.f32 v13, v5  }
0x14d: {  	v13 =	vld.idx.msk [tilespmem:v8+s31+$0xFFFFFFD0 ss:$0x1], $0xffff;
	v6 =	vadd.f32 v15, v6;
	v15 =	vmax.f32 v19, $0.0e+00;
	v19 =	vadd.f32 $2.000000000e+00, v9  }
.Ltmp10:
0x14e: {  	v12 =	vld.idx.msk [tilespmem:v8+s31+$0xFFFFFFE0 ss:$0x1], $0xffff;
	v4 =	vadd.f32 v15, v4;
	v15 =	vmax.f32 v16, $0.0e+00;
	v16 =	vadd.f32 $2.000000000e+00, v10;
	(pc) =	sbr.rel @p0 .LBB2_23-.Ltmp10, $4  }
0x14f: {  	v9 =	vld.idx.msk [tilespmem:v8+s31+$0xFFFFFFF0 ss:$0x1], $0xffff;
	v7 =	vadd.f32 v15, v7;
	v15 =	vmax.f32 v19, $0.0e+00;
	v19 =	vadd.f32 $2.000000000e+00, v11  }
0x150: {  	v20 =	vadd.f32 $2.000000000e+00, v14;
	v10 =	vld.idx.msk [tilespmem:v8+s31+$0x0 ss:$0x1], $0xffff;
	v3 =	vadd.f32 v15, v3;
	v16 =	vmax.f32 v16, $0.0e+00  }
0x151: {  	v15 =	vadd.f32 $2.000000000e+00, v18;
	v11 =	vld.idx.msk [tilespmem:v8+s31+$0x10 ss:$0x1], $0xffff;
	v2 =	vadd.f32 v16, v2;
	v18 =	vmax.f32 v19, $0.0e+00  }
0x152: {  	v16 =	vadd.f32 $2.000000000e+00, v17;
	v17 =	vmax.f32 v20, $0.0e+00;
	v14 =	vld.idx.msk [tilespmem:v8+s31+$0x20 ss:$0x1], $0xffff;
	s31 =	sshra.s32 s0, $0x2;
	s0 =	sadd.s32 $0x1000, s0;
	v1 =	vadd.f32 v18, v1  }
0x153: {  	_ =	sdelay $0x3  }
0x154: {  	v18 =	vld.idx.msk [tilespmem:v8+s31+$0x30 ss:$0x1], $0xffff  }
0x155: {  	v42 =	vld.idx.msk [tilespmem:v8+s31+$0xFFFFFFC0 ss:$0x1], $0xffff  }
0x156: {  	v13 =	vadd.f32 $2.000000000e+00, v13;
	v15 =	vmax.f32 v15, $0.0e+00;
	v0 =	vadd.f32 v17, v0;
	v43 =	vld.idx.msk [tilespmem:v8+s31+$0xFFFFFFD0 ss:$0x1], $0xffff  }
0x157: {  	v12 =	vadd.f32 $2.000000000e+00, v12;
	v44 =	vld.idx.msk [tilespmem:v8+s31+$0xFFFFFFE0 ss:$0x1], $0xffff;
	v16 =	vmax.f32 v16, $0.0e+00;
	v5 =	vadd.f32 v15, v5  }
0x158: {  	v45 =	vld.idx.msk [tilespmem:v8+s31+$0xFFFFFFF0 ss:$0x1], $0xffff;
	v9 =	vadd.f32 $2.000000000e+00, v9;
	v6 =	vadd.f32 v16, v6;
	v13 =	vmax.f32 v13, $0.0e+00  }
0x159: {  	v46 =	vld.idx.msk [tilespmem:v8+s31+$0x0 ss:$0x1], $0xffff;
	v12 =	vmax.f32 v12, $0.0e+00;
	v10 =	vadd.f32 $2.000000000e+00, v10;
	v4 =	vadd.f32 v13, v4  }
0x15a: {  	v49 =	vld.idx.msk [tilespmem:v8+s31+$0x10 ss:$0x1], $0xffff;
	v7 =	vadd.f32 v12, v7;
	v9 =	vmax.f32 v9, $0.0e+00;
	v11 =	vadd.f32 $2.000000000e+00, v11  }
0x15b: {  	v8 =	vld.idx.msk [tilespmem:v8+s31+$0x20 ss:$0x1], $0xffff;
	v3 =	vadd.f32 v9, v3;
	v47 =	vmax.f32 v10, $0.0e+00;
	v48 =	vadd.f32 $2.000000000e+00, v14  }
0x15c: {  	v18 =	vadd.f32 $2.000000000e+00, v18;
	v2 =	vadd.f32 v47, v2  }
0x15d: {  	v51 =	vadd.f32 $2.000000000e+00, v42;
	v53 =	vadd.f32 $2.000000000e+00, v43  }
0x15e: {  	v56 =	vadd.f32 $2.000000000e+00, v44;
	v58 =	vadd.f32 $2.000000000e+00, v45  }
0x15f: {  	v50 =	vmax.f32 v11, $0.0e+00;
	v60 =	vadd.f32 $2.000000000e+00, v46;
	v61 =	vadd.f32 $2.000000000e+00, v49  }
0x160: {  	s30 =	sadd.s32 $0x1, s30;
	v8 =	vadd.f32 $2.000000000e+00, v8;
	v1 =	vadd.f32 v50, v1;
	v52 =	vmax.f32 v48, $0.0e+00  }
0x161: {  	p0 =	sne.s32 s30, $0x20;
	v54 =	vmax.f32 v18, $0.0e+00;
	v0 =	vadd.f32 v52, v0;
	v55 =	vmax.f32 v51, $0.0e+00  }
.Ltmp11:
0x162: {  	v57 =	vmax.f32 v53, $0.0e+00;
	v59 =	vmax.f32 v56, $0.0e+00;
	v10 =	vmax.f32 v58, $0.0e+00;
	(pc) =	sbr.rel @p0 .LBB2_22-.Ltmp11, $4  }
0x163: {  	v62 =	vmax.f32 v60, $0.0e+00;
	v5 =	vadd.f32 v54, v5;
	v6 =	vadd.f32 v55, v6  }
0x164: {  	v8 =	vmax.f32 v8, $0.0e+00;
	v4 =	vadd.f32 v57, v4;
	v7 =	vadd.f32 v59, v7  }
0x165: {  	v63 =	vmax.f32 v61, $0.0e+00;
	v3 =	vadd.f32 v10, v3;
	v0 =	vadd.f32 v8, v0  }
0x166: {  	s29 =	sadd.s32 $0x400, s29;
	s28 =	sadd.s32 $0x1, s28;
	v2 =	vadd.f32 v62, v2;
	v1 =	vadd.f32 v63, v1  }
0x167: {  	s28 =	simm.s32 $0x0  }
0x168: {  	[tilespmem:s21], [sflag:$0x2] =	stream.linear.gather [hbm4b:s10+s28], $0x8000, $0x38;
	[tilespmem:$0x10080] =	vst v63  }
0x169: {  	_ =	swait.ge [sflag:s22], $0x8000  }
0x16a: {  	[sflag:s22] =	ssyncset.done $0x0  }
0x16b: {  	s29 =	simm.s32 $0x0;
	s30 =	simm.s32 $0x0;
	[sflag:s22] =	ssyncadd.s32 $0xFFFF8000  }
.LBB2_26:
0x16c: {  	s0 =	sshll.u32 s29, $0x2;
	s1 =	sand.u32 $0x7, s28  }
0x16d: {  	s0 =	sand.u32 $0xFFFF8000, s0;
	s1 =	sshll.u32 s1, $0x9  }
0x16e: {  	s0 =	sor.u32 s1, s0  }
0x16f: {  	s0 =	sshrl.u32 s0, $0x2  }
0x170: {  	s0 =	sor.u32 $0x40, s0  }
0x171: {  	v8 =	vmov s0;
	_ =	sdelay $0x3  }
0x172: {  	s0 =	simm.s32 $0x0  }
0x173: {  	v9 =	vld.idx.msk [tilespmem:v8+s0+$0x30 ss:$0x1], $0xffff  }
0x174: {  	v10 =	vld.idx.msk [tilespmem:v8+s0+$0xFFFFFFC0 ss:$0x1], $0xffff  }
0x175: {  	v11 =	vld.idx.msk [tilespmem:v8+s0+$0xFFFFFFD0 ss:$0x1], $0xffff  }
0x176: {  	v12 =	vld.idx.msk [tilespmem:v8+s0+$0xFFFFFFE0 ss:$0x1], $0xffff  }
0x177: {  	v16 =	vld.idx.msk [tilespmem:v8+s0+$0x10 ss:$0x1], $0xffff  }
0x178: {  	v17 =	vld.idx.msk [tilespmem:v8+s0+$0x20 ss:$0x1], $0xffff  }
0x179: {  	v14 =	vld.idx.msk [tilespmem:v8+s0+$0xFFFFFFF0 ss:$0x1], $0xffff  }
0x17a: {  	s1 =	simm.s32 $0x400;
	v15 =	vld.idx.msk [tilespmem:v8+s0+$0x0 ss:$0x1], $0xffff;
	v9 =	vadd.f32 $2.000000000e+00, v9  }
0x17b: {  	v18 =	vld.idx.msk [tilespmem:v8+s1+$0x30 ss:$0x1], $0xffff;
	v10 =	vadd.f32 $2.000000000e+00, v10;
	v11 =	vadd.f32 $2.000000000e+00, v11  }
0x17c: {  	v20 =	vadd.f32 $2.000000000e+00, v12;
	v16 =	vadd.f32 $2.000000000e+00, v16  }
0x17d: {  	v19 =	vld.idx.msk [tilespmem:v8+s1+$0xFFFFFFC0 ss:$0x1], $0xffff;
	v17 =	vadd.f32 $2.000000000e+00, v17;
	v9 =	vmax.f32 v9, $0.0e+00;
	v10 =	vmax.f32 v10, $0.0e+00  }
0x17e: {  	v13 =	vld.idx.msk [tilespmem:v8+s1+$0xFFFFFFD0 ss:$0x1], $0xffff;
	v5 =	vadd.f32 v9, v5;
	v6 =	vadd.f32 v10, v6  }
0x17f: {  	v12 =	vld.idx.msk [tilespmem:v8+s1+$0xFFFFFFE0 ss:$0x1], $0xffff;
	v9 =	vmax.f32 v11, $0.0e+00;
	v10 =	vadd.f32 $2.000000000e+00, v14;
	v14 =	vadd.f32 $2.000000000e+00, v15  }
0x180: {  	v11 =	vmax.f32 v20, $0.0e+00;
	v15 =	vadd.f32 $2.000000000e+00, v18;
	v4 =	vadd.f32 v9, v4;
	v9 =	vld.idx.msk [tilespmem:v8+s1+$0xFFFFFFF0 ss:$0x1], $0xffff  }
0x181: {  	v18 =	vmax.f32 v16, $0.0e+00;
	v7 =	vadd.f32 v11, v7;
	v11 =	vmax.f32 v10, $0.0e+00;
	v10 =	vld.idx.msk [tilespmem:v8+s1+$0x0 ss:$0x1], $0xffff  }
0x182: {  	v16 =	vadd.f32 $2.000000000e+00, v19;
	v14 =	vmax.f32 v14, $0.0e+00;
	v3 =	vadd.f32 v11, v3;
	v11 =	vld.idx.msk [tilespmem:v8+s1+$0x10 ss:$0x1], $0xffff  }
0x183: {  	s31 =	simm.s32 $0x800;
	s0 =	simm.s32 $0x3000;
	v17 =	vmax.f32 v17, $0.0e+00;
	v1 =	vadd.f32 v18, v1;
	v2 =	vadd.f32 v14, v2;
	v14 =	vld.idx.msk [tilespmem:v8+s1+$0x20 ss:$0x1], $0xffff  }
.LBB2_27:
0x184: {  	p0 =	sne.s32 s0, $0x7000;
	v18 =	vld.idx.msk [tilespmem:v8+s31+$0x30 ss:$0x1], $0xffff;
	v19 =	vadd.f32 $2.000000000e+00, v13;
	v13 =	vmax.f32 v15, $0.0e+00;
	v0 =	vadd.f32 v17, v0  }
0x185: {  	v17 =	vld.idx.msk [tilespmem:v8+s31+$0xFFFFFFC0 ss:$0x1], $0xffff;
	v15 =	vmax.f32 v16, $0.0e+00;
	v16 =	vadd.f32 $2.000000000e+00, v12;
	v5 =	vadd.f32 v13, v5  }
0x186: {  	v13 =	vld.idx.msk [tilespmem:v8+s31+$0xFFFFFFD0 ss:$0x1], $0xffff;
	v6 =	vadd.f32 v15, v6;
	v15 =	vmax.f32 v19, $0.0e+00;
	v19 =	vadd.f32 $2.000000000e+00, v9  }
.Ltmp12:
0x187: {  	v12 =	vld.idx.msk [tilespmem:v8+s31+$0xFFFFFFE0 ss:$0x1], $0xffff;
	v4 =	vadd.f32 v15, v4;
	v15 =	vmax.f32 v16, $0.0e+00;
	v16 =	vadd.f32 $2.000000000e+00, v10;
	(pc) =	sbr.rel @p0 .LBB2_27-.Ltmp12, $4  }
0x188: {  	v9 =	vld.idx.msk [tilespmem:v8+s31+$0xFFFFFFF0 ss:$0x1], $0xffff;
	v7 =	vadd.f32 v15, v7;
	v15 =	vmax.f32 v19, $0.0e+00;
	v19 =	vadd.f32 $2.000000000e+00, v11  }
0x189: {  	v20 =	vadd.f32 $2.000000000e+00, v14;
	v10 =	vld.idx.msk [tilespmem:v8+s31+$0x0 ss:$0x1], $0xffff;
	v3 =	vadd.f32 v15, v3;
	v16 =	vmax.f32 v16, $0.0e+00  }
0x18a: {  	v15 =	vadd.f32 $2.000000000e+00, v18;
	v11 =	vld.idx.msk [tilespmem:v8+s31+$0x10 ss:$0x1], $0xffff;
	v2 =	vadd.f32 v16, v2;
	v18 =	vmax.f32 v19, $0.0e+00  }
0x18b: {  	v16 =	vadd.f32 $2.000000000e+00, v17;
	v17 =	vmax.f32 v20, $0.0e+00;
	v14 =	vld.idx.msk [tilespmem:v8+s31+$0x20 ss:$0x1], $0xffff;
	s31 =	sshra.s32 s0, $0x2;
	s0 =	sadd.s32 $0x1000, s0;
	v1 =	vadd.f32 v18, v1  }
0x18c: {  	_ =	sdelay $0x3  }
0x18d: {  	v18 =	vld.idx.msk [tilespmem:v8+s31+$0x30 ss:$0x1], $0xffff  }
0x18e: {  	v42 =	vld.idx.msk [tilespmem:v8+s31+$0xFFFFFFC0 ss:$0x1], $0xffff  }
0x18f: {  	v13 =	vadd.f32 $2.000000000e+00, v13;
	v15 =	vmax.f32 v15, $0.0e+00;
	v0 =	vadd.f32 v17, v0;
	v43 =	vld.idx.msk [tilespmem:v8+s31+$0xFFFFFFD0 ss:$0x1], $0xffff  }
0x190: {  	v12 =	vadd.f32 $2.000000000e+00, v12;
	v44 =	vld.idx.msk [tilespmem:v8+s31+$0xFFFFFFE0 ss:$0x1], $0xffff;
	v16 =	vmax.f32 v16, $0.0e+00;
	v5 =	vadd.f32 v15, v5  }
0x191: {  	v45 =	vld.idx.msk [tilespmem:v8+s31+$0xFFFFFFF0 ss:$0x1], $0xffff;
	v9 =	vadd.f32 $2.000000000e+00, v9;
	v6 =	vadd.f32 v16, v6;
	v13 =	vmax.f32 v13, $0.0e+00  }
0x192: {  	v46 =	vld.idx.msk [tilespmem:v8+s31+$0x0 ss:$0x1], $0xffff;
	v12 =	vmax.f32 v12, $0.0e+00;
	v10 =	vadd.f32 $2.000000000e+00, v10;
	v4 =	vadd.f32 v13, v4  }
0x193: {  	v49 =	vld.idx.msk [tilespmem:v8+s31+$0x10 ss:$0x1], $0xffff;
	v7 =	vadd.f32 v12, v7;
	v9 =	vmax.f32 v9, $0.0e+00;
	v11 =	vadd.f32 $2.000000000e+00, v11  }
0x194: {  	v8 =	vld.idx.msk [tilespmem:v8+s31+$0x20 ss:$0x1], $0xffff;
	v3 =	vadd.f32 v9, v3;
	v47 =	vmax.f32 v10, $0.0e+00;
	v48 =	vadd.f32 $2.000000000e+00, v14  }
0x195: {  	v18 =	vadd.f32 $2.000000000e+00, v18;
	v2 =	vadd.f32 v47, v2  }
0x196: {  	v51 =	vadd.f32 $2.000000000e+00, v42;
	v53 =	vadd.f32 $2.000000000e+00, v43  }
0x197: {  	v56 =	vadd.f32 $2.000000000e+00, v44;
	v58 =	vadd.f32 $2.000000000e+00, v45  }
0x198: {  	v50 =	vmax.f32 v11, $0.0e+00;
	v60 =	vadd.f32 $2.000000000e+00, v46;
	v61 =	vadd.f32 $2.000000000e+00, v49  }
0x199: {  	s30 =	sadd.s32 $0x1, s30;
	v8 =	vadd.f32 $2.000000000e+00, v8;
	v1 =	vadd.f32 v50, v1;
	v52 =	vmax.f32 v48, $0.0e+00  }
0x19a: {  	p0 =	sne.s32 s30, $0x20;
	v54 =	vmax.f32 v18, $0.0e+00;
	v0 =	vadd.f32 v52, v0;
	v55 =	vmax.f32 v51, $0.0e+00  }
.Ltmp13:
0x19b: {  	v57 =	vmax.f32 v53, $0.0e+00;
	v59 =	vmax.f32 v56, $0.0e+00;
	v10 =	vmax.f32 v58, $0.0e+00;
	(pc) =	sbr.rel @p0 .LBB2_26-.Ltmp13, $4  }
0x19c: {  	v62 =	vmax.f32 v60, $0.0e+00;
	v5 =	vadd.f32 v54, v5;
	v6 =	vadd.f32 v55, v6  }
0x19d: {  	v8 =	vmax.f32 v8, $0.0e+00;
	v4 =	vadd.f32 v57, v4;
	v7 =	vadd.f32 v59, v7  }
0x19e: {  	v63 =	vmax.f32 v61, $0.0e+00;
	v3 =	vadd.f32 v10, v3;
	v0 =	vadd.f32 v8, v0  }
0x19f: {  	s29 =	sadd.s32 $0x400, s29;
	s28 =	sadd.s32 $0x1, s28;
	v2 =	vadd.f32 v62, v2;
	v1 =	vadd.f32 v63, v1  }
0x1a0: {  	s28 =	simm.s32 $0x0  }
0x1a1: {  	[tilespmem:s28], [sflag:$0x1] =	stream.linear.gather [hbm4b:s11+s28], $0x8000, $0x38;
	[tilespmem:$0x10080] =	vst v63  }
0x1a2: {  	_ =	swait.ge [sflag:s23], $0x8000  }
0x1a3: {  	[sflag:s23] =	ssyncset.done $0x0  }
0x1a4: {  	s29 =	simm.s32 $0x0;
	s30 =	simm.s32 $0x0;
	[sflag:s23] =	ssyncadd.s32 $0xFFFF8000  }
.LBB2_30:
0x1a5: {  	s0 =	sshll.u32 s29, $0x2;
	s1 =	sand.u32 $0x7, s28  }
0x1a6: {  	s0 =	sand.u32 $0xFFFF8000, s0;
	s1 =	sshll.u32 s1, $0x9  }
0x1a7: {  	s0 =	sor.u32 s1, s0  }
0x1a8: {  	s0 =	sshrl.u32 s0, $0x2  }
0x1a9: {  	s0 =	sadd.s32 $0x8040, s0  }
0x1aa: {  	v8 =	vmov s0;
	_ =	sdelay $0x3  }
0x1ab: {  	s0 =	simm.s32 $0x0  }
0x1ac: {  	v9 =	vld.idx.msk [tilespmem:v8+s0+$0x30 ss:$0x1], $0xffff  }
0x1ad: {  	v10 =	vld.idx.msk [tilespmem:v8+s0+$0xFFFFFFC0 ss:$0x1], $0xffff  }
0x1ae: {  	v11 =	vld.idx.msk [tilespmem:v8+s0+$0xFFFFFFD0 ss:$0x1], $0xffff  }
0x1af: {  	v12 =	vld.idx.msk [tilespmem:v8+s0+$0xFFFFFFE0 ss:$0x1], $0xffff  }
0x1b0: {  	v16 =	vld.idx.msk [tilespmem:v8+s0+$0x10 ss:$0x1], $0xffff  }
0x1b1: {  	v17 =	vld.idx.msk [tilespmem:v8+s0+$0x20 ss:$0x1], $0xffff  }
0x1b2: {  	v14 =	vld.idx.msk [tilespmem:v8+s0+$0xFFFFFFF0 ss:$0x1], $0xffff  }
0x1b3: {  	s1 =	simm.s32 $0x400;
	v15 =	vld.idx.msk [tilespmem:v8+s0+$0x0 ss:$0x1], $0xffff;
	v9 =	vadd.f32 $2.000000000e+00, v9  }
0x1b4: {  	v18 =	vld.idx.msk [tilespmem:v8+s1+$0x30 ss:$0x1], $0xffff;
	v10 =	vadd.f32 $2.000000000e+00, v10;
	v11 =	vadd.f32 $2.000000000e+00, v11  }
0x1b5: {  	v20 =	vadd.f32 $2.000000000e+00, v12;
	v16 =	vadd.f32 $2.000000000e+00, v16  }
0x1b6: {  	v19 =	vld.idx.msk [tilespmem:v8+s1+$0xFFFFFFC0 ss:$0x1], $0xffff;
	v17 =	vadd.f32 $2.000000000e+00, v17;
	v9 =	vmax.f32 v9, $0.0e+00;
	v10 =	vmax.f32 v10, $0.0e+00  }
0x1b7: {  	v13 =	vld.idx.msk [tilespmem:v8+s1+$0xFFFFFFD0 ss:$0x1], $0xffff;
	v5 =	vadd.f32 v9, v5;
	v6 =	vadd.f32 v10, v6  }
0x1b8: {  	v12 =	vld.idx.msk [tilespmem:v8+s1+$0xFFFFFFE0 ss:$0x1], $0xffff;
	v9 =	vmax.f32 v11, $0.0e+00;
	v10 =	vadd.f32 $2.000000000e+00, v14;
	v14 =	vadd.f32 $2.000000000e+00, v15  }
0x1b9: {  	v11 =	vmax.f32 v20, $0.0e+00;
	v15 =	vadd.f32 $2.000000000e+00, v18;
	v4 =	vadd.f32 v9, v4;
	v9 =	vld.idx.msk [tilespmem:v8+s1+$0xFFFFFFF0 ss:$0x1], $0xffff  }
0x1ba: {  	v18 =	vmax.f32 v16, $0.0e+00;
	v7 =	vadd.f32 v11, v7;
	v11 =	vmax.f32 v10, $0.0e+00;
	v10 =	vld.idx.msk [tilespmem:v8+s1+$0x0 ss:$0x1], $0xffff  }
0x1bb: {  	v16 =	vadd.f32 $2.000000000e+00, v19;
	v14 =	vmax.f32 v14, $0.0e+00;
	v3 =	vadd.f32 v11, v3;
	v11 =	vld.idx.msk [tilespmem:v8+s1+$0x10 ss:$0x1], $0xffff  }
0x1bc: {  	s31 =	simm.s32 $0x800;
	s0 =	simm.s32 $0x3000;
	v17 =	vmax.f32 v17, $0.0e+00;
	v1 =	vadd.f32 v18, v1;
	v2 =	vadd.f32 v14, v2;
	v14 =	vld.idx.msk [tilespmem:v8+s1+$0x20 ss:$0x1], $0xffff  }
.LBB2_31:
0x1bd: {  	p0 =	sne.s32 s0, $0x7000;
	v18 =	vld.idx.msk [tilespmem:v8+s31+$0x30 ss:$0x1], $0xffff;
	v19 =	vadd.f32 $2.000000000e+00, v13;
	v13 =	vmax.f32 v15, $0.0e+00;
	v0 =	vadd.f32 v17, v0  }
0x1be: {  	v17 =	vld.idx.msk [tilespmem:v8+s31+$0xFFFFFFC0 ss:$0x1], $0xffff;
	v15 =	vmax.f32 v16, $0.0e+00;
	v16 =	vadd.f32 $2.000000000e+00, v12;
	v5 =	vadd.f32 v13, v5  }
0x1bf: {  	v13 =	vld.idx.msk [tilespmem:v8+s31+$0xFFFFFFD0 ss:$0x1], $0xffff;
	v6 =	vadd.f32 v15, v6;
	v15 =	vmax.f32 v19, $0.0e+00;
	v19 =	vadd.f32 $2.000000000e+00, v9  }
.Ltmp14:
0x1c0: {  	v12 =	vld.idx.msk [tilespmem:v8+s31+$0xFFFFFFE0 ss:$0x1], $0xffff;
	v4 =	vadd.f32 v15, v4;
	v15 =	vmax.f32 v16, $0.0e+00;
	v16 =	vadd.f32 $2.000000000e+00, v10;
	(pc) =	sbr.rel @p0 .LBB2_31-.Ltmp14, $4  }
0x1c1: {  	v9 =	vld.idx.msk [tilespmem:v8+s31+$0xFFFFFFF0 ss:$0x1], $0xffff;
	v7 =	vadd.f32 v15, v7;
	v15 =	vmax.f32 v19, $0.0e+00;
	v19 =	vadd.f32 $2.000000000e+00, v11  }
0x1c2: {  	v20 =	vadd.f32 $2.000000000e+00, v14;
	v10 =	vld.idx.msk [tilespmem:v8+s31+$0x0 ss:$0x1], $0xffff;
	v3 =	vadd.f32 v15, v3;
	v16 =	vmax.f32 v16, $0.0e+00  }
0x1c3: {  	v15 =	vadd.f32 $2.000000000e+00, v18;
	v11 =	vld.idx.msk [tilespmem:v8+s31+$0x10 ss:$0x1], $0xffff;
	v2 =	vadd.f32 v16, v2;
	v18 =	vmax.f32 v19, $0.0e+00  }
0x1c4: {  	v16 =	vadd.f32 $2.000000000e+00, v17;
	v17 =	vmax.f32 v20, $0.0e+00;
	v14 =	vld.idx.msk [tilespmem:v8+s31+$0x20 ss:$0x1], $0xffff;
	s31 =	sshra.s32 s0, $0x2;
	s0 =	sadd.s32 $0x1000, s0;
	v1 =	vadd.f32 v18, v1  }
0x1c5: {  	_ =	sdelay $0x3  }
0x1c6: {  	v18 =	vld.idx.msk [tilespmem:v8+s31+$0x30 ss:$0x1], $0xffff  }
0x1c7: {  	v42 =	vld.idx.msk [tilespmem:v8+s31+$0xFFFFFFC0 ss:$0x1], $0xffff  }
0x1c8: {  	v13 =	vadd.f32 $2.000000000e+00, v13;
	v15 =	vmax.f32 v15, $0.0e+00;
	v0 =	vadd.f32 v17, v0;
	v43 =	vld.idx.msk [tilespmem:v8+s31+$0xFFFFFFD0 ss:$0x1], $0xffff  }
0x1c9: {  	v12 =	vadd.f32 $2.000000000e+00, v12;
	v44 =	vld.idx.msk [tilespmem:v8+s31+$0xFFFFFFE0 ss:$0x1], $0xffff;
	v16 =	vmax.f32 v16, $0.0e+00;
	v5 =	vadd.f32 v15, v5  }
0x1ca: {  	v45 =	vld.idx.msk [tilespmem:v8+s31+$0xFFFFFFF0 ss:$0x1], $0xffff;
	v9 =	vadd.f32 $2.000000000e+00, v9;
	v6 =	vadd.f32 v16, v6;
	v13 =	vmax.f32 v13, $0.0e+00  }
0x1cb: {  	v46 =	vld.idx.msk [tilespmem:v8+s31+$0x0 ss:$0x1], $0xffff;
	v12 =	vmax.f32 v12, $0.0e+00;
	v10 =	vadd.f32 $2.000000000e+00, v10;
	v4 =	vadd.f32 v13, v4  }
0x1cc: {  	v49 =	vld.idx.msk [tilespmem:v8+s31+$0x10 ss:$0x1], $0xffff;
	v7 =	vadd.f32 v12, v7;
	v9 =	vmax.f32 v9, $0.0e+00;
	v11 =	vadd.f32 $2.000000000e+00, v11  }
0x1cd: {  	v8 =	vld.idx.msk [tilespmem:v8+s31+$0x20 ss:$0x1], $0xffff;
	v3 =	vadd.f32 v9, v3;
	v47 =	vmax.f32 v10, $0.0e+00;
	v48 =	vadd.f32 $2.000000000e+00, v14  }
0x1ce: {  	v18 =	vadd.f32 $2.000000000e+00, v18;
	v2 =	vadd.f32 v47, v2  }
0x1cf: {  	v51 =	vadd.f32 $2.000000000e+00, v42;
	v53 =	vadd.f32 $2.000000000e+00, v43  }
0x1d0: {  	v56 =	vadd.f32 $2.000000000e+00, v44;
	v58 =	vadd.f32 $2.000000000e+00, v45  }
0x1d1: {  	v50 =	vmax.f32 v11, $0.0e+00;
	v60 =	vadd.f32 $2.000000000e+00, v46;
	v61 =	vadd.f32 $2.000000000e+00, v49  }
0x1d2: {  	s30 =	sadd.s32 $0x1, s30;
	v8 =	vadd.f32 $2.000000000e+00, v8;
	v1 =	vadd.f32 v50, v1;
	v52 =	vmax.f32 v48, $0.0e+00  }
0x1d3: {  	p0 =	sne.s32 s30, $0x20;
	v54 =	vmax.f32 v18, $0.0e+00;
	v0 =	vadd.f32 v52, v0;
	v55 =	vmax.f32 v51, $0.0e+00  }
.Ltmp15:
0x1d4: {  	v57 =	vmax.f32 v53, $0.0e+00;
	v59 =	vmax.f32 v56, $0.0e+00;
	v10 =	vmax.f32 v58, $0.0e+00;
	(pc) =	sbr.rel @p0 .LBB2_30-.Ltmp15, $4  }
0x1d5: {  	v62 =	vmax.f32 v60, $0.0e+00;
	v5 =	vadd.f32 v54, v5;
	v6 =	vadd.f32 v55, v6  }
0x1d6: {  	v8 =	vmax.f32 v8, $0.0e+00;
	v4 =	vadd.f32 v57, v4;
	v7 =	vadd.f32 v59, v7  }
0x1d7: {  	v63 =	vmax.f32 v61, $0.0e+00;
	v3 =	vadd.f32 v10, v3;
	v0 =	vadd.f32 v8, v0  }
0x1d8: {  	s29 =	sadd.s32 $0x400, s29;
	s28 =	sadd.s32 $0x1, s28;
	v2 =	vadd.f32 v62, v2;
	v1 =	vadd.f32 v63, v1  }
0x1d9: {  	s28 =	simm.s32 $0x0  }
0x1da: {  	[tilespmem:s21], [sflag:$0x2] =	stream.linear.gather [hbm4b:s12+s28], $0x8000, $0x38;
	[tilespmem:$0x10080] =	vst v63  }
0x1db: {  	_ =	swait.ge [sflag:s22], $0x8000  }
0x1dc: {  	[sflag:s22] =	ssyncset.done $0x0  }
0x1dd: {  	s29 =	simm.s32 $0x0;
	s30 =	simm.s32 $0x0;
	[sflag:s22] =	ssyncadd.s32 $0xFFFF8000  }
.LBB2_34:
0x1de: {  	s0 =	sshll.u32 s29, $0x2;
	s1 =	sand.u32 $0x7, s28  }
0x1df: {  	s0 =	sand.u32 $0xFFFF8000, s0;
	s1 =	sshll.u32 s1, $0x9  }
0x1e0: {  	s0 =	sor.u32 s1, s0  }
0x1e1: {  	s0 =	sshrl.u32 s0, $0x2  }
0x1e2: {  	s0 =	sor.u32 $0x40, s0  }
0x1e3: {  	v8 =	vmov s0;
	_ =	sdelay $0x3  }
0x1e4: {  	s0 =	simm.s32 $0x0  }
0x1e5: {  	v9 =	vld.idx.msk [tilespmem:v8+s0+$0x30 ss:$0x1], $0xffff  }
0x1e6: {  	v10 =	vld.idx.msk [tilespmem:v8+s0+$0xFFFFFFC0 ss:$0x1], $0xffff  }
0x1e7: {  	v11 =	vld.idx.msk [tilespmem:v8+s0+$0xFFFFFFD0 ss:$0x1], $0xffff  }
0x1e8: {  	v12 =	vld.idx.msk [tilespmem:v8+s0+$0xFFFFFFE0 ss:$0x1], $0xffff  }
0x1e9: {  	v16 =	vld.idx.msk [tilespmem:v8+s0+$0x10 ss:$0x1], $0xffff  }
0x1ea: {  	v17 =	vld.idx.msk [tilespmem:v8+s0+$0x20 ss:$0x1], $0xffff  }
0x1eb: {  	v14 =	vld.idx.msk [tilespmem:v8+s0+$0xFFFFFFF0 ss:$0x1], $0xffff  }
0x1ec: {  	s1 =	simm.s32 $0x400;
	v15 =	vld.idx.msk [tilespmem:v8+s0+$0x0 ss:$0x1], $0xffff;
	v9 =	vadd.f32 $2.000000000e+00, v9  }
0x1ed: {  	v18 =	vld.idx.msk [tilespmem:v8+s1+$0x30 ss:$0x1], $0xffff;
	v10 =	vadd.f32 $2.000000000e+00, v10;
	v11 =	vadd.f32 $2.000000000e+00, v11  }
0x1ee: {  	v20 =	vadd.f32 $2.000000000e+00, v12;
	v16 =	vadd.f32 $2.000000000e+00, v16  }
0x1ef: {  	v19 =	vld.idx.msk [tilespmem:v8+s1+$0xFFFFFFC0 ss:$0x1], $0xffff;
	v17 =	vadd.f32 $2.000000000e+00, v17;
	v9 =	vmax.f32 v9, $0.0e+00;
	v10 =	vmax.f32 v10, $0.0e+00  }
0x1f0: {  	v13 =	vld.idx.msk [tilespmem:v8+s1+$0xFFFFFFD0 ss:$0x1], $0xffff;
	v5 =	vadd.f32 v9, v5;
	v6 =	vadd.f32 v10, v6  }
0x1f1: {  	v12 =	vld.idx.msk [tilespmem:v8+s1+$0xFFFFFFE0 ss:$0x1], $0xffff;
	v9 =	vmax.f32 v11, $0.0e+00;
	v10 =	vadd.f32 $2.000000000e+00, v14;
	v14 =	vadd.f32 $2.000000000e+00, v15  }
0x1f2: {  	v11 =	vmax.f32 v20, $0.0e+00;
	v15 =	vadd.f32 $2.000000000e+00, v18;
	v4 =	vadd.f32 v9, v4;
	v9 =	vld.idx.msk [tilespmem:v8+s1+$0xFFFFFFF0 ss:$0x1], $0xffff  }
0x1f3: {  	v18 =	vmax.f32 v16, $0.0e+00;
	v7 =	vadd.f32 v11, v7;
	v11 =	vmax.f32 v10, $0.0e+00;
	v10 =	vld.idx.msk [tilespmem:v8+s1+$0x0 ss:$0x1], $0xffff  }
0x1f4: {  	v16 =	vadd.f32 $2.000000000e+00, v19;
	v14 =	vmax.f32 v14, $0.0e+00;
	v3 =	vadd.f32 v11, v3;
	v11 =	vld.idx.msk [tilespmem:v8+s1+$0x10 ss:$0x1], $0xffff  }
0x1f5: {  	s31 =	simm.s32 $0x800;
	s0 =	simm.s32 $0x3000;
	v17 =	vmax.f32 v17, $0.0e+00;
	v1 =	vadd.f32 v18, v1;
	v2 =	vadd.f32 v14, v2;
	v14 =	vld.idx.msk [tilespmem:v8+s1+$0x20 ss:$0x1], $0xffff  }
.LBB2_35:
0x1f6: {  	p0 =	sne.s32 s0, $0x7000;
	v18 =	vld.idx.msk [tilespmem:v8+s31+$0x30 ss:$0x1], $0xffff;
	v19 =	vadd.f32 $2.000000000e+00, v13;
	v13 =	vmax.f32 v15, $0.0e+00;
	v0 =	vadd.f32 v17, v0  }
0x1f7: {  	v17 =	vld.idx.msk [tilespmem:v8+s31+$0xFFFFFFC0 ss:$0x1], $0xffff;
	v15 =	vmax.f32 v16, $0.0e+00;
	v16 =	vadd.f32 $2.000000000e+00, v12;
	v5 =	vadd.f32 v13, v5  }
0x1f8: {  	v13 =	vld.idx.msk [tilespmem:v8+s31+$0xFFFFFFD0 ss:$0x1], $0xffff;
	v6 =	vadd.f32 v15, v6;
	v15 =	vmax.f32 v19, $0.0e+00;
	v19 =	vadd.f32 $2.000000000e+00, v9  }
.Ltmp16:
0x1f9: {  	v12 =	vld.idx.msk [tilespmem:v8+s31+$0xFFFFFFE0 ss:$0x1], $0xffff;
	v4 =	vadd.f32 v15, v4;
	v15 =	vmax.f32 v16, $0.0e+00;
	v16 =	vadd.f32 $2.000000000e+00, v10;
	(pc) =	sbr.rel @p0 .LBB2_35-.Ltmp16, $4  }
0x1fa: {  	v9 =	vld.idx.msk [tilespmem:v8+s31+$0xFFFFFFF0 ss:$0x1], $0xffff;
	v7 =	vadd.f32 v15, v7;
	v15 =	vmax.f32 v19, $0.0e+00;
	v19 =	vadd.f32 $2.000000000e+00, v11  }
0x1fb: {  	v20 =	vadd.f32 $2.000000000e+00, v14;
	v10 =	vld.idx.msk [tilespmem:v8+s31+$0x0 ss:$0x1], $0xffff;
	v3 =	vadd.f32 v15, v3;
	v16 =	vmax.f32 v16, $0.0e+00  }
0x1fc: {  	v15 =	vadd.f32 $2.000000000e+00, v18;
	v11 =	vld.idx.msk [tilespmem:v8+s31+$0x10 ss:$0x1], $0xffff;
	v2 =	vadd.f32 v16, v2;
	v18 =	vmax.f32 v19, $0.0e+00  }
0x1fd: {  	v16 =	vadd.f32 $2.000000000e+00, v17;
	v17 =	vmax.f32 v20, $0.0e+00;
	v14 =	vld.idx.msk [tilespmem:v8+s31+$0x20 ss:$0x1], $0xffff;
	s31 =	sshra.s32 s0, $0x2;
	s0 =	sadd.s32 $0x1000, s0;
	v1 =	vadd.f32 v18, v1  }
0x1fe: {  	_ =	sdelay $0x3  }
0x1ff: {  	v18 =	vld.idx.msk [tilespmem:v8+s31+$0x30 ss:$0x1], $0xffff  }
0x200: {  	v42 =	vld.idx.msk [tilespmem:v8+s31+$0xFFFFFFC0 ss:$0x1], $0xffff  }
0x201: {  	v13 =	vadd.f32 $2.000000000e+00, v13;
	v15 =	vmax.f32 v15, $0.0e+00;
	v0 =	vadd.f32 v17, v0;
	v43 =	vld.idx.msk [tilespmem:v8+s31+$0xFFFFFFD0 ss:$0x1], $0xffff  }
0x202: {  	v12 =	vadd.f32 $2.000000000e+00, v12;
	v44 =	vld.idx.msk [tilespmem:v8+s31+$0xFFFFFFE0 ss:$0x1], $0xffff;
	v16 =	vmax.f32 v16, $0.0e+00;
	v5 =	vadd.f32 v15, v5  }
0x203: {  	v45 =	vld.idx.msk [tilespmem:v8+s31+$0xFFFFFFF0 ss:$0x1], $0xffff;
	v9 =	vadd.f32 $2.000000000e+00, v9;
	v6 =	vadd.f32 v16, v6;
	v13 =	vmax.f32 v13, $0.0e+00  }
0x204: {  	v46 =	vld.idx.msk [tilespmem:v8+s31+$0x0 ss:$0x1], $0xffff;
	v12 =	vmax.f32 v12, $0.0e+00;
	v10 =	vadd.f32 $2.000000000e+00, v10;
	v4 =	vadd.f32 v13, v4  }
0x205: {  	v49 =	vld.idx.msk [tilespmem:v8+s31+$0x10 ss:$0x1], $0xffff;
	v7 =	vadd.f32 v12, v7;
	v9 =	vmax.f32 v9, $0.0e+00;
	v11 =	vadd.f32 $2.000000000e+00, v11  }
0x206: {  	v8 =	vld.idx.msk [tilespmem:v8+s31+$0x20 ss:$0x1], $0xffff;
	v3 =	vadd.f32 v9, v3;
	v47 =	vmax.f32 v10, $0.0e+00;
	v48 =	vadd.f32 $2.000000000e+00, v14  }
0x207: {  	v18 =	vadd.f32 $2.000000000e+00, v18;
	v2 =	vadd.f32 v47, v2  }
0x208: {  	v51 =	vadd.f32 $2.000000000e+00, v42;
	v53 =	vadd.f32 $2.000000000e+00, v43  }
0x209: {  	v56 =	vadd.f32 $2.000000000e+00, v44;
	v58 =	vadd.f32 $2.000000000e+00, v45  }
0x20a: {  	v50 =	vmax.f32 v11, $0.0e+00;
	v60 =	vadd.f32 $2.000000000e+00, v46;
	v61 =	vadd.f32 $2.000000000e+00, v49  }
0x20b: {  	s30 =	sadd.s32 $0x1, s30;
	v8 =	vadd.f32 $2.000000000e+00, v8;
	v1 =	vadd.f32 v50, v1;
	v52 =	vmax.f32 v48, $0.0e+00  }
0x20c: {  	p0 =	sne.s32 s30, $0x20;
	v54 =	vmax.f32 v18, $0.0e+00;
	v0 =	vadd.f32 v52, v0;
	v55 =	vmax.f32 v51, $0.0e+00  }
.Ltmp17:
0x20d: {  	v57 =	vmax.f32 v53, $0.0e+00;
	v59 =	vmax.f32 v56, $0.0e+00;
	v10 =	vmax.f32 v58, $0.0e+00;
	(pc) =	sbr.rel @p0 .LBB2_34-.Ltmp17, $4  }
0x20e: {  	v62 =	vmax.f32 v60, $0.0e+00;
	v5 =	vadd.f32 v54, v5;
	v6 =	vadd.f32 v55, v6  }
0x20f: {  	v8 =	vmax.f32 v8, $0.0e+00;
	v4 =	vadd.f32 v57, v4;
	v7 =	vadd.f32 v59, v7  }
0x210: {  	v63 =	vmax.f32 v61, $0.0e+00;
	v3 =	vadd.f32 v10, v3;
	v0 =	vadd.f32 v8, v0  }
0x211: {  	s29 =	sadd.s32 $0x400, s29;
	s28 =	sadd.s32 $0x1, s28;
	v2 =	vadd.f32 v62, v2;
	v1 =	vadd.f32 v63, v1  }
0x212: {  	s28 =	simm.s32 $0x0  }
0x213: {  	[tilespmem:s28], [sflag:$0x1] =	stream.linear.gather [hbm4b:s13+s28], $0x8000, $0x38;
	[tilespmem:$0x10080] =	vst v63  }
0x214: {  	_ =	swait.ge [sflag:s23], $0x8000  }
0x215: {  	[sflag:s23] =	ssyncset.done $0x0  }
0x216: {  	s29 =	simm.s32 $0x0;
	s30 =	simm.s32 $0x0;
	[sflag:s23] =	ssyncadd.s32 $0xFFFF8000  }
.LBB2_38:
0x217: {  	s0 =	sshll.u32 s29, $0x2;
	s1 =	sand.u32 $0x7, s28  }
0x218: {  	s0 =	sand.u32 $0xFFFF8000, s0;
	s1 =	sshll.u32 s1, $0x9  }
0x219: {  	s0 =	sor.u32 s1, s0  }
0x21a: {  	s0 =	sshrl.u32 s0, $0x2  }
0x21b: {  	s0 =	sadd.s32 $0x8040, s0  }
0x21c: {  	v8 =	vmov s0;
	_ =	sdelay $0x3  }
0x21d: {  	s0 =	simm.s32 $0x0  }
0x21e: {  	v9 =	vld.idx.msk [tilespmem:v8+s0+$0x30 ss:$0x1], $0xffff  }
0x21f: {  	v10 =	vld.idx.msk [tilespmem:v8+s0+$0xFFFFFFC0 ss:$0x1], $0xffff  }
0x220: {  	v11 =	vld.idx.msk [tilespmem:v8+s0+$0xFFFFFFD0 ss:$0x1], $0xffff  }
0x221: {  	v12 =	vld.idx.msk [tilespmem:v8+s0+$0xFFFFFFE0 ss:$0x1], $0xffff  }
0x222: {  	v16 =	vld.idx.msk [tilespmem:v8+s0+$0x10 ss:$0x1], $0xffff  }
0x223: {  	v17 =	vld.idx.msk [tilespmem:v8+s0+$0x20 ss:$0x1], $0xffff  }
0x224: {  	v14 =	vld.idx.msk [tilespmem:v8+s0+$0xFFFFFFF0 ss:$0x1], $0xffff  }
0x225: {  	s1 =	simm.s32 $0x400;
	v15 =	vld.idx.msk [tilespmem:v8+s0+$0x0 ss:$0x1], $0xffff;
	v9 =	vadd.f32 $2.000000000e+00, v9  }
0x226: {  	v18 =	vld.idx.msk [tilespmem:v8+s1+$0x30 ss:$0x1], $0xffff;
	v10 =	vadd.f32 $2.000000000e+00, v10;
	v11 =	vadd.f32 $2.000000000e+00, v11  }
0x227: {  	v20 =	vadd.f32 $2.000000000e+00, v12;
	v16 =	vadd.f32 $2.000000000e+00, v16  }
0x228: {  	v19 =	vld.idx.msk [tilespmem:v8+s1+$0xFFFFFFC0 ss:$0x1], $0xffff;
	v17 =	vadd.f32 $2.000000000e+00, v17;
	v9 =	vmax.f32 v9, $0.0e+00;
	v10 =	vmax.f32 v10, $0.0e+00  }
0x229: {  	v13 =	vld.idx.msk [tilespmem:v8+s1+$0xFFFFFFD0 ss:$0x1], $0xffff;
	v5 =	vadd.f32 v9, v5;
	v6 =	vadd.f32 v10, v6  }
0x22a: {  	v12 =	vld.idx.msk [tilespmem:v8+s1+$0xFFFFFFE0 ss:$0x1], $0xffff;
	v9 =	vmax.f32 v11, $0.0e+00;
	v10 =	vadd.f32 $2.000000000e+00, v14;
	v14 =	vadd.f32 $2.000000000e+00, v15  }
0x22b: {  	v11 =	vmax.f32 v20, $0.0e+00;
	v15 =	vadd.f32 $2.000000000e+00, v18;
	v4 =	vadd.f32 v9, v4;
	v9 =	vld.idx.msk [tilespmem:v8+s1+$0xFFFFFFF0 ss:$0x1], $0xffff  }
0x22c: {  	v18 =	vmax.f32 v16, $0.0e+00;
	v7 =	vadd.f32 v11, v7;
	v11 =	vmax.f32 v10, $0.0e+00;
	v10 =	vld.idx.msk [tilespmem:v8+s1+$0x0 ss:$0x1], $0xffff  }
0x22d: {  	v16 =	vadd.f32 $2.000000000e+00, v19;
	v14 =	vmax.f32 v14, $0.0e+00;
	v3 =	vadd.f32 v11, v3;
	v11 =	vld.idx.msk [tilespmem:v8+s1+$0x10 ss:$0x1], $0xffff  }
0x22e: {  	s31 =	simm.s32 $0x800;
	s0 =	simm.s32 $0x3000;
	v17 =	vmax.f32 v17, $0.0e+00;
	v1 =	vadd.f32 v18, v1;
	v2 =	vadd.f32 v14, v2;
	v14 =	vld.idx.msk [tilespmem:v8+s1+$0x20 ss:$0x1], $0xffff  }
.LBB2_39:
0x22f: {  	p0 =	sne.s32 s0, $0x7000;
	v18 =	vld.idx.msk [tilespmem:v8+s31+$0x30 ss:$0x1], $0xffff;
	v19 =	vadd.f32 $2.000000000e+00, v13;
	v13 =	vmax.f32 v15, $0.0e+00;
	v0 =	vadd.f32 v17, v0  }
0x230: {  	v17 =	vld.idx.msk [tilespmem:v8+s31+$0xFFFFFFC0 ss:$0x1], $0xffff;
	v15 =	vmax.f32 v16, $0.0e+00;
	v16 =	vadd.f32 $2.000000000e+00, v12;
	v5 =	vadd.f32 v13, v5  }
0x231: {  	v13 =	vld.idx.msk [tilespmem:v8+s31+$0xFFFFFFD0 ss:$0x1], $0xffff;
	v6 =	vadd.f32 v15, v6;
	v15 =	vmax.f32 v19, $0.0e+00;
	v19 =	vadd.f32 $2.000000000e+00, v9  }
.Ltmp18:
0x232: {  	v12 =	vld.idx.msk [tilespmem:v8+s31+$0xFFFFFFE0 ss:$0x1], $0xffff;
	v4 =	vadd.f32 v15, v4;
	v15 =	vmax.f32 v16, $0.0e+00;
	v16 =	vadd.f32 $2.000000000e+00, v10;
	(pc) =	sbr.rel @p0 .LBB2_39-.Ltmp18, $4  }
0x233: {  	v9 =	vld.idx.msk [tilespmem:v8+s31+$0xFFFFFFF0 ss:$0x1], $0xffff;
	v7 =	vadd.f32 v15, v7;
	v15 =	vmax.f32 v19, $0.0e+00;
	v19 =	vadd.f32 $2.000000000e+00, v11  }
0x234: {  	v20 =	vadd.f32 $2.000000000e+00, v14;
	v10 =	vld.idx.msk [tilespmem:v8+s31+$0x0 ss:$0x1], $0xffff;
	v3 =	vadd.f32 v15, v3;
	v16 =	vmax.f32 v16, $0.0e+00  }
0x235: {  	v15 =	vadd.f32 $2.000000000e+00, v18;
	v11 =	vld.idx.msk [tilespmem:v8+s31+$0x10 ss:$0x1], $0xffff;
	v2 =	vadd.f32 v16, v2;
	v18 =	vmax.f32 v19, $0.0e+00  }
0x236: {  	v16 =	vadd.f32 $2.000000000e+00, v17;
	v17 =	vmax.f32 v20, $0.0e+00;
	v14 =	vld.idx.msk [tilespmem:v8+s31+$0x20 ss:$0x1], $0xffff;
	s31 =	sshra.s32 s0, $0x2;
	s0 =	sadd.s32 $0x1000, s0;
	v1 =	vadd.f32 v18, v1  }
0x237: {  	_ =	sdelay $0x3  }
0x238: {  	v18 =	vld.idx.msk [tilespmem:v8+s31+$0x30 ss:$0x1], $0xffff  }
0x239: {  	v42 =	vld.idx.msk [tilespmem:v8+s31+$0xFFFFFFC0 ss:$0x1], $0xffff  }
0x23a: {  	v13 =	vadd.f32 $2.000000000e+00, v13;
	v15 =	vmax.f32 v15, $0.0e+00;
	v0 =	vadd.f32 v17, v0;
	v43 =	vld.idx.msk [tilespmem:v8+s31+$0xFFFFFFD0 ss:$0x1], $0xffff  }
0x23b: {  	v12 =	vadd.f32 $2.000000000e+00, v12;
	v44 =	vld.idx.msk [tilespmem:v8+s31+$0xFFFFFFE0 ss:$0x1], $0xffff;
	v16 =	vmax.f32 v16, $0.0e+00;
	v5 =	vadd.f32 v15, v5  }
0x23c: {  	v45 =	vld.idx.msk [tilespmem:v8+s31+$0xFFFFFFF0 ss:$0x1], $0xffff;
	v9 =	vadd.f32 $2.000000000e+00, v9;
	v6 =	vadd.f32 v16, v6;
	v13 =	vmax.f32 v13, $0.0e+00  }
0x23d: {  	v46 =	vld.idx.msk [tilespmem:v8+s31+$0x0 ss:$0x1], $0xffff;
	v12 =	vmax.f32 v12, $0.0e+00;
	v10 =	vadd.f32 $2.000000000e+00, v10;
	v4 =	vadd.f32 v13, v4  }
0x23e: {  	v49 =	vld.idx.msk [tilespmem:v8+s31+$0x10 ss:$0x1], $0xffff;
	v7 =	vadd.f32 v12, v7;
	v9 =	vmax.f32 v9, $0.0e+00;
	v11 =	vadd.f32 $2.000000000e+00, v11  }
0x23f: {  	v8 =	vld.idx.msk [tilespmem:v8+s31+$0x20 ss:$0x1], $0xffff;
	v3 =	vadd.f32 v9, v3;
	v47 =	vmax.f32 v10, $0.0e+00;
	v48 =	vadd.f32 $2.000000000e+00, v14  }
0x240: {  	v18 =	vadd.f32 $2.000000000e+00, v18;
	v2 =	vadd.f32 v47, v2  }
0x241: {  	v51 =	vadd.f32 $2.000000000e+00, v42;
	v53 =	vadd.f32 $2.000000000e+00, v43  }
0x242: {  	v56 =	vadd.f32 $2.000000000e+00, v44;
	v58 =	vadd.f32 $2.000000000e+00, v45  }
0x243: {  	v50 =	vmax.f32 v11, $0.0e+00;
	v60 =	vadd.f32 $2.000000000e+00, v46;
	v61 =	vadd.f32 $2.000000000e+00, v49  }
0x244: {  	s30 =	sadd.s32 $0x1, s30;
	v8 =	vadd.f32 $2.000000000e+00, v8;
	v1 =	vadd.f32 v50, v1;
	v52 =	vmax.f32 v48, $0.0e+00  }
0x245: {  	p0 =	sne.s32 s30, $0x20;
	v54 =	vmax.f32 v18, $0.0e+00;
	v0 =	vadd.f32 v52, v0;
	v55 =	vmax.f32 v51, $0.0e+00  }
.Ltmp19:
0x246: {  	v57 =	vmax.f32 v53, $0.0e+00;
	v59 =	vmax.f32 v56, $0.0e+00;
	v10 =	vmax.f32 v58, $0.0e+00;
	(pc) =	sbr.rel @p0 .LBB2_38-.Ltmp19, $4  }
0x247: {  	v62 =	vmax.f32 v60, $0.0e+00;
	v5 =	vadd.f32 v54, v5;
	v6 =	vadd.f32 v55, v6  }
0x248: {  	v8 =	vmax.f32 v8, $0.0e+00;
	v4 =	vadd.f32 v57, v4;
	v7 =	vadd.f32 v59, v7  }
0x249: {  	v63 =	vmax.f32 v61, $0.0e+00;
	v3 =	vadd.f32 v10, v3;
	v0 =	vadd.f32 v8, v0  }
0x24a: {  	s29 =	sadd.s32 $0x400, s29;
	s28 =	sadd.s32 $0x1, s28;
	v2 =	vadd.f32 v62, v2;
	v1 =	vadd.f32 v63, v1  }
0x24b: {  	s28 =	simm.s32 $0x0  }
0x24c: {  	[tilespmem:s21], [sflag:$0x2] =	stream.linear.gather [hbm4b:s14+s28], $0x8000, $0x38;
	[tilespmem:$0x10080] =	vst v63  }
0x24d: {  	_ =	swait.ge [sflag:s22], $0x8000  }
0x24e: {  	[sflag:s22] =	ssyncset.done $0x0  }
0x24f: {  	s29 =	simm.s32 $0x0;
	s30 =	simm.s32 $0x0;
	[sflag:s22] =	ssyncadd.s32 $0xFFFF8000  }
.LBB2_42:
0x250: {  	s0 =	sshll.u32 s29, $0x2;
	s1 =	sand.u32 $0x7, s28  }
0x251: {  	s0 =	sand.u32 $0xFFFF8000, s0;
	s1 =	sshll.u32 s1, $0x9  }
0x252: {  	s0 =	sor.u32 s1, s0  }
0x253: {  	s0 =	sshrl.u32 s0, $0x2  }
0x254: {  	s0 =	sor.u32 $0x40, s0  }
0x255: {  	v8 =	vmov s0;
	_ =	sdelay $0x3  }
0x256: {  	s0 =	simm.s32 $0x0  }
0x257: {  	v9 =	vld.idx.msk [tilespmem:v8+s0+$0x30 ss:$0x1], $0xffff  }
0x258: {  	v10 =	vld.idx.msk [tilespmem:v8+s0+$0xFFFFFFC0 ss:$0x1], $0xffff  }
0x259: {  	v11 =	vld.idx.msk [tilespmem:v8+s0+$0xFFFFFFD0 ss:$0x1], $0xffff  }
0x25a: {  	v12 =	vld.idx.msk [tilespmem:v8+s0+$0xFFFFFFE0 ss:$0x1], $0xffff  }
0x25b: {  	v16 =	vld.idx.msk [tilespmem:v8+s0+$0x10 ss:$0x1], $0xffff  }
0x25c: {  	v17 =	vld.idx.msk [tilespmem:v8+s0+$0x20 ss:$0x1], $0xffff  }
0x25d: {  	v14 =	vld.idx.msk [tilespmem:v8+s0+$0xFFFFFFF0 ss:$0x1], $0xffff  }
0x25e: {  	s1 =	simm.s32 $0x400;
	v15 =	vld.idx.msk [tilespmem:v8+s0+$0x0 ss:$0x1], $0xffff;
	v9 =	vadd.f32 $2.000000000e+00, v9  }
0x25f: {  	v18 =	vld.idx.msk [tilespmem:v8+s1+$0x30 ss:$0x1], $0xffff;
	v10 =	vadd.f32 $2.000000000e+00, v10;
	v11 =	vadd.f32 $2.000000000e+00, v11  }
0x260: {  	v20 =	vadd.f32 $2.000000000e+00, v12;
	v16 =	vadd.f32 $2.000000000e+00, v16  }
0x261: {  	v19 =	vld.idx.msk [tilespmem:v8+s1+$0xFFFFFFC0 ss:$0x1], $0xffff;
	v17 =	vadd.f32 $2.000000000e+00, v17;
	v9 =	vmax.f32 v9, $0.0e+00;
	v10 =	vmax.f32 v10, $0.0e+00  }
0x262: {  	v13 =	vld.idx.msk [tilespmem:v8+s1+$0xFFFFFFD0 ss:$0x1], $0xffff;
	v5 =	vadd.f32 v9, v5;
	v6 =	vadd.f32 v10, v6  }
0x263: {  	v12 =	vld.idx.msk [tilespmem:v8+s1+$0xFFFFFFE0 ss:$0x1], $0xffff;
	v9 =	vmax.f32 v11, $0.0e+00;
	v10 =	vadd.f32 $2.000000000e+00, v14;
	v14 =	vadd.f32 $2.000000000e+00, v15  }
0x264: {  	v11 =	vmax.f32 v20, $0.0e+00;
	v15 =	vadd.f32 $2.000000000e+00, v18;
	v4 =	vadd.f32 v9, v4;
	v9 =	vld.idx.msk [tilespmem:v8+s1+$0xFFFFFFF0 ss:$0x1], $0xffff  }
0x265: {  	v18 =	vmax.f32 v16, $0.0e+00;
	v7 =	vadd.f32 v11, v7;
	v11 =	vmax.f32 v10, $0.0e+00;
	v10 =	vld.idx.msk [tilespmem:v8+s1+$0x0 ss:$0x1], $0xffff  }
0x266: {  	v16 =	vadd.f32 $2.000000000e+00, v19;
	v14 =	vmax.f32 v14, $0.0e+00;
	v3 =	vadd.f32 v11, v3;
	v11 =	vld.idx.msk [tilespmem:v8+s1+$0x10 ss:$0x1], $0xffff  }
0x267: {  	s31 =	simm.s32 $0x800;
	s0 =	simm.s32 $0x3000;
	v17 =	vmax.f32 v17, $0.0e+00;
	v1 =	vadd.f32 v18, v1;
	v2 =	vadd.f32 v14, v2;
	v14 =	vld.idx.msk [tilespmem:v8+s1+$0x20 ss:$0x1], $0xffff  }
.LBB2_43:
0x268: {  	p0 =	sne.s32 s0, $0x7000;
	v18 =	vld.idx.msk [tilespmem:v8+s31+$0x30 ss:$0x1], $0xffff;
	v19 =	vadd.f32 $2.000000000e+00, v13;
	v13 =	vmax.f32 v15, $0.0e+00;
	v0 =	vadd.f32 v17, v0  }
0x269: {  	v17 =	vld.idx.msk [tilespmem:v8+s31+$0xFFFFFFC0 ss:$0x1], $0xffff;
	v15 =	vmax.f32 v16, $0.0e+00;
	v16 =	vadd.f32 $2.000000000e+00, v12;
	v5 =	vadd.f32 v13, v5  }
0x26a: {  	v13 =	vld.idx.msk [tilespmem:v8+s31+$0xFFFFFFD0 ss:$0x1], $0xffff;
	v6 =	vadd.f32 v15, v6;
	v15 =	vmax.f32 v19, $0.0e+00;
	v19 =	vadd.f32 $2.000000000e+00, v9  }
.Ltmp20:
0x26b: {  	v12 =	vld.idx.msk [tilespmem:v8+s31+$0xFFFFFFE0 ss:$0x1], $0xffff;
	v4 =	vadd.f32 v15, v4;
	v15 =	vmax.f32 v16, $0.0e+00;
	v16 =	vadd.f32 $2.000000000e+00, v10;
	(pc) =	sbr.rel @p0 .LBB2_43-.Ltmp20, $4  }
0x26c: {  	v9 =	vld.idx.msk [tilespmem:v8+s31+$0xFFFFFFF0 ss:$0x1], $0xffff;
	v7 =	vadd.f32 v15, v7;
	v15 =	vmax.f32 v19, $0.0e+00;
	v19 =	vadd.f32 $2.000000000e+00, v11  }
0x26d: {  	v20 =	vadd.f32 $2.000000000e+00, v14;
	v10 =	vld.idx.msk [tilespmem:v8+s31+$0x0 ss:$0x1], $0xffff;
	v3 =	vadd.f32 v15, v3;
	v16 =	vmax.f32 v16, $0.0e+00  }
0x26e: {  	v15 =	vadd.f32 $2.000000000e+00, v18;
	v11 =	vld.idx.msk [tilespmem:v8+s31+$0x10 ss:$0x1], $0xffff;
	v2 =	vadd.f32 v16, v2;
	v18 =	vmax.f32 v19, $0.0e+00  }
0x26f: {  	v16 =	vadd.f32 $2.000000000e+00, v17;
	v17 =	vmax.f32 v20, $0.0e+00;
	v14 =	vld.idx.msk [tilespmem:v8+s31+$0x20 ss:$0x1], $0xffff;
	s31 =	sshra.s32 s0, $0x2;
	s0 =	sadd.s32 $0x1000, s0;
	v1 =	vadd.f32 v18, v1  }
0x270: {  	_ =	sdelay $0x3  }
0x271: {  	v18 =	vld.idx.msk [tilespmem:v8+s31+$0x30 ss:$0x1], $0xffff  }
0x272: {  	v42 =	vld.idx.msk [tilespmem:v8+s31+$0xFFFFFFC0 ss:$0x1], $0xffff  }
0x273: {  	v13 =	vadd.f32 $2.000000000e+00, v13;
	v15 =	vmax.f32 v15, $0.0e+00;
	v0 =	vadd.f32 v17, v0;
	v43 =	vld.idx.msk [tilespmem:v8+s31+$0xFFFFFFD0 ss:$0x1], $0xffff  }
0x274: {  	v12 =	vadd.f32 $2.000000000e+00, v12;
	v44 =	vld.idx.msk [tilespmem:v8+s31+$0xFFFFFFE0 ss:$0x1], $0xffff;
	v16 =	vmax.f32 v16, $0.0e+00;
	v5 =	vadd.f32 v15, v5  }
0x275: {  	v45 =	vld.idx.msk [tilespmem:v8+s31+$0xFFFFFFF0 ss:$0x1], $0xffff;
	v9 =	vadd.f32 $2.000000000e+00, v9;
	v6 =	vadd.f32 v16, v6;
	v13 =	vmax.f32 v13, $0.0e+00  }
0x276: {  	v46 =	vld.idx.msk [tilespmem:v8+s31+$0x0 ss:$0x1], $0xffff;
	v12 =	vmax.f32 v12, $0.0e+00;
	v10 =	vadd.f32 $2.000000000e+00, v10;
	v4 =	vadd.f32 v13, v4  }
0x277: {  	v49 =	vld.idx.msk [tilespmem:v8+s31+$0x10 ss:$0x1], $0xffff;
	v7 =	vadd.f32 v12, v7;
	v9 =	vmax.f32 v9, $0.0e+00;
	v11 =	vadd.f32 $2.000000000e+00, v11  }
0x278: {  	v8 =	vld.idx.msk [tilespmem:v8+s31+$0x20 ss:$0x1], $0xffff;
	v3 =	vadd.f32 v9, v3;
	v47 =	vmax.f32 v10, $0.0e+00;
	v48 =	vadd.f32 $2.000000000e+00, v14  }
0x279: {  	v18 =	vadd.f32 $2.000000000e+00, v18;
	v2 =	vadd.f32 v47, v2  }
0x27a: {  	v51 =	vadd.f32 $2.000000000e+00, v42;
	v53 =	vadd.f32 $2.000000000e+00, v43  }
0x27b: {  	v56 =	vadd.f32 $2.000000000e+00, v44;
	v58 =	vadd.f32 $2.000000000e+00, v45  }
0x27c: {  	v50 =	vmax.f32 v11, $0.0e+00;
	v60 =	vadd.f32 $2.000000000e+00, v46;
	v61 =	vadd.f32 $2.000000000e+00, v49  }
0x27d: {  	s30 =	sadd.s32 $0x1, s30;
	v8 =	vadd.f32 $2.000000000e+00, v8;
	v1 =	vadd.f32 v50, v1;
	v52 =	vmax.f32 v48, $0.0e+00  }
0x27e: {  	p0 =	sne.s32 s30, $0x20;
	v54 =	vmax.f32 v18, $0.0e+00;
	v0 =	vadd.f32 v52, v0;
	v55 =	vmax.f32 v51, $0.0e+00  }
.Ltmp21:
0x27f: {  	v57 =	vmax.f32 v53, $0.0e+00;
	v59 =	vmax.f32 v56, $0.0e+00;
	v10 =	vmax.f32 v58, $0.0e+00;
	(pc) =	sbr.rel @p0 .LBB2_42-.Ltmp21, $4  }
0x280: {  	v62 =	vmax.f32 v60, $0.0e+00;
	v5 =	vadd.f32 v54, v5;
	v6 =	vadd.f32 v55, v6  }
0x281: {  	v8 =	vmax.f32 v8, $0.0e+00;
	v4 =	vadd.f32 v57, v4;
	v7 =	vadd.f32 v59, v7  }
0x282: {  	v63 =	vmax.f32 v61, $0.0e+00;
	v3 =	vadd.f32 v10, v3;
	v0 =	vadd.f32 v8, v0  }
0x283: {  	s29 =	sadd.s32 $0x400, s29;
	s28 =	sadd.s32 $0x1, s28;
	v2 =	vadd.f32 v62, v2;
	v1 =	vadd.f32 v63, v1  }
0x284: {  	s28 =	simm.s32 $0x0  }
0x285: {  	[tilespmem:s28], [sflag:$0x1] =	stream.linear.gather [hbm4b:s15+s28], $0x8000, $0x38;
	[tilespmem:$0x10080] =	vst v63  }
0x286: {  	_ =	swait.ge [sflag:s23], $0x8000  }
0x287: {  	[sflag:s23] =	ssyncset.done $0x0  }
0x288: {  	s29 =	simm.s32 $0x0;
	s30 =	simm.s32 $0x0;
	[sflag:s23] =	ssyncadd.s32 $0xFFFF8000  }
.LBB2_46:
0x289: {  	s0 =	sshll.u32 s29, $0x2;
	s1 =	sand.u32 $0x7, s28  }
0x28a: {  	s0 =	sand.u32 $0xFFFF8000, s0;
	s1 =	sshll.u32 s1, $0x9  }
0x28b: {  	s0 =	sor.u32 s1, s0  }
0x28c: {  	s0 =	sshrl.u32 s0, $0x2  }
0x28d: {  	s0 =	sadd.s32 $0x8040, s0  }
0x28e: {  	v8 =	vmov s0;
	_ =	sdelay $0x3  }
0x28f: {  	s0 =	simm.s32 $0x0  }
0x290: {  	v9 =	vld.idx.msk [tilespmem:v8+s0+$0x30 ss:$0x1], $0xffff  }
0x291: {  	v10 =	vld.idx.msk [tilespmem:v8+s0+$0xFFFFFFC0 ss:$0x1], $0xffff  }
0x292: {  	v11 =	vld.idx.msk [tilespmem:v8+s0+$0xFFFFFFD0 ss:$0x1], $0xffff  }
0x293: {  	v12 =	vld.idx.msk [tilespmem:v8+s0+$0xFFFFFFE0 ss:$0x1], $0xffff  }
0x294: {  	v16 =	vld.idx.msk [tilespmem:v8+s0+$0x10 ss:$0x1], $0xffff  }
0x295: {  	v17 =	vld.idx.msk [tilespmem:v8+s0+$0x20 ss:$0x1], $0xffff  }
0x296: {  	v14 =	vld.idx.msk [tilespmem:v8+s0+$0xFFFFFFF0 ss:$0x1], $0xffff  }
0x297: {  	s1 =	simm.s32 $0x400;
	v15 =	vld.idx.msk [tilespmem:v8+s0+$0x0 ss:$0x1], $0xffff;
	v9 =	vadd.f32 $2.000000000e+00, v9  }
0x298: {  	v18 =	vld.idx.msk [tilespmem:v8+s1+$0x30 ss:$0x1], $0xffff;
	v10 =	vadd.f32 $2.000000000e+00, v10;
	v11 =	vadd.f32 $2.000000000e+00, v11  }
0x299: {  	v20 =	vadd.f32 $2.000000000e+00, v12;
	v16 =	vadd.f32 $2.000000000e+00, v16  }
0x29a: {  	v19 =	vld.idx.msk [tilespmem:v8+s1+$0xFFFFFFC0 ss:$0x1], $0xffff;
	v17 =	vadd.f32 $2.000000000e+00, v17;
	v9 =	vmax.f32 v9, $0.0e+00;
	v10 =	vmax.f32 v10, $0.0e+00  }
0x29b: {  	v13 =	vld.idx.msk [tilespmem:v8+s1+$0xFFFFFFD0 ss:$0x1], $0xffff;
	v5 =	vadd.f32 v9, v5;
	v6 =	vadd.f32 v10, v6  }
0x29c: {  	v12 =	vld.idx.msk [tilespmem:v8+s1+$0xFFFFFFE0 ss:$0x1], $0xffff;
	v9 =	vmax.f32 v11, $0.0e+00;
	v10 =	vadd.f32 $2.000000000e+00, v14;
	v14 =	vadd.f32 $2.000000000e+00, v15  }
0x29d: {  	v11 =	vmax.f32 v20, $0.0e+00;
	v15 =	vadd.f32 $2.000000000e+00, v18;
	v4 =	vadd.f32 v9, v4;
	v9 =	vld.idx.msk [tilespmem:v8+s1+$0xFFFFFFF0 ss:$0x1], $0xffff  }
0x29e: {  	v18 =	vmax.f32 v16, $0.0e+00;
	v7 =	vadd.f32 v11, v7;
	v11 =	vmax.f32 v10, $0.0e+00;
	v10 =	vld.idx.msk [tilespmem:v8+s1+$0x0 ss:$0x1], $0xffff  }
0x29f: {  	v16 =	vadd.f32 $2.000000000e+00, v19;
	v14 =	vmax.f32 v14, $0.0e+00;
	v3 =	vadd.f32 v11, v3;
	v11 =	vld.idx.msk [tilespmem:v8+s1+$0x10 ss:$0x1], $0xffff  }
0x2a0: {  	s31 =	simm.s32 $0x800;
	s0 =	simm.s32 $0x3000;
	v17 =	vmax.f32 v17, $0.0e+00;
	v1 =	vadd.f32 v18, v1;
	v2 =	vadd.f32 v14, v2;
	v14 =	vld.idx.msk [tilespmem:v8+s1+$0x20 ss:$0x1], $0xffff  }
.LBB2_47:
0x2a1: {  	p0 =	sne.s32 s0, $0x7000;
	v18 =	vld.idx.msk [tilespmem:v8+s31+$0x30 ss:$0x1], $0xffff;
	v19 =	vadd.f32 $2.000000000e+00, v13;
	v13 =	vmax.f32 v15, $0.0e+00;
	v0 =	vadd.f32 v17, v0  }
0x2a2: {  	v17 =	vld.idx.msk [tilespmem:v8+s31+$0xFFFFFFC0 ss:$0x1], $0xffff;
	v15 =	vmax.f32 v16, $0.0e+00;
	v16 =	vadd.f32 $2.000000000e+00, v12;
	v5 =	vadd.f32 v13, v5  }
0x2a3: {  	v13 =	vld.idx.msk [tilespmem:v8+s31+$0xFFFFFFD0 ss:$0x1], $0xffff;
	v6 =	vadd.f32 v15, v6;
	v15 =	vmax.f32 v19, $0.0e+00;
	v19 =	vadd.f32 $2.000000000e+00, v9  }
.Ltmp22:
0x2a4: {  	v12 =	vld.idx.msk [tilespmem:v8+s31+$0xFFFFFFE0 ss:$0x1], $0xffff;
	v4 =	vadd.f32 v15, v4;
	v15 =	vmax.f32 v16, $0.0e+00;
	v16 =	vadd.f32 $2.000000000e+00, v10;
	(pc) =	sbr.rel @p0 .LBB2_47-.Ltmp22, $4  }
0x2a5: {  	v9 =	vld.idx.msk [tilespmem:v8+s31+$0xFFFFFFF0 ss:$0x1], $0xffff;
	v7 =	vadd.f32 v15, v7;
	v15 =	vmax.f32 v19, $0.0e+00;
	v19 =	vadd.f32 $2.000000000e+00, v11  }
0x2a6: {  	v20 =	vadd.f32 $2.000000000e+00, v14;
	v10 =	vld.idx.msk [tilespmem:v8+s31+$0x0 ss:$0x1], $0xffff;
	v3 =	vadd.f32 v15, v3;
	v16 =	vmax.f32 v16, $0.0e+00  }
0x2a7: {  	v15 =	vadd.f32 $2.000000000e+00, v18;
	v11 =	vld.idx.msk [tilespmem:v8+s31+$0x10 ss:$0x1], $0xffff;
	v2 =	vadd.f32 v16, v2;
	v18 =	vmax.f32 v19, $0.0e+00  }
0x2a8: {  	v16 =	vadd.f32 $2.000000000e+00, v17;
	v17 =	vmax.f32 v20, $0.0e+00;
	v14 =	vld.idx.msk [tilespmem:v8+s31+$0x20 ss:$0x1], $0xffff;
	s31 =	sshra.s32 s0, $0x2;
	s0 =	sadd.s32 $0x1000, s0;
	v1 =	vadd.f32 v18, v1  }
0x2a9: {  	_ =	sdelay $0x3  }
0x2aa: {  	v18 =	vld.idx.msk [tilespmem:v8+s31+$0x30 ss:$0x1], $0xffff  }
0x2ab: {  	v42 =	vld.idx.msk [tilespmem:v8+s31+$0xFFFFFFC0 ss:$0x1], $0xffff  }
0x2ac: {  	v13 =	vadd.f32 $2.000000000e+00, v13;
	v15 =	vmax.f32 v15, $0.0e+00;
	v0 =	vadd.f32 v17, v0;
	v43 =	vld.idx.msk [tilespmem:v8+s31+$0xFFFFFFD0 ss:$0x1], $0xffff  }
0x2ad: {  	v12 =	vadd.f32 $2.000000000e+00, v12;
	v44 =	vld.idx.msk [tilespmem:v8+s31+$0xFFFFFFE0 ss:$0x1], $0xffff;
	v16 =	vmax.f32 v16, $0.0e+00;
	v5 =	vadd.f32 v15, v5  }
0x2ae: {  	v45 =	vld.idx.msk [tilespmem:v8+s31+$0xFFFFFFF0 ss:$0x1], $0xffff;
	v9 =	vadd.f32 $2.000000000e+00, v9;
	v6 =	vadd.f32 v16, v6;
	v13 =	vmax.f32 v13, $0.0e+00  }
0x2af: {  	v46 =	vld.idx.msk [tilespmem:v8+s31+$0x0 ss:$0x1], $0xffff;
	v12 =	vmax.f32 v12, $0.0e+00;
	v10 =	vadd.f32 $2.000000000e+00, v10;
	v4 =	vadd.f32 v13, v4  }
0x2b0: {  	v49 =	vld.idx.msk [tilespmem:v8+s31+$0x10 ss:$0x1], $0xffff;
	v7 =	vadd.f32 v12, v7;
	v9 =	vmax.f32 v9, $0.0e+00;
	v11 =	vadd.f32 $2.000000000e+00, v11  }
0x2b1: {  	v8 =	vld.idx.msk [tilespmem:v8+s31+$0x20 ss:$0x1], $0xffff;
	v3 =	vadd.f32 v9, v3;
	v47 =	vmax.f32 v10, $0.0e+00;
	v48 =	vadd.f32 $2.000000000e+00, v14  }
0x2b2: {  	v18 =	vadd.f32 $2.000000000e+00, v18;
	v2 =	vadd.f32 v47, v2  }
0x2b3: {  	v51 =	vadd.f32 $2.000000000e+00, v42;
	v53 =	vadd.f32 $2.000000000e+00, v43  }
0x2b4: {  	v56 =	vadd.f32 $2.000000000e+00, v44;
	v58 =	vadd.f32 $2.000000000e+00, v45  }
0x2b5: {  	v50 =	vmax.f32 v11, $0.0e+00;
	v60 =	vadd.f32 $2.000000000e+00, v46;
	v61 =	vadd.f32 $2.000000000e+00, v49  }
0x2b6: {  	s30 =	sadd.s32 $0x1, s30;
	v8 =	vadd.f32 $2.000000000e+00, v8;
	v1 =	vadd.f32 v50, v1;
	v52 =	vmax.f32 v48, $0.0e+00  }
0x2b7: {  	p0 =	sne.s32 s30, $0x20;
	v54 =	vmax.f32 v18, $0.0e+00;
	v0 =	vadd.f32 v52, v0;
	v55 =	vmax.f32 v51, $0.0e+00  }
.Ltmp23:
0x2b8: {  	v57 =	vmax.f32 v53, $0.0e+00;
	v59 =	vmax.f32 v56, $0.0e+00;
	v10 =	vmax.f32 v58, $0.0e+00;
	(pc) =	sbr.rel @p0 .LBB2_46-.Ltmp23, $4  }
0x2b9: {  	v62 =	vmax.f32 v60, $0.0e+00;
	v5 =	vadd.f32 v54, v5;
	v6 =	vadd.f32 v55, v6  }
0x2ba: {  	v8 =	vmax.f32 v8, $0.0e+00;
	v4 =	vadd.f32 v57, v4;
	v7 =	vadd.f32 v59, v7  }
0x2bb: {  	v63 =	vmax.f32 v61, $0.0e+00;
	v3 =	vadd.f32 v10, v3;
	v0 =	vadd.f32 v8, v0  }
0x2bc: {  	s29 =	sadd.s32 $0x400, s29;
	s28 =	sadd.s32 $0x1, s28;
	v2 =	vadd.f32 v62, v2;
	v1 =	vadd.f32 v63, v1  }
0x2bd: {  	s28 =	simm.s32 $0x0  }
0x2be: {  	[tilespmem:s21], [sflag:$0x2] =	stream.linear.gather [hbm4b:s16+s28], $0x8000, $0x38;
	[tilespmem:$0x10080] =	vst v63  }
0x2bf: {  	_ =	swait.ge [sflag:s22], $0x8000  }
0x2c0: {  	[sflag:s22] =	ssyncset.done $0x0  }
0x2c1: {  	s29 =	simm.s32 $0x0;
	s30 =	simm.s32 $0x0;
	[sflag:s22] =	ssyncadd.s32 $0xFFFF8000  }
.LBB2_50:
0x2c2: {  	s0 =	sshll.u32 s29, $0x2;
	s1 =	sand.u32 $0x7, s28  }
0x2c3: {  	s0 =	sand.u32 $0xFFFF8000, s0;
	s1 =	sshll.u32 s1, $0x9  }
0x2c4: {  	s0 =	sor.u32 s1, s0  }
0x2c5: {  	s0 =	sshrl.u32 s0, $0x2  }
0x2c6: {  	s0 =	sor.u32 $0x40, s0  }
0x2c7: {  	v8 =	vmov s0;
	_ =	sdelay $0x3  }
0x2c8: {  	s0 =	simm.s32 $0x0  }
0x2c9: {  	v9 =	vld.idx.msk [tilespmem:v8+s0+$0x30 ss:$0x1], $0xffff  }
0x2ca: {  	v10 =	vld.idx.msk [tilespmem:v8+s0+$0xFFFFFFC0 ss:$0x1], $0xffff  }
0x2cb: {  	v11 =	vld.idx.msk [tilespmem:v8+s0+$0xFFFFFFD0 ss:$0x1], $0xffff  }
0x2cc: {  	v12 =	vld.idx.msk [tilespmem:v8+s0+$0xFFFFFFE0 ss:$0x1], $0xffff  }
0x2cd: {  	v16 =	vld.idx.msk [tilespmem:v8+s0+$0x10 ss:$0x1], $0xffff  }
0x2ce: {  	v17 =	vld.idx.msk [tilespmem:v8+s0+$0x20 ss:$0x1], $0xffff  }
0x2cf: {  	v14 =	vld.idx.msk [tilespmem:v8+s0+$0xFFFFFFF0 ss:$0x1], $0xffff  }
0x2d0: {  	s1 =	simm.s32 $0x400;
	v15 =	vld.idx.msk [tilespmem:v8+s0+$0x0 ss:$0x1], $0xffff;
	v9 =	vadd.f32 $2.000000000e+00, v9  }
0x2d1: {  	v18 =	vld.idx.msk [tilespmem:v8+s1+$0x30 ss:$0x1], $0xffff;
	v10 =	vadd.f32 $2.000000000e+00, v10;
	v11 =	vadd.f32 $2.000000000e+00, v11  }
0x2d2: {  	v20 =	vadd.f32 $2.000000000e+00, v12;
	v16 =	vadd.f32 $2.000000000e+00, v16  }
0x2d3: {  	v19 =	vld.idx.msk [tilespmem:v8+s1+$0xFFFFFFC0 ss:$0x1], $0xffff;
	v17 =	vadd.f32 $2.000000000e+00, v17;
	v9 =	vmax.f32 v9, $0.0e+00;
	v10 =	vmax.f32 v10, $0.0e+00  }
0x2d4: {  	v13 =	vld.idx.msk [tilespmem:v8+s1+$0xFFFFFFD0 ss:$0x1], $0xffff;
	v5 =	vadd.f32 v9, v5;
	v6 =	vadd.f32 v10, v6  }
0x2d5: {  	v12 =	vld.idx.msk [tilespmem:v8+s1+$0xFFFFFFE0 ss:$0x1], $0xffff;
	v9 =	vmax.f32 v11, $0.0e+00;
	v10 =	vadd.f32 $2.000000000e+00, v14;
	v14 =	vadd.f32 $2.000000000e+00, v15  }
0x2d6: {  	v11 =	vmax.f32 v20, $0.0e+00;
	v15 =	vadd.f32 $2.000000000e+00, v18;
	v4 =	vadd.f32 v9, v4;
	v9 =	vld.idx.msk [tilespmem:v8+s1+$0xFFFFFFF0 ss:$0x1], $0xffff  }
0x2d7: {  	v18 =	vmax.f32 v16, $0.0e+00;
	v7 =	vadd.f32 v11, v7;
	v11 =	vmax.f32 v10, $0.0e+00;
	v10 =	vld.idx.msk [tilespmem:v8+s1+$0x0 ss:$0x1], $0xffff  }
0x2d8: {  	v16 =	vadd.f32 $2.000000000e+00, v19;
	v14 =	vmax.f32 v14, $0.0e+00;
	v3 =	vadd.f32 v11, v3;
	v11 =	vld.idx.msk [tilespmem:v8+s1+$0x10 ss:$0x1], $0xffff  }
0x2d9: {  	s31 =	simm.s32 $0x800;
	s0 =	simm.s32 $0x3000;
	v17 =	vmax.f32 v17, $0.0e+00;
	v1 =	vadd.f32 v18, v1;
	v2 =	vadd.f32 v14, v2;
	v14 =	vld.idx.msk [tilespmem:v8+s1+$0x20 ss:$0x1], $0xffff  }
.LBB2_51:
0x2da: {  	p0 =	sne.s32 s0, $0x7000;
	v18 =	vld.idx.msk [tilespmem:v8+s31+$0x30 ss:$0x1], $0xffff;
	v19 =	vadd.f32 $2.000000000e+00, v13;
	v13 =	vmax.f32 v15, $0.0e+00;
	v0 =	vadd.f32 v17, v0  }
0x2db: {  	v17 =	vld.idx.msk [tilespmem:v8+s31+$0xFFFFFFC0 ss:$0x1], $0xffff;
	v15 =	vmax.f32 v16, $0.0e+00;
	v16 =	vadd.f32 $2.000000000e+00, v12;
	v5 =	vadd.f32 v13, v5  }
0x2dc: {  	v13 =	vld.idx.msk [tilespmem:v8+s31+$0xFFFFFFD0 ss:$0x1], $0xffff;
	v6 =	vadd.f32 v15, v6;
	v15 =	vmax.f32 v19, $0.0e+00;
	v19 =	vadd.f32 $2.000000000e+00, v9  }
.Ltmp24:
0x2dd: {  	v12 =	vld.idx.msk [tilespmem:v8+s31+$0xFFFFFFE0 ss:$0x1], $0xffff;
	v4 =	vadd.f32 v15, v4;
	v15 =	vmax.f32 v16, $0.0e+00;
	v16 =	vadd.f32 $2.000000000e+00, v10;
	(pc) =	sbr.rel @p0 .LBB2_51-.Ltmp24, $4  }
0x2de: {  	v9 =	vld.idx.msk [tilespmem:v8+s31+$0xFFFFFFF0 ss:$0x1], $0xffff;
	v7 =	vadd.f32 v15, v7;
	v15 =	vmax.f32 v19, $0.0e+00;
	v19 =	vadd.f32 $2.000000000e+00, v11  }
0x2df: {  	v20 =	vadd.f32 $2.000000000e+00, v14;
	v10 =	vld.idx.msk [tilespmem:v8+s31+$0x0 ss:$0x1], $0xffff;
	v3 =	vadd.f32 v15, v3;
	v16 =	vmax.f32 v16, $0.0e+00  }
0x2e0: {  	v15 =	vadd.f32 $2.000000000e+00, v18;
	v11 =	vld.idx.msk [tilespmem:v8+s31+$0x10 ss:$0x1], $0xffff;
	v2 =	vadd.f32 v16, v2;
	v18 =	vmax.f32 v19, $0.0e+00  }
0x2e1: {  	v16 =	vadd.f32 $2.000000000e+00, v17;
	v17 =	vmax.f32 v20, $0.0e+00;
	v14 =	vld.idx.msk [tilespmem:v8+s31+$0x20 ss:$0x1], $0xffff;
	s31 =	sshra.s32 s0, $0x2;
	s0 =	sadd.s32 $0x1000, s0;
	v1 =	vadd.f32 v18, v1  }
0x2e2: {  	_ =	sdelay $0x3  }
0x2e3: {  	v18 =	vld.idx.msk [tilespmem:v8+s31+$0x30 ss:$0x1], $0xffff  }
0x2e4: {  	v42 =	vld.idx.msk [tilespmem:v8+s31+$0xFFFFFFC0 ss:$0x1], $0xffff  }
0x2e5: {  	v13 =	vadd.f32 $2.000000000e+00, v13;
	v15 =	vmax.f32 v15, $0.0e+00;
	v0 =	vadd.f32 v17, v0;
	v43 =	vld.idx.msk [tilespmem:v8+s31+$0xFFFFFFD0 ss:$0x1], $0xffff  }
0x2e6: {  	v12 =	vadd.f32 $2.000000000e+00, v12;
	v44 =	vld.idx.msk [tilespmem:v8+s31+$0xFFFFFFE0 ss:$0x1], $0xffff;
	v16 =	vmax.f32 v16, $0.0e+00;
	v5 =	vadd.f32 v15, v5  }
0x2e7: {  	v45 =	vld.idx.msk [tilespmem:v8+s31+$0xFFFFFFF0 ss:$0x1], $0xffff;
	v9 =	vadd.f32 $2.000000000e+00, v9;
	v6 =	vadd.f32 v16, v6;
	v13 =	vmax.f32 v13, $0.0e+00  }
0x2e8: {  	v46 =	vld.idx.msk [tilespmem:v8+s31+$0x0 ss:$0x1], $0xffff;
	v12 =	vmax.f32 v12, $0.0e+00;
	v10 =	vadd.f32 $2.000000000e+00, v10;
	v4 =	vadd.f32 v13, v4  }
0x2e9: {  	v49 =	vld.idx.msk [tilespmem:v8+s31+$0x10 ss:$0x1], $0xffff;
	v7 =	vadd.f32 v12, v7;
	v9 =	vmax.f32 v9, $0.0e+00;
	v11 =	vadd.f32 $2.000000000e+00, v11  }
0x2ea: {  	v8 =	vld.idx.msk [tilespmem:v8+s31+$0x20 ss:$0x1], $0xffff;
	v3 =	vadd.f32 v9, v3;
	v47 =	vmax.f32 v10, $0.0e+00;
	v48 =	vadd.f32 $2.000000000e+00, v14  }
0x2eb: {  	v18 =	vadd.f32 $2.000000000e+00, v18;
	v2 =	vadd.f32 v47, v2  }
0x2ec: {  	v51 =	vadd.f32 $2.000000000e+00, v42;
	v53 =	vadd.f32 $2.000000000e+00, v43  }
0x2ed: {  	v56 =	vadd.f32 $2.000000000e+00, v44;
	v58 =	vadd.f32 $2.000000000e+00, v45  }
0x2ee: {  	v50 =	vmax.f32 v11, $0.0e+00;
	v60 =	vadd.f32 $2.000000000e+00, v46;
	v61 =	vadd.f32 $2.000000000e+00, v49  }
0x2ef: {  	s30 =	sadd.s32 $0x1, s30;
	v8 =	vadd.f32 $2.000000000e+00, v8;
	v1 =	vadd.f32 v50, v1;
	v52 =	vmax.f32 v48, $0.0e+00  }
0x2f0: {  	p0 =	sne.s32 s30, $0x20;
	v54 =	vmax.f32 v18, $0.0e+00;
	v0 =	vadd.f32 v52, v0;
	v55 =	vmax.f32 v51, $0.0e+00  }
.Ltmp25:
0x2f1: {  	v57 =	vmax.f32 v53, $0.0e+00;
	v59 =	vmax.f32 v56, $0.0e+00;
	v10 =	vmax.f32 v58, $0.0e+00;
	(pc) =	sbr.rel @p0 .LBB2_50-.Ltmp25, $4  }
0x2f2: {  	v62 =	vmax.f32 v60, $0.0e+00;
	v5 =	vadd.f32 v54, v5;
	v6 =	vadd.f32 v55, v6  }
0x2f3: {  	v8 =	vmax.f32 v8, $0.0e+00;
	v4 =	vadd.f32 v57, v4;
	v7 =	vadd.f32 v59, v7  }
0x2f4: {  	v63 =	vmax.f32 v61, $0.0e+00;
	v3 =	vadd.f32 v10, v3;
	v0 =	vadd.f32 v8, v0  }
0x2f5: {  	s29 =	sadd.s32 $0x400, s29;
	s28 =	sadd.s32 $0x1, s28;
	v2 =	vadd.f32 v62, v2;
	v1 =	vadd.f32 v63, v1  }
0x2f6: {  	s28 =	simm.s32 $0x0  }
0x2f7: {  	[tilespmem:s28], [sflag:$0x1] =	stream.linear.gather [hbm4b:s17+s28], $0x8000, $0x38;
	[tilespmem:$0x10080] =	vst v63  }
0x2f8: {  	_ =	swait.ge [sflag:s23], $0x8000  }
0x2f9: {  	[sflag:s23] =	ssyncset.done $0x0  }
0x2fa: {  	s29 =	simm.s32 $0x0;
	s30 =	simm.s32 $0x0;
	[sflag:s23] =	ssyncadd.s32 $0xFFFF8000  }
.LBB2_54:
0x2fb: {  	s0 =	sshll.u32 s29, $0x2;
	s1 =	sand.u32 $0x7, s28  }
0x2fc: {  	s0 =	sand.u32 $0xFFFF8000, s0;
	s1 =	sshll.u32 s1, $0x9  }
0x2fd: {  	s0 =	sor.u32 s1, s0  }
0x2fe: {  	s0 =	sshrl.u32 s0, $0x2  }
0x2ff: {  	s0 =	sadd.s32 $0x8040, s0  }
0x300: {  	v8 =	vmov s0;
	_ =	sdelay $0x3  }
0x301: {  	s0 =	simm.s32 $0x0  }
0x302: {  	v9 =	vld.idx.msk [tilespmem:v8+s0+$0x30 ss:$0x1], $0xffff  }
0x303: {  	v10 =	vld.idx.msk [tilespmem:v8+s0+$0xFFFFFFC0 ss:$0x1], $0xffff  }
0x304: {  	v11 =	vld.idx.msk [tilespmem:v8+s0+$0xFFFFFFD0 ss:$0x1], $0xffff  }
0x305: {  	v12 =	vld.idx.msk [tilespmem:v8+s0+$0xFFFFFFE0 ss:$0x1], $0xffff  }
0x306: {  	v16 =	vld.idx.msk [tilespmem:v8+s0+$0x10 ss:$0x1], $0xffff  }
0x307: {  	v17 =	vld.idx.msk [tilespmem:v8+s0+$0x20 ss:$0x1], $0xffff  }
0x308: {  	v14 =	vld.idx.msk [tilespmem:v8+s0+$0xFFFFFFF0 ss:$0x1], $0xffff  }
0x309: {  	s1 =	simm.s32 $0x400;
	v15 =	vld.idx.msk [tilespmem:v8+s0+$0x0 ss:$0x1], $0xffff;
	v9 =	vadd.f32 $2.000000000e+00, v9  }
0x30a: {  	v18 =	vld.idx.msk [tilespmem:v8+s1+$0x30 ss:$0x1], $0xffff;
	v10 =	vadd.f32 $2.000000000e+00, v10;
	v11 =	vadd.f32 $2.000000000e+00, v11  }
0x30b: {  	v20 =	vadd.f32 $2.000000000e+00, v12;
	v16 =	vadd.f32 $2.000000000e+00, v16  }
0x30c: {  	v19 =	vld.idx.msk [tilespmem:v8+s1+$0xFFFFFFC0 ss:$0x1], $0xffff;
	v17 =	vadd.f32 $2.000000000e+00, v17;
	v9 =	vmax.f32 v9, $0.0e+00;
	v10 =	vmax.f32 v10, $0.0e+00  }
0x30d: {  	v13 =	vld.idx.msk [tilespmem:v8+s1+$0xFFFFFFD0 ss:$0x1], $0xffff;
	v5 =	vadd.f32 v9, v5;
	v6 =	vadd.f32 v10, v6  }
0x30e: {  	v12 =	vld.idx.msk [tilespmem:v8+s1+$0xFFFFFFE0 ss:$0x1], $0xffff;
	v9 =	vmax.f32 v11, $0.0e+00;
	v10 =	vadd.f32 $2.000000000e+00, v14;
	v14 =	vadd.f32 $2.000000000e+00, v15  }
0x30f: {  	v11 =	vmax.f32 v20, $0.0e+00;
	v15 =	vadd.f32 $2.000000000e+00, v18;
	v4 =	vadd.f32 v9, v4;
	v9 =	vld.idx.msk [tilespmem:v8+s1+$0xFFFFFFF0 ss:$0x1], $0xffff  }
0x310: {  	v18 =	vmax.f32 v16, $0.0e+00;
	v7 =	vadd.f32 v11, v7;
	v11 =	vmax.f32 v10, $0.0e+00;
	v10 =	vld.idx.msk [tilespmem:v8+s1+$0x0 ss:$0x1], $0xffff  }
0x311: {  	v16 =	vadd.f32 $2.000000000e+00, v19;
	v14 =	vmax.f32 v14, $0.0e+00;
	v3 =	vadd.f32 v11, v3;
	v11 =	vld.idx.msk [tilespmem:v8+s1+$0x10 ss:$0x1], $0xffff  }
0x312: {  	s31 =	simm.s32 $0x800;
	s0 =	simm.s32 $0x3000;
	v17 =	vmax.f32 v17, $0.0e+00;
	v1 =	vadd.f32 v18, v1;
	v2 =	vadd.f32 v14, v2;
	v14 =	vld.idx.msk [tilespmem:v8+s1+$0x20 ss:$0x1], $0xffff  }
.LBB2_55:
0x313: {  	p0 =	sne.s32 s0, $0x7000;
	v18 =	vld.idx.msk [tilespmem:v8+s31+$0x30 ss:$0x1], $0xffff;
	v19 =	vadd.f32 $2.000000000e+00, v13;
	v13 =	vmax.f32 v15, $0.0e+00;
	v0 =	vadd.f32 v17, v0  }
0x314: {  	v17 =	vld.idx.msk [tilespmem:v8+s31+$0xFFFFFFC0 ss:$0x1], $0xffff;
	v15 =	vmax.f32 v16, $0.0e+00;
	v16 =	vadd.f32 $2.000000000e+00, v12;
	v5 =	vadd.f32 v13, v5  }
0x315: {  	v13 =	vld.idx.msk [tilespmem:v8+s31+$0xFFFFFFD0 ss:$0x1], $0xffff;
	v6 =	vadd.f32 v15, v6;
	v15 =	vmax.f32 v19, $0.0e+00;
	v19 =	vadd.f32 $2.000000000e+00, v9  }
.Ltmp26:
0x316: {  	v12 =	vld.idx.msk [tilespmem:v8+s31+$0xFFFFFFE0 ss:$0x1], $0xffff;
	v4 =	vadd.f32 v15, v4;
	v15 =	vmax.f32 v16, $0.0e+00;
	v16 =	vadd.f32 $2.000000000e+00, v10;
	(pc) =	sbr.rel @p0 .LBB2_55-.Ltmp26, $4  }
0x317: {  	v9 =	vld.idx.msk [tilespmem:v8+s31+$0xFFFFFFF0 ss:$0x1], $0xffff;
	v7 =	vadd.f32 v15, v7;
	v15 =	vmax.f32 v19, $0.0e+00;
	v19 =	vadd.f32 $2.000000000e+00, v11  }
0x318: {  	v20 =	vadd.f32 $2.000000000e+00, v14;
	v10 =	vld.idx.msk [tilespmem:v8+s31+$0x0 ss:$0x1], $0xffff;
	v3 =	vadd.f32 v15, v3;
	v16 =	vmax.f32 v16, $0.0e+00  }
0x319: {  	v15 =	vadd.f32 $2.000000000e+00, v18;
	v11 =	vld.idx.msk [tilespmem:v8+s31+$0x10 ss:$0x1], $0xffff;
	v2 =	vadd.f32 v16, v2;
	v18 =	vmax.f32 v19, $0.0e+00  }
0x31a: {  	v16 =	vadd.f32 $2.000000000e+00, v17;
	v17 =	vmax.f32 v20, $0.0e+00;
	v14 =	vld.idx.msk [tilespmem:v8+s31+$0x20 ss:$0x1], $0xffff;
	s31 =	sshra.s32 s0, $0x2;
	s0 =	sadd.s32 $0x1000, s0;
	v1 =	vadd.f32 v18, v1  }
0x31b: {  	_ =	sdelay $0x3  }
0x31c: {  	v18 =	vld.idx.msk [tilespmem:v8+s31+$0x30 ss:$0x1], $0xffff  }
0x31d: {  	v42 =	vld.idx.msk [tilespmem:v8+s31+$0xFFFFFFC0 ss:$0x1], $0xffff  }
0x31e: {  	v13 =	vadd.f32 $2.000000000e+00, v13;
	v15 =	vmax.f32 v15, $0.0e+00;
	v0 =	vadd.f32 v17, v0;
	v43 =	vld.idx.msk [tilespmem:v8+s31+$0xFFFFFFD0 ss:$0x1], $0xffff  }
0x31f: {  	v12 =	vadd.f32 $2.000000000e+00, v12;
	v44 =	vld.idx.msk [tilespmem:v8+s31+$0xFFFFFFE0 ss:$0x1], $0xffff;
	v16 =	vmax.f32 v16, $0.0e+00;
	v5 =	vadd.f32 v15, v5  }
0x320: {  	v45 =	vld.idx.msk [tilespmem:v8+s31+$0xFFFFFFF0 ss:$0x1], $0xffff;
	v9 =	vadd.f32 $2.000000000e+00, v9;
	v6 =	vadd.f32 v16, v6;
	v13 =	vmax.f32 v13, $0.0e+00  }
0x321: {  	v46 =	vld.idx.msk [tilespmem:v8+s31+$0x0 ss:$0x1], $0xffff;
	v12 =	vmax.f32 v12, $0.0e+00;
	v10 =	vadd.f32 $2.000000000e+00, v10;
	v4 =	vadd.f32 v13, v4  }
0x322: {  	v49 =	vld.idx.msk [tilespmem:v8+s31+$0x10 ss:$0x1], $0xffff;
	v7 =	vadd.f32 v12, v7;
	v9 =	vmax.f32 v9, $0.0e+00;
	v11 =	vadd.f32 $2.000000000e+00, v11  }
0x323: {  	v8 =	vld.idx.msk [tilespmem:v8+s31+$0x20 ss:$0x1], $0xffff;
	v3 =	vadd.f32 v9, v3;
	v47 =	vmax.f32 v10, $0.0e+00;
	v48 =	vadd.f32 $2.000000000e+00, v14  }
0x324: {  	v18 =	vadd.f32 $2.000000000e+00, v18;
	v2 =	vadd.f32 v47, v2  }
0x325: {  	v51 =	vadd.f32 $2.000000000e+00, v42;
	v53 =	vadd.f32 $2.000000000e+00, v43  }
0x326: {  	v56 =	vadd.f32 $2.000000000e+00, v44;
	v58 =	vadd.f32 $2.000000000e+00, v45  }
0x327: {  	v50 =	vmax.f32 v11, $0.0e+00;
	v60 =	vadd.f32 $2.000000000e+00, v46;
	v61 =	vadd.f32 $2.000000000e+00, v49  }
0x328: {  	s30 =	sadd.s32 $0x1, s30;
	v8 =	vadd.f32 $2.000000000e+00, v8;
	v1 =	vadd.f32 v50, v1;
	v52 =	vmax.f32 v48, $0.0e+00  }
0x329: {  	p0 =	sne.s32 s30, $0x20;
	v54 =	vmax.f32 v18, $0.0e+00;
	v0 =	vadd.f32 v52, v0;
	v55 =	vmax.f32 v51, $0.0e+00  }
.Ltmp27:
0x32a: {  	v57 =	vmax.f32 v53, $0.0e+00;
	v59 =	vmax.f32 v56, $0.0e+00;
	v10 =	vmax.f32 v58, $0.0e+00;
	(pc) =	sbr.rel @p0 .LBB2_54-.Ltmp27, $4  }
0x32b: {  	v62 =	vmax.f32 v60, $0.0e+00;
	v5 =	vadd.f32 v54, v5;
	v6 =	vadd.f32 v55, v6  }
0x32c: {  	v8 =	vmax.f32 v8, $0.0e+00;
	v4 =	vadd.f32 v57, v4;
	v7 =	vadd.f32 v59, v7  }
0x32d: {  	v63 =	vmax.f32 v61, $0.0e+00;
	v3 =	vadd.f32 v10, v3;
	v0 =	vadd.f32 v8, v0  }
0x32e: {  	s29 =	sadd.s32 $0x400, s29;
	s28 =	sadd.s32 $0x1, s28;
	v2 =	vadd.f32 v62, v2;
	v1 =	vadd.f32 v63, v1  }
0x32f: {  	s28 =	simm.s32 $0x0  }
0x330: {  	[tilespmem:s21], [sflag:$0x2] =	stream.linear.gather [hbm4b:s18+s28], $0x8000, $0x38;
	[tilespmem:$0x10080] =	vst v63  }
0x331: {  	_ =	swait.ge [sflag:s22], $0x8000  }
0x332: {  	[sflag:s22] =	ssyncset.done $0x0  }
0x333: {  	s29 =	simm.s32 $0x0;
	s30 =	simm.s32 $0x0;
	[sflag:s22] =	ssyncadd.s32 $0xFFFF8000  }
.LBB2_58:
0x334: {  	s0 =	sshll.u32 s29, $0x2;
	s1 =	sand.u32 $0x7, s28  }
0x335: {  	s0 =	sand.u32 $0xFFFF8000, s0;
	s1 =	sshll.u32 s1, $0x9  }
0x336: {  	s0 =	sor.u32 s1, s0  }
0x337: {  	s0 =	sshrl.u32 s0, $0x2  }
0x338: {  	s0 =	sor.u32 $0x40, s0  }
0x339: {  	v8 =	vmov s0;
	_ =	sdelay $0x3  }
0x33a: {  	s0 =	simm.s32 $0x0  }
0x33b: {  	v9 =	vld.idx.msk [tilespmem:v8+s0+$0x30 ss:$0x1], $0xffff  }
0x33c: {  	v10 =	vld.idx.msk [tilespmem:v8+s0+$0xFFFFFFC0 ss:$0x1], $0xffff  }
0x33d: {  	v11 =	vld.idx.msk [tilespmem:v8+s0+$0xFFFFFFD0 ss:$0x1], $0xffff  }
0x33e: {  	v12 =	vld.idx.msk [tilespmem:v8+s0+$0xFFFFFFE0 ss:$0x1], $0xffff  }
0x33f: {  	v16 =	vld.idx.msk [tilespmem:v8+s0+$0x10 ss:$0x1], $0xffff  }
0x340: {  	v17 =	vld.idx.msk [tilespmem:v8+s0+$0x20 ss:$0x1], $0xffff  }
0x341: {  	v14 =	vld.idx.msk [tilespmem:v8+s0+$0xFFFFFFF0 ss:$0x1], $0xffff  }
0x342: {  	s1 =	simm.s32 $0x400;
	v15 =	vld.idx.msk [tilespmem:v8+s0+$0x0 ss:$0x1], $0xffff;
	v9 =	vadd.f32 $2.000000000e+00, v9  }
0x343: {  	v18 =	vld.idx.msk [tilespmem:v8+s1+$0x30 ss:$0x1], $0xffff;
	v10 =	vadd.f32 $2.000000000e+00, v10;
	v11 =	vadd.f32 $2.000000000e+00, v11  }
0x344: {  	v20 =	vadd.f32 $2.000000000e+00, v12;
	v16 =	vadd.f32 $2.000000000e+00, v16  }
0x345: {  	v19 =	vld.idx.msk [tilespmem:v8+s1+$0xFFFFFFC0 ss:$0x1], $0xffff;
	v17 =	vadd.f32 $2.000000000e+00, v17;
	v9 =	vmax.f32 v9, $0.0e+00;
	v10 =	vmax.f32 v10, $0.0e+00  }
0x346: {  	v13 =	vld.idx.msk [tilespmem:v8+s1+$0xFFFFFFD0 ss:$0x1], $0xffff;
	v5 =	vadd.f32 v9, v5;
	v6 =	vadd.f32 v10, v6  }
0x347: {  	v12 =	vld.idx.msk [tilespmem:v8+s1+$0xFFFFFFE0 ss:$0x1], $0xffff;
	v9 =	vmax.f32 v11, $0.0e+00;
	v10 =	vadd.f32 $2.000000000e+00, v14;
	v14 =	vadd.f32 $2.000000000e+00, v15  }
0x348: {  	v11 =	vmax.f32 v20, $0.0e+00;
	v15 =	vadd.f32 $2.000000000e+00, v18;
	v4 =	vadd.f32 v9, v4;
	v9 =	vld.idx.msk [tilespmem:v8+s1+$0xFFFFFFF0 ss:$0x1], $0xffff  }
0x349: {  	v18 =	vmax.f32 v16, $0.0e+00;
	v7 =	vadd.f32 v11, v7;
	v11 =	vmax.f32 v10, $0.0e+00;
	v10 =	vld.idx.msk [tilespmem:v8+s1+$0x0 ss:$0x1], $0xffff  }
0x34a: {  	v16 =	vadd.f32 $2.000000000e+00, v19;
	v14 =	vmax.f32 v14, $0.0e+00;
	v3 =	vadd.f32 v11, v3;
	v11 =	vld.idx.msk [tilespmem:v8+s1+$0x10 ss:$0x1], $0xffff  }
0x34b: {  	s31 =	simm.s32 $0x800;
	s0 =	simm.s32 $0x3000;
	v17 =	vmax.f32 v17, $0.0e+00;
	v1 =	vadd.f32 v18, v1;
	v2 =	vadd.f32 v14, v2;
	v14 =	vld.idx.msk [tilespmem:v8+s1+$0x20 ss:$0x1], $0xffff  }
.LBB2_59:
0x34c: {  	p0 =	sne.s32 s0, $0x7000;
	v18 =	vld.idx.msk [tilespmem:v8+s31+$0x30 ss:$0x1], $0xffff;
	v19 =	vadd.f32 $2.000000000e+00, v13;
	v13 =	vmax.f32 v15, $0.0e+00;
	v0 =	vadd.f32 v17, v0  }
0x34d: {  	v17 =	vld.idx.msk [tilespmem:v8+s31+$0xFFFFFFC0 ss:$0x1], $0xffff;
	v15 =	vmax.f32 v16, $0.0e+00;
	v16 =	vadd.f32 $2.000000000e+00, v12;
	v5 =	vadd.f32 v13, v5  }
0x34e: {  	v13 =	vld.idx.msk [tilespmem:v8+s31+$0xFFFFFFD0 ss:$0x1], $0xffff;
	v6 =	vadd.f32 v15, v6;
	v15 =	vmax.f32 v19, $0.0e+00;
	v19 =	vadd.f32 $2.000000000e+00, v9  }
.Ltmp28:
0x34f: {  	v12 =	vld.idx.msk [tilespmem:v8+s31+$0xFFFFFFE0 ss:$0x1], $0xffff;
	v4 =	vadd.f32 v15, v4;
	v15 =	vmax.f32 v16, $0.0e+00;
	v16 =	vadd.f32 $2.000000000e+00, v10;
	(pc) =	sbr.rel @p0 .LBB2_59-.Ltmp28, $4  }
0x350: {  	v9 =	vld.idx.msk [tilespmem:v8+s31+$0xFFFFFFF0 ss:$0x1], $0xffff;
	v7 =	vadd.f32 v15, v7;
	v15 =	vmax.f32 v19, $0.0e+00;
	v19 =	vadd.f32 $2.000000000e+00, v11  }
0x351: {  	v20 =	vadd.f32 $2.000000000e+00, v14;
	v10 =	vld.idx.msk [tilespmem:v8+s31+$0x0 ss:$0x1], $0xffff;
	v3 =	vadd.f32 v15, v3;
	v16 =	vmax.f32 v16, $0.0e+00  }
0x352: {  	v15 =	vadd.f32 $2.000000000e+00, v18;
	v11 =	vld.idx.msk [tilespmem:v8+s31+$0x10 ss:$0x1], $0xffff;
	v2 =	vadd.f32 v16, v2;
	v18 =	vmax.f32 v19, $0.0e+00  }
0x353: {  	v16 =	vadd.f32 $2.000000000e+00, v17;
	v17 =	vmax.f32 v20, $0.0e+00;
	v14 =	vld.idx.msk [tilespmem:v8+s31+$0x20 ss:$0x1], $0xffff;
	s31 =	sshra.s32 s0, $0x2;
	s0 =	sadd.s32 $0x1000, s0;
	v1 =	vadd.f32 v18, v1  }
0x354: {  	_ =	sdelay $0x3  }
0x355: {  	v18 =	vld.idx.msk [tilespmem:v8+s31+$0x30 ss:$0x1], $0xffff  }
0x356: {  	v42 =	vld.idx.msk [tilespmem:v8+s31+$0xFFFFFFC0 ss:$0x1], $0xffff  }
0x357: {  	v13 =	vadd.f32 $2.000000000e+00, v13;
	v15 =	vmax.f32 v15, $0.0e+00;
	v0 =	vadd.f32 v17, v0;
	v43 =	vld.idx.msk [tilespmem:v8+s31+$0xFFFFFFD0 ss:$0x1], $0xffff  }
0x358: {  	v12 =	vadd.f32 $2.000000000e+00, v12;
	v44 =	vld.idx.msk [tilespmem:v8+s31+$0xFFFFFFE0 ss:$0x1], $0xffff;
	v16 =	vmax.f32 v16, $0.0e+00;
	v5 =	vadd.f32 v15, v5  }
0x359: {  	v45 =	vld.idx.msk [tilespmem:v8+s31+$0xFFFFFFF0 ss:$0x1], $0xffff;
	v9 =	vadd.f32 $2.000000000e+00, v9;
	v6 =	vadd.f32 v16, v6;
	v13 =	vmax.f32 v13, $0.0e+00  }
0x35a: {  	v46 =	vld.idx.msk [tilespmem:v8+s31+$0x0 ss:$0x1], $0xffff;
	v12 =	vmax.f32 v12, $0.0e+00;
	v10 =	vadd.f32 $2.000000000e+00, v10;
	v4 =	vadd.f32 v13, v4  }
0x35b: {  	v49 =	vld.idx.msk [tilespmem:v8+s31+$0x10 ss:$0x1], $0xffff;
	v7 =	vadd.f32 v12, v7;
	v9 =	vmax.f32 v9, $0.0e+00;
	v11 =	vadd.f32 $2.000000000e+00, v11  }
0x35c: {  	v8 =	vld.idx.msk [tilespmem:v8+s31+$0x20 ss:$0x1], $0xffff;
	v3 =	vadd.f32 v9, v3;
	v47 =	vmax.f32 v10, $0.0e+00;
	v48 =	vadd.f32 $2.000000000e+00, v14  }
0x35d: {  	v18 =	vadd.f32 $2.000000000e+00, v18;
	v2 =	vadd.f32 v47, v2  }
0x35e: {  	v51 =	vadd.f32 $2.000000000e+00, v42;
	v53 =	vadd.f32 $2.000000000e+00, v43  }
0x35f: {  	v56 =	vadd.f32 $2.000000000e+00, v44;
	v58 =	vadd.f32 $2.000000000e+00, v45  }
0x360: {  	v50 =	vmax.f32 v11, $0.0e+00;
	v60 =	vadd.f32 $2.000000000e+00, v46;
	v61 =	vadd.f32 $2.000000000e+00, v49  }
0x361: {  	s30 =	sadd.s32 $0x1, s30;
	v8 =	vadd.f32 $2.000000000e+00, v8;
	v1 =	vadd.f32 v50, v1;
	v52 =	vmax.f32 v48, $0.0e+00  }
0x362: {  	p0 =	sne.s32 s30, $0x20;
	v54 =	vmax.f32 v18, $0.0e+00;
	v0 =	vadd.f32 v52, v0;
	v55 =	vmax.f32 v51, $0.0e+00  }
.Ltmp29:
0x363: {  	v57 =	vmax.f32 v53, $0.0e+00;
	v59 =	vmax.f32 v56, $0.0e+00;
	v10 =	vmax.f32 v58, $0.0e+00;
	(pc) =	sbr.rel @p0 .LBB2_58-.Ltmp29, $4  }
0x364: {  	v62 =	vmax.f32 v60, $0.0e+00;
	v5 =	vadd.f32 v54, v5;
	v6 =	vadd.f32 v55, v6  }
0x365: {  	v8 =	vmax.f32 v8, $0.0e+00;
	v4 =	vadd.f32 v57, v4;
	v7 =	vadd.f32 v59, v7  }
0x366: {  	v63 =	vmax.f32 v61, $0.0e+00;
	v3 =	vadd.f32 v10, v3;
	v0 =	vadd.f32 v8, v0  }
0x367: {  	s29 =	sadd.s32 $0x400, s29;
	s28 =	sadd.s32 $0x1, s28;
	v2 =	vadd.f32 v62, v2;
	v1 =	vadd.f32 v63, v1  }
0x368: {  	_ =	swait.ge [sflag:s23], $0x8000  }
0x369: {  	s28 =	simm.s32 $0x0;
	[sflag:s23] =	ssyncset.done $0x0  }
0x36a: {  	s29 =	simm.s32 $0x0;
	s30 =	simm.s32 $0x0;
	[sflag:s23] =	ssyncadd.s32 $0xFFFF8000  }
.LBB2_62:
0x36b: {  	s0 =	sshll.u32 s29, $0x2;
	s1 =	sand.u32 $0x7, s28  }
0x36c: {  	s0 =	sand.u32 $0xFFFF8000, s0;
	s1 =	sshll.u32 s1, $0x9  }
0x36d: {  	s0 =	sor.u32 s1, s0  }
0x36e: {  	s0 =	sshrl.u32 s0, $0x2  }
0x36f: {  	s0 =	sadd.s32 $0x8040, s0  }
0x370: {  	v8 =	vmov s0;
	_ =	sdelay $0x3  }
0x371: {  	s0 =	simm.s32 $0x0  }
0x372: {  	v9 =	vld.idx.msk [tilespmem:v8+s0+$0x30 ss:$0x1], $0xffff  }
0x373: {  	v10 =	vld.idx.msk [tilespmem:v8+s0+$0xFFFFFFC0 ss:$0x1], $0xffff  }
0x374: {  	v11 =	vld.idx.msk [tilespmem:v8+s0+$0xFFFFFFD0 ss:$0x1], $0xffff  }
0x375: {  	v12 =	vld.idx.msk [tilespmem:v8+s0+$0xFFFFFFE0 ss:$0x1], $0xffff  }
0x376: {  	v16 =	vld.idx.msk [tilespmem:v8+s0+$0x10 ss:$0x1], $0xffff  }
0x377: {  	v17 =	vld.idx.msk [tilespmem:v8+s0+$0x20 ss:$0x1], $0xffff  }
0x378: {  	v14 =	vld.idx.msk [tilespmem:v8+s0+$0xFFFFFFF0 ss:$0x1], $0xffff  }
0x379: {  	s1 =	simm.s32 $0x400;
	v15 =	vld.idx.msk [tilespmem:v8+s0+$0x0 ss:$0x1], $0xffff;
	v9 =	vadd.f32 $2.000000000e+00, v9  }
0x37a: {  	v18 =	vld.idx.msk [tilespmem:v8+s1+$0x30 ss:$0x1], $0xffff;
	v10 =	vadd.f32 $2.000000000e+00, v10;
	v11 =	vadd.f32 $2.000000000e+00, v11  }
0x37b: {  	v20 =	vadd.f32 $2.000000000e+00, v12;
	v16 =	vadd.f32 $2.000000000e+00, v16  }
0x37c: {  	v19 =	vld.idx.msk [tilespmem:v8+s1+$0xFFFFFFC0 ss:$0x1], $0xffff;
	v17 =	vadd.f32 $2.000000000e+00, v17;
	v9 =	vmax.f32 v9, $0.0e+00;
	v10 =	vmax.f32 v10, $0.0e+00  }
0x37d: {  	v13 =	vld.idx.msk [tilespmem:v8+s1+$0xFFFFFFD0 ss:$0x1], $0xffff;
	v5 =	vadd.f32 v9, v5;
	v6 =	vadd.f32 v10, v6  }
0x37e: {  	v12 =	vld.idx.msk [tilespmem:v8+s1+$0xFFFFFFE0 ss:$0x1], $0xffff;
	v9 =	vmax.f32 v11, $0.0e+00;
	v10 =	vadd.f32 $2.000000000e+00, v14;
	v14 =	vadd.f32 $2.000000000e+00, v15  }
0x37f: {  	v11 =	vmax.f32 v20, $0.0e+00;
	v15 =	vadd.f32 $2.000000000e+00, v18;
	v4 =	vadd.f32 v9, v4;
	v9 =	vld.idx.msk [tilespmem:v8+s1+$0xFFFFFFF0 ss:$0x1], $0xffff  }
0x380: {  	v18 =	vmax.f32 v16, $0.0e+00;
	v7 =	vadd.f32 v11, v7;
	v11 =	vmax.f32 v10, $0.0e+00;
	v10 =	vld.idx.msk [tilespmem:v8+s1+$0x0 ss:$0x1], $0xffff  }
0x381: {  	v16 =	vadd.f32 $2.000000000e+00, v19;
	v14 =	vmax.f32 v14, $0.0e+00;
	v3 =	vadd.f32 v11, v3;
	v11 =	vld.idx.msk [tilespmem:v8+s1+$0x10 ss:$0x1], $0xffff  }
0x382: {  	s31 =	simm.s32 $0x800;
	s0 =	simm.s32 $0x3000;
	v17 =	vmax.f32 v17, $0.0e+00;
	v1 =	vadd.f32 v18, v1;
	v2 =	vadd.f32 v14, v2;
	v14 =	vld.idx.msk [tilespmem:v8+s1+$0x20 ss:$0x1], $0xffff  }
.LBB2_63:
0x383: {  	p0 =	sne.s32 s0, $0x7000;
	v18 =	vld.idx.msk [tilespmem:v8+s31+$0x30 ss:$0x1], $0xffff;
	v19 =	vadd.f32 $2.000000000e+00, v13;
	v13 =	vmax.f32 v15, $0.0e+00;
	v0 =	vadd.f32 v17, v0  }
0x384: {  	v17 =	vld.idx.msk [tilespmem:v8+s31+$0xFFFFFFC0 ss:$0x1], $0xffff;
	v15 =	vmax.f32 v16, $0.0e+00;
	v16 =	vadd.f32 $2.000000000e+00, v12;
	v5 =	vadd.f32 v13, v5  }
0x385: {  	v13 =	vld.idx.msk [tilespmem:v8+s31+$0xFFFFFFD0 ss:$0x1], $0xffff;
	v6 =	vadd.f32 v15, v6;
	v15 =	vmax.f32 v19, $0.0e+00;
	v19 =	vadd.f32 $2.000000000e+00, v9  }
.Ltmp30:
0x386: {  	v12 =	vld.idx.msk [tilespmem:v8+s31+$0xFFFFFFE0 ss:$0x1], $0xffff;
	v4 =	vadd.f32 v15, v4;
	v15 =	vmax.f32 v16, $0.0e+00;
	v16 =	vadd.f32 $2.000000000e+00, v10;
	(pc) =	sbr.rel @p0 .LBB2_63-.Ltmp30, $4  }
0x387: {  	v9 =	vld.idx.msk [tilespmem:v8+s31+$0xFFFFFFF0 ss:$0x1], $0xffff;
	v7 =	vadd.f32 v15, v7;
	v15 =	vmax.f32 v19, $0.0e+00;
	v19 =	vadd.f32 $2.000000000e+00, v11  }
0x388: {  	v20 =	vadd.f32 $2.000000000e+00, v14;
	v10 =	vld.idx.msk [tilespmem:v8+s31+$0x0 ss:$0x1], $0xffff;
	v3 =	vadd.f32 v15, v3;
	v16 =	vmax.f32 v16, $0.0e+00  }
0x389: {  	v15 =	vadd.f32 $2.000000000e+00, v18;
	v11 =	vld.idx.msk [tilespmem:v8+s31+$0x10 ss:$0x1], $0xffff;
	v2 =	vadd.f32 v16, v2;
	v18 =	vmax.f32 v19, $0.0e+00  }
0x38a: {  	v16 =	vadd.f32 $2.000000000e+00, v17;
	v17 =	vmax.f32 v20, $0.0e+00;
	v14 =	vld.idx.msk [tilespmem:v8+s31+$0x20 ss:$0x1], $0xffff;
	s31 =	sshra.s32 s0, $0x2;
	s0 =	sadd.s32 $0x1000, s0;
	v1 =	vadd.f32 v18, v1  }
0x38b: {  	_ =	sdelay $0x3  }
0x38c: {  	v18 =	vld.idx.msk [tilespmem:v8+s31+$0x30 ss:$0x1], $0xffff  }
0x38d: {  	v42 =	vld.idx.msk [tilespmem:v8+s31+$0xFFFFFFC0 ss:$0x1], $0xffff  }
0x38e: {  	v13 =	vadd.f32 $2.000000000e+00, v13;
	v15 =	vmax.f32 v15, $0.0e+00;
	v0 =	vadd.f32 v17, v0;
	v43 =	vld.idx.msk [tilespmem:v8+s31+$0xFFFFFFD0 ss:$0x1], $0xffff  }
0x38f: {  	v12 =	vadd.f32 $2.000000000e+00, v12;
	v44 =	vld.idx.msk [tilespmem:v8+s31+$0xFFFFFFE0 ss:$0x1], $0xffff;
	v16 =	vmax.f32 v16, $0.0e+00;
	v5 =	vadd.f32 v15, v5  }
0x390: {  	v45 =	vld.idx.msk [tilespmem:v8+s31+$0xFFFFFFF0 ss:$0x1], $0xffff;
	v9 =	vadd.f32 $2.000000000e+00, v9;
	v6 =	vadd.f32 v16, v6;
	v13 =	vmax.f32 v13, $0.0e+00  }
0x391: {  	v46 =	vld.idx.msk [tilespmem:v8+s31+$0x0 ss:$0x1], $0xffff;
	v12 =	vmax.f32 v12, $0.0e+00;
	v10 =	vadd.f32 $2.000000000e+00, v10;
	v4 =	vadd.f32 v13, v4  }
0x392: {  	v49 =	vld.idx.msk [tilespmem:v8+s31+$0x10 ss:$0x1], $0xffff;
	v7 =	vadd.f32 v12, v7;
	v9 =	vmax.f32 v9, $0.0e+00;
	v11 =	vadd.f32 $2.000000000e+00, v11  }
0x393: {  	v8 =	vld.idx.msk [tilespmem:v8+s31+$0x20 ss:$0x1], $0xffff;
	v3 =	vadd.f32 v9, v3;
	v47 =	vmax.f32 v10, $0.0e+00;
	v48 =	vadd.f32 $2.000000000e+00, v14  }
0x394: {  	v18 =	vadd.f32 $2.000000000e+00, v18;
	v2 =	vadd.f32 v47, v2  }
0x395: {  	v51 =	vadd.f32 $2.000000000e+00, v42;
	v53 =	vadd.f32 $2.000000000e+00, v43  }
0x396: {  	v56 =	vadd.f32 $2.000000000e+00, v44;
	v58 =	vadd.f32 $2.000000000e+00, v45  }
0x397: {  	v50 =	vmax.f32 v11, $0.0e+00;
	v60 =	vadd.f32 $2.000000000e+00, v46;
	v61 =	vadd.f32 $2.000000000e+00, v49  }
0x398: {  	s30 =	sadd.s32 $0x1, s30;
	v8 =	vadd.f32 $2.000000000e+00, v8;
	v1 =	vadd.f32 v50, v1;
	v52 =	vmax.f32 v48, $0.0e+00  }
0x399: {  	p0 =	sne.s32 s30, $0x20;
	v54 =	vmax.f32 v18, $0.0e+00;
	v0 =	vadd.f32 v52, v0;
	v55 =	vmax.f32 v51, $0.0e+00  }
.Ltmp31:
0x39a: {  	v57 =	vmax.f32 v53, $0.0e+00;
	v59 =	vmax.f32 v56, $0.0e+00;
	v10 =	vmax.f32 v58, $0.0e+00;
	(pc) =	sbr.rel @p0 .LBB2_62-.Ltmp31, $4  }
0x39b: {  	v62 =	vmax.f32 v60, $0.0e+00;
	v5 =	vadd.f32 v54, v5;
	v6 =	vadd.f32 v55, v6  }
0x39c: {  	v8 =	vmax.f32 v8, $0.0e+00;
	v4 =	vadd.f32 v57, v4;
	v7 =	vadd.f32 v59, v7  }
0x39d: {  	v63 =	vmax.f32 v61, $0.0e+00;
	v3 =	vadd.f32 v10, v3;
	v0 =	vadd.f32 v8, v0  }
0x39e: {  	s29 =	sadd.s32 $0x400, s29;
	s28 =	sadd.s32 $0x1, s28;
	v2 =	vadd.f32 v62, v2;
	v1 =	vadd.f32 v63, v1  }
0x39f: {  	v4 =	vadd.f32 v4, v6;
	_ =	sdelay $0x1  }
0x3a0: {  	v4 =	vadd.f32 v7, v4;
	_ =	sdelay $0x1  }
0x3a1: {  	v3 =	vadd.f32 v3, v4;
	_ =	sdelay $0x1  }
0x3a2: {  	v2 =	vadd.f32 v2, v3;
	_ =	sdelay $0x1  }
0x3a3: {  	v1 =	vadd.f32 v1, v2;
	_ =	sdelay $0x1  }
0x3a4: {  	v0 =	vadd.f32 v0, v1;
	_ =	sdelay $0x1  }
0x3a5: {  	s26 =	sadd.s32 $0x1, s26;
	v0 =	vadd.f32 v5, v0  }
0x3a6: {  	p0 =	sne.s32 s26, s20  }
.Ltmp32:
0x3a7: {  	[tilespmem:$0x10000] =	vst v0;
	(pc) =	sbr.rel @p0 .LBB2_1-.Ltmp32, $4  }
0x3a8: {  	[hbm4b:s19+s2] =	stream.linear.scatter [tilespmem:s24], [sflag:$0x3], $0x80, $0x38;
	[tilespmem:$0x10080] =	vst v63  }
0x3a9: {  	_ =	swait.ge [sflag:s25], $0x80  }
0x3aa: {  	[sflag:s25] =	ssyncset.done $0x0  }
0x3ab: {  	[sflag:s25] =	ssyncadd.s32 $0xFFFFFF80  }
0x3ac: {  	_ =	sfence.sel $0x180000  }
0x3ad: {  	[bflag:$0x0] =	sbarrier.arrive $0xFFFF  }
0x3ae: {  	_ =	strace $0x90000047  }
0x3af: {  	s0 =	stileid.u32;
	[bflag:$0x2] =	sbarrier.arrive $0xFFFF  }
0x3b0: {  	p0 =	sne.s32 s0, $0x0;
	s0 =	rddreg [dreg:$0x2]  }
0x3b1: {  	s0 =	sadd.s32 @!p0 $0x100000, s0  }
0x3b2: {  	[sflag:s0] =	ssyncadd.tile.s32 @!p0 $0x1;
	_ =	shalt  }
.Lfunc_end2:
_tile_overlayer_lowered:
.L_overlay_start_2:
0x3b3: {  	(tag) =	ssettag $0x2  }
0x3b4: {  	s0 =	rddreg [dreg:$0x0];
	s2 =	stileid.u32  }
0x3b5: {  	s1 =	rddreg [dreg:$0x1];
	p0 =	sne.s32 s2, $0x0  }
0x3b6: {  	s3 =	rddreg [dreg:$0x2];
	[bflag:$0x3] =	sbarrier.arrive $0xFFFF;
	s2 =	simm.s32 @!p0 $0x1C03  }
0x3b7: {  	[timem:s3], [sflag:s2] =	dma.local @!p0 [hbm:s0], s1  }
0x3b8: {  	s0 =	simm.s32 @!p0 $0x3  }
0x3b9: {  	_ =	swait.ge @!p0 [sflag:s0], s1  }
0x3ba: {  	s1 =	ssub.s32 @!p0 $0x0, s1;
	[sflag:s0] =	ssyncset.done @!p0 $0x0  }
0x3bb: {  	[sflag:s0] =	ssyncadd.s32 @!p0 s1  }
0x3bc: {  	[bflag:$0x3] =	sbarrier.arrive $0xFFFF  }
0x3bd: {  	_ =	shalt  }

</sc_bundles>
